<compile_context>
chip_gen: v7x
topology: tpu7x:2x2x1
jax: 0.10.2.dev20260603
libtpu: 0.0.44.dev20260713+nightly
codegen_flags: <defaults>
</compile_context>

<pallas_src>
import functools

import jax
import jax.numpy as jnp
from jax import lax
from jax.experimental import pallas as pl
from jax.experimental.pallas import tpu as pltpu
from jax.experimental.pallas import tpu_sc as plsc

B, L, D = 4096, 50, 128
CAT_V, COL_V, STY_V = 100000, 1000, 1000
T = B * L

ROWS_PER_BLK = 4000
N_CAT_BLKS = CAT_V // ROWS_PER_BLK
FUSED_ROWS = (N_CAT_BLKS + 1) * ROWS_PER_BLK
COL_BASE = CAT_V
STY_BASE = CAT_V + COL_V

NC, NS = 2, 16
NW = NC * NS
BATCH_PER_W = B // NW
CHUNK = 64
N_CHUNKS = L * BATCH_PER_W // CHUNK
N_SETS = 4


def _build_body(cat_ref, col_ref, sty_ref, w_ref, b_ref, out_ref):
    i = pl.program_id(0)

    @pl.when(i < N_CAT_BLKS)
    def _():
        out_ref[...] = jnp.dot(cat_ref[...], w_ref[0:D, :],
                               preferred_element_type=jnp.float32)

    @pl.when(i == N_CAT_BLKS)
    def _():
        out_ref[0:COL_V, :] = (
            jnp.dot(col_ref[...], w_ref[D:2 * D, :],
                    preferred_element_type=jnp.float32) + b_ref[...])
        out_ref[COL_V:COL_V + STY_V, :] = jnp.dot(
            sty_ref[...], w_ref[2 * D:3 * D, :],
            preferred_element_type=jnp.float32)
        out_ref[COL_V + STY_V:ROWS_PER_BLK, :] = jnp.zeros(
            (ROWS_PER_BLK - COL_V - STY_V, D), jnp.float32)


def _build_fused_table(cat_table, color_table, style_table, W, b2d):
    return pl.pallas_call(
        _build_body,
        grid=(N_CAT_BLKS + 1,),
        in_specs=[
            pl.BlockSpec((ROWS_PER_BLK, D),
                         lambda i: (jnp.minimum(i, N_CAT_BLKS - 1), 0)),
            pl.BlockSpec((COL_V, D), lambda i: (0, 0)),
            pl.BlockSpec((STY_V, D), lambda i: (0, 0)),
            pl.BlockSpec((3 * D, D), lambda i: (0, 0)),
            pl.BlockSpec((1, D), lambda i: (0, 0)),
        ],
        out_specs=pl.BlockSpec((ROWS_PER_BLK, D), lambda i: (i, 0)),
        out_shape=jax.ShapeDtypeStruct((FUSED_ROWS, D), jnp.float32),
    )(cat_table, color_table, style_table, W, b2d)


def _sc_body(ftab, cid, colid, styid, out,
             idx0, idx1, idx2, idx3, buf0, buf1, buf2, buf3,
             isem0, isem1, isem2, isem3,
             gsem0, gsem1, gsem2, gsem3,
             osem0, osem1, osem2, osem3):
    wid = lax.axis_index("s") * NC + lax.axis_index("c")
    wb = wid * BATCH_PER_W

    idxs = (idx0, idx1, idx2, idx3)
    bufs = (buf0, buf1, buf2, buf3)
    isems = (isem0, isem1, isem2, isem3)
    gsems = (gsem0, gsem1, gsem2, gsem3)
    osems = (osem0, osem1, osem2, osem3)

    def coords(g):
        return g // 2, wb + (g % 2) * CHUNK

    def idx_copies(g, k):
        l, off = coords(g)
        return (
            pltpu.make_async_copy(cid.at[l, pl.ds(off, CHUNK)],
                                  idxs[k].at[0], isems[k]),
            pltpu.make_async_copy(colid.at[l, pl.ds(off, CHUNK)],
                                  idxs[k].at[1], isems[k]),
            pltpu.make_async_copy(styid.at[l, pl.ds(off, CHUNK)],
                                  idxs[k].at[2], isems[k]),
        )

    def gather_copies(k):
        return tuple(
            pltpu.make_async_copy(ftab.at[idxs[k].at[j]],
                                  bufs[k].at[pl.ds(j * CHUNK, CHUNK)],
                                  gsems[k])
            for j in range(3))

    def fire_idx(g, k):
        for c in idx_copies(g, k):
            c.start()

    def fire_gathers(g, k):
        for c in idx_copies(g, k):
            c.wait()
        for c in gather_copies(k):
            c.start()

    def wait_gathers(k):
        for c in gather_copies(k):
            c.wait()

    def compute(k):
        buf = bufs[k]

        def tok(t, c2):
            for c in range(D // 16):
                sl = pl.ds(c * 16, 16)
                v = buf[t, sl] + buf[CHUNK + t, sl] + buf[2 * CHUNK + t, sl]
                buf[t, sl] = jnp.maximum(v, 0.0)
            return c2
        lax.fori_loop(0, CHUNK, tok, 0)

    def put_copy(g, k):
        l, off = coords(g)
        return pltpu.make_async_copy(bufs[k].at[pl.ds(0, CHUNK)],
                                     out.at[l, pl.ds(off, CHUNK)], osems[k])

    def step(i, carry):
        for k in range(N_SETS):
            g = N_SETS * i + k
            wait_gathers(k)

            @pl.when(g + N_SETS < N_CHUNKS)
            def _(g=g, k=k):
                fire_idx(g + N_SETS, k)
            compute(k)
            put_copy(g, k).start()
            put_copy(g, k).wait()

            @pl.when(g + N_SETS < N_CHUNKS)
            def _(g=g, k=k):
                fire_gathers(g + N_SETS, k)
        return carry

    for k in range(N_SETS):
        fire_idx(k, k)
        fire_gathers(k, k)
    lax.fori_loop(0, N_CHUNKS // N_SETS, step, 0)


def _sc_fuse(ftab, cid, colid, styid):
    mesh = plsc.VectorSubcoreMesh(core_axis_name="c", subcore_axis_name="s")
    fn = functools.partial(
        pl.kernel,
        mesh=mesh,
        out_type=jax.ShapeDtypeStruct((L, B, D), jnp.float32),
        scratch_types=(
            [pltpu.VMEM((3, CHUNK), jnp.int32)] * N_SETS
            + [pltpu.VMEM((3 * CHUNK, D), jnp.float32)] * N_SETS
            + [pltpu.SemaphoreType.DMA] * (3 * N_SETS)
        ),
    )(_sc_body)
    return fn(ftab, cid, colid, styid)


def kernel(category_ids, color_ids, style_ids, cat_table, color_table,
           style_table, W, b):
    ftab = _build_fused_table(cat_table, color_table, style_table, W,
                              b.reshape(1, D))
    out_lbd = _sc_fuse(ftab,
                       jnp.transpose(category_ids).astype(jnp.int32),
                       jnp.transpose(color_ids).astype(jnp.int32) + COL_BASE,
                       jnp.transpose(style_ids).astype(jnp.int32) + STY_BASE)
    return jnp.transpose(out_lbd, (1, 0, 2))

# --- scband reference (transcript-rebuilt; emitter-appended) ---
"""Pipeline reference for scband-fashion-attribute-embedding-43516608643341 (READ-ONLY COPY).

The authoritative reference and input builder live on the scoring server;
editing this copy changes nothing except your own understanding.
"""

import jax, jax.numpy as jnp
import numpy as np

B, L, D = 4096, 50, 128
CAT_V, COL_V, STY_V = 100000, 1000, 1000

def setup_inputs(seed: int = 0) -> dict:
    key = jax.random.key(seed)
    ks = jax.random.split(key, 8)
    category_ids = jax.random.randint(ks[0], (B, L), 0, CAT_V, dtype=jnp.int64 if jax.config.jax_enable_x64 else jnp.int32).astype(jnp.int32)
    color_ids = jax.random.randint(ks[1], (B, L), 0, COL_V).astype(jnp.int32)
    style_ids = jax.random.randint(ks[2], (B, L), 0, STY_V).astype(jnp.int32)
    cat_table = jax.random.normal(ks[3], (CAT_V, D), dtype=jnp.float32) * 0.02
    color_table = jax.random.normal(ks[4], (COL_V, D), dtype=jnp.float32) * 0.02
    style_table = jax.random.normal(ks[5], (STY_V, D), dtype=jnp.float32) * 0.02
    W = jax.random.normal(ks[6], (3 * D, D), dtype=jnp.float32) * (1.0 / np.sqrt(3 * D))
    b = jnp.zeros((D,), dtype=jnp.float32)
    return {
        "category_ids": category_ids,
        "color_ids": color_ids,
        "style_ids": style_ids,
        "cat_table": cat_table,
        "color_table": color_table,
        "style_table": style_table,
        "W": W,
        "b": b,
    }

def reference(category_ids, color_ids, style_ids, cat_table, color_table, style_table, W, b):
    # Embedding lookups (gather)
    cat_emb = jnp.take(cat_table, category_ids, axis=0)      # [B, L, D]
    color_emb = jnp.take(color_table, color_ids, axis=0)     # [B, L, D]
    style_emb = jnp.take(style_table, style_ids, axis=0)     # [B, L, D]
    combined = jnp.concatenate([cat_emb, color_emb, style_emb], axis=-1)  # [B, L, 3D]
    # attribute_fusion: Linear(3D -> D) + ReLU (Dropout is identity in eval)
    fused = jax.nn.relu(jnp.einsum('blk,kd->bld', combined, W) + b)
    return fused

if __name__ == "__main__":
    import jax
    _d = setup_inputs()
    print(jax.jit(kernel)(*tuple(_d.values())))

</pallas_src>

<mosaic_0001>
#map = affine_map<(d0, d1) -> (0, 0)>
#map1 = affine_map<(d0, d1) -> (0, 0, 0)>
module attributes {stable_mosaic.version = 14 : i64} {
  func.func @_sc_body(%arg0: i32, %arg1: i32, %arg2: memref<104000x128xf32, #tpu.memory_space<hbm>>, %arg3: memref<50x4096xi32, #tpu.memory_space<hbm>>, %arg4: memref<50x4096xi32, #tpu.memory_space<hbm>>, %arg5: memref<50x4096xi32, #tpu.memory_space<hbm>>, %arg6: memref<50x4096x128xf32, #tpu.memory_space<hbm>>, %arg7: memref<3x64xi32, #tpu.memory_space<vmem>>, %arg8: memref<3x64xi32, #tpu.memory_space<vmem>>, %arg9: memref<3x64xi32, #tpu.memory_space<vmem>>, %arg10: memref<3x64xi32, #tpu.memory_space<vmem>>, %arg11: memref<192x128xf32, #tpu.memory_space<vmem>>, %arg12: memref<192x128xf32, #tpu.memory_space<vmem>>, %arg13: memref<192x128xf32, #tpu.memory_space<vmem>>, %arg14: memref<192x128xf32, #tpu.memory_space<vmem>>, %arg15: memref<!tpu.dma_semaphore, #tpu.memory_space<semaphore_mem>>, %arg16: memref<!tpu.dma_semaphore, #tpu.memory_space<semaphore_mem>>, %arg17: memref<!tpu.dma_semaphore, #tpu.memory_space<semaphore_mem>>, %arg18: memref<!tpu.dma_semaphore, #tpu.memory_space<semaphore_mem>>, %arg19: memref<!tpu.dma_semaphore, #tpu.memory_space<semaphore_mem>>, %arg20: memref<!tpu.dma_semaphore, #tpu.memory_space<semaphore_mem>>, %arg21: memref<!tpu.dma_semaphore, #tpu.memory_space<semaphore_mem>>, %arg22: memref<!tpu.dma_semaphore, #tpu.memory_space<semaphore_mem>>, %arg23: memref<!tpu.dma_semaphore, #tpu.memory_space<semaphore_mem>>, %arg24: memref<!tpu.dma_semaphore, #tpu.memory_space<semaphore_mem>>, %arg25: memref<!tpu.dma_semaphore, #tpu.memory_space<semaphore_mem>>, %arg26: memref<!tpu.dma_semaphore, #tpu.memory_space<semaphore_mem>>) attributes {dimension_semantics = [#tpu.dimension_semantics<core_parallel>, #tpu.dimension_semantics<subcore_parallel>], iteration_bounds = array<i64: 2, 16>, scalar_prefetch = 0 : i64, scratch_operands = 20 : i64, tpu.core_type = #tpu.core_type<sc_vector_subcore>, window_params = [{transform_indices = #map}, {transform_indices = #map}, {transform_indices = #map}, {transform_indices = #map}, {transform_indices = #map1}]} {
    %mul3A = arith.constant 2 : i32
    %mul3A_0 = arith.muli %arg1, %mul3A : i32
    %add3A = arith.addi %mul3A_0, %arg0 : i32
    %mul3A_1 = arith.constant 128 : i32
    %mul3A_2 = arith.muli %add3A, %mul3A_1 : i32
    %add3A_3 = arith.constant 0 : i32
    %add3A_4 = arith.addi %mul3A_2, %add3A_3 : i32
    %dma_start3A = arith.constant 0 : i32
    %dma_start3A_5 = arith.constant 0 : i32
    %dma_start3A_6 = arith.constant 0 : i32
    %dma_start3A_7 = tpu.memref_slice %arg7[%dma_start3A_5, %dma_start3A_6] : memref<3x64xi32, #tpu.memory_space<vmem>> -> memref<1x64xi32, #tpu.memory_space<vmem>>
    %dma_start3A_8 = tpu.memref_squeeze %dma_start3A_7 : memref<1x64xi32, #tpu.memory_space<vmem>> -> memref<64xi32, #tpu.memory_space<vmem>>
    %dma_start3A_9 = tpu.memref_slice %arg3[%dma_start3A, %add3A_4] : memref<50x4096xi32, #tpu.memory_space<hbm>> -> memref<1x64xi32, #tpu.memory_space<hbm>>
    %dma_start3A_10 = tpu.memref_squeeze %dma_start3A_9 : memref<1x64xi32, #tpu.memory_space<hbm>> -> memref<64xi32, #tpu.memory_space<hbm>>
    %dma_start3A_11 = arith.constant 0 : i32
    %dma_start3A_12 = tpu.memref_slice %arg7[%dma_start3A_5, %dma_start3A_11] : memref<3x64xi32, #tpu.memory_space<vmem>> -> memref<1x64xi32, #tpu.memory_space<vmem>>
    %dma_start3A_13 = tpu.memref_squeeze %dma_start3A_12 : memref<1x64xi32, #tpu.memory_space<vmem>> -> memref<64xi32, #tpu.memory_space<vmem>>
    %dma_start3A_14 = tpu.memref_slice %arg3[%dma_start3A, %add3A_4] : memref<50x4096xi32, #tpu.memory_space<hbm>> -> memref<1x64xi32, #tpu.memory_space<hbm>>
    %dma_start3A_15 = tpu.memref_squeeze %dma_start3A_14 : memref<1x64xi32, #tpu.memory_space<hbm>> -> memref<64xi32, #tpu.memory_space<hbm>>
    tpu.enqueue_dma source(%dma_start3A_15 : memref<64xi32, #tpu.memory_space<hbm>>) target(%dma_start3A_13 : memref<64xi32, #tpu.memory_space<vmem>>) target_semaphore(%arg15 : memref<!tpu.dma_semaphore, #tpu.memory_space<semaphore_mem>>)
    %dma_start3A_16 = arith.constant 0 : i32
    %dma_start3A_17 = arith.constant 1 : i32
    %dma_start3A_18 = arith.constant 0 : i32
    %dma_start3A_19 = tpu.memref_slice %arg7[%dma_start3A_17, %dma_start3A_18] : memref<3x64xi32, #tpu.memory_space<vmem>> -> memref<1x64xi32, #tpu.memory_space<vmem>>
    %dma_start3A_20 = tpu.memref_squeeze %dma_start3A_19 : memref<1x64xi32, #tpu.memory_space<vmem>> -> memref<64xi32, #tpu.memory_space<vmem>>
    %dma_start3A_21 = tpu.memref_slice %arg4[%dma_start3A_16, %add3A_4] : memref<50x4096xi32, #tpu.memory_space<hbm>> -> memref<1x64xi32, #tpu.memory_space<hbm>>
    %dma_start3A_22 = tpu.memref_squeeze %dma_start3A_21 : memref<1x64xi32, #tpu.memory_space<hbm>> -> memref<64xi32, #tpu.memory_space<hbm>>
    %dma_start3A_23 = arith.constant 0 : i32
    %dma_start3A_24 = tpu.memref_slice %arg7[%dma_start3A_17, %dma_start3A_23] : memref<3x64xi32, #tpu.memory_space<vmem>> -> memref<1x64xi32, #tpu.memory_space<vmem>>
    %dma_start3A_25 = tpu.memref_squeeze %dma_start3A_24 : memref<1x64xi32, #tpu.memory_space<vmem>> -> memref<64xi32, #tpu.memory_space<vmem>>
    %dma_start3A_26 = tpu.memref_slice %arg4[%dma_start3A_16, %add3A_4] : memref<50x4096xi32, #tpu.memory_space<hbm>> -> memref<1x64xi32, #tpu.memory_space<hbm>>
    %dma_start3A_27 = tpu.memref_squeeze %dma_start3A_26 : memref<1x64xi32, #tpu.memory_space<hbm>> -> memref<64xi32, #tpu.memory_space<hbm>>
    tpu.enqueue_dma source(%dma_start3A_27 : memref<64xi32, #tpu.memory_space<hbm>>) target(%dma_start3A_25 : memref<64xi32, #tpu.memory_space<vmem>>) target_semaphore(%arg15 : memref<!tpu.dma_semaphore, #tpu.memory_space<semaphore_mem>>)
    %dma_start3A_28 = arith.constant 0 : i32
    %dma_start3A_29 = arith.constant 2 : i32
    %dma_start3A_30 = arith.constant 0 : i32
    %dma_start3A_31 = tpu.memref_slice %arg7[%dma_start3A_29, %dma_start3A_30] : memref<3x64xi32, #tpu.memory_space<vmem>> -> memref<1x64xi32, #tpu.memory_space<vmem>>
    %dma_start3A_32 = tpu.memref_squeeze %dma_start3A_31 : memref<1x64xi32, #tpu.memory_space<vmem>> -> memref<64xi32, #tpu.memory_space<vmem>>
    %dma_start3A_33 = tpu.memref_slice %arg5[%dma_start3A_28, %add3A_4] : memref<50x4096xi32, #tpu.memory_space<hbm>> -> memref<1x64xi32, #tpu.memory_space<hbm>>
    %dma_start3A_34 = tpu.memref_squeeze %dma_start3A_33 : memref<1x64xi32, #tpu.memory_space<hbm>> -> memref<64xi32, #tpu.memory_space<hbm>>
    %dma_start3A_35 = arith.constant 0 : i32
    %dma_start3A_36 = tpu.memref_slice %arg7[%dma_start3A_29, %dma_start3A_35] : memref<3x64xi32, #tpu.memory_space<vmem>> -> memref<1x64xi32, #tpu.memory_space<vmem>>
    %dma_start3A_37 = tpu.memref_squeeze %dma_start3A_36 : memref<1x64xi32, #tpu.memory_space<vmem>> -> memref<64xi32, #tpu.memory_space<vmem>>
    %dma_start3A_38 = tpu.memref_slice %arg5[%dma_start3A_28, %add3A_4] : memref<50x4096xi32, #tpu.memory_space<hbm>> -> memref<1x64xi32, #tpu.memory_space<hbm>>
    %dma_start3A_39 = tpu.memref_squeeze %dma_start3A_38 : memref<1x64xi32, #tpu.memory_space<hbm>> -> memref<64xi32, #tpu.memory_space<hbm>>
    tpu.enqueue_dma source(%dma_start3A_39 : memref<64xi32, #tpu.memory_space<hbm>>) target(%dma_start3A_37 : memref<64xi32, #tpu.memory_space<vmem>>) target_semaphore(%arg15 : memref<!tpu.dma_semaphore, #tpu.memory_space<semaphore_mem>>)
    %add3A_40 = arith.constant 0 : i32
    %add3A_41 = arith.addi %mul3A_2, %add3A_40 : i32
    %dma_wait3A = arith.constant 0 : i32
    %dma_wait3A_42 = arith.constant 0 : i32
    %dma_wait3A_43 = arith.constant 0 : i32
    %dma_wait3A_44 = tpu.memref_slice %arg7[%dma_wait3A_42, %dma_wait3A_43] : memref<3x64xi32, #tpu.memory_space<vmem>> -> memref<1x64xi32, #tpu.memory_space<vmem>>
    %dma_wait3A_45 = tpu.memref_squeeze %dma_wait3A_44 : memref<1x64xi32, #tpu.memory_space<vmem>> -> memref<64xi32, #tpu.memory_space<vmem>>
    %dma_wait3A_46 = tpu.memref_slice %arg3[%dma_wait3A, %add3A_41] : memref<50x4096xi32, #tpu.memory_space<hbm>> -> memref<1x64xi32, #tpu.memory_space<hbm>>
    %dma_wait3A_47 = tpu.memref_squeeze %dma_wait3A_46 : memref<1x64xi32, #tpu.memory_space<hbm>> -> memref<64xi32, #tpu.memory_space<hbm>>
    %dma_wait3A_48 = arith.constant 0 : i32
    %dma_wait3A_49 = tpu.memref_slice %arg7[%dma_wait3A_42, %dma_wait3A_48] : memref<3x64xi32, #tpu.memory_space<vmem>> -> memref<1x64xi32, #tpu.memory_space<vmem>>
    %dma_wait3A_50 = tpu.memref_squeeze %dma_wait3A_49 : memref<1x64xi32, #tpu.memory_space<vmem>> -> memref<64xi32, #tpu.memory_space<vmem>>
    %dma_wait3A_51 = tpu.memref_slice %arg3[%dma_wait3A, %add3A_41] : memref<50x4096xi32, #tpu.memory_space<hbm>> -> memref<1x64xi32, #tpu.memory_space<hbm>>
    %dma_wait3A_52 = tpu.memref_squeeze %dma_wait3A_51 : memref<1x64xi32, #tpu.memory_space<hbm>> -> memref<64xi32, #tpu.memory_space<hbm>>
    tpu.wait_dma2 semaphore(%arg15 : memref<!tpu.dma_semaphore, #tpu.memory_space<semaphore_mem>>) src(%dma_wait3A_52 : memref<64xi32, #tpu.memory_space<hbm>>) dst(%dma_wait3A_50 : memref<64xi32, #tpu.memory_space<vmem>>)
    %dma_wait3A_53 = arith.constant 0 : i32
    %dma_wait3A_54 = arith.constant 1 : i32
    %dma_wait3A_55 = arith.constant 0 : i32
    %dma_wait3A_56 = tpu.memref_slice %arg7[%dma_wait3A_54, %dma_wait3A_55] : memref<3x64xi32, #tpu.memory_space<vmem>> -> memref<1x64xi32, #tpu.memory_space<vmem>>
    %dma_wait3A_57 = tpu.memref_squeeze %dma_wait3A_56 : memref<1x64xi32, #tpu.memory_space<vmem>> -> memref<64xi32, #tpu.memory_space<vmem>>
    %dma_wait3A_58 = tpu.memref_slice %arg4[%dma_wait3A_53, %add3A_41] : memref<50x4096xi32, #tpu.memory_space<hbm>> -> memref<1x64xi32, #tpu.memory_space<hbm>>
    %dma_wait3A_59 = tpu.memref_squeeze %dma_wait3A_58 : memref<1x64xi32, #tpu.memory_space<hbm>> -> memref<64xi32, #tpu.memory_space<hbm>>
    %dma_wait3A_60 = arith.constant 0 : i32
    %dma_wait3A_61 = tpu.memref_slice %arg7[%dma_wait3A_54, %dma_wait3A_60] : memref<3x64xi32, #tpu.memory_space<vmem>> -> memref<1x64xi32, #tpu.memory_space<vmem>>
    %dma_wait3A_62 = tpu.memref_squeeze %dma_wait3A_61 : memref<1x64xi32, #tpu.memory_space<vmem>> -> memref<64xi32, #tpu.memory_space<vmem>>
    %dma_wait3A_63 = tpu.memref_slice %arg4[%dma_wait3A_53, %add3A_41] : memref<50x4096xi32, #tpu.memory_space<hbm>> -> memref<1x64xi32, #tpu.memory_space<hbm>>
    %dma_wait3A_64 = tpu.memref_squeeze %dma_wait3A_63 : memref<1x64xi32, #tpu.memory_space<hbm>> -> memref<64xi32, #tpu.memory_space<hbm>>
    tpu.wait_dma2 semaphore(%arg15 : memref<!tpu.dma_semaphore, #tpu.memory_space<semaphore_mem>>) src(%dma_wait3A_64 : memref<64xi32, #tpu.memory_space<hbm>>) dst(%dma_wait3A_62 : memref<64xi32, #tpu.memory_space<vmem>>)
    %dma_wait3A_65 = arith.constant 0 : i32
    %dma_wait3A_66 = arith.constant 2 : i32
    %dma_wait3A_67 = arith.constant 0 : i32
    %dma_wait3A_68 = tpu.memref_slice %arg7[%dma_wait3A_66, %dma_wait3A_67] : memref<3x64xi32, #tpu.memory_space<vmem>> -> memref<1x64xi32, #tpu.memory_space<vmem>>
    %dma_wait3A_69 = tpu.memref_squeeze %dma_wait3A_68 : memref<1x64xi32, #tpu.memory_space<vmem>> -> memref<64xi32, #tpu.memory_space<vmem>>
    %dma_wait3A_70 = tpu.memref_slice %arg5[%dma_wait3A_65, %add3A_41] : memref<50x4096xi32, #tpu.memory_space<hbm>> -> memref<1x64xi32, #tpu.memory_space<hbm>>
    %dma_wait3A_71 = tpu.memref_squeeze %dma_wait3A_70 : memref<1x64xi32, #tpu.memory_space<hbm>> -> memref<64xi32, #tpu.memory_space<hbm>>
    %dma_wait3A_72 = arith.constant 0 : i32
    %dma_wait3A_73 = tpu.memref_slice %arg7[%dma_wait3A_66, %dma_wait3A_72] : memref<3x64xi32, #tpu.memory_space<vmem>> -> memref<1x64xi32, #tpu.memory_space<vmem>>
    %dma_wait3A_74 = tpu.memref_squeeze %dma_wait3A_73 : memref<1x64xi32, #tpu.memory_space<vmem>> -> memref<64xi32, #tpu.memory_space<vmem>>
    %dma_wait3A_75 = tpu.memref_slice %arg5[%dma_wait3A_65, %add3A_41] : memref<50x4096xi32, #tpu.memory_space<hbm>> -> memref<1x64xi32, #tpu.memory_space<hbm>>
    %dma_wait3A_76 = tpu.memref_squeeze %dma_wait3A_75 : memref<1x64xi32, #tpu.memory_space<hbm>> -> memref<64xi32, #tpu.memory_space<hbm>>
    tpu.wait_dma2 semaphore(%arg15 : memref<!tpu.dma_semaphore, #tpu.memory_space<semaphore_mem>>) src(%dma_wait3A_76 : memref<64xi32, #tpu.memory_space<hbm>>) dst(%dma_wait3A_74 : memref<64xi32, #tpu.memory_space<vmem>>)
    %dma_start3A_77 = arith.constant 0 : i32
    %dma_start3A_78 = arith.constant 0 : i32
    %dma_start3A_79 = arith.constant 0 : i32
    %dma_start3A_80 = tpu.memref_slice %arg11[%dma_start3A_78, %dma_start3A_79] : memref<192x128xf32, #tpu.memory_space<vmem>> -> memref<64x128xf32, #tpu.memory_space<vmem>>
    %dma_start3A_81 = arith.constant 0 : i32
    %dma_start3A_82 = tpu.memref_slice %arg7[%dma_start3A_77, %dma_start3A_81] : memref<3x64xi32, #tpu.memory_space<vmem>> -> memref<1x64xi32, #tpu.memory_space<vmem>>
    %dma_start3A_83 = tpu.memref_squeeze %dma_start3A_82 : memref<1x64xi32, #tpu.memory_space<vmem>> -> memref<64xi32, #tpu.memory_space<vmem>>
    %dma_start3A_84 = arith.constant 0 : i32
    %dma_start3A_85 = arith.constant 0 : i32
    %dma_start3A_86 = tpu.memref_slice %arg2[%dma_start3A_84, %dma_start3A_85] : memref<104000x128xf32, #tpu.memory_space<hbm>> -> memref<104000x128xf32, #tpu.memory_space<hbm>>
    tpu.enqueue_indirect_dma source(%dma_start3A_86 : memref<104000x128xf32, #tpu.memory_space<hbm>>) target(%dma_start3A_80 : memref<64x128xf32, #tpu.memory_space<vmem>>) offsets(%dma_start3A_83 : memref<64xi32, #tpu.memory_space<vmem>>) semaphore(%arg19 : memref<!tpu.dma_semaphore, #tpu.memory_space<semaphore_mem>>)
    %dma_start3A_87 = arith.constant 1 : i32
    %dma_start3A_88 = arith.constant 64 : i32
    %dma_start3A_89 = arith.constant 0 : i32
    %dma_start3A_90 = tpu.memref_slice %arg11[%dma_start3A_88, %dma_start3A_89] : memref<192x128xf32, #tpu.memory_space<vmem>> -> memref<64x128xf32, #tpu.memory_space<vmem>>
    %dma_start3A_91 = arith.constant 0 : i32
    %dma_start3A_92 = tpu.memref_slice %arg7[%dma_start3A_87, %dma_start3A_91] : memref<3x64xi32, #tpu.memory_space<vmem>> -> memref<1x64xi32, #tpu.memory_space<vmem>>
    %dma_start3A_93 = tpu.memref_squeeze %dma_start3A_92 : memref<1x64xi32, #tpu.memory_space<vmem>> -> memref<64xi32, #tpu.memory_space<vmem>>
    %dma_start3A_94 = arith.constant 0 : i32
    %dma_start3A_95 = arith.constant 0 : i32
    %dma_start3A_96 = tpu.memref_slice %arg2[%dma_start3A_94, %dma_start3A_95] : memref<104000x128xf32, #tpu.memory_space<hbm>> -> memref<104000x128xf32, #tpu.memory_space<hbm>>
    tpu.enqueue_indirect_dma source(%dma_start3A_96 : memref<104000x128xf32, #tpu.memory_space<hbm>>) target(%dma_start3A_90 : memref<64x128xf32, #tpu.memory_space<vmem>>) offsets(%dma_start3A_93 : memref<64xi32, #tpu.memory_space<vmem>>) semaphore(%arg19 : memref<!tpu.dma_semaphore, #tpu.memory_space<semaphore_mem>>)
    %dma_start3A_97 = arith.constant 2 : i32
    %dma_start3A_98 = arith.constant 128 : i32
    %dma_start3A_99 = arith.constant 0 : i32
    %dma_start3A_100 = tpu.memref_slice %arg11[%dma_start3A_98, %dma_start3A_99] : memref<192x128xf32, #tpu.memory_space<vmem>> -> memref<64x128xf32, #tpu.memory_space<vmem>>
    %dma_start3A_101 = arith.constant 0 : i32
    %dma_start3A_102 = tpu.memref_slice %arg7[%dma_start3A_97, %dma_start3A_101] : memref<3x64xi32, #tpu.memory_space<vmem>> -> memref<1x64xi32, #tpu.memory_space<vmem>>
    %dma_start3A_103 = tpu.memref_squeeze %dma_start3A_102 : memref<1x64xi32, #tpu.memory_space<vmem>> -> memref<64xi32, #tpu.memory_space<vmem>>
    %dma_start3A_104 = arith.constant 0 : i32
    %dma_start3A_105 = arith.constant 0 : i32
    %dma_start3A_106 = tpu.memref_slice %arg2[%dma_start3A_104, %dma_start3A_105] : memref<104000x128xf32, #tpu.memory_space<hbm>> -> memref<104000x128xf32, #tpu.memory_space<hbm>>
    tpu.enqueue_indirect_dma source(%dma_start3A_106 : memref<104000x128xf32, #tpu.memory_space<hbm>>) target(%dma_start3A_100 : memref<64x128xf32, #tpu.memory_space<vmem>>) offsets(%dma_start3A_103 : memref<64xi32, #tpu.memory_space<vmem>>) semaphore(%arg19 : memref<!tpu.dma_semaphore, #tpu.memory_space<semaphore_mem>>)
    %add3A_107 = arith.constant 64 : i32
    %add3A_108 = arith.addi %mul3A_2, %add3A_107 : i32
    %dma_start3A_109 = arith.constant 0 : i32
    %dma_start3A_110 = arith.constant 0 : i32
    %dma_start3A_111 = arith.constant 0 : i32
    %dma_start3A_112 = tpu.memref_slice %arg8[%dma_start3A_110, %dma_start3A_111] : memref<3x64xi32, #tpu.memory_space<vmem>> -> memref<1x64xi32, #tpu.memory_space<vmem>>
    %dma_start3A_113 = tpu.memref_squeeze %dma_start3A_112 : memref<1x64xi32, #tpu.memory_space<vmem>> -> memref<64xi32, #tpu.memory_space<vmem>>
    %dma_start3A_114 = tpu.memref_slice %arg3[%dma_start3A_109, %add3A_108] : memref<50x4096xi32, #tpu.memory_space<hbm>> -> memref<1x64xi32, #tpu.memory_space<hbm>>
    %dma_start3A_115 = tpu.memref_squeeze %dma_start3A_114 : memref<1x64xi32, #tpu.memory_space<hbm>> -> memref<64xi32, #tpu.memory_space<hbm>>
    %dma_start3A_116 = arith.constant 0 : i32
    %dma_start3A_117 = tpu.memref_slice %arg8[%dma_start3A_110, %dma_start3A_116] : memref<3x64xi32, #tpu.memory_space<vmem>> -> memref<1x64xi32, #tpu.memory_space<vmem>>
    %dma_start3A_118 = tpu.memref_squeeze %dma_start3A_117 : memref<1x64xi32, #tpu.memory_space<vmem>> -> memref<64xi32, #tpu.memory_space<vmem>>
    %dma_start3A_119 = tpu.memref_slice %arg3[%dma_start3A_109, %add3A_108] : memref<50x4096xi32, #tpu.memory_space<hbm>> -> memref<1x64xi32, #tpu.memory_space<hbm>>
    %dma_start3A_120 = tpu.memref_squeeze %dma_start3A_119 : memref<1x64xi32, #tpu.memory_space<hbm>> -> memref<64xi32, #tpu.memory_space<hbm>>
    tpu.enqueue_dma source(%dma_start3A_120 : memref<64xi32, #tpu.memory_space<hbm>>) target(%dma_start3A_118 : memref<64xi32, #tpu.memory_space<vmem>>) target_semaphore(%arg16 : memref<!tpu.dma_semaphore, #tpu.memory_space<semaphore_mem>>)
    %dma_start3A_121 = arith.constant 0 : i32
    %dma_start3A_122 = arith.constant 1 : i32
    %dma_start3A_123 = arith.constant 0 : i32
    %dma_start3A_124 = tpu.memref_slice %arg8[%dma_start3A_122, %dma_start3A_123] : memref<3x64xi32, #tpu.memory_space<vmem>> -> memref<1x64xi32, #tpu.memory_space<vmem>>
    %dma_start3A_125 = tpu.memref_squeeze %dma_start3A_124 : memref<1x64xi32, #tpu.memory_space<vmem>> -> memref<64xi32, #tpu.memory_space<vmem>>
    %dma_start3A_126 = tpu.memref_slice %arg4[%dma_start3A_121, %add3A_108] : memref<50x4096xi32, #tpu.memory_space<hbm>> -> memref<1x64xi32, #tpu.memory_space<hbm>>
    %dma_start3A_127 = tpu.memref_squeeze %dma_start3A_126 : memref<1x64xi32, #tpu.memory_space<hbm>> -> memref<64xi32, #tpu.memory_space<hbm>>
    %dma_start3A_128 = arith.constant 0 : i32
    %dma_start3A_129 = tpu.memref_slice %arg8[%dma_start3A_122, %dma_start3A_128] : memref<3x64xi32, #tpu.memory_space<vmem>> -> memref<1x64xi32, #tpu.memory_space<vmem>>
    %dma_start3A_130 = tpu.memref_squeeze %dma_start3A_129 : memref<1x64xi32, #tpu.memory_space<vmem>> -> memref<64xi32, #tpu.memory_space<vmem>>
    %dma_start3A_131 = tpu.memref_slice %arg4[%dma_start3A_121, %add3A_108] : memref<50x4096xi32, #tpu.memory_space<hbm>> -> memref<1x64xi32, #tpu.memory_space<hbm>>
    %dma_start3A_132 = tpu.memref_squeeze %dma_start3A_131 : memref<1x64xi32, #tpu.memory_space<hbm>> -> memref<64xi32, #tpu.memory_space<hbm>>
    tpu.enqueue_dma source(%dma_start3A_132 : memref<64xi32, #tpu.memory_space<hbm>>) target(%dma_start3A_130 : memref<64xi32, #tpu.memory_space<vmem>>) target_semaphore(%arg16 : memref<!tpu.dma_semaphore, #tpu.memory_space<semaphore_mem>>)
    %dma_start3A_133 = arith.constant 0 : i32
    %dma_start3A_134 = arith.constant 2 : i32
    %dma_start3A_135 = arith.constant 0 : i32
    %dma_start3A_136 = tpu.memref_slice %arg8[%dma_start3A_134, %dma_start3A_135] : memref<3x64xi32, #tpu.memory_space<vmem>> -> memref<1x64xi32, #tpu.memory_space<vmem>>
    %dma_start3A_137 = tpu.memref_squeeze %dma_start3A_136 : memref<1x64xi32, #tpu.memory_space<vmem>> -> memref<64xi32, #tpu.memory_space<vmem>>
    %dma_start3A_138 = tpu.memref_slice %arg5[%dma_start3A_133, %add3A_108] : memref<50x4096xi32, #tpu.memory_space<hbm>> -> memref<1x64xi32, #tpu.memory_space<hbm>>
    %dma_start3A_139 = tpu.memref_squeeze %dma_start3A_138 : memref<1x64xi32, #tpu.memory_space<hbm>> -> memref<64xi32, #tpu.memory_space<hbm>>
    %dma_start3A_140 = arith.constant 0 : i32
    %dma_start3A_141 = tpu.memref_slice %arg8[%dma_start3A_134, %dma_start3A_140] : memref<3x64xi32, #tpu.memory_space<vmem>> -> memref<1x64xi32, #tpu.memory_space<vmem>>
    %dma_start3A_142 = tpu.memref_squeeze %dma_start3A_141 : memref<1x64xi32, #tpu.memory_space<vmem>> -> memref<64xi32, #tpu.memory_space<vmem>>
    %dma_start3A_143 = tpu.memref_slice %arg5[%dma_start3A_133, %add3A_108] : memref<50x4096xi32, #tpu.memory_space<hbm>> -> memref<1x64xi32, #tpu.memory_space<hbm>>
    %dma_start3A_144 = tpu.memref_squeeze %dma_start3A_143 : memref<1x64xi32, #tpu.memory_space<hbm>> -> memref<64xi32, #tpu.memory_space<hbm>>
    tpu.enqueue_dma source(%dma_start3A_144 : memref<64xi32, #tpu.memory_space<hbm>>) target(%dma_start3A_142 : memref<64xi32, #tpu.memory_space<vmem>>) target_semaphore(%arg16 : memref<!tpu.dma_semaphore, #tpu.memory_space<semaphore_mem>>)
    %add3A_145 = arith.constant 64 : i32
    %add3A_146 = arith.addi %mul3A_2, %add3A_145 : i32
    %dma_wait3A_147 = arith.constant 0 : i32
    %dma_wait3A_148 = arith.constant 0 : i32
    %dma_wait3A_149 = arith.constant 0 : i32
    %dma_wait3A_150 = tpu.memref_slice %arg8[%dma_wait3A_148, %dma_wait3A_149] : memref<3x64xi32, #tpu.memory_space<vmem>> -> memref<1x64xi32, #tpu.memory_space<vmem>>
    %dma_wait3A_151 = tpu.memref_squeeze %dma_wait3A_150 : memref<1x64xi32, #tpu.memory_space<vmem>> -> memref<64xi32, #tpu.memory_space<vmem>>
    %dma_wait3A_152 = tpu.memref_slice %arg3[%dma_wait3A_147, %add3A_146] : memref<50x4096xi32, #tpu.memory_space<hbm>> -> memref<1x64xi32, #tpu.memory_space<hbm>>
    %dma_wait3A_153 = tpu.memref_squeeze %dma_wait3A_152 : memref<1x64xi32, #tpu.memory_space<hbm>> -> memref<64xi32, #tpu.memory_space<hbm>>
    %dma_wait3A_154 = arith.constant 0 : i32
    %dma_wait3A_155 = tpu.memref_slice %arg8[%dma_wait3A_148, %dma_wait3A_154] : memref<3x64xi32, #tpu.memory_space<vmem>> -> memref<1x64xi32, #tpu.memory_space<vmem>>
    %dma_wait3A_156 = tpu.memref_squeeze %dma_wait3A_155 : memref<1x64xi32, #tpu.memory_space<vmem>> -> memref<64xi32, #tpu.memory_space<vmem>>
    %dma_wait3A_157 = tpu.memref_slice %arg3[%dma_wait3A_147, %add3A_146] : memref<50x4096xi32, #tpu.memory_space<hbm>> -> memref<1x64xi32, #tpu.memory_space<hbm>>
    %dma_wait3A_158 = tpu.memref_squeeze %dma_wait3A_157 : memref<1x64xi32, #tpu.memory_space<hbm>> -> memref<64xi32, #tpu.memory_space<hbm>>
    tpu.wait_dma2 semaphore(%arg16 : memref<!tpu.dma_semaphore, #tpu.memory_space<semaphore_mem>>) src(%dma_wait3A_158 : memref<64xi32, #tpu.memory_space<hbm>>) dst(%dma_wait3A_156 : memref<64xi32, #tpu.memory_space<vmem>>)
    %dma_wait3A_159 = arith.constant 0 : i32
    %dma_wait3A_160 = arith.constant 1 : i32
    %dma_wait3A_161 = arith.constant 0 : i32
    %dma_wait3A_162 = tpu.memref_slice %arg8[%dma_wait3A_160, %dma_wait3A_161] : memref<3x64xi32, #tpu.memory_space<vmem>> -> memref<1x64xi32, #tpu.memory_space<vmem>>
    %dma_wait3A_163 = tpu.memref_squeeze %dma_wait3A_162 : memref<1x64xi32, #tpu.memory_space<vmem>> -> memref<64xi32, #tpu.memory_space<vmem>>
    %dma_wait3A_164 = tpu.memref_slice %arg4[%dma_wait3A_159, %add3A_146] : memref<50x4096xi32, #tpu.memory_space<hbm>> -> memref<1x64xi32, #tpu.memory_space<hbm>>
    %dma_wait3A_165 = tpu.memref_squeeze %dma_wait3A_164 : memref<1x64xi32, #tpu.memory_space<hbm>> -> memref<64xi32, #tpu.memory_space<hbm>>
    %dma_wait3A_166 = arith.constant 0 : i32
    %dma_wait3A_167 = tpu.memref_slice %arg8[%dma_wait3A_160, %dma_wait3A_166] : memref<3x64xi32, #tpu.memory_space<vmem>> -> memref<1x64xi32, #tpu.memory_space<vmem>>
    %dma_wait3A_168 = tpu.memref_squeeze %dma_wait3A_167 : memref<1x64xi32, #tpu.memory_space<vmem>> -> memref<64xi32, #tpu.memory_space<vmem>>
    %dma_wait3A_169 = tpu.memref_slice %arg4[%dma_wait3A_159, %add3A_146] : memref<50x4096xi32, #tpu.memory_space<hbm>> -> memref<1x64xi32, #tpu.memory_space<hbm>>
    %dma_wait3A_170 = tpu.memref_squeeze %dma_wait3A_169 : memref<1x64xi32, #tpu.memory_space<hbm>> -> memref<64xi32, #tpu.memory_space<hbm>>
    tpu.wait_dma2 semaphore(%arg16 : memref<!tpu.dma_semaphore, #tpu.memory_space<semaphore_mem>>) src(%dma_wait3A_170 : memref<64xi32, #tpu.memory_space<hbm>>) dst(%dma_wait3A_168 : memref<64xi32, #tpu.memory_space<vmem>>)
    %dma_wait3A_171 = arith.constant 0 : i32
    %dma_wait3A_172 = arith.constant 2 : i32
    %dma_wait3A_173 = arith.constant 0 : i32
    %dma_wait3A_174 = tpu.memref_slice %arg8[%dma_wait3A_172, %dma_wait3A_173] : memref<3x64xi32, #tpu.memory_space<vmem>> -> memref<1x64xi32, #tpu.memory_space<vmem>>
    %dma_wait3A_175 = tpu.memref_squeeze %dma_wait3A_174 : memref<1x64xi32, #tpu.memory_space<vmem>> -> memref<64xi32, #tpu.memory_space<vmem>>
    %dma_wait3A_176 = tpu.memref_slice %arg5[%dma_wait3A_171, %add3A_146] : memref<50x4096xi32, #tpu.memory_space<hbm>> -> memref<1x64xi32, #tpu.memory_space<hbm>>
    %dma_wait3A_177 = tpu.memref_squeeze %dma_wait3A_176 : memref<1x64xi32, #tpu.memory_space<hbm>> -> memref<64xi32, #tpu.memory_space<hbm>>
    %dma_wait3A_178 = arith.constant 0 : i32
    %dma_wait3A_179 = tpu.memref_slice %arg8[%dma_wait3A_172, %dma_wait3A_178] : memref<3x64xi32, #tpu.memory_space<vmem>> -> memref<1x64xi32, #tpu.memory_space<vmem>>
    %dma_wait3A_180 = tpu.memref_squeeze %dma_wait3A_179 : memref<1x64xi32, #tpu.memory_space<vmem>> -> memref<64xi32, #tpu.memory_space<vmem>>
    %dma_wait3A_181 = tpu.memref_slice %arg5[%dma_wait3A_171, %add3A_146] : memref<50x4096xi32, #tpu.memory_space<hbm>> -> memref<1x64xi32, #tpu.memory_space<hbm>>
    %dma_wait3A_182 = tpu.memref_squeeze %dma_wait3A_181 : memref<1x64xi32, #tpu.memory_space<hbm>> -> memref<64xi32, #tpu.memory_space<hbm>>
    tpu.wait_dma2 semaphore(%arg16 : memref<!tpu.dma_semaphore, #tpu.memory_space<semaphore_mem>>) src(%dma_wait3A_182 : memref<64xi32, #tpu.memory_space<hbm>>) dst(%dma_wait3A_180 : memref<64xi32, #tpu.memory_space<vmem>>)
    %dma_start3A_183 = arith.constant 0 : i32
    %dma_start3A_184 = arith.constant 0 : i32
    %dma_start3A_185 = arith.constant 0 : i32
    %dma_start3A_186 = tpu.memref_slice %arg12[%dma_start3A_184, %dma_start3A_185] : memref<192x128xf32, #tpu.memory_space<vmem>> -> memref<64x128xf32, #tpu.memory_space<vmem>>
    %dma_start3A_187 = arith.constant 0 : i32
    %dma_start3A_188 = tpu.memref_slice %arg8[%dma_start3A_183, %dma_start3A_187] : memref<3x64xi32, #tpu.memory_space<vmem>> -> memref<1x64xi32, #tpu.memory_space<vmem>>
    %dma_start3A_189 = tpu.memref_squeeze %dma_start3A_188 : memref<1x64xi32, #tpu.memory_space<vmem>> -> memref<64xi32, #tpu.memory_space<vmem>>
    %dma_start3A_190 = arith.constant 0 : i32
    %dma_start3A_191 = arith.constant 0 : i32
    %dma_start3A_192 = tpu.memref_slice %arg2[%dma_start3A_190, %dma_start3A_191] : memref<104000x128xf32, #tpu.memory_space<hbm>> -> memref<104000x128xf32, #tpu.memory_space<hbm>>
    tpu.enqueue_indirect_dma source(%dma_start3A_192 : memref<104000x128xf32, #tpu.memory_space<hbm>>) target(%dma_start3A_186 : memref<64x128xf32, #tpu.memory_space<vmem>>) offsets(%dma_start3A_189 : memref<64xi32, #tpu.memory_space<vmem>>) semaphore(%arg20 : memref<!tpu.dma_semaphore, #tpu.memory_space<semaphore_mem>>)
    %dma_start3A_193 = arith.constant 1 : i32
    %dma_start3A_194 = arith.constant 64 : i32
    %dma_start3A_195 = arith.constant 0 : i32
    %dma_start3A_196 = tpu.memref_slice %arg12[%dma_start3A_194, %dma_start3A_195] : memref<192x128xf32, #tpu.memory_space<vmem>> -> memref<64x128xf32, #tpu.memory_space<vmem>>
    %dma_start3A_197 = arith.constant 0 : i32
    %dma_start3A_198 = tpu.memref_slice %arg8[%dma_start3A_193, %dma_start3A_197] : memref<3x64xi32, #tpu.memory_space<vmem>> -> memref<1x64xi32, #tpu.memory_space<vmem>>
    %dma_start3A_199 = tpu.memref_squeeze %dma_start3A_198 : memref<1x64xi32, #tpu.memory_space<vmem>> -> memref<64xi32, #tpu.memory_space<vmem>>
    %dma_start3A_200 = arith.constant 0 : i32
    %dma_start3A_201 = arith.constant 0 : i32
    %dma_start3A_202 = tpu.memref_slice %arg2[%dma_start3A_200, %dma_start3A_201] : memref<104000x128xf32, #tpu.memory_space<hbm>> -> memref<104000x128xf32, #tpu.memory_space<hbm>>
    tpu.enqueue_indirect_dma source(%dma_start3A_202 : memref<104000x128xf32, #tpu.memory_space<hbm>>) target(%dma_start3A_196 : memref<64x128xf32, #tpu.memory_space<vmem>>) offsets(%dma_start3A_199 : memref<64xi32, #tpu.memory_space<vmem>>) semaphore(%arg20 : memref<!tpu.dma_semaphore, #tpu.memory_space<semaphore_mem>>)
    %dma_start3A_203 = arith.constant 2 : i32
    %dma_start3A_204 = arith.constant 128 : i32
    %dma_start3A_205 = arith.constant 0 : i32
    %dma_start3A_206 = tpu.memref_slice %arg12[%dma_start3A_204, %dma_start3A_205] : memref<192x128xf32, #tpu.memory_space<vmem>> -> memref<64x128xf32, #tpu.memory_space<vmem>>
    %dma_start3A_207 = arith.constant 0 : i32
    %dma_start3A_208 = tpu.memref_slice %arg8[%dma_start3A_203, %dma_start3A_207] : memref<3x64xi32, #tpu.memory_space<vmem>> -> memref<1x64xi32, #tpu.memory_space<vmem>>
    %dma_start3A_209 = tpu.memref_squeeze %dma_start3A_208 : memref<1x64xi32, #tpu.memory_space<vmem>> -> memref<64xi32, #tpu.memory_space<vmem>>
    %dma_start3A_210 = arith.constant 0 : i32
    %dma_start3A_211 = arith.constant 0 : i32
    %dma_start3A_212 = tpu.memref_slice %arg2[%dma_start3A_210, %dma_start3A_211] : memref<104000x128xf32, #tpu.memory_space<hbm>> -> memref<104000x128xf32, #tpu.memory_space<hbm>>
    tpu.enqueue_indirect_dma source(%dma_start3A_212 : memref<104000x128xf32, #tpu.memory_space<hbm>>) target(%dma_start3A_206 : memref<64x128xf32, #tpu.memory_space<vmem>>) offsets(%dma_start3A_209 : memref<64xi32, #tpu.memory_space<vmem>>) semaphore(%arg20 : memref<!tpu.dma_semaphore, #tpu.memory_space<semaphore_mem>>)
    %add3A_213 = arith.constant 0 : i32
    %add3A_214 = arith.addi %mul3A_2, %add3A_213 : i32
    %dma_start3A_215 = arith.constant 1 : i32
    %dma_start3A_216 = arith.constant 0 : i32
    %dma_start3A_217 = arith.constant 0 : i32
    %dma_start3A_218 = tpu.memref_slice %arg9[%dma_start3A_216, %dma_start3A_217] : memref<3x64xi32, #tpu.memory_space<vmem>> -> memref<1x64xi32, #tpu.memory_space<vmem>>
    %dma_start3A_219 = tpu.memref_squeeze %dma_start3A_218 : memref<1x64xi32, #tpu.memory_space<vmem>> -> memref<64xi32, #tpu.memory_space<vmem>>
    %dma_start3A_220 = tpu.memref_slice %arg3[%dma_start3A_215, %add3A_214] : memref<50x4096xi32, #tpu.memory_space<hbm>> -> memref<1x64xi32, #tpu.memory_space<hbm>>
    %dma_start3A_221 = tpu.memref_squeeze %dma_start3A_220 : memref<1x64xi32, #tpu.memory_space<hbm>> -> memref<64xi32, #tpu.memory_space<hbm>>
    %dma_start3A_222 = arith.constant 0 : i32
    %dma_start3A_223 = tpu.memref_slice %arg9[%dma_start3A_216, %dma_start3A_222] : memref<3x64xi32, #tpu.memory_space<vmem>> -> memref<1x64xi32, #tpu.memory_space<vmem>>
    %dma_start3A_224 = tpu.memref_squeeze %dma_start3A_223 : memref<1x64xi32, #tpu.memory_space<vmem>> -> memref<64xi32, #tpu.memory_space<vmem>>
    %dma_start3A_225 = tpu.memref_slice %arg3[%dma_start3A_215, %add3A_214] : memref<50x4096xi32, #tpu.memory_space<hbm>> -> memref<1x64xi32, #tpu.memory_space<hbm>>
    %dma_start3A_226 = tpu.memref_squeeze %dma_start3A_225 : memref<1x64xi32, #tpu.memory_space<hbm>> -> memref<64xi32, #tpu.memory_space<hbm>>
    tpu.enqueue_dma source(%dma_start3A_226 : memref<64xi32, #tpu.memory_space<hbm>>) target(%dma_start3A_224 : memref<64xi32, #tpu.memory_space<vmem>>) target_semaphore(%arg17 : memref<!tpu.dma_semaphore, #tpu.memory_space<semaphore_mem>>)
    %dma_start3A_227 = arith.constant 1 : i32
    %dma_start3A_228 = arith.constant 1 : i32
    %dma_start3A_229 = arith.constant 0 : i32
    %dma_start3A_230 = tpu.memref_slice %arg9[%dma_start3A_228, %dma_start3A_229] : memref<3x64xi32, #tpu.memory_space<vmem>> -> memref<1x64xi32, #tpu.memory_space<vmem>>
    %dma_start3A_231 = tpu.memref_squeeze %dma_start3A_230 : memref<1x64xi32, #tpu.memory_space<vmem>> -> memref<64xi32, #tpu.memory_space<vmem>>
    %dma_start3A_232 = tpu.memref_slice %arg4[%dma_start3A_227, %add3A_214] : memref<50x4096xi32, #tpu.memory_space<hbm>> -> memref<1x64xi32, #tpu.memory_space<hbm>>
    %dma_start3A_233 = tpu.memref_squeeze %dma_start3A_232 : memref<1x64xi32, #tpu.memory_space<hbm>> -> memref<64xi32, #tpu.memory_space<hbm>>
    %dma_start3A_234 = arith.constant 0 : i32
    %dma_start3A_235 = tpu.memref_slice %arg9[%dma_start3A_228, %dma_start3A_234] : memref<3x64xi32, #tpu.memory_space<vmem>> -> memref<1x64xi32, #tpu.memory_space<vmem>>
    %dma_start3A_236 = tpu.memref_squeeze %dma_start3A_235 : memref<1x64xi32, #tpu.memory_space<vmem>> -> memref<64xi32, #tpu.memory_space<vmem>>
    %dma_start3A_237 = tpu.memref_slice %arg4[%dma_start3A_227, %add3A_214] : memref<50x4096xi32, #tpu.memory_space<hbm>> -> memref<1x64xi32, #tpu.memory_space<hbm>>
    %dma_start3A_238 = tpu.memref_squeeze %dma_start3A_237 : memref<1x64xi32, #tpu.memory_space<hbm>> -> memref<64xi32, #tpu.memory_space<hbm>>
    tpu.enqueue_dma source(%dma_start3A_238 : memref<64xi32, #tpu.memory_space<hbm>>) target(%dma_start3A_236 : memref<64xi32, #tpu.memory_space<vmem>>) target_semaphore(%arg17 : memref<!tpu.dma_semaphore, #tpu.memory_space<semaphore_mem>>)
    %dma_start3A_239 = arith.constant 1 : i32
    %dma_start3A_240 = arith.constant 2 : i32
    %dma_start3A_241 = arith.constant 0 : i32
    %dma_start3A_242 = tpu.memref_slice %arg9[%dma_start3A_240, %dma_start3A_241] : memref<3x64xi32, #tpu.memory_space<vmem>> -> memref<1x64xi32, #tpu.memory_space<vmem>>
    %dma_start3A_243 = tpu.memref_squeeze %dma_start3A_242 : memref<1x64xi32, #tpu.memory_space<vmem>> -> memref<64xi32, #tpu.memory_space<vmem>>
    %dma_start3A_244 = tpu.memref_slice %arg5[%dma_start3A_239, %add3A_214] : memref<50x4096xi32, #tpu.memory_space<hbm>> -> memref<1x64xi32, #tpu.memory_space<hbm>>
    %dma_start3A_245 = tpu.memref_squeeze %dma_start3A_244 : memref<1x64xi32, #tpu.memory_space<hbm>> -> memref<64xi32, #tpu.memory_space<hbm>>
    %dma_start3A_246 = arith.constant 0 : i32
    %dma_start3A_247 = tpu.memref_slice %arg9[%dma_start3A_240, %dma_start3A_246] : memref<3x64xi32, #tpu.memory_space<vmem>> -> memref<1x64xi32, #tpu.memory_space<vmem>>
    %dma_start3A_248 = tpu.memref_squeeze %dma_start3A_247 : memref<1x64xi32, #tpu.memory_space<vmem>> -> memref<64xi32, #tpu.memory_space<vmem>>
    %dma_start3A_249 = tpu.memref_slice %arg5[%dma_start3A_239, %add3A_214] : memref<50x4096xi32, #tpu.memory_space<hbm>> -> memref<1x64xi32, #tpu.memory_space<hbm>>
    %dma_start3A_250 = tpu.memref_squeeze %dma_start3A_249 : memref<1x64xi32, #tpu.memory_space<hbm>> -> memref<64xi32, #tpu.memory_space<hbm>>
    tpu.enqueue_dma source(%dma_start3A_250 : memref<64xi32, #tpu.memory_space<hbm>>) target(%dma_start3A_248 : memref<64xi32, #tpu.memory_space<vmem>>) target_semaphore(%arg17 : memref<!tpu.dma_semaphore, #tpu.memory_space<semaphore_mem>>)
    %add3A_251 = arith.constant 0 : i32
    %add3A_252 = arith.addi %mul3A_2, %add3A_251 : i32
    %dma_wait3A_253 = arith.constant 1 : i32
    %dma_wait3A_254 = arith.constant 0 : i32
    %dma_wait3A_255 = arith.constant 0 : i32
    %dma_wait3A_256 = tpu.memref_slice %arg9[%dma_wait3A_254, %dma_wait3A_255] : memref<3x64xi32, #tpu.memory_space<vmem>> -> memref<1x64xi32, #tpu.memory_space<vmem>>
    %dma_wait3A_257 = tpu.memref_squeeze %dma_wait3A_256 : memref<1x64xi32, #tpu.memory_space<vmem>> -> memref<64xi32, #tpu.memory_space<vmem>>
    %dma_wait3A_258 = tpu.memref_slice %arg3[%dma_wait3A_253, %add3A_252] : memref<50x4096xi32, #tpu.memory_space<hbm>> -> memref<1x64xi32, #tpu.memory_space<hbm>>
    %dma_wait3A_259 = tpu.memref_squeeze %dma_wait3A_258 : memref<1x64xi32, #tpu.memory_space<hbm>> -> memref<64xi32, #tpu.memory_space<hbm>>
    %dma_wait3A_260 = arith.constant 0 : i32
    %dma_wait3A_261 = tpu.memref_slice %arg9[%dma_wait3A_254, %dma_wait3A_260] : memref<3x64xi32, #tpu.memory_space<vmem>> -> memref<1x64xi32, #tpu.memory_space<vmem>>
    %dma_wait3A_262 = tpu.memref_squeeze %dma_wait3A_261 : memref<1x64xi32, #tpu.memory_space<vmem>> -> memref<64xi32, #tpu.memory_space<vmem>>
    %dma_wait3A_263 = tpu.memref_slice %arg3[%dma_wait3A_253, %add3A_252] : memref<50x4096xi32, #tpu.memory_space<hbm>> -> memref<1x64xi32, #tpu.memory_space<hbm>>
    %dma_wait3A_264 = tpu.memref_squeeze %dma_wait3A_263 : memref<1x64xi32, #tpu.memory_space<hbm>> -> memref<64xi32, #tpu.memory_space<hbm>>
    tpu.wait_dma2 semaphore(%arg17 : memref<!tpu.dma_semaphore, #tpu.memory_space<semaphore_mem>>) src(%dma_wait3A_264 : memref<64xi32, #tpu.memory_space<hbm>>) dst(%dma_wait3A_262 : memref<64xi32, #tpu.memory_space<vmem>>)
    %dma_wait3A_265 = arith.constant 1 : i32
    %dma_wait3A_266 = arith.constant 1 : i32
    %dma_wait3A_267 = arith.constant 0 : i32
    %dma_wait3A_268 = tpu.memref_slice %arg9[%dma_wait3A_266, %dma_wait3A_267] : memref<3x64xi32, #tpu.memory_space<vmem>> -> memref<1x64xi32, #tpu.memory_space<vmem>>
    %dma_wait3A_269 = tpu.memref_squeeze %dma_wait3A_268 : memref<1x64xi32, #tpu.memory_space<vmem>> -> memref<64xi32, #tpu.memory_space<vmem>>
    %dma_wait3A_270 = tpu.memref_slice %arg4[%dma_wait3A_265, %add3A_252] : memref<50x4096xi32, #tpu.memory_space<hbm>> -> memref<1x64xi32, #tpu.memory_space<hbm>>
    %dma_wait3A_271 = tpu.memref_squeeze %dma_wait3A_270 : memref<1x64xi32, #tpu.memory_space<hbm>> -> memref<64xi32, #tpu.memory_space<hbm>>
    %dma_wait3A_272 = arith.constant 0 : i32
    %dma_wait3A_273 = tpu.memref_slice %arg9[%dma_wait3A_266, %dma_wait3A_272] : memref<3x64xi32, #tpu.memory_space<vmem>> -> memref<1x64xi32, #tpu.memory_space<vmem>>
    %dma_wait3A_274 = tpu.memref_squeeze %dma_wait3A_273 : memref<1x64xi32, #tpu.memory_space<vmem>> -> memref<64xi32, #tpu.memory_space<vmem>>
    %dma_wait3A_275 = tpu.memref_slice %arg4[%dma_wait3A_265, %add3A_252] : memref<50x4096xi32, #tpu.memory_space<hbm>> -> memref<1x64xi32, #tpu.memory_space<hbm>>
    %dma_wait3A_276 = tpu.memref_squeeze %dma_wait3A_275 : memref<1x64xi32, #tpu.memory_space<hbm>> -> memref<64xi32, #tpu.memory_space<hbm>>
    tpu.wait_dma2 semaphore(%arg17 : memref<!tpu.dma_semaphore, #tpu.memory_space<semaphore_mem>>) src(%dma_wait3A_276 : memref<64xi32, #tpu.memory_space<hbm>>) dst(%dma_wait3A_274 : memref<64xi32, #tpu.memory_space<vmem>>)
    %dma_wait3A_277 = arith.constant 1 : i32
    %dma_wait3A_278 = arith.constant 2 : i32
    %dma_wait3A_279 = arith.constant 0 : i32
    %dma_wait3A_280 = tpu.memref_slice %arg9[%dma_wait3A_278, %dma_wait3A_279] : memref<3x64xi32, #tpu.memory_space<vmem>> -> memref<1x64xi32, #tpu.memory_space<vmem>>
    %dma_wait3A_281 = tpu.memref_squeeze %dma_wait3A_280 : memref<1x64xi32, #tpu.memory_space<vmem>> -> memref<64xi32, #tpu.memory_space<vmem>>
    %dma_wait3A_282 = tpu.memref_slice %arg5[%dma_wait3A_277, %add3A_252] : memref<50x4096xi32, #tpu.memory_space<hbm>> -> memref<1x64xi32, #tpu.memory_space<hbm>>
    %dma_wait3A_283 = tpu.memref_squeeze %dma_wait3A_282 : memref<1x64xi32, #tpu.memory_space<hbm>> -> memref<64xi32, #tpu.memory_space<hbm>>
    %dma_wait3A_284 = arith.constant 0 : i32
    %dma_wait3A_285 = tpu.memref_slice %arg9[%dma_wait3A_278, %dma_wait3A_284] : memref<3x64xi32, #tpu.memory_space<vmem>> -> memref<1x64xi32, #tpu.memory_space<vmem>>
    %dma_wait3A_286 = tpu.memref_squeeze %dma_wait3A_285 : memref<1x64xi32, #tpu.memory_space<vmem>> -> memref<64xi32, #tpu.memory_space<vmem>>
    %dma_wait3A_287 = tpu.memref_slice %arg5[%dma_wait3A_277, %add3A_252] : memref<50x4096xi32, #tpu.memory_space<hbm>> -> memref<1x64xi32, #tpu.memory_space<hbm>>
    %dma_wait3A_288 = tpu.memref_squeeze %dma_wait3A_287 : memref<1x64xi32, #tpu.memory_space<hbm>> -> memref<64xi32, #tpu.memory_space<hbm>>
    tpu.wait_dma2 semaphore(%arg17 : memref<!tpu.dma_semaphore, #tpu.memory_space<semaphore_mem>>) src(%dma_wait3A_288 : memref<64xi32, #tpu.memory_space<hbm>>) dst(%dma_wait3A_286 : memref<64xi32, #tpu.memory_space<vmem>>)
    %dma_start3A_289 = arith.constant 0 : i32
    %dma_start3A_290 = arith.constant 0 : i32
    %dma_start3A_291 = arith.constant 0 : i32
    %dma_start3A_292 = tpu.memref_slice %arg13[%dma_start3A_290, %dma_start3A_291] : memref<192x128xf32, #tpu.memory_space<vmem>> -> memref<64x128xf32, #tpu.memory_space<vmem>>
    %dma_start3A_293 = arith.constant 0 : i32
    %dma_start3A_294 = tpu.memref_slice %arg9[%dma_start3A_289, %dma_start3A_293] : memref<3x64xi32, #tpu.memory_space<vmem>> -> memref<1x64xi32, #tpu.memory_space<vmem>>
    %dma_start3A_295 = tpu.memref_squeeze %dma_start3A_294 : memref<1x64xi32, #tpu.memory_space<vmem>> -> memref<64xi32, #tpu.memory_space<vmem>>
    %dma_start3A_296 = arith.constant 0 : i32
    %dma_start3A_297 = arith.constant 0 : i32
    %dma_start3A_298 = tpu.memref_slice %arg2[%dma_start3A_296, %dma_start3A_297] : memref<104000x128xf32, #tpu.memory_space<hbm>> -> memref<104000x128xf32, #tpu.memory_space<hbm>>
    tpu.enqueue_indirect_dma source(%dma_start3A_298 : memref<104000x128xf32, #tpu.memory_space<hbm>>) target(%dma_start3A_292 : memref<64x128xf32, #tpu.memory_space<vmem>>) offsets(%dma_start3A_295 : memref<64xi32, #tpu.memory_space<vmem>>) semaphore(%arg21 : memref<!tpu.dma_semaphore, #tpu.memory_space<semaphore_mem>>)
    %dma_start3A_299 = arith.constant 1 : i32
    %dma_start3A_300 = arith.constant 64 : i32
    %dma_start3A_301 = arith.constant 0 : i32
    %dma_start3A_302 = tpu.memref_slice %arg13[%dma_start3A_300, %dma_start3A_301] : memref<192x128xf32, #tpu.memory_space<vmem>> -> memref<64x128xf32, #tpu.memory_space<vmem>>
    %dma_start3A_303 = arith.constant 0 : i32
    %dma_start3A_304 = tpu.memref_slice %arg9[%dma_start3A_299, %dma_start3A_303] : memref<3x64xi32, #tpu.memory_space<vmem>> -> memref<1x64xi32, #tpu.memory_space<vmem>>
    %dma_start3A_305 = tpu.memref_squeeze %dma_start3A_304 : memref<1x64xi32, #tpu.memory_space<vmem>> -> memref<64xi32, #tpu.memory_space<vmem>>
    %dma_start3A_306 = arith.constant 0 : i32
    %dma_start3A_307 = arith.constant 0 : i32
    %dma_start3A_308 = tpu.memref_slice %arg2[%dma_start3A_306, %dma_start3A_307] : memref<104000x128xf32, #tpu.memory_space<hbm>> -> memref<104000x128xf32, #tpu.memory_space<hbm>>
    tpu.enqueue_indirect_dma source(%dma_start3A_308 : memref<104000x128xf32, #tpu.memory_space<hbm>>) target(%dma_start3A_302 : memref<64x128xf32, #tpu.memory_space<vmem>>) offsets(%dma_start3A_305 : memref<64xi32, #tpu.memory_space<vmem>>) semaphore(%arg21 : memref<!tpu.dma_semaphore, #tpu.memory_space<semaphore_mem>>)
    %dma_start3A_309 = arith.constant 2 : i32
    %dma_start3A_310 = arith.constant 128 : i32
    %dma_start3A_311 = arith.constant 0 : i32
    %dma_start3A_312 = tpu.memref_slice %arg13[%dma_start3A_310, %dma_start3A_311] : memref<192x128xf32, #tpu.memory_space<vmem>> -> memref<64x128xf32, #tpu.memory_space<vmem>>
    %dma_start3A_313 = arith.constant 0 : i32
    %dma_start3A_314 = tpu.memref_slice %arg9[%dma_start3A_309, %dma_start3A_313] : memref<3x64xi32, #tpu.memory_space<vmem>> -> memref<1x64xi32, #tpu.memory_space<vmem>>
    %dma_start3A_315 = tpu.memref_squeeze %dma_start3A_314 : memref<1x64xi32, #tpu.memory_space<vmem>> -> memref<64xi32, #tpu.memory_space<vmem>>
    %dma_start3A_316 = arith.constant 0 : i32
    %dma_start3A_317 = arith.constant 0 : i32
    %dma_start3A_318 = tpu.memref_slice %arg2[%dma_start3A_316, %dma_start3A_317] : memref<104000x128xf32, #tpu.memory_space<hbm>> -> memref<104000x128xf32, #tpu.memory_space<hbm>>
    tpu.enqueue_indirect_dma source(%dma_start3A_318 : memref<104000x128xf32, #tpu.memory_space<hbm>>) target(%dma_start3A_312 : memref<64x128xf32, #tpu.memory_space<vmem>>) offsets(%dma_start3A_315 : memref<64xi32, #tpu.memory_space<vmem>>) semaphore(%arg21 : memref<!tpu.dma_semaphore, #tpu.memory_space<semaphore_mem>>)
    %add3A_319 = arith.constant 64 : i32
    %add3A_320 = arith.addi %mul3A_2, %add3A_319 : i32
    %dma_start3A_321 = arith.constant 1 : i32
    %dma_start3A_322 = arith.constant 0 : i32
    %dma_start3A_323 = arith.constant 0 : i32
    %dma_start3A_324 = tpu.memref_slice %arg10[%dma_start3A_322, %dma_start3A_323] : memref<3x64xi32, #tpu.memory_space<vmem>> -> memref<1x64xi32, #tpu.memory_space<vmem>>
    %dma_start3A_325 = tpu.memref_squeeze %dma_start3A_324 : memref<1x64xi32, #tpu.memory_space<vmem>> -> memref<64xi32, #tpu.memory_space<vmem>>
    %dma_start3A_326 = tpu.memref_slice %arg3[%dma_start3A_321, %add3A_320] : memref<50x4096xi32, #tpu.memory_space<hbm>> -> memref<1x64xi32, #tpu.memory_space<hbm>>
    %dma_start3A_327 = tpu.memref_squeeze %dma_start3A_326 : memref<1x64xi32, #tpu.memory_space<hbm>> -> memref<64xi32, #tpu.memory_space<hbm>>
    %dma_start3A_328 = arith.constant 0 : i32
    %dma_start3A_329 = tpu.memref_slice %arg10[%dma_start3A_322, %dma_start3A_328] : memref<3x64xi32, #tpu.memory_space<vmem>> -> memref<1x64xi32, #tpu.memory_space<vmem>>
    %dma_start3A_330 = tpu.memref_squeeze %dma_start3A_329 : memref<1x64xi32, #tpu.memory_space<vmem>> -> memref<64xi32, #tpu.memory_space<vmem>>
    %dma_start3A_331 = tpu.memref_slice %arg3[%dma_start3A_321, %add3A_320] : memref<50x4096xi32, #tpu.memory_space<hbm>> -> memref<1x64xi32, #tpu.memory_space<hbm>>
    %dma_start3A_332 = tpu.memref_squeeze %dma_start3A_331 : memref<1x64xi32, #tpu.memory_space<hbm>> -> memref<64xi32, #tpu.memory_space<hbm>>
    tpu.enqueue_dma source(%dma_start3A_332 : memref<64xi32, #tpu.memory_space<hbm>>) target(%dma_start3A_330 : memref<64xi32, #tpu.memory_space<vmem>>) target_semaphore(%arg18 : memref<!tpu.dma_semaphore, #tpu.memory_space<semaphore_mem>>)
    %dma_start3A_333 = arith.constant 1 : i32
    %dma_start3A_334 = arith.constant 1 : i32
    %dma_start3A_335 = arith.constant 0 : i32
    %dma_start3A_336 = tpu.memref_slice %arg10[%dma_start3A_334, %dma_start3A_335] : memref<3x64xi32, #tpu.memory_space<vmem>> -> memref<1x64xi32, #tpu.memory_space<vmem>>
    %dma_start3A_337 = tpu.memref_squeeze %dma_start3A_336 : memref<1x64xi32, #tpu.memory_space<vmem>> -> memref<64xi32, #tpu.memory_space<vmem>>
    %dma_start3A_338 = tpu.memref_slice %arg4[%dma_start3A_333, %add3A_320] : memref<50x4096xi32, #tpu.memory_space<hbm>> -> memref<1x64xi32, #tpu.memory_space<hbm>>
    %dma_start3A_339 = tpu.memref_squeeze %dma_start3A_338 : memref<1x64xi32, #tpu.memory_space<hbm>> -> memref<64xi32, #tpu.memory_space<hbm>>
    %dma_start3A_340 = arith.constant 0 : i32
    %dma_start3A_341 = tpu.memref_slice %arg10[%dma_start3A_334, %dma_start3A_340] : memref<3x64xi32, #tpu.memory_space<vmem>> -> memref<1x64xi32, #tpu.memory_space<vmem>>
    %dma_start3A_342 = tpu.memref_squeeze %dma_start3A_341 : memref<1x64xi32, #tpu.memory_space<vmem>> -> memref<64xi32, #tpu.memory_space<vmem>>
    %dma_start3A_343 = tpu.memref_slice %arg4[%dma_start3A_333, %add3A_320] : memref<50x4096xi32, #tpu.memory_space<hbm>> -> memref<1x64xi32, #tpu.memory_space<hbm>>
    %dma_start3A_344 = tpu.memref_squeeze %dma_start3A_343 : memref<1x64xi32, #tpu.memory_space<hbm>> -> memref<64xi32, #tpu.memory_space<hbm>>
    tpu.enqueue_dma source(%dma_start3A_344 : memref<64xi32, #tpu.memory_space<hbm>>) target(%dma_start3A_342 : memref<64xi32, #tpu.memory_space<vmem>>) target_semaphore(%arg18 : memref<!tpu.dma_semaphore, #tpu.memory_space<semaphore_mem>>)
    %dma_start3A_345 = arith.constant 1 : i32
    %dma_start3A_346 = arith.constant 2 : i32
    %dma_start3A_347 = arith.constant 0 : i32
    %dma_start3A_348 = tpu.memref_slice %arg10[%dma_start3A_346, %dma_start3A_347] : memref<3x64xi32, #tpu.memory_space<vmem>> -> memref<1x64xi32, #tpu.memory_space<vmem>>
    %dma_start3A_349 = tpu.memref_squeeze %dma_start3A_348 : memref<1x64xi32, #tpu.memory_space<vmem>> -> memref<64xi32, #tpu.memory_space<vmem>>
    %dma_start3A_350 = tpu.memref_slice %arg5[%dma_start3A_345, %add3A_320] : memref<50x4096xi32, #tpu.memory_space<hbm>> -> memref<1x64xi32, #tpu.memory_space<hbm>>
    %dma_start3A_351 = tpu.memref_squeeze %dma_start3A_350 : memref<1x64xi32, #tpu.memory_space<hbm>> -> memref<64xi32, #tpu.memory_space<hbm>>
    %dma_start3A_352 = arith.constant 0 : i32
    %dma_start3A_353 = tpu.memref_slice %arg10[%dma_start3A_346, %dma_start3A_352] : memref<3x64xi32, #tpu.memory_space<vmem>> -> memref<1x64xi32, #tpu.memory_space<vmem>>
    %dma_start3A_354 = tpu.memref_squeeze %dma_start3A_353 : memref<1x64xi32, #tpu.memory_space<vmem>> -> memref<64xi32, #tpu.memory_space<vmem>>
    %dma_start3A_355 = tpu.memref_slice %arg5[%dma_start3A_345, %add3A_320] : memref<50x4096xi32, #tpu.memory_space<hbm>> -> memref<1x64xi32, #tpu.memory_space<hbm>>
    %dma_start3A_356 = tpu.memref_squeeze %dma_start3A_355 : memref<1x64xi32, #tpu.memory_space<hbm>> -> memref<64xi32, #tpu.memory_space<hbm>>
    tpu.enqueue_dma source(%dma_start3A_356 : memref<64xi32, #tpu.memory_space<hbm>>) target(%dma_start3A_354 : memref<64xi32, #tpu.memory_space<vmem>>) target_semaphore(%arg18 : memref<!tpu.dma_semaphore, #tpu.memory_space<semaphore_mem>>)
    %add3A_357 = arith.constant 64 : i32
    %add3A_358 = arith.addi %mul3A_2, %add3A_357 : i32
    %dma_wait3A_359 = arith.constant 1 : i32
    %dma_wait3A_360 = arith.constant 0 : i32
    %dma_wait3A_361 = arith.constant 0 : i32
    %dma_wait3A_362 = tpu.memref_slice %arg10[%dma_wait3A_360, %dma_wait3A_361] : memref<3x64xi32, #tpu.memory_space<vmem>> -> memref<1x64xi32, #tpu.memory_space<vmem>>
    %dma_wait3A_363 = tpu.memref_squeeze %dma_wait3A_362 : memref<1x64xi32, #tpu.memory_space<vmem>> -> memref<64xi32, #tpu.memory_space<vmem>>
    %dma_wait3A_364 = tpu.memref_slice %arg3[%dma_wait3A_359, %add3A_358] : memref<50x4096xi32, #tpu.memory_space<hbm>> -> memref<1x64xi32, #tpu.memory_space<hbm>>
    %dma_wait3A_365 = tpu.memref_squeeze %dma_wait3A_364 : memref<1x64xi32, #tpu.memory_space<hbm>> -> memref<64xi32, #tpu.memory_space<hbm>>
    %dma_wait3A_366 = arith.constant 0 : i32
    %dma_wait3A_367 = tpu.memref_slice %arg10[%dma_wait3A_360, %dma_wait3A_366] : memref<3x64xi32, #tpu.memory_space<vmem>> -> memref<1x64xi32, #tpu.memory_space<vmem>>
    %dma_wait3A_368 = tpu.memref_squeeze %dma_wait3A_367 : memref<1x64xi32, #tpu.memory_space<vmem>> -> memref<64xi32, #tpu.memory_space<vmem>>
    %dma_wait3A_369 = tpu.memref_slice %arg3[%dma_wait3A_359, %add3A_358] : memref<50x4096xi32, #tpu.memory_space<hbm>> -> memref<1x64xi32, #tpu.memory_space<hbm>>
    %dma_wait3A_370 = tpu.memref_squeeze %dma_wait3A_369 : memref<1x64xi32, #tpu.memory_space<hbm>> -> memref<64xi32, #tpu.memory_space<hbm>>
    tpu.wait_dma2 semaphore(%arg18 : memref<!tpu.dma_semaphore, #tpu.memory_space<semaphore_mem>>) src(%dma_wait3A_370 : memref<64xi32, #tpu.memory_space<hbm>>) dst(%dma_wait3A_368 : memref<64xi32, #tpu.memory_space<vmem>>)
    %dma_wait3A_371 = arith.constant 1 : i32
    %dma_wait3A_372 = arith.constant 1 : i32
    %dma_wait3A_373 = arith.constant 0 : i32
    %dma_wait3A_374 = tpu.memref_slice %arg10[%dma_wait3A_372, %dma_wait3A_373] : memref<3x64xi32, #tpu.memory_space<vmem>> -> memref<1x64xi32, #tpu.memory_space<vmem>>
    %dma_wait3A_375 = tpu.memref_squeeze %dma_wait3A_374 : memref<1x64xi32, #tpu.memory_space<vmem>> -> memref<64xi32, #tpu.memory_space<vmem>>
    %dma_wait3A_376 = tpu.memref_slice %arg4[%dma_wait3A_371, %add3A_358] : memref<50x4096xi32, #tpu.memory_space<hbm>> -> memref<1x64xi32, #tpu.memory_space<hbm>>
    %dma_wait3A_377 = tpu.memref_squeeze %dma_wait3A_376 : memref<1x64xi32, #tpu.memory_space<hbm>> -> memref<64xi32, #tpu.memory_space<hbm>>
    %dma_wait3A_378 = arith.constant 0 : i32
    %dma_wait3A_379 = tpu.memref_slice %arg10[%dma_wait3A_372, %dma_wait3A_378] : memref<3x64xi32, #tpu.memory_space<vmem>> -> memref<1x64xi32, #tpu.memory_space<vmem>>
    %dma_wait3A_380 = tpu.memref_squeeze %dma_wait3A_379 : memref<1x64xi32, #tpu.memory_space<vmem>> -> memref<64xi32, #tpu.memory_space<vmem>>
    %dma_wait3A_381 = tpu.memref_slice %arg4[%dma_wait3A_371, %add3A_358] : memref<50x4096xi32, #tpu.memory_space<hbm>> -> memref<1x64xi32, #tpu.memory_space<hbm>>
    %dma_wait3A_382 = tpu.memref_squeeze %dma_wait3A_381 : memref<1x64xi32, #tpu.memory_space<hbm>> -> memref<64xi32, #tpu.memory_space<hbm>>
    tpu.wait_dma2 semaphore(%arg18 : memref<!tpu.dma_semaphore, #tpu.memory_space<semaphore_mem>>) src(%dma_wait3A_382 : memref<64xi32, #tpu.memory_space<hbm>>) dst(%dma_wait3A_380 : memref<64xi32, #tpu.memory_space<vmem>>)
    %dma_wait3A_383 = arith.constant 1 : i32
    %dma_wait3A_384 = arith.constant 2 : i32
    %dma_wait3A_385 = arith.constant 0 : i32
    %dma_wait3A_386 = tpu.memref_slice %arg10[%dma_wait3A_384, %dma_wait3A_385] : memref<3x64xi32, #tpu.memory_space<vmem>> -> memref<1x64xi32, #tpu.memory_space<vmem>>
    %dma_wait3A_387 = tpu.memref_squeeze %dma_wait3A_386 : memref<1x64xi32, #tpu.memory_space<vmem>> -> memref<64xi32, #tpu.memory_space<vmem>>
    %dma_wait3A_388 = tpu.memref_slice %arg5[%dma_wait3A_383, %add3A_358] : memref<50x4096xi32, #tpu.memory_space<hbm>> -> memref<1x64xi32, #tpu.memory_space<hbm>>
    %dma_wait3A_389 = tpu.memref_squeeze %dma_wait3A_388 : memref<1x64xi32, #tpu.memory_space<hbm>> -> memref<64xi32, #tpu.memory_space<hbm>>
    %dma_wait3A_390 = arith.constant 0 : i32
    %dma_wait3A_391 = tpu.memref_slice %arg10[%dma_wait3A_384, %dma_wait3A_390] : memref<3x64xi32, #tpu.memory_space<vmem>> -> memref<1x64xi32, #tpu.memory_space<vmem>>
    %dma_wait3A_392 = tpu.memref_squeeze %dma_wait3A_391 : memref<1x64xi32, #tpu.memory_space<vmem>> -> memref<64xi32, #tpu.memory_space<vmem>>
    %dma_wait3A_393 = tpu.memref_slice %arg5[%dma_wait3A_383, %add3A_358] : memref<50x4096xi32, #tpu.memory_space<hbm>> -> memref<1x64xi32, #tpu.memory_space<hbm>>
    %dma_wait3A_394 = tpu.memref_squeeze %dma_wait3A_393 : memref<1x64xi32, #tpu.memory_space<hbm>> -> memref<64xi32, #tpu.memory_space<hbm>>
    tpu.wait_dma2 semaphore(%arg18 : memref<!tpu.dma_semaphore, #tpu.memory_space<semaphore_mem>>) src(%dma_wait3A_394 : memref<64xi32, #tpu.memory_space<hbm>>) dst(%dma_wait3A_392 : memref<64xi32, #tpu.memory_space<vmem>>)
    %dma_start3A_395 = arith.constant 0 : i32
    %dma_start3A_396 = arith.constant 0 : i32
    %dma_start3A_397 = arith.constant 0 : i32
    %dma_start3A_398 = tpu.memref_slice %arg14[%dma_start3A_396, %dma_start3A_397] : memref<192x128xf32, #tpu.memory_space<vmem>> -> memref<64x128xf32, #tpu.memory_space<vmem>>
    %dma_start3A_399 = arith.constant 0 : i32
    %dma_start3A_400 = tpu.memref_slice %arg10[%dma_start3A_395, %dma_start3A_399] : memref<3x64xi32, #tpu.memory_space<vmem>> -> memref<1x64xi32, #tpu.memory_space<vmem>>
    %dma_start3A_401 = tpu.memref_squeeze %dma_start3A_400 : memref<1x64xi32, #tpu.memory_space<vmem>> -> memref<64xi32, #tpu.memory_space<vmem>>
    %dma_start3A_402 = arith.constant 0 : i32
    %dma_start3A_403 = arith.constant 0 : i32
    %dma_start3A_404 = tpu.memref_slice %arg2[%dma_start3A_402, %dma_start3A_403] : memref<104000x128xf32, #tpu.memory_space<hbm>> -> memref<104000x128xf32, #tpu.memory_space<hbm>>
    tpu.enqueue_indirect_dma source(%dma_start3A_404 : memref<104000x128xf32, #tpu.memory_space<hbm>>) target(%dma_start3A_398 : memref<64x128xf32, #tpu.memory_space<vmem>>) offsets(%dma_start3A_401 : memref<64xi32, #tpu.memory_space<vmem>>) semaphore(%arg22 : memref<!tpu.dma_semaphore, #tpu.memory_space<semaphore_mem>>)
    %dma_start3A_405 = arith.constant 1 : i32
    %dma_start3A_406 = arith.constant 64 : i32
    %dma_start3A_407 = arith.constant 0 : i32
    %dma_start3A_408 = tpu.memref_slice %arg14[%dma_start3A_406, %dma_start3A_407] : memref<192x128xf32, #tpu.memory_space<vmem>> -> memref<64x128xf32, #tpu.memory_space<vmem>>
    %dma_start3A_409 = arith.constant 0 : i32
    %dma_start3A_410 = tpu.memref_slice %arg10[%dma_start3A_405, %dma_start3A_409] : memref<3x64xi32, #tpu.memory_space<vmem>> -> memref<1x64xi32, #tpu.memory_space<vmem>>
    %dma_start3A_411 = tpu.memref_squeeze %dma_start3A_410 : memref<1x64xi32, #tpu.memory_space<vmem>> -> memref<64xi32, #tpu.memory_space<vmem>>
    %dma_start3A_412 = arith.constant 0 : i32
    %dma_start3A_413 = arith.constant 0 : i32
    %dma_start3A_414 = tpu.memref_slice %arg2[%dma_start3A_412, %dma_start3A_413] : memref<104000x128xf32, #tpu.memory_space<hbm>> -> memref<104000x128xf32, #tpu.memory_space<hbm>>
    tpu.enqueue_indirect_dma source(%dma_start3A_414 : memref<104000x128xf32, #tpu.memory_space<hbm>>) target(%dma_start3A_408 : memref<64x128xf32, #tpu.memory_space<vmem>>) offsets(%dma_start3A_411 : memref<64xi32, #tpu.memory_space<vmem>>) semaphore(%arg22 : memref<!tpu.dma_semaphore, #tpu.memory_space<semaphore_mem>>)
    %dma_start3A_415 = arith.constant 2 : i32
    %dma_start3A_416 = arith.constant 128 : i32
    %dma_start3A_417 = arith.constant 0 : i32
    %dma_start3A_418 = tpu.memref_slice %arg14[%dma_start3A_416, %dma_start3A_417] : memref<192x128xf32, #tpu.memory_space<vmem>> -> memref<64x128xf32, #tpu.memory_space<vmem>>
    %dma_start3A_419 = arith.constant 0 : i32
    %dma_start3A_420 = tpu.memref_slice %arg10[%dma_start3A_415, %dma_start3A_419] : memref<3x64xi32, #tpu.memory_space<vmem>> -> memref<1x64xi32, #tpu.memory_space<vmem>>
    %dma_start3A_421 = tpu.memref_squeeze %dma_start3A_420 : memref<1x64xi32, #tpu.memory_space<vmem>> -> memref<64xi32, #tpu.memory_space<vmem>>
    %dma_start3A_422 = arith.constant 0 : i32
    %dma_start3A_423 = arith.constant 0 : i32
    %dma_start3A_424 = tpu.memref_slice %arg2[%dma_start3A_422, %dma_start3A_423] : memref<104000x128xf32, #tpu.memory_space<hbm>> -> memref<104000x128xf32, #tpu.memory_space<hbm>>
    tpu.enqueue_indirect_dma source(%dma_start3A_424 : memref<104000x128xf32, #tpu.memory_space<hbm>>) target(%dma_start3A_418 : memref<64x128xf32, #tpu.memory_space<vmem>>) offsets(%dma_start3A_421 : memref<64xi32, #tpu.memory_space<vmem>>) semaphore(%arg22 : memref<!tpu.dma_semaphore, #tpu.memory_space<semaphore_mem>>)
    %scan3A = arith.constant 0 : i32
    %scan3A_425 = arith.constant 0 : i32
    %scan3A_426 = arith.constant 25 : i32
    %scan3A_427 = arith.addi %scan3A_425, %scan3A_426 : i32
    %scan3A_428 = arith.constant 1 : i32
    scf.for %scan3A_430 = %scan3A_425 to %scan3A_427 step %scan3A_428  : i32 {
      %mul3A_431 = arith.constant 4 : i32
      %mul3A_432 = arith.muli %mul3A_431, %scan3A_430 : i32
      %add3A_433 = arith.constant 0 : i32
      %add3A_434 = arith.addi %mul3A_432, %add3A_433 : i32
      %dma_wait3A_435 = arith.constant 0 : i32
      %dma_wait3A_436 = arith.constant 0 : i32
      %dma_wait3A_437 = arith.constant 0 : i32
      %dma_wait3A_438 = tpu.memref_slice %arg11[%dma_wait3A_436, %dma_wait3A_437] : memref<192x128xf32, #tpu.memory_space<vmem>> -> memref<64x128xf32, #tpu.memory_space<vmem>>
      %dma_wait3A_439 = arith.constant 0 : i32
      %dma_wait3A_440 = tpu.memref_slice %arg7[%dma_wait3A_435, %dma_wait3A_439] : memref<3x64xi32, #tpu.memory_space<vmem>> -> memref<1x64xi32, #tpu.memory_space<vmem>>
      %dma_wait3A_441 = tpu.memref_squeeze %dma_wait3A_440 : memref<1x64xi32, #tpu.memory_space<vmem>> -> memref<64xi32, #tpu.memory_space<vmem>>
      %dma_wait3A_442 = arith.constant 0 : i32
      %dma_wait3A_443 = arith.constant 0 : i32
      %dma_wait3A_444 = tpu.memref_slice %arg2[%dma_wait3A_442, %dma_wait3A_443] : memref<104000x128xf32, #tpu.memory_space<hbm>> -> memref<104000x128xf32, #tpu.memory_space<hbm>>
      tpu.wait_indirect_dma semaphore(%arg19 : memref<!tpu.dma_semaphore, #tpu.memory_space<semaphore_mem>>) src(%dma_wait3A_444 : memref<104000x128xf32, #tpu.memory_space<hbm>>) dst(%dma_wait3A_438 : memref<64x128xf32, #tpu.memory_space<vmem>>)
      %dma_wait3A_445 = arith.constant 1 : i32
      %dma_wait3A_446 = arith.constant 64 : i32
      %dma_wait3A_447 = arith.constant 0 : i32
      %dma_wait3A_448 = tpu.memref_slice %arg11[%dma_wait3A_446, %dma_wait3A_447] : memref<192x128xf32, #tpu.memory_space<vmem>> -> memref<64x128xf32, #tpu.memory_space<vmem>>
      %dma_wait3A_449 = arith.constant 0 : i32
      %dma_wait3A_450 = tpu.memref_slice %arg7[%dma_wait3A_445, %dma_wait3A_449] : memref<3x64xi32, #tpu.memory_space<vmem>> -> memref<1x64xi32, #tpu.memory_space<vmem>>
      %dma_wait3A_451 = tpu.memref_squeeze %dma_wait3A_450 : memref<1x64xi32, #tpu.memory_space<vmem>> -> memref<64xi32, #tpu.memory_space<vmem>>
      %dma_wait3A_452 = arith.constant 0 : i32
      %dma_wait3A_453 = arith.constant 0 : i32
      %dma_wait3A_454 = tpu.memref_slice %arg2[%dma_wait3A_452, %dma_wait3A_453] : memref<104000x128xf32, #tpu.memory_space<hbm>> -> memref<104000x128xf32, #tpu.memory_space<hbm>>
      tpu.wait_indirect_dma semaphore(%arg19 : memref<!tpu.dma_semaphore, #tpu.memory_space<semaphore_mem>>) src(%dma_wait3A_454 : memref<104000x128xf32, #tpu.memory_space<hbm>>) dst(%dma_wait3A_448 : memref<64x128xf32, #tpu.memory_space<vmem>>)
      %dma_wait3A_455 = arith.constant 2 : i32
      %dma_wait3A_456 = arith.constant 128 : i32
      %dma_wait3A_457 = arith.constant 0 : i32
      %dma_wait3A_458 = tpu.memref_slice %arg11[%dma_wait3A_456, %dma_wait3A_457] : memref<192x128xf32, #tpu.memory_space<vmem>> -> memref<64x128xf32, #tpu.memory_space<vmem>>
      %dma_wait3A_459 = arith.constant 0 : i32
      %dma_wait3A_460 = tpu.memref_slice %arg7[%dma_wait3A_455, %dma_wait3A_459] : memref<3x64xi32, #tpu.memory_space<vmem>> -> memref<1x64xi32, #tpu.memory_space<vmem>>
      %dma_wait3A_461 = tpu.memref_squeeze %dma_wait3A_460 : memref<1x64xi32, #tpu.memory_space<vmem>> -> memref<64xi32, #tpu.memory_space<vmem>>
      %dma_wait3A_462 = arith.constant 0 : i32
      %dma_wait3A_463 = arith.constant 0 : i32
      %dma_wait3A_464 = tpu.memref_slice %arg2[%dma_wait3A_462, %dma_wait3A_463] : memref<104000x128xf32, #tpu.memory_space<hbm>> -> memref<104000x128xf32, #tpu.memory_space<hbm>>
      tpu.wait_indirect_dma semaphore(%arg19 : memref<!tpu.dma_semaphore, #tpu.memory_space<semaphore_mem>>) src(%dma_wait3A_464 : memref<104000x128xf32, #tpu.memory_space<hbm>>) dst(%dma_wait3A_458 : memref<64x128xf32, #tpu.memory_space<vmem>>)
      %add3A_465 = arith.constant 4 : i32
      %add3A_466 = arith.addi %add3A_434, %add3A_465 : i32
      %lt3A = arith.constant 100 : i32
      %lt3A_467 = arith.cmpi slt, %add3A_466, %lt3A : i32
      %convert_element_type3A = arith.extui %lt3A_467 : i1 to i32
      %cond3A = arith.constant 0 : i32
      %cond3A_468 = arith.cmpi ne, %convert_element_type3A, %cond3A : i32
      scf.if %cond3A_468 {
        %add3A_1075 = arith.constant 4 : i32
        %add3A_1076 = arith.addi %add3A_434, %add3A_1075 : i32
        %jit3A_1077 = arith.constant 2 : i32
        %div3A_1078 = arith.divsi %add3A_1076, %jit3A_1077 : i32
        %sign3A_1079 = arith.constant 0 : i32
        %sign3A_1080 = arith.cmpi sgt, %add3A_1076, %sign3A_1079 : i32
        %sign3A_1081 = arith.extui %sign3A_1080 : i1 to i32
        %sign3A_1082 = arith.constant 0 : i32
        %sign3A_1083 = arith.cmpi slt, %add3A_1076, %sign3A_1082 : i32
        %sign3A_1084 = arith.extui %sign3A_1083 : i1 to i32
        %sign3A_1085 = arith.subi %sign3A_1081, %sign3A_1084 : i32
        %sign3A_1086 = arith.constant 0 : i32
        %sign3A_1087 = arith.cmpi sgt, %jit3A_1077, %sign3A_1086 : i32
        %sign3A_1088 = arith.extui %sign3A_1087 : i1 to i32
        %sign3A_1089 = arith.constant 0 : i32
        %sign3A_1090 = arith.cmpi slt, %jit3A_1077, %sign3A_1089 : i32
        %sign3A_1091 = arith.extui %sign3A_1090 : i1 to i32
        %sign3A_1092 = arith.subi %sign3A_1088, %sign3A_1091 : i32
        %ne3A_1093 = arith.cmpi ne, %sign3A_1085, %sign3A_1092 : i32
        %rem3A_1094 = arith.remsi %add3A_1076, %jit3A_1077 : i32
        %ne3A_1095 = arith.constant 0 : i32
        %ne3A_1096 = arith.cmpi ne, %rem3A_1094, %ne3A_1095 : i32
        %and3A_1097 = arith.andi %ne3A_1093, %ne3A_1096 : i1
        %sub3A_1098 = arith.constant 1 : i32
        %sub3A_1099 = arith.subi %div3A_1078, %sub3A_1098 : i32
        %select_n3A_1100 = arith.select %and3A_1097, %sub3A_1099, %div3A_1078 : i32
        %jit3A_1101 = arith.constant 2 : i32
        %eq3A_1102 = arith.constant 0 : i32
        %eq3A_1103 = arith.cmpi eq, %jit3A_1101, %eq3A_1102 : i32
        %jit3A_1104 = arith.constant 1 : i32
        %select_n3A_1105 = arith.select %eq3A_1103, %jit3A_1104, %jit3A_1101 : i32
        %rem3A_1106 = arith.remsi %add3A_1076, %select_n3A_1105 : i32
        %ne3A_1107 = arith.constant 0 : i32
        %ne3A_1108 = arith.cmpi ne, %rem3A_1106, %ne3A_1107 : i32
        %lt3A_1109 = arith.constant 0 : i32
        %lt3A_1110 = arith.cmpi slt, %rem3A_1106, %lt3A_1109 : i32
        %lt3A_1111 = arith.constant 0 : i32
        %lt3A_1112 = arith.cmpi slt, %select_n3A_1105, %lt3A_1111 : i32
        %ne3A_1113 = arith.xori %lt3A_1110, %lt3A_1112 : i1
        %and3A_1114 = arith.andi %ne3A_1113, %ne3A_1108 : i1
        %add3A_1115 = arith.addi %rem3A_1106, %select_n3A_1105 : i32
        %select_n3A_1116 = arith.select %and3A_1114, %add3A_1115, %rem3A_1106 : i32
        %mul3A_1117 = arith.constant 64 : i32
        %mul3A_1118 = arith.muli %select_n3A_1116, %mul3A_1117 : i32
        %add3A_1119 = arith.addi %mul3A_2, %mul3A_1118 : i32
        %dma_start3A_1120 = arith.constant 0 : i32
        %dma_start3A_1121 = arith.constant 0 : i32
        %dma_start3A_1122 = tpu.memref_slice %arg7[%dma_start3A_1120, %dma_start3A_1121] : memref<3x64xi32, #tpu.memory_space<vmem>> -> memref<1x64xi32, #tpu.memory_space<vmem>>
        %dma_start3A_1123 = tpu.memref_squeeze %dma_start3A_1122 : memref<1x64xi32, #tpu.memory_space<vmem>> -> memref<64xi32, #tpu.memory_space<vmem>>
        %dma_start3A_1124 = tpu.memref_slice %arg3[%select_n3A_1100, %add3A_1119] : memref<50x4096xi32, #tpu.memory_space<hbm>> -> memref<1x64xi32, #tpu.memory_space<hbm>>
        %dma_start3A_1125 = tpu.memref_squeeze %dma_start3A_1124 : memref<1x64xi32, #tpu.memory_space<hbm>> -> memref<64xi32, #tpu.memory_space<hbm>>
        %dma_start3A_1126 = arith.constant 0 : i32
        %dma_start3A_1127 = tpu.memref_slice %arg7[%dma_start3A_1120, %dma_start3A_1126] : memref<3x64xi32, #tpu.memory_space<vmem>> -> memref<1x64xi32, #tpu.memory_space<vmem>>
        %dma_start3A_1128 = tpu.memref_squeeze %dma_start3A_1127 : memref<1x64xi32, #tpu.memory_space<vmem>> -> memref<64xi32, #tpu.memory_space<vmem>>
        %dma_start3A_1129 = tpu.memref_slice %arg3[%select_n3A_1100, %add3A_1119] : memref<50x4096xi32, #tpu.memory_space<hbm>> -> memref<1x64xi32, #tpu.memory_space<hbm>>
        %dma_start3A_1130 = tpu.memref_squeeze %dma_start3A_1129 : memref<1x64xi32, #tpu.memory_space<hbm>> -> memref<64xi32, #tpu.memory_space<hbm>>
        tpu.enqueue_dma source(%dma_start3A_1130 : memref<64xi32, #tpu.memory_space<hbm>>) target(%dma_start3A_1128 : memref<64xi32, #tpu.memory_space<vmem>>) target_semaphore(%arg15 : memref<!tpu.dma_semaphore, #tpu.memory_space<semaphore_mem>>)
        %dma_start3A_1131 = arith.constant 1 : i32
        %dma_start3A_1132 = arith.constant 0 : i32
        %dma_start3A_1133 = tpu.memref_slice %arg7[%dma_start3A_1131, %dma_start3A_1132] : memref<3x64xi32, #tpu.memory_space<vmem>> -> memref<1x64xi32, #tpu.memory_space<vmem>>
        %dma_start3A_1134 = tpu.memref_squeeze %dma_start3A_1133 : memref<1x64xi32, #tpu.memory_space<vmem>> -> memref<64xi32, #tpu.memory_space<vmem>>
        %dma_start3A_1135 = tpu.memref_slice %arg4[%select_n3A_1100, %add3A_1119] : memref<50x4096xi32, #tpu.memory_space<hbm>> -> memref<1x64xi32, #tpu.memory_space<hbm>>
        %dma_start3A_1136 = tpu.memref_squeeze %dma_start3A_1135 : memref<1x64xi32, #tpu.memory_space<hbm>> -> memref<64xi32, #tpu.memory_space<hbm>>
        %dma_start3A_1137 = arith.constant 0 : i32
        %dma_start3A_1138 = tpu.memref_slice %arg7[%dma_start3A_1131, %dma_start3A_1137] : memref<3x64xi32, #tpu.memory_space<vmem>> -> memref<1x64xi32, #tpu.memory_space<vmem>>
        %dma_start3A_1139 = tpu.memref_squeeze %dma_start3A_1138 : memref<1x64xi32, #tpu.memory_space<vmem>> -> memref<64xi32, #tpu.memory_space<vmem>>
        %dma_start3A_1140 = tpu.memref_slice %arg4[%select_n3A_1100, %add3A_1119] : memref<50x4096xi32, #tpu.memory_space<hbm>> -> memref<1x64xi32, #tpu.memory_space<hbm>>
        %dma_start3A_1141 = tpu.memref_squeeze %dma_start3A_1140 : memref<1x64xi32, #tpu.memory_space<hbm>> -> memref<64xi32, #tpu.memory_space<hbm>>
        tpu.enqueue_dma source(%dma_start3A_1141 : memref<64xi32, #tpu.memory_space<hbm>>) target(%dma_start3A_1139 : memref<64xi32, #tpu.memory_space<vmem>>) target_semaphore(%arg15 : memref<!tpu.dma_semaphore, #tpu.memory_space<semaphore_mem>>)
        %dma_start3A_1142 = arith.constant 2 : i32
        %dma_start3A_1143 = arith.constant 0 : i32
        %dma_start3A_1144 = tpu.memref_slice %arg7[%dma_start3A_1142, %dma_start3A_1143] : memref<3x64xi32, #tpu.memory_space<vmem>> -> memref<1x64xi32, #tpu.memory_space<vmem>>
        %dma_start3A_1145 = tpu.memref_squeeze %dma_start3A_1144 : memref<1x64xi32, #tpu.memory_space<vmem>> -> memref<64xi32, #tpu.memory_space<vmem>>
        %dma_start3A_1146 = tpu.memref_slice %arg5[%select_n3A_1100, %add3A_1119] : memref<50x4096xi32, #tpu.memory_space<hbm>> -> memref<1x64xi32, #tpu.memory_space<hbm>>
        %dma_start3A_1147 = tpu.memref_squeeze %dma_start3A_1146 : memref<1x64xi32, #tpu.memory_space<hbm>> -> memref<64xi32, #tpu.memory_space<hbm>>
        %dma_start3A_1148 = arith.constant 0 : i32
        %dma_start3A_1149 = tpu.memref_slice %arg7[%dma_start3A_1142, %dma_start3A_1148] : memref<3x64xi32, #tpu.memory_space<vmem>> -> memref<1x64xi32, #tpu.memory_space<vmem>>
        %dma_start3A_1150 = tpu.memref_squeeze %dma_start3A_1149 : memref<1x64xi32, #tpu.memory_space<vmem>> -> memref<64xi32, #tpu.memory_space<vmem>>
        %dma_start3A_1151 = tpu.memref_slice %arg5[%select_n3A_1100, %add3A_1119] : memref<50x4096xi32, #tpu.memory_space<hbm>> -> memref<1x64xi32, #tpu.memory_space<hbm>>
        %dma_start3A_1152 = tpu.memref_squeeze %dma_start3A_1151 : memref<1x64xi32, #tpu.memory_space<hbm>> -> memref<64xi32, #tpu.memory_space<hbm>>
        tpu.enqueue_dma source(%dma_start3A_1152 : memref<64xi32, #tpu.memory_space<hbm>>) target(%dma_start3A_1150 : memref<64xi32, #tpu.memory_space<vmem>>) target_semaphore(%arg15 : memref<!tpu.dma_semaphore, #tpu.memory_space<semaphore_mem>>)
      } else {
      }
      %scan3A_469 = arith.constant 0 : i32
      %scan3A_470 = arith.constant 0 : i32
      %scan3A_471 = arith.constant 64 : i32
      %scan3A_472 = arith.addi %scan3A_470, %scan3A_471 : i32
      %scan3A_473 = arith.constant 1 : i32
      scf.for %scan3A_1075 = %scan3A_470 to %scan3A_472 step %scan3A_473  : i32 {
        %get3A = arith.index_cast %scan3A_1075 : i32 to index
        %get3A_1076 = arith.constant 0 : index
        %get3A_1077 = tpu.vector_load %arg11[%get3A, %get3A_1076] {strides = array<i32>} : memref<192x128xf32, #tpu.memory_space<vmem>>, vector<1x16xf32>,
        %get3A_1078 = vector.shape_cast %get3A_1077 : vector<1x16xf32> to vector<16xf32>
        %add3A_1079 = arith.constant 64 : i32
        %add3A_1080 = arith.addi %add3A_1079, %scan3A_1075 : i32
        %get3A_1081 = arith.index_cast %add3A_1080 : i32 to index
        %get3A_1082 = arith.constant 0 : index
        %get3A_1083 = tpu.vector_load %arg11[%get3A_1081, %get3A_1082] {strides = array<i32>} : memref<192x128xf32, #tpu.memory_space<vmem>>, vector<1x16xf32>,
        %get3A_1084 = vector.shape_cast %get3A_1083 : vector<1x16xf32> to vector<16xf32>
        %add3A_1085 = arith.addf %get3A_1078, %get3A_1084 : vector<16xf32>
        %add3A_1086 = arith.constant 128 : i32
        %add3A_1087 = arith.addi %add3A_1086, %scan3A_1075 : i32
        %get3A_1088 = arith.index_cast %add3A_1087 : i32 to index
        %get3A_1089 = arith.constant 0 : index
        %get3A_1090 = tpu.vector_load %arg11[%get3A_1088, %get3A_1089] {strides = array<i32>} : memref<192x128xf32, #tpu.memory_space<vmem>>, vector<1x16xf32>,
        %get3A_1091 = vector.shape_cast %get3A_1090 : vector<1x16xf32> to vector<16xf32>
        %add3A_1092 = arith.addf %add3A_1085, %get3A_1091 : vector<16xf32>
        %max3A = arith.constant 0.000000e+00 : f32
        %max3A_1093 = vector.broadcast %max3A : f32 to vector<16xf32>
        %max3A_1094 = arith.maximumf %add3A_1092, %max3A_1093 : vector<16xf32>
        %swap3A = arith.index_cast %scan3A_1075 : i32 to index
        %swap3A_1095 = arith.constant 0 : index
        %swap3A_1096 = tpu.vector_load %arg11[%swap3A, %swap3A_1095] {strides = array<i32>} : memref<192x128xf32, #tpu.memory_space<vmem>>, vector<1x16xf32>,
        %swap3A_1097 = vector.shape_cast %swap3A_1096 : vector<1x16xf32> to vector<16xf32>
        %swap3A_1098 = vector.shape_cast %max3A_1094 : vector<16xf32> to vector<1x16xf32>
        tpu.vector_store %arg11[%swap3A, %swap3A_1095], %swap3A_1098 {strides = array<i32>} : memref<192x128xf32, #tpu.memory_space<vmem>>, vector<1x16xf32>,
        %get3A_1099 = arith.index_cast %scan3A_1075 : i32 to index
        %get3A_1100 = arith.constant 16 : index
        %get3A_1101 = tpu.vector_load %arg11[%get3A_1099, %get3A_1100] {strides = array<i32>} : memref<192x128xf32, #tpu.memory_space<vmem>>, vector<1x16xf32>,
        %get3A_1102 = vector.shape_cast %get3A_1101 : vector<1x16xf32> to vector<16xf32>
        %add3A_1103 = arith.constant 64 : i32
        %add3A_1104 = arith.addi %add3A_1103, %scan3A_1075 : i32
        %get3A_1105 = arith.index_cast %add3A_1104 : i32 to index
        %get3A_1106 = arith.constant 16 : index
        %get3A_1107 = tpu.vector_load %arg11[%get3A_1105, %get3A_1106] {strides = array<i32>} : memref<192x128xf32, #tpu.memory_space<vmem>>, vector<1x16xf32>,
        %get3A_1108 = vector.shape_cast %get3A_1107 : vector<1x16xf32> to vector<16xf32>
        %add3A_1109 = arith.addf %get3A_1102, %get3A_1108 : vector<16xf32>
        %add3A_1110 = arith.constant 128 : i32
        %add3A_1111 = arith.addi %add3A_1110, %scan3A_1075 : i32
        %get3A_1112 = arith.index_cast %add3A_1111 : i32 to index
        %get3A_1113 = arith.constant 16 : index
        %get3A_1114 = tpu.vector_load %arg11[%get3A_1112, %get3A_1113] {strides = array<i32>} : memref<192x128xf32, #tpu.memory_space<vmem>>, vector<1x16xf32>,
        %get3A_1115 = vector.shape_cast %get3A_1114 : vector<1x16xf32> to vector<16xf32>
        %add3A_1116 = arith.addf %add3A_1109, %get3A_1115 : vector<16xf32>
        %max3A_1117 = arith.constant 0.000000e+00 : f32
        %max3A_1118 = vector.broadcast %max3A_1117 : f32 to vector<16xf32>
        %max3A_1119 = arith.maximumf %add3A_1116, %max3A_1118 : vector<16xf32>
        %swap3A_1120 = arith.index_cast %scan3A_1075 : i32 to index
        %swap3A_1121 = arith.constant 16 : index
        %swap3A_1122 = tpu.vector_load %arg11[%swap3A_1120, %swap3A_1121] {strides = array<i32>} : memref<192x128xf32, #tpu.memory_space<vmem>>, vector<1x16xf32>,
        %swap3A_1123 = vector.shape_cast %swap3A_1122 : vector<1x16xf32> to vector<16xf32>
        %swap3A_1124 = vector.shape_cast %max3A_1119 : vector<16xf32> to vector<1x16xf32>
        tpu.vector_store %arg11[%swap3A_1120, %swap3A_1121], %swap3A_1124 {strides = array<i32>} : memref<192x128xf32, #tpu.memory_space<vmem>>, vector<1x16xf32>,
        %get3A_1125 = arith.index_cast %scan3A_1075 : i32 to index
        %get3A_1126 = arith.constant 32 : index
        %get3A_1127 = tpu.vector_load %arg11[%get3A_1125, %get3A_1126] {strides = array<i32>} : memref<192x128xf32, #tpu.memory_space<vmem>>, vector<1x16xf32>,
        %get3A_1128 = vector.shape_cast %get3A_1127 : vector<1x16xf32> to vector<16xf32>
        %add3A_1129 = arith.constant 64 : i32
        %add3A_1130 = arith.addi %add3A_1129, %scan3A_1075 : i32
        %get3A_1131 = arith.index_cast %add3A_1130 : i32 to index
        %get3A_1132 = arith.constant 32 : index
        %get3A_1133 = tpu.vector_load %arg11[%get3A_1131, %get3A_1132] {strides = array<i32>} : memref<192x128xf32, #tpu.memory_space<vmem>>, vector<1x16xf32>,
        %get3A_1134 = vector.shape_cast %get3A_1133 : vector<1x16xf32> to vector<16xf32>
        %add3A_1135 = arith.addf %get3A_1128, %get3A_1134 : vector<16xf32>
        %add3A_1136 = arith.constant 128 : i32
        %add3A_1137 = arith.addi %add3A_1136, %scan3A_1075 : i32
        %get3A_1138 = arith.index_cast %add3A_1137 : i32 to index
        %get3A_1139 = arith.constant 32 : index
        %get3A_1140 = tpu.vector_load %arg11[%get3A_1138, %get3A_1139] {strides = array<i32>} : memref<192x128xf32, #tpu.memory_space<vmem>>, vector<1x16xf32>,
        %get3A_1141 = vector.shape_cast %get3A_1140 : vector<1x16xf32> to vector<16xf32>
        %add3A_1142 = arith.addf %add3A_1135, %get3A_1141 : vector<16xf32>
        %max3A_1143 = arith.constant 0.000000e+00 : f32
        %max3A_1144 = vector.broadcast %max3A_1143 : f32 to vector<16xf32>
        %max3A_1145 = arith.maximumf %add3A_1142, %max3A_1144 : vector<16xf32>
        %swap3A_1146 = arith.index_cast %scan3A_1075 : i32 to index
        %swap3A_1147 = arith.constant 32 : index
        %swap3A_1148 = tpu.vector_load %arg11[%swap3A_1146, %swap3A_1147] {strides = array<i32>} : memref<192x128xf32, #tpu.memory_space<vmem>>, vector<1x16xf32>,
        %swap3A_1149 = vector.shape_cast %swap3A_1148 : vector<1x16xf32> to vector<16xf32>
        %swap3A_1150 = vector.shape_cast %max3A_1145 : vector<16xf32> to vector<1x16xf32>
        tpu.vector_store %arg11[%swap3A_1146, %swap3A_1147], %swap3A_1150 {strides = array<i32>} : memref<192x128xf32, #tpu.memory_space<vmem>>, vector<1x16xf32>,
        %get3A_1151 = arith.index_cast %scan3A_1075 : i32 to index
        %get3A_1152 = arith.constant 48 : index
        %get3A_1153 = tpu.vector_load %arg11[%get3A_1151, %get3A_1152] {strides = array<i32>} : memref<192x128xf32, #tpu.memory_space<vmem>>, vector<1x16xf32>,
        %get3A_1154 = vector.shape_cast %get3A_1153 : vector<1x16xf32> to vector<16xf32>
        %add3A_1155 = arith.constant 64 : i32
        %add3A_1156 = arith.addi %add3A_1155, %scan3A_1075 : i32
        %get3A_1157 = arith.index_cast %add3A_1156 : i32 to index
        %get3A_1158 = arith.constant 48 : index
        %get3A_1159 = tpu.vector_load %arg11[%get3A_1157, %get3A_1158] {strides = array<i32>} : memref<192x128xf32, #tpu.memory_space<vmem>>, vector<1x16xf32>,
        %get3A_1160 = vector.shape_cast %get3A_1159 : vector<1x16xf32> to vector<16xf32>
        %add3A_1161 = arith.addf %get3A_1154, %get3A_1160 : vector<16xf32>
        %add3A_1162 = arith.constant 128 : i32
        %add3A_1163 = arith.addi %add3A_1162, %scan3A_1075 : i32
        %get3A_1164 = arith.index_cast %add3A_1163 : i32 to index
        %get3A_1165 = arith.constant 48 : index
        %get3A_1166 = tpu.vector_load %arg11[%get3A_1164, %get3A_1165] {strides = array<i32>} : memref<192x128xf32, #tpu.memory_space<vmem>>, vector<1x16xf32>,
        %get3A_1167 = vector.shape_cast %get3A_1166 : vector<1x16xf32> to vector<16xf32>
        %add3A_1168 = arith.addf %add3A_1161, %get3A_1167 : vector<16xf32>
        %max3A_1169 = arith.constant 0.000000e+00 : f32
        %max3A_1170 = vector.broadcast %max3A_1169 : f32 to vector<16xf32>
        %max3A_1171 = arith.maximumf %add3A_1168, %max3A_1170 : vector<16xf32>
        %swap3A_1172 = arith.index_cast %scan3A_1075 : i32 to index
        %swap3A_1173 = arith.constant 48 : index
        %swap3A_1174 = tpu.vector_load %arg11[%swap3A_1172, %swap3A_1173] {strides = array<i32>} : memref<192x128xf32, #tpu.memory_space<vmem>>, vector<1x16xf32>,
        %swap3A_1175 = vector.shape_cast %swap3A_1174 : vector<1x16xf32> to vector<16xf32>
        %swap3A_1176 = vector.shape_cast %max3A_1171 : vector<16xf32> to vector<1x16xf32>
        tpu.vector_store %arg11[%swap3A_1172, %swap3A_1173], %swap3A_1176 {strides = array<i32>} : memref<192x128xf32, #tpu.memory_space<vmem>>, vector<1x16xf32>,
        %get3A_1177 = arith.index_cast %scan3A_1075 : i32 to index
        %get3A_1178 = arith.constant 64 : index
        %get3A_1179 = tpu.vector_load %arg11[%get3A_1177, %get3A_1178] {strides = array<i32>} : memref<192x128xf32, #tpu.memory_space<vmem>>, vector<1x16xf32>,
        %get3A_1180 = vector.shape_cast %get3A_1179 : vector<1x16xf32> to vector<16xf32>
        %add3A_1181 = arith.constant 64 : i32
        %add3A_1182 = arith.addi %add3A_1181, %scan3A_1075 : i32
        %get3A_1183 = arith.index_cast %add3A_1182 : i32 to index
        %get3A_1184 = arith.constant 64 : index
        %get3A_1185 = tpu.vector_load %arg11[%get3A_1183, %get3A_1184] {strides = array<i32>} : memref<192x128xf32, #tpu.memory_space<vmem>>, vector<1x16xf32>,
        %get3A_1186 = vector.shape_cast %get3A_1185 : vector<1x16xf32> to vector<16xf32>
        %add3A_1187 = arith.addf %get3A_1180, %get3A_1186 : vector<16xf32>
        %add3A_1188 = arith.constant 128 : i32
        %add3A_1189 = arith.addi %add3A_1188, %scan3A_1075 : i32
        %get3A_1190 = arith.index_cast %add3A_1189 : i32 to index
        %get3A_1191 = arith.constant 64 : index
        %get3A_1192 = tpu.vector_load %arg11[%get3A_1190, %get3A_1191] {strides = array<i32>} : memref<192x128xf32, #tpu.memory_space<vmem>>, vector<1x16xf32>,
        %get3A_1193 = vector.shape_cast %get3A_1192 : vector<1x16xf32> to vector<16xf32>
        %add3A_1194 = arith.addf %add3A_1187, %get3A_1193 : vector<16xf32>
        %max3A_1195 = arith.constant 0.000000e+00 : f32
        %max3A_1196 = vector.broadcast %max3A_1195 : f32 to vector<16xf32>
        %max3A_1197 = arith.maximumf %add3A_1194, %max3A_1196 : vector<16xf32>
        %swap3A_1198 = arith.index_cast %scan3A_1075 : i32 to index
        %swap3A_1199 = arith.constant 64 : index
        %swap3A_1200 = tpu.vector_load %arg11[%swap3A_1198, %swap3A_1199] {strides = array<i32>} : memref<192x128xf32, #tpu.memory_space<vmem>>, vector<1x16xf32>,
        %swap3A_1201 = vector.shape_cast %swap3A_1200 : vector<1x16xf32> to vector<16xf32>
        %swap3A_1202 = vector.shape_cast %max3A_1197 : vector<16xf32> to vector<1x16xf32>
        tpu.vector_store %arg11[%swap3A_1198, %swap3A_1199], %swap3A_1202 {strides = array<i32>} : memref<192x128xf32, #tpu.memory_space<vmem>>, vector<1x16xf32>,
        %get3A_1203 = arith.index_cast %scan3A_1075 : i32 to index
        %get3A_1204 = arith.constant 80 : index
        %get3A_1205 = tpu.vector_load %arg11[%get3A_1203, %get3A_1204] {strides = array<i32>} : memref<192x128xf32, #tpu.memory_space<vmem>>, vector<1x16xf32>,
        %get3A_1206 = vector.shape_cast %get3A_1205 : vector<1x16xf32> to vector<16xf32>
        %add3A_1207 = arith.constant 64 : i32
        %add3A_1208 = arith.addi %add3A_1207, %scan3A_1075 : i32
        %get3A_1209 = arith.index_cast %add3A_1208 : i32 to index
        %get3A_1210 = arith.constant 80 : index
        %get3A_1211 = tpu.vector_load %arg11[%get3A_1209, %get3A_1210] {strides = array<i32>} : memref<192x128xf32, #tpu.memory_space<vmem>>, vector<1x16xf32>,
        %get3A_1212 = vector.shape_cast %get3A_1211 : vector<1x16xf32> to vector<16xf32>
        %add3A_1213 = arith.addf %get3A_1206, %get3A_1212 : vector<16xf32>
        %add3A_1214 = arith.constant 128 : i32
        %add3A_1215 = arith.addi %add3A_1214, %scan3A_1075 : i32
        %get3A_1216 = arith.index_cast %add3A_1215 : i32 to index
        %get3A_1217 = arith.constant 80 : index
        %get3A_1218 = tpu.vector_load %arg11[%get3A_1216, %get3A_1217] {strides = array<i32>} : memref<192x128xf32, #tpu.memory_space<vmem>>, vector<1x16xf32>,
        %get3A_1219 = vector.shape_cast %get3A_1218 : vector<1x16xf32> to vector<16xf32>
        %add3A_1220 = arith.addf %add3A_1213, %get3A_1219 : vector<16xf32>
        %max3A_1221 = arith.constant 0.000000e+00 : f32
        %max3A_1222 = vector.broadcast %max3A_1221 : f32 to vector<16xf32>
        %max3A_1223 = arith.maximumf %add3A_1220, %max3A_1222 : vector<16xf32>
        %swap3A_1224 = arith.index_cast %scan3A_1075 : i32 to index
        %swap3A_1225 = arith.constant 80 : index
        %swap3A_1226 = tpu.vector_load %arg11[%swap3A_1224, %swap3A_1225] {strides = array<i32>} : memref<192x128xf32, #tpu.memory_space<vmem>>, vector<1x16xf32>,
        %swap3A_1227 = vector.shape_cast %swap3A_1226 : vector<1x16xf32> to vector<16xf32>
        %swap3A_1228 = vector.shape_cast %max3A_1223 : vector<16xf32> to vector<1x16xf32>
        tpu.vector_store %arg11[%swap3A_1224, %swap3A_1225], %swap3A_1228 {strides = array<i32>} : memref<192x128xf32, #tpu.memory_space<vmem>>, vector<1x16xf32>,
        %get3A_1229 = arith.index_cast %scan3A_1075 : i32 to index
        %get3A_1230 = arith.constant 96 : index
        %get3A_1231 = tpu.vector_load %arg11[%get3A_1229, %get3A_1230] {strides = array<i32>} : memref<192x128xf32, #tpu.memory_space<vmem>>, vector<1x16xf32>,
        %get3A_1232 = vector.shape_cast %get3A_1231 : vector<1x16xf32> to vector<16xf32>
        %add3A_1233 = arith.constant 64 : i32
        %add3A_1234 = arith.addi %add3A_1233, %scan3A_1075 : i32
        %get3A_1235 = arith.index_cast %add3A_1234 : i32 to index
        %get3A_1236 = arith.constant 96 : index
        %get3A_1237 = tpu.vector_load %arg11[%get3A_1235, %get3A_1236] {strides = array<i32>} : memref<192x128xf32, #tpu.memory_space<vmem>>, vector<1x16xf32>,
        %get3A_1238 = vector.shape_cast %get3A_1237 : vector<1x16xf32> to vector<16xf32>
        %add3A_1239 = arith.addf %get3A_1232, %get3A_1238 : vector<16xf32>
        %add3A_1240 = arith.constant 128 : i32
        %add3A_1241 = arith.addi %add3A_1240, %scan3A_1075 : i32
        %get3A_1242 = arith.index_cast %add3A_1241 : i32 to index
        %get3A_1243 = arith.constant 96 : index
        %get3A_1244 = tpu.vector_load %arg11[%get3A_1242, %get3A_1243] {strides = array<i32>} : memref<192x128xf32, #tpu.memory_space<vmem>>, vector<1x16xf32>,
        %get3A_1245 = vector.shape_cast %get3A_1244 : vector<1x16xf32> to vector<16xf32>
        %add3A_1246 = arith.addf %add3A_1239, %get3A_1245 : vector<16xf32>
        %max3A_1247 = arith.constant 0.000000e+00 : f32
        %max3A_1248 = vector.broadcast %max3A_1247 : f32 to vector<16xf32>
        %max3A_1249 = arith.maximumf %add3A_1246, %max3A_1248 : vector<16xf32>
        %swap3A_1250 = arith.index_cast %scan3A_1075 : i32 to index
        %swap3A_1251 = arith.constant 96 : index
        %swap3A_1252 = tpu.vector_load %arg11[%swap3A_1250, %swap3A_1251] {strides = array<i32>} : memref<192x128xf32, #tpu.memory_space<vmem>>, vector<1x16xf32>,
        %swap3A_1253 = vector.shape_cast %swap3A_1252 : vector<1x16xf32> to vector<16xf32>
        %swap3A_1254 = vector.shape_cast %max3A_1249 : vector<16xf32> to vector<1x16xf32>
        tpu.vector_store %arg11[%swap3A_1250, %swap3A_1251], %swap3A_1254 {strides = array<i32>} : memref<192x128xf32, #tpu.memory_space<vmem>>, vector<1x16xf32>,
        %get3A_1255 = arith.index_cast %scan3A_1075 : i32 to index
        %get3A_1256 = arith.constant 112 : index
        %get3A_1257 = tpu.vector_load %arg11[%get3A_1255, %get3A_1256] {strides = array<i32>} : memref<192x128xf32, #tpu.memory_space<vmem>>, vector<1x16xf32>,
        %get3A_1258 = vector.shape_cast %get3A_1257 : vector<1x16xf32> to vector<16xf32>
        %add3A_1259 = arith.constant 64 : i32
        %add3A_1260 = arith.addi %add3A_1259, %scan3A_1075 : i32
        %get3A_1261 = arith.index_cast %add3A_1260 : i32 to index
        %get3A_1262 = arith.constant 112 : index
        %get3A_1263 = tpu.vector_load %arg11[%get3A_1261, %get3A_1262] {strides = array<i32>} : memref<192x128xf32, #tpu.memory_space<vmem>>, vector<1x16xf32>,
        %get3A_1264 = vector.shape_cast %get3A_1263 : vector<1x16xf32> to vector<16xf32>
        %add3A_1265 = arith.addf %get3A_1258, %get3A_1264 : vector<16xf32>
        %add3A_1266 = arith.constant 128 : i32
        %add3A_1267 = arith.addi %add3A_1266, %scan3A_1075 : i32
        %get3A_1268 = arith.index_cast %add3A_1267 : i32 to index
        %get3A_1269 = arith.constant 112 : index
        %get3A_1270 = tpu.vector_load %arg11[%get3A_1268, %get3A_1269] {strides = array<i32>} : memref<192x128xf32, #tpu.memory_space<vmem>>, vector<1x16xf32>,
        %get3A_1271 = vector.shape_cast %get3A_1270 : vector<1x16xf32> to vector<16xf32>
        %add3A_1272 = arith.addf %add3A_1265, %get3A_1271 : vector<16xf32>
        %max3A_1273 = arith.constant 0.000000e+00 : f32
        %max3A_1274 = vector.broadcast %max3A_1273 : f32 to vector<16xf32>
        %max3A_1275 = arith.maximumf %add3A_1272, %max3A_1274 : vector<16xf32>
        %swap3A_1276 = arith.index_cast %scan3A_1075 : i32 to index
        %swap3A_1277 = arith.constant 112 : index
        %swap3A_1278 = tpu.vector_load %arg11[%swap3A_1276, %swap3A_1277] {strides = array<i32>} : memref<192x128xf32, #tpu.memory_space<vmem>>, vector<1x16xf32>,
        %swap3A_1279 = vector.shape_cast %swap3A_1278 : vector<1x16xf32> to vector<16xf32>
        %swap3A_1280 = vector.shape_cast %max3A_1275 : vector<16xf32> to vector<1x16xf32>
        tpu.vector_store %arg11[%swap3A_1276, %swap3A_1277], %swap3A_1280 {strides = array<i32>} : memref<192x128xf32, #tpu.memory_space<vmem>>, vector<1x16xf32>,
      }
      %scan3A_474 = arith.constant 64 : i32
      %jit3A = arith.constant 2 : i32
      %div3A = arith.divsi %add3A_434, %jit3A : i32
      %sign3A = arith.constant 0 : i32
      %sign3A_475 = arith.cmpi sgt, %add3A_434, %sign3A : i32
      %sign3A_476 = arith.extui %sign3A_475 : i1 to i32
      %sign3A_477 = arith.constant 0 : i32
      %sign3A_478 = arith.cmpi slt, %add3A_434, %sign3A_477 : i32
      %sign3A_479 = arith.extui %sign3A_478 : i1 to i32
      %sign3A_480 = arith.subi %sign3A_476, %sign3A_479 : i32
      %sign3A_481 = arith.constant 0 : i32
      %sign3A_482 = arith.cmpi sgt, %jit3A, %sign3A_481 : i32
      %sign3A_483 = arith.extui %sign3A_482 : i1 to i32
      %sign3A_484 = arith.constant 0 : i32
      %sign3A_485 = arith.cmpi slt, %jit3A, %sign3A_484 : i32
      %sign3A_486 = arith.extui %sign3A_485 : i1 to i32
      %sign3A_487 = arith.subi %sign3A_483, %sign3A_486 : i32
      %ne3A = arith.cmpi ne, %sign3A_480, %sign3A_487 : i32
      %rem3A = arith.remsi %add3A_434, %jit3A : i32
      %ne3A_488 = arith.constant 0 : i32
      %ne3A_489 = arith.cmpi ne, %rem3A, %ne3A_488 : i32
      %and3A = arith.andi %ne3A, %ne3A_489 : i1
      %sub3A = arith.constant 1 : i32
      %sub3A_490 = arith.subi %div3A, %sub3A : i32
      %select_n3A = arith.select %and3A, %sub3A_490, %div3A : i32
      %jit3A_491 = arith.constant 2 : i32
      %eq3A = arith.constant 0 : i32
      %eq3A_492 = arith.cmpi eq, %jit3A_491, %eq3A : i32
      %jit3A_493 = arith.constant 1 : i32
      %select_n3A_494 = arith.select %eq3A_492, %jit3A_493, %jit3A_491 : i32
      %rem3A_495 = arith.remsi %add3A_434, %select_n3A_494 : i32
      %ne3A_496 = arith.constant 0 : i32
      %ne3A_497 = arith.cmpi ne, %rem3A_495, %ne3A_496 : i32
      %lt3A_498 = arith.constant 0 : i32
      %lt3A_499 = arith.cmpi slt, %rem3A_495, %lt3A_498 : i32
      %lt3A_500 = arith.constant 0 : i32
      %lt3A_501 = arith.cmpi slt, %select_n3A_494, %lt3A_500 : i32
      %ne3A_502 = arith.xori %lt3A_499, %lt3A_501 : i1
      %and3A_503 = arith.andi %ne3A_502, %ne3A_497 : i1
      %add3A_504 = arith.addi %rem3A_495, %select_n3A_494 : i32
      %select_n3A_505 = arith.select %and3A_503, %add3A_504, %rem3A_495 : i32
      %mul3A_506 = arith.constant 64 : i32
      %mul3A_507 = arith.muli %select_n3A_505, %mul3A_506 : i32
      %add3A_508 = arith.addi %mul3A_2, %mul3A_507 : i32
      %dma_start3A_509 = arith.constant 0 : i32
      %dma_start3A_510 = arith.constant 0 : i32
      %dma_start3A_511 = tpu.memref_slice %arg11[%dma_start3A_509, %dma_start3A_510] : memref<192x128xf32, #tpu.memory_space<vmem>> -> memref<64x128xf32, #tpu.memory_space<vmem>>
      %dma_start3A_512 = arith.constant 0 : i32
      %dma_start3A_513 = tpu.memref_slice %arg6[%select_n3A, %add3A_508, %dma_start3A_512] : memref<50x4096x128xf32, #tpu.memory_space<hbm>> -> memref<1x64x128xf32, #tpu.memory_space<hbm>>
      %dma_start3A_514 = tpu.memref_squeeze %dma_start3A_513 : memref<1x64x128xf32, #tpu.memory_space<hbm>> -> memref<64x128xf32, #tpu.memory_space<hbm>>
      %dma_start3A_515 = arith.constant 0 : i32
      %dma_start3A_516 = tpu.memref_slice %arg6[%select_n3A, %add3A_508, %dma_start3A_515] : memref<50x4096x128xf32, #tpu.memory_space<hbm>> -> memref<1x64x128xf32, #tpu.memory_space<hbm>>
      %dma_start3A_517 = tpu.memref_squeeze %dma_start3A_516 : memref<1x64x128xf32, #tpu.memory_space<hbm>> -> memref<64x128xf32, #tpu.memory_space<hbm>>
      %dma_start3A_518 = arith.constant 0 : i32
      %dma_start3A_519 = arith.constant 0 : i32
      %dma_start3A_520 = tpu.memref_slice %arg11[%dma_start3A_518, %dma_start3A_519] : memref<192x128xf32, #tpu.memory_space<vmem>> -> memref<64x128xf32, #tpu.memory_space<vmem>>
      tpu.enqueue_dma source(%dma_start3A_520 : memref<64x128xf32, #tpu.memory_space<vmem>>) target(%dma_start3A_517 : memref<64x128xf32, #tpu.memory_space<hbm>>) target_semaphore(%arg23 : memref<!tpu.dma_semaphore, #tpu.memory_space<semaphore_mem>>)
      %jit3A_521 = arith.constant 2 : i32
      %div3A_522 = arith.divsi %add3A_434, %jit3A_521 : i32
      %sign3A_523 = arith.constant 0 : i32
      %sign3A_524 = arith.cmpi sgt, %add3A_434, %sign3A_523 : i32
      %sign3A_525 = arith.extui %sign3A_524 : i1 to i32
      %sign3A_526 = arith.constant 0 : i32
      %sign3A_527 = arith.cmpi slt, %add3A_434, %sign3A_526 : i32
      %sign3A_528 = arith.extui %sign3A_527 : i1 to i32
      %sign3A_529 = arith.subi %sign3A_525, %sign3A_528 : i32
      %sign3A_530 = arith.constant 0 : i32
      %sign3A_531 = arith.cmpi sgt, %jit3A_521, %sign3A_530 : i32
      %sign3A_532 = arith.extui %sign3A_531 : i1 to i32
      %sign3A_533 = arith.constant 0 : i32
      %sign3A_534 = arith.cmpi slt, %jit3A_521, %sign3A_533 : i32
      %sign3A_535 = arith.extui %sign3A_534 : i1 to i32
      %sign3A_536 = arith.subi %sign3A_532, %sign3A_535 : i32
      %ne3A_537 = arith.cmpi ne, %sign3A_529, %sign3A_536 : i32
      %rem3A_538 = arith.remsi %add3A_434, %jit3A_521 : i32
      %ne3A_539 = arith.constant 0 : i32
      %ne3A_540 = arith.cmpi ne, %rem3A_538, %ne3A_539 : i32
      %and3A_541 = arith.andi %ne3A_537, %ne3A_540 : i1
      %sub3A_542 = arith.constant 1 : i32
      %sub3A_543 = arith.subi %div3A_522, %sub3A_542 : i32
      %select_n3A_544 = arith.select %and3A_541, %sub3A_543, %div3A_522 : i32
      %jit3A_545 = arith.constant 2 : i32
      %eq3A_546 = arith.constant 0 : i32
      %eq3A_547 = arith.cmpi eq, %jit3A_545, %eq3A_546 : i32
      %jit3A_548 = arith.constant 1 : i32
      %select_n3A_549 = arith.select %eq3A_547, %jit3A_548, %jit3A_545 : i32
      %rem3A_550 = arith.remsi %add3A_434, %select_n3A_549 : i32
      %ne3A_551 = arith.constant 0 : i32
      %ne3A_552 = arith.cmpi ne, %rem3A_550, %ne3A_551 : i32
      %lt3A_553 = arith.constant 0 : i32
      %lt3A_554 = arith.cmpi slt, %rem3A_550, %lt3A_553 : i32
      %lt3A_555 = arith.constant 0 : i32
      %lt3A_556 = arith.cmpi slt, %select_n3A_549, %lt3A_555 : i32
      %ne3A_557 = arith.xori %lt3A_554, %lt3A_556 : i1
      %and3A_558 = arith.andi %ne3A_557, %ne3A_552 : i1
      %add3A_559 = arith.addi %rem3A_550, %select_n3A_549 : i32
      %select_n3A_560 = arith.select %and3A_558, %add3A_559, %rem3A_550 : i32
      %mul3A_561 = arith.constant 64 : i32
      %mul3A_562 = arith.muli %select_n3A_560, %mul3A_561 : i32
      %add3A_563 = arith.addi %mul3A_2, %mul3A_562 : i32
      %dma_wait3A_564 = arith.constant 0 : i32
      %dma_wait3A_565 = arith.constant 0 : i32
      %dma_wait3A_566 = tpu.memref_slice %arg11[%dma_wait3A_564, %dma_wait3A_565] : memref<192x128xf32, #tpu.memory_space<vmem>> -> memref<64x128xf32, #tpu.memory_space<vmem>>
      %dma_wait3A_567 = arith.constant 0 : i32
      %dma_wait3A_568 = tpu.memref_slice %arg6[%select_n3A_544, %add3A_563, %dma_wait3A_567] : memref<50x4096x128xf32, #tpu.memory_space<hbm>> -> memref<1x64x128xf32, #tpu.memory_space<hbm>>
      %dma_wait3A_569 = tpu.memref_squeeze %dma_wait3A_568 : memref<1x64x128xf32, #tpu.memory_space<hbm>> -> memref<64x128xf32, #tpu.memory_space<hbm>>
      %dma_wait3A_570 = arith.constant 0 : i32
      %dma_wait3A_571 = tpu.memref_slice %arg6[%select_n3A_544, %add3A_563, %dma_wait3A_570] : memref<50x4096x128xf32, #tpu.memory_space<hbm>> -> memref<1x64x128xf32, #tpu.memory_space<hbm>>
      %dma_wait3A_572 = tpu.memref_squeeze %dma_wait3A_571 : memref<1x64x128xf32, #tpu.memory_space<hbm>> -> memref<64x128xf32, #tpu.memory_space<hbm>>
      %dma_wait3A_573 = arith.constant 0 : i32
      %dma_wait3A_574 = arith.constant 0 : i32
      %dma_wait3A_575 = tpu.memref_slice %arg11[%dma_wait3A_573, %dma_wait3A_574] : memref<192x128xf32, #tpu.memory_space<vmem>> -> memref<64x128xf32, #tpu.memory_space<vmem>>
      tpu.wait_dma2 semaphore(%arg23 : memref<!tpu.dma_semaphore, #tpu.memory_space<semaphore_mem>>) src(%dma_wait3A_575 : memref<64x128xf32, #tpu.memory_space<vmem>>) dst(%dma_wait3A_572 : memref<64x128xf32, #tpu.memory_space<hbm>>)
      %add3A_576 = arith.constant 4 : i32
      %add3A_577 = arith.addi %add3A_434, %add3A_576 : i32
      %lt3A_578 = arith.constant 100 : i32
      %lt3A_579 = arith.cmpi slt, %add3A_577, %lt3A_578 : i32
      %convert_element_type3A_580 = arith.extui %lt3A_579 : i1 to i32
      %cond3A_581 = arith.constant 0 : i32
      %cond3A_582 = arith.cmpi ne, %convert_element_type3A_580, %cond3A_581 : i32
      scf.if %cond3A_582 {
        %add3A_1075 = arith.constant 4 : i32
        %add3A_1076 = arith.addi %add3A_434, %add3A_1075 : i32
        %jit3A_1077 = arith.constant 2 : i32
        %div3A_1078 = arith.divsi %add3A_1076, %jit3A_1077 : i32
        %sign3A_1079 = arith.constant 0 : i32
        %sign3A_1080 = arith.cmpi sgt, %add3A_1076, %sign3A_1079 : i32
        %sign3A_1081 = arith.extui %sign3A_1080 : i1 to i32
        %sign3A_1082 = arith.constant 0 : i32
        %sign3A_1083 = arith.cmpi slt, %add3A_1076, %sign3A_1082 : i32
        %sign3A_1084 = arith.extui %sign3A_1083 : i1 to i32
        %sign3A_1085 = arith.subi %sign3A_1081, %sign3A_1084 : i32
        %sign3A_1086 = arith.constant 0 : i32
        %sign3A_1087 = arith.cmpi sgt, %jit3A_1077, %sign3A_1086 : i32
        %sign3A_1088 = arith.extui %sign3A_1087 : i1 to i32
        %sign3A_1089 = arith.constant 0 : i32
        %sign3A_1090 = arith.cmpi slt, %jit3A_1077, %sign3A_1089 : i32
        %sign3A_1091 = arith.extui %sign3A_1090 : i1 to i32
        %sign3A_1092 = arith.subi %sign3A_1088, %sign3A_1091 : i32
        %ne3A_1093 = arith.cmpi ne, %sign3A_1085, %sign3A_1092 : i32
        %rem3A_1094 = arith.remsi %add3A_1076, %jit3A_1077 : i32
        %ne3A_1095 = arith.constant 0 : i32
        %ne3A_1096 = arith.cmpi ne, %rem3A_1094, %ne3A_1095 : i32
        %and3A_1097 = arith.andi %ne3A_1093, %ne3A_1096 : i1
        %sub3A_1098 = arith.constant 1 : i32
        %sub3A_1099 = arith.subi %div3A_1078, %sub3A_1098 : i32
        %select_n3A_1100 = arith.select %and3A_1097, %sub3A_1099, %div3A_1078 : i32
        %jit3A_1101 = arith.constant 2 : i32
        %eq3A_1102 = arith.constant 0 : i32
        %eq3A_1103 = arith.cmpi eq, %jit3A_1101, %eq3A_1102 : i32
        %jit3A_1104 = arith.constant 1 : i32
        %select_n3A_1105 = arith.select %eq3A_1103, %jit3A_1104, %jit3A_1101 : i32
        %rem3A_1106 = arith.remsi %add3A_1076, %select_n3A_1105 : i32
        %ne3A_1107 = arith.constant 0 : i32
        %ne3A_1108 = arith.cmpi ne, %rem3A_1106, %ne3A_1107 : i32
        %lt3A_1109 = arith.constant 0 : i32
        %lt3A_1110 = arith.cmpi slt, %rem3A_1106, %lt3A_1109 : i32
        %lt3A_1111 = arith.constant 0 : i32
        %lt3A_1112 = arith.cmpi slt, %select_n3A_1105, %lt3A_1111 : i32
        %ne3A_1113 = arith.xori %lt3A_1110, %lt3A_1112 : i1
        %and3A_1114 = arith.andi %ne3A_1113, %ne3A_1108 : i1
        %add3A_1115 = arith.addi %rem3A_1106, %select_n3A_1105 : i32
        %select_n3A_1116 = arith.select %and3A_1114, %add3A_1115, %rem3A_1106 : i32
        %mul3A_1117 = arith.constant 64 : i32
        %mul3A_1118 = arith.muli %select_n3A_1116, %mul3A_1117 : i32
        %add3A_1119 = arith.addi %mul3A_2, %mul3A_1118 : i32
        %dma_wait3A_1120 = arith.constant 0 : i32
        %dma_wait3A_1121 = arith.constant 0 : i32
        %dma_wait3A_1122 = tpu.memref_slice %arg7[%dma_wait3A_1120, %dma_wait3A_1121] : memref<3x64xi32, #tpu.memory_space<vmem>> -> memref<1x64xi32, #tpu.memory_space<vmem>>
        %dma_wait3A_1123 = tpu.memref_squeeze %dma_wait3A_1122 : memref<1x64xi32, #tpu.memory_space<vmem>> -> memref<64xi32, #tpu.memory_space<vmem>>
        %dma_wait3A_1124 = tpu.memref_slice %arg3[%select_n3A_1100, %add3A_1119] : memref<50x4096xi32, #tpu.memory_space<hbm>> -> memref<1x64xi32, #tpu.memory_space<hbm>>
        %dma_wait3A_1125 = tpu.memref_squeeze %dma_wait3A_1124 : memref<1x64xi32, #tpu.memory_space<hbm>> -> memref<64xi32, #tpu.memory_space<hbm>>
        %dma_wait3A_1126 = arith.constant 0 : i32
        %dma_wait3A_1127 = tpu.memref_slice %arg7[%dma_wait3A_1120, %dma_wait3A_1126] : memref<3x64xi32, #tpu.memory_space<vmem>> -> memref<1x64xi32, #tpu.memory_space<vmem>>
        %dma_wait3A_1128 = tpu.memref_squeeze %dma_wait3A_1127 : memref<1x64xi32, #tpu.memory_space<vmem>> -> memref<64xi32, #tpu.memory_space<vmem>>
        %dma_wait3A_1129 = tpu.memref_slice %arg3[%select_n3A_1100, %add3A_1119] : memref<50x4096xi32, #tpu.memory_space<hbm>> -> memref<1x64xi32, #tpu.memory_space<hbm>>
        %dma_wait3A_1130 = tpu.memref_squeeze %dma_wait3A_1129 : memref<1x64xi32, #tpu.memory_space<hbm>> -> memref<64xi32, #tpu.memory_space<hbm>>
        tpu.wait_dma2 semaphore(%arg15 : memref<!tpu.dma_semaphore, #tpu.memory_space<semaphore_mem>>) src(%dma_wait3A_1130 : memref<64xi32, #tpu.memory_space<hbm>>) dst(%dma_wait3A_1128 : memref<64xi32, #tpu.memory_space<vmem>>)
        %dma_wait3A_1131 = arith.constant 1 : i32
        %dma_wait3A_1132 = arith.constant 0 : i32
        %dma_wait3A_1133 = tpu.memref_slice %arg7[%dma_wait3A_1131, %dma_wait3A_1132] : memref<3x64xi32, #tpu.memory_space<vmem>> -> memref<1x64xi32, #tpu.memory_space<vmem>>
        %dma_wait3A_1134 = tpu.memref_squeeze %dma_wait3A_1133 : memref<1x64xi32, #tpu.memory_space<vmem>> -> memref<64xi32, #tpu.memory_space<vmem>>
        %dma_wait3A_1135 = tpu.memref_slice %arg4[%select_n3A_1100, %add3A_1119] : memref<50x4096xi32, #tpu.memory_space<hbm>> -> memref<1x64xi32, #tpu.memory_space<hbm>>
        %dma_wait3A_1136 = tpu.memref_squeeze %dma_wait3A_1135 : memref<1x64xi32, #tpu.memory_space<hbm>> -> memref<64xi32, #tpu.memory_space<hbm>>
        %dma_wait3A_1137 = arith.constant 0 : i32
        %dma_wait3A_1138 = tpu.memref_slice %arg7[%dma_wait3A_1131, %dma_wait3A_1137] : memref<3x64xi32, #tpu.memory_space<vmem>> -> memref<1x64xi32, #tpu.memory_space<vmem>>
        %dma_wait3A_1139 = tpu.memref_squeeze %dma_wait3A_1138 : memref<1x64xi32, #tpu.memory_space<vmem>> -> memref<64xi32, #tpu.memory_space<vmem>>
        %dma_wait3A_1140 = tpu.memref_slice %arg4[%select_n3A_1100, %add3A_1119] : memref<50x4096xi32, #tpu.memory_space<hbm>> -> memref<1x64xi32, #tpu.memory_space<hbm>>
        %dma_wait3A_1141 = tpu.memref_squeeze %dma_wait3A_1140 : memref<1x64xi32, #tpu.memory_space<hbm>> -> memref<64xi32, #tpu.memory_space<hbm>>
        tpu.wait_dma2 semaphore(%arg15 : memref<!tpu.dma_semaphore, #tpu.memory_space<semaphore_mem>>) src(%dma_wait3A_1141 : memref<64xi32, #tpu.memory_space<hbm>>) dst(%dma_wait3A_1139 : memref<64xi32, #tpu.memory_space<vmem>>)
        %dma_wait3A_1142 = arith.constant 2 : i32
        %dma_wait3A_1143 = arith.constant 0 : i32
        %dma_wait3A_1144 = tpu.memref_slice %arg7[%dma_wait3A_1142, %dma_wait3A_1143] : memref<3x64xi32, #tpu.memory_space<vmem>> -> memref<1x64xi32, #tpu.memory_space<vmem>>
        %dma_wait3A_1145 = tpu.memref_squeeze %dma_wait3A_1144 : memref<1x64xi32, #tpu.memory_space<vmem>> -> memref<64xi32, #tpu.memory_space<vmem>>
        %dma_wait3A_1146 = tpu.memref_slice %arg5[%select_n3A_1100, %add3A_1119] : memref<50x4096xi32, #tpu.memory_space<hbm>> -> memref<1x64xi32, #tpu.memory_space<hbm>>
        %dma_wait3A_1147 = tpu.memref_squeeze %dma_wait3A_1146 : memref<1x64xi32, #tpu.memory_space<hbm>> -> memref<64xi32, #tpu.memory_space<hbm>>
        %dma_wait3A_1148 = arith.constant 0 : i32
        %dma_wait3A_1149 = tpu.memref_slice %arg7[%dma_wait3A_1142, %dma_wait3A_1148] : memref<3x64xi32, #tpu.memory_space<vmem>> -> memref<1x64xi32, #tpu.memory_space<vmem>>
        %dma_wait3A_1150 = tpu.memref_squeeze %dma_wait3A_1149 : memref<1x64xi32, #tpu.memory_space<vmem>> -> memref<64xi32, #tpu.memory_space<vmem>>
        %dma_wait3A_1151 = tpu.memref_slice %arg5[%select_n3A_1100, %add3A_1119] : memref<50x4096xi32, #tpu.memory_space<hbm>> -> memref<1x64xi32, #tpu.memory_space<hbm>>
        %dma_wait3A_1152 = tpu.memref_squeeze %dma_wait3A_1151 : memref<1x64xi32, #tpu.memory_space<hbm>> -> memref<64xi32, #tpu.memory_space<hbm>>
        tpu.wait_dma2 semaphore(%arg15 : memref<!tpu.dma_semaphore, #tpu.memory_space<semaphore_mem>>) src(%dma_wait3A_1152 : memref<64xi32, #tpu.memory_space<hbm>>) dst(%dma_wait3A_1150 : memref<64xi32, #tpu.memory_space<vmem>>)
        %dma_start3A_1153 = arith.constant 0 : i32
        %dma_start3A_1154 = arith.constant 0 : i32
        %dma_start3A_1155 = arith.constant 0 : i32
        %dma_start3A_1156 = tpu.memref_slice %arg11[%dma_start3A_1154, %dma_start3A_1155] : memref<192x128xf32, #tpu.memory_space<vmem>> -> memref<64x128xf32, #tpu.memory_space<vmem>>
        %dma_start3A_1157 = arith.constant 0 : i32
        %dma_start3A_1158 = tpu.memref_slice %arg7[%dma_start3A_1153, %dma_start3A_1157] : memref<3x64xi32, #tpu.memory_space<vmem>> -> memref<1x64xi32, #tpu.memory_space<vmem>>
        %dma_start3A_1159 = tpu.memref_squeeze %dma_start3A_1158 : memref<1x64xi32, #tpu.memory_space<vmem>> -> memref<64xi32, #tpu.memory_space<vmem>>
        %dma_start3A_1160 = arith.constant 0 : i32
        %dma_start3A_1161 = arith.constant 0 : i32
        %dma_start3A_1162 = tpu.memref_slice %arg2[%dma_start3A_1160, %dma_start3A_1161] : memref<104000x128xf32, #tpu.memory_space<hbm>> -> memref<104000x128xf32, #tpu.memory_space<hbm>>
        tpu.enqueue_indirect_dma source(%dma_start3A_1162 : memref<104000x128xf32, #tpu.memory_space<hbm>>) target(%dma_start3A_1156 : memref<64x128xf32, #tpu.memory_space<vmem>>) offsets(%dma_start3A_1159 : memref<64xi32, #tpu.memory_space<vmem>>) semaphore(%arg19 : memref<!tpu.dma_semaphore, #tpu.memory_space<semaphore_mem>>)
        %dma_start3A_1163 = arith.constant 1 : i32
        %dma_start3A_1164 = arith.constant 64 : i32
        %dma_start3A_1165 = arith.constant 0 : i32
        %dma_start3A_1166 = tpu.memref_slice %arg11[%dma_start3A_1164, %dma_start3A_1165] : memref<192x128xf32, #tpu.memory_space<vmem>> -> memref<64x128xf32, #tpu.memory_space<vmem>>
        %dma_start3A_1167 = arith.constant 0 : i32
        %dma_start3A_1168 = tpu.memref_slice %arg7[%dma_start3A_1163, %dma_start3A_1167] : memref<3x64xi32, #tpu.memory_space<vmem>> -> memref<1x64xi32, #tpu.memory_space<vmem>>
        %dma_start3A_1169 = tpu.memref_squeeze %dma_start3A_1168 : memref<1x64xi32, #tpu.memory_space<vmem>> -> memref<64xi32, #tpu.memory_space<vmem>>
        %dma_start3A_1170 = arith.constant 0 : i32
        %dma_start3A_1171 = arith.constant 0 : i32
        %dma_start3A_1172 = tpu.memref_slice %arg2[%dma_start3A_1170, %dma_start3A_1171] : memref<104000x128xf32, #tpu.memory_space<hbm>> -> memref<104000x128xf32, #tpu.memory_space<hbm>>
        tpu.enqueue_indirect_dma source(%dma_start3A_1172 : memref<104000x128xf32, #tpu.memory_space<hbm>>) target(%dma_start3A_1166 : memref<64x128xf32, #tpu.memory_space<vmem>>) offsets(%dma_start3A_1169 : memref<64xi32, #tpu.memory_space<vmem>>) semaphore(%arg19 : memref<!tpu.dma_semaphore, #tpu.memory_space<semaphore_mem>>)
        %dma_start3A_1173 = arith.constant 2 : i32
        %dma_start3A_1174 = arith.constant 128 : i32
        %dma_start3A_1175 = arith.constant 0 : i32
        %dma_start3A_1176 = tpu.memref_slice %arg11[%dma_start3A_1174, %dma_start3A_1175] : memref<192x128xf32, #tpu.memory_space<vmem>> -> memref<64x128xf32, #tpu.memory_space<vmem>>
        %dma_start3A_1177 = arith.constant 0 : i32
        %dma_start3A_1178 = tpu.memref_slice %arg7[%dma_start3A_1173, %dma_start3A_1177] : memref<3x64xi32, #tpu.memory_space<vmem>> -> memref<1x64xi32, #tpu.memory_space<vmem>>
        %dma_start3A_1179 = tpu.memref_squeeze %dma_start3A_1178 : memref<1x64xi32, #tpu.memory_space<vmem>> -> memref<64xi32, #tpu.memory_space<vmem>>
        %dma_start3A_1180 = arith.constant 0 : i32
        %dma_start3A_1181 = arith.constant 0 : i32
        %dma_start3A_1182 = tpu.memref_slice %arg2[%dma_start3A_1180, %dma_start3A_1181] : memref<104000x128xf32, #tpu.memory_space<hbm>> -> memref<104000x128xf32, #tpu.memory_space<hbm>>
        tpu.enqueue_indirect_dma source(%dma_start3A_1182 : memref<104000x128xf32, #tpu.memory_space<hbm>>) target(%dma_start3A_1176 : memref<64x128xf32, #tpu.memory_space<vmem>>) offsets(%dma_start3A_1179 : memref<64xi32, #tpu.memory_space<vmem>>) semaphore(%arg19 : memref<!tpu.dma_semaphore, #tpu.memory_space<semaphore_mem>>)
      } else {
      }
      %mul3A_583 = arith.constant 4 : i32
      %mul3A_584 = arith.muli %mul3A_583, %scan3A_430 : i32
      %add3A_585 = arith.constant 1 : i32
      %add3A_586 = arith.addi %mul3A_584, %add3A_585 : i32
      %dma_wait3A_587 = arith.constant 0 : i32
      %dma_wait3A_588 = arith.constant 0 : i32
      %dma_wait3A_589 = arith.constant 0 : i32
      %dma_wait3A_590 = tpu.memref_slice %arg12[%dma_wait3A_588, %dma_wait3A_589] : memref<192x128xf32, #tpu.memory_space<vmem>> -> memref<64x128xf32, #tpu.memory_space<vmem>>
      %dma_wait3A_591 = arith.constant 0 : i32
      %dma_wait3A_592 = tpu.memref_slice %arg8[%dma_wait3A_587, %dma_wait3A_591] : memref<3x64xi32, #tpu.memory_space<vmem>> -> memref<1x64xi32, #tpu.memory_space<vmem>>
      %dma_wait3A_593 = tpu.memref_squeeze %dma_wait3A_592 : memref<1x64xi32, #tpu.memory_space<vmem>> -> memref<64xi32, #tpu.memory_space<vmem>>
      %dma_wait3A_594 = arith.constant 0 : i32
      %dma_wait3A_595 = arith.constant 0 : i32
      %dma_wait3A_596 = tpu.memref_slice %arg2[%dma_wait3A_594, %dma_wait3A_595] : memref<104000x128xf32, #tpu.memory_space<hbm>> -> memref<104000x128xf32, #tpu.memory_space<hbm>>
      tpu.wait_indirect_dma semaphore(%arg20 : memref<!tpu.dma_semaphore, #tpu.memory_space<semaphore_mem>>) src(%dma_wait3A_596 : memref<104000x128xf32, #tpu.memory_space<hbm>>) dst(%dma_wait3A_590 : memref<64x128xf32, #tpu.memory_space<vmem>>)
      %dma_wait3A_597 = arith.constant 1 : i32
      %dma_wait3A_598 = arith.constant 64 : i32
      %dma_wait3A_599 = arith.constant 0 : i32
      %dma_wait3A_600 = tpu.memref_slice %arg12[%dma_wait3A_598, %dma_wait3A_599] : memref<192x128xf32, #tpu.memory_space<vmem>> -> memref<64x128xf32, #tpu.memory_space<vmem>>
      %dma_wait3A_601 = arith.constant 0 : i32
      %dma_wait3A_602 = tpu.memref_slice %arg8[%dma_wait3A_597, %dma_wait3A_601] : memref<3x64xi32, #tpu.memory_space<vmem>> -> memref<1x64xi32, #tpu.memory_space<vmem>>
      %dma_wait3A_603 = tpu.memref_squeeze %dma_wait3A_602 : memref<1x64xi32, #tpu.memory_space<vmem>> -> memref<64xi32, #tpu.memory_space<vmem>>
      %dma_wait3A_604 = arith.constant 0 : i32
      %dma_wait3A_605 = arith.constant 0 : i32
      %dma_wait3A_606 = tpu.memref_slice %arg2[%dma_wait3A_604, %dma_wait3A_605] : memref<104000x128xf32, #tpu.memory_space<hbm>> -> memref<104000x128xf32, #tpu.memory_space<hbm>>
      tpu.wait_indirect_dma semaphore(%arg20 : memref<!tpu.dma_semaphore, #tpu.memory_space<semaphore_mem>>) src(%dma_wait3A_606 : memref<104000x128xf32, #tpu.memory_space<hbm>>) dst(%dma_wait3A_600 : memref<64x128xf32, #tpu.memory_space<vmem>>)
      %dma_wait3A_607 = arith.constant 2 : i32
      %dma_wait3A_608 = arith.constant 128 : i32
      %dma_wait3A_609 = arith.constant 0 : i32
      %dma_wait3A_610 = tpu.memref_slice %arg12[%dma_wait3A_608, %dma_wait3A_609] : memref<192x128xf32, #tpu.memory_space<vmem>> -> memref<64x128xf32, #tpu.memory_space<vmem>>
      %dma_wait3A_611 = arith.constant 0 : i32
      %dma_wait3A_612 = tpu.memref_slice %arg8[%dma_wait3A_607, %dma_wait3A_611] : memref<3x64xi32, #tpu.memory_space<vmem>> -> memref<1x64xi32, #tpu.memory_space<vmem>>
      %dma_wait3A_613 = tpu.memref_squeeze %dma_wait3A_612 : memref<1x64xi32, #tpu.memory_space<vmem>> -> memref<64xi32, #tpu.memory_space<vmem>>
      %dma_wait3A_614 = arith.constant 0 : i32
      %dma_wait3A_615 = arith.constant 0 : i32
      %dma_wait3A_616 = tpu.memref_slice %arg2[%dma_wait3A_614, %dma_wait3A_615] : memref<104000x128xf32, #tpu.memory_space<hbm>> -> memref<104000x128xf32, #tpu.memory_space<hbm>>
      tpu.wait_indirect_dma semaphore(%arg20 : memref<!tpu.dma_semaphore, #tpu.memory_space<semaphore_mem>>) src(%dma_wait3A_616 : memref<104000x128xf32, #tpu.memory_space<hbm>>) dst(%dma_wait3A_610 : memref<64x128xf32, #tpu.memory_space<vmem>>)
      %add3A_617 = arith.constant 4 : i32
      %add3A_618 = arith.addi %add3A_586, %add3A_617 : i32
      %lt3A_619 = arith.constant 100 : i32
      %lt3A_620 = arith.cmpi slt, %add3A_618, %lt3A_619 : i32
      %convert_element_type3A_621 = arith.extui %lt3A_620 : i1 to i32
      %cond3A_622 = arith.constant 0 : i32
      %cond3A_623 = arith.cmpi ne, %convert_element_type3A_621, %cond3A_622 : i32
      scf.if %cond3A_623 {
        %add3A_1075 = arith.constant 4 : i32
        %add3A_1076 = arith.addi %add3A_586, %add3A_1075 : i32
        %jit3A_1077 = arith.constant 2 : i32
        %div3A_1078 = arith.divsi %add3A_1076, %jit3A_1077 : i32
        %sign3A_1079 = arith.constant 0 : i32
        %sign3A_1080 = arith.cmpi sgt, %add3A_1076, %sign3A_1079 : i32
        %sign3A_1081 = arith.extui %sign3A_1080 : i1 to i32
        %sign3A_1082 = arith.constant 0 : i32
        %sign3A_1083 = arith.cmpi slt, %add3A_1076, %sign3A_1082 : i32
        %sign3A_1084 = arith.extui %sign3A_1083 : i1 to i32
        %sign3A_1085 = arith.subi %sign3A_1081, %sign3A_1084 : i32
        %sign3A_1086 = arith.constant 0 : i32
        %sign3A_1087 = arith.cmpi sgt, %jit3A_1077, %sign3A_1086 : i32
        %sign3A_1088 = arith.extui %sign3A_1087 : i1 to i32
        %sign3A_1089 = arith.constant 0 : i32
        %sign3A_1090 = arith.cmpi slt, %jit3A_1077, %sign3A_1089 : i32
        %sign3A_1091 = arith.extui %sign3A_1090 : i1 to i32
        %sign3A_1092 = arith.subi %sign3A_1088, %sign3A_1091 : i32
        %ne3A_1093 = arith.cmpi ne, %sign3A_1085, %sign3A_1092 : i32
        %rem3A_1094 = arith.remsi %add3A_1076, %jit3A_1077 : i32
        %ne3A_1095 = arith.constant 0 : i32
        %ne3A_1096 = arith.cmpi ne, %rem3A_1094, %ne3A_1095 : i32
        %and3A_1097 = arith.andi %ne3A_1093, %ne3A_1096 : i1
        %sub3A_1098 = arith.constant 1 : i32
        %sub3A_1099 = arith.subi %div3A_1078, %sub3A_1098 : i32
        %select_n3A_1100 = arith.select %and3A_1097, %sub3A_1099, %div3A_1078 : i32
        %jit3A_1101 = arith.constant 2 : i32
        %eq3A_1102 = arith.constant 0 : i32
        %eq3A_1103 = arith.cmpi eq, %jit3A_1101, %eq3A_1102 : i32
        %jit3A_1104 = arith.constant 1 : i32
        %select_n3A_1105 = arith.select %eq3A_1103, %jit3A_1104, %jit3A_1101 : i32
        %rem3A_1106 = arith.remsi %add3A_1076, %select_n3A_1105 : i32
        %ne3A_1107 = arith.constant 0 : i32
        %ne3A_1108 = arith.cmpi ne, %rem3A_1106, %ne3A_1107 : i32
        %lt3A_1109 = arith.constant 0 : i32
        %lt3A_1110 = arith.cmpi slt, %rem3A_1106, %lt3A_1109 : i32
        %lt3A_1111 = arith.constant 0 : i32
        %lt3A_1112 = arith.cmpi slt, %select_n3A_1105, %lt3A_1111 : i32
        %ne3A_1113 = arith.xori %lt3A_1110, %lt3A_1112 : i1
        %and3A_1114 = arith.andi %ne3A_1113, %ne3A_1108 : i1
        %add3A_1115 = arith.addi %rem3A_1106, %select_n3A_1105 : i32
        %select_n3A_1116 = arith.select %and3A_1114, %add3A_1115, %rem3A_1106 : i32
        %mul3A_1117 = arith.constant 64 : i32
        %mul3A_1118 = arith.muli %select_n3A_1116, %mul3A_1117 : i32
        %add3A_1119 = arith.addi %mul3A_2, %mul3A_1118 : i32
        %dma_start3A_1120 = arith.constant 0 : i32
        %dma_start3A_1121 = arith.constant 0 : i32
        %dma_start3A_1122 = tpu.memref_slice %arg8[%dma_start3A_1120, %dma_start3A_1121] : memref<3x64xi32, #tpu.memory_space<vmem>> -> memref<1x64xi32, #tpu.memory_space<vmem>>
        %dma_start3A_1123 = tpu.memref_squeeze %dma_start3A_1122 : memref<1x64xi32, #tpu.memory_space<vmem>> -> memref<64xi32, #tpu.memory_space<vmem>>
        %dma_start3A_1124 = tpu.memref_slice %arg3[%select_n3A_1100, %add3A_1119] : memref<50x4096xi32, #tpu.memory_space<hbm>> -> memref<1x64xi32, #tpu.memory_space<hbm>>
        %dma_start3A_1125 = tpu.memref_squeeze %dma_start3A_1124 : memref<1x64xi32, #tpu.memory_space<hbm>> -> memref<64xi32, #tpu.memory_space<hbm>>
        %dma_start3A_1126 = arith.constant 0 : i32
        %dma_start3A_1127 = tpu.memref_slice %arg8[%dma_start3A_1120, %dma_start3A_1126] : memref<3x64xi32, #tpu.memory_space<vmem>> -> memref<1x64xi32, #tpu.memory_space<vmem>>
        %dma_start3A_1128 = tpu.memref_squeeze %dma_start3A_1127 : memref<1x64xi32, #tpu.memory_space<vmem>> -> memref<64xi32, #tpu.memory_space<vmem>>
        %dma_start3A_1129 = tpu.memref_slice %arg3[%select_n3A_1100, %add3A_1119] : memref<50x4096xi32, #tpu.memory_space<hbm>> -> memref<1x64xi32, #tpu.memory_space<hbm>>
        %dma_start3A_1130 = tpu.memref_squeeze %dma_start3A_1129 : memref<1x64xi32, #tpu.memory_space<hbm>> -> memref<64xi32, #tpu.memory_space<hbm>>
        tpu.enqueue_dma source(%dma_start3A_1130 : memref<64xi32, #tpu.memory_space<hbm>>) target(%dma_start3A_1128 : memref<64xi32, #tpu.memory_space<vmem>>) target_semaphore(%arg16 : memref<!tpu.dma_semaphore, #tpu.memory_space<semaphore_mem>>)
        %dma_start3A_1131 = arith.constant 1 : i32
        %dma_start3A_1132 = arith.constant 0 : i32
        %dma_start3A_1133 = tpu.memref_slice %arg8[%dma_start3A_1131, %dma_start3A_1132] : memref<3x64xi32, #tpu.memory_space<vmem>> -> memref<1x64xi32, #tpu.memory_space<vmem>>
        %dma_start3A_1134 = tpu.memref_squeeze %dma_start3A_1133 : memref<1x64xi32, #tpu.memory_space<vmem>> -> memref<64xi32, #tpu.memory_space<vmem>>
        %dma_start3A_1135 = tpu.memref_slice %arg4[%select_n3A_1100, %add3A_1119] : memref<50x4096xi32, #tpu.memory_space<hbm>> -> memref<1x64xi32, #tpu.memory_space<hbm>>
        %dma_start3A_1136 = tpu.memref_squeeze %dma_start3A_1135 : memref<1x64xi32, #tpu.memory_space<hbm>> -> memref<64xi32, #tpu.memory_space<hbm>>
        %dma_start3A_1137 = arith.constant 0 : i32
        %dma_start3A_1138 = tpu.memref_slice %arg8[%dma_start3A_1131, %dma_start3A_1137] : memref<3x64xi32, #tpu.memory_space<vmem>> -> memref<1x64xi32, #tpu.memory_space<vmem>>
        %dma_start3A_1139 = tpu.memref_squeeze %dma_start3A_1138 : memref<1x64xi32, #tpu.memory_space<vmem>> -> memref<64xi32, #tpu.memory_space<vmem>>
        %dma_start3A_1140 = tpu.memref_slice %arg4[%select_n3A_1100, %add3A_1119] : memref<50x4096xi32, #tpu.memory_space<hbm>> -> memref<1x64xi32, #tpu.memory_space<hbm>>
        %dma_start3A_1141 = tpu.memref_squeeze %dma_start3A_1140 : memref<1x64xi32, #tpu.memory_space<hbm>> -> memref<64xi32, #tpu.memory_space<hbm>>
        tpu.enqueue_dma source(%dma_start3A_1141 : memref<64xi32, #tpu.memory_space<hbm>>) target(%dma_start3A_1139 : memref<64xi32, #tpu.memory_space<vmem>>) target_semaphore(%arg16 : memref<!tpu.dma_semaphore, #tpu.memory_space<semaphore_mem>>)
        %dma_start3A_1142 = arith.constant 2 : i32
        %dma_start3A_1143 = arith.constant 0 : i32
        %dma_start3A_1144 = tpu.memref_slice %arg8[%dma_start3A_1142, %dma_start3A_1143] : memref<3x64xi32, #tpu.memory_space<vmem>> -> memref<1x64xi32, #tpu.memory_space<vmem>>
        %dma_start3A_1145 = tpu.memref_squeeze %dma_start3A_1144 : memref<1x64xi32, #tpu.memory_space<vmem>> -> memref<64xi32, #tpu.memory_space<vmem>>
        %dma_start3A_1146 = tpu.memref_slice %arg5[%select_n3A_1100, %add3A_1119] : memref<50x4096xi32, #tpu.memory_space<hbm>> -> memref<1x64xi32, #tpu.memory_space<hbm>>
        %dma_start3A_1147 = tpu.memref_squeeze %dma_start3A_1146 : memref<1x64xi32, #tpu.memory_space<hbm>> -> memref<64xi32, #tpu.memory_space<hbm>>
        %dma_start3A_1148 = arith.constant 0 : i32
        %dma_start3A_1149 = tpu.memref_slice %arg8[%dma_start3A_1142, %dma_start3A_1148] : memref<3x64xi32, #tpu.memory_space<vmem>> -> memref<1x64xi32, #tpu.memory_space<vmem>>
        %dma_start3A_1150 = tpu.memref_squeeze %dma_start3A_1149 : memref<1x64xi32, #tpu.memory_space<vmem>> -> memref<64xi32, #tpu.memory_space<vmem>>
        %dma_start3A_1151 = tpu.memref_slice %arg5[%select_n3A_1100, %add3A_1119] : memref<50x4096xi32, #tpu.memory_space<hbm>> -> memref<1x64xi32, #tpu.memory_space<hbm>>
        %dma_start3A_1152 = tpu.memref_squeeze %dma_start3A_1151 : memref<1x64xi32, #tpu.memory_space<hbm>> -> memref<64xi32, #tpu.memory_space<hbm>>
        tpu.enqueue_dma source(%dma_start3A_1152 : memref<64xi32, #tpu.memory_space<hbm>>) target(%dma_start3A_1150 : memref<64xi32, #tpu.memory_space<vmem>>) target_semaphore(%arg16 : memref<!tpu.dma_semaphore, #tpu.memory_space<semaphore_mem>>)
      } else {
      }
      %scan3A_624 = arith.constant 0 : i32
      %scan3A_625 = arith.constant 0 : i32
      %scan3A_626 = arith.constant 64 : i32
      %scan3A_627 = arith.addi %scan3A_625, %scan3A_626 : i32
      %scan3A_628 = arith.constant 1 : i32
      scf.for %scan3A_1075 = %scan3A_625 to %scan3A_627 step %scan3A_628  : i32 {
        %get3A = arith.index_cast %scan3A_1075 : i32 to index
        %get3A_1076 = arith.constant 0 : index
        %get3A_1077 = tpu.vector_load %arg12[%get3A, %get3A_1076] {strides = array<i32>} : memref<192x128xf32, #tpu.memory_space<vmem>>, vector<1x16xf32>,
        %get3A_1078 = vector.shape_cast %get3A_1077 : vector<1x16xf32> to vector<16xf32>
        %add3A_1079 = arith.constant 64 : i32
        %add3A_1080 = arith.addi %add3A_1079, %scan3A_1075 : i32
        %get3A_1081 = arith.index_cast %add3A_1080 : i32 to index
        %get3A_1082 = arith.constant 0 : index
        %get3A_1083 = tpu.vector_load %arg12[%get3A_1081, %get3A_1082] {strides = array<i32>} : memref<192x128xf32, #tpu.memory_space<vmem>>, vector<1x16xf32>,
        %get3A_1084 = vector.shape_cast %get3A_1083 : vector<1x16xf32> to vector<16xf32>
        %add3A_1085 = arith.addf %get3A_1078, %get3A_1084 : vector<16xf32>
        %add3A_1086 = arith.constant 128 : i32
        %add3A_1087 = arith.addi %add3A_1086, %scan3A_1075 : i32
        %get3A_1088 = arith.index_cast %add3A_1087 : i32 to index
        %get3A_1089 = arith.constant 0 : index
        %get3A_1090 = tpu.vector_load %arg12[%get3A_1088, %get3A_1089] {strides = array<i32>} : memref<192x128xf32, #tpu.memory_space<vmem>>, vector<1x16xf32>,
        %get3A_1091 = vector.shape_cast %get3A_1090 : vector<1x16xf32> to vector<16xf32>
        %add3A_1092 = arith.addf %add3A_1085, %get3A_1091 : vector<16xf32>
        %max3A = arith.constant 0.000000e+00 : f32
        %max3A_1093 = vector.broadcast %max3A : f32 to vector<16xf32>
        %max3A_1094 = arith.maximumf %add3A_1092, %max3A_1093 : vector<16xf32>
        %swap3A = arith.index_cast %scan3A_1075 : i32 to index
        %swap3A_1095 = arith.constant 0 : index
        %swap3A_1096 = tpu.vector_load %arg12[%swap3A, %swap3A_1095] {strides = array<i32>} : memref<192x128xf32, #tpu.memory_space<vmem>>, vector<1x16xf32>,
        %swap3A_1097 = vector.shape_cast %swap3A_1096 : vector<1x16xf32> to vector<16xf32>
        %swap3A_1098 = vector.shape_cast %max3A_1094 : vector<16xf32> to vector<1x16xf32>
        tpu.vector_store %arg12[%swap3A, %swap3A_1095], %swap3A_1098 {strides = array<i32>} : memref<192x128xf32, #tpu.memory_space<vmem>>, vector<1x16xf32>,
        %get3A_1099 = arith.index_cast %scan3A_1075 : i32 to index
        %get3A_1100 = arith.constant 16 : index
        %get3A_1101 = tpu.vector_load %arg12[%get3A_1099, %get3A_1100] {strides = array<i32>} : memref<192x128xf32, #tpu.memory_space<vmem>>, vector<1x16xf32>,
        %get3A_1102 = vector.shape_cast %get3A_1101 : vector<1x16xf32> to vector<16xf32>
        %add3A_1103 = arith.constant 64 : i32
        %add3A_1104 = arith.addi %add3A_1103, %scan3A_1075 : i32
        %get3A_1105 = arith.index_cast %add3A_1104 : i32 to index
        %get3A_1106 = arith.constant 16 : index
        %get3A_1107 = tpu.vector_load %arg12[%get3A_1105, %get3A_1106] {strides = array<i32>} : memref<192x128xf32, #tpu.memory_space<vmem>>, vector<1x16xf32>,
        %get3A_1108 = vector.shape_cast %get3A_1107 : vector<1x16xf32> to vector<16xf32>
        %add3A_1109 = arith.addf %get3A_1102, %get3A_1108 : vector<16xf32>
        %add3A_1110 = arith.constant 128 : i32
        %add3A_1111 = arith.addi %add3A_1110, %scan3A_1075 : i32
        %get3A_1112 = arith.index_cast %add3A_1111 : i32 to index
        %get3A_1113 = arith.constant 16 : index
        %get3A_1114 = tpu.vector_load %arg12[%get3A_1112, %get3A_1113] {strides = array<i32>} : memref<192x128xf32, #tpu.memory_space<vmem>>, vector<1x16xf32>,
        %get3A_1115 = vector.shape_cast %get3A_1114 : vector<1x16xf32> to vector<16xf32>
        %add3A_1116 = arith.addf %add3A_1109, %get3A_1115 : vector<16xf32>
        %max3A_1117 = arith.constant 0.000000e+00 : f32
        %max3A_1118 = vector.broadcast %max3A_1117 : f32 to vector<16xf32>
        %max3A_1119 = arith.maximumf %add3A_1116, %max3A_1118 : vector<16xf32>
        %swap3A_1120 = arith.index_cast %scan3A_1075 : i32 to index
        %swap3A_1121 = arith.constant 16 : index
        %swap3A_1122 = tpu.vector_load %arg12[%swap3A_1120, %swap3A_1121] {strides = array<i32>} : memref<192x128xf32, #tpu.memory_space<vmem>>, vector<1x16xf32>,
        %swap3A_1123 = vector.shape_cast %swap3A_1122 : vector<1x16xf32> to vector<16xf32>
        %swap3A_1124 = vector.shape_cast %max3A_1119 : vector<16xf32> to vector<1x16xf32>
        tpu.vector_store %arg12[%swap3A_1120, %swap3A_1121], %swap3A_1124 {strides = array<i32>} : memref<192x128xf32, #tpu.memory_space<vmem>>, vector<1x16xf32>,
        %get3A_1125 = arith.index_cast %scan3A_1075 : i32 to index
        %get3A_1126 = arith.constant 32 : index
        %get3A_1127 = tpu.vector_load %arg12[%get3A_1125, %get3A_1126] {strides = array<i32>} : memref<192x128xf32, #tpu.memory_space<vmem>>, vector<1x16xf32>,
        %get3A_1128 = vector.shape_cast %get3A_1127 : vector<1x16xf32> to vector<16xf32>
        %add3A_1129 = arith.constant 64 : i32
        %add3A_1130 = arith.addi %add3A_1129, %scan3A_1075 : i32
        %get3A_1131 = arith.index_cast %add3A_1130 : i32 to index
        %get3A_1132 = arith.constant 32 : index
        %get3A_1133 = tpu.vector_load %arg12[%get3A_1131, %get3A_1132] {strides = array<i32>} : memref<192x128xf32, #tpu.memory_space<vmem>>, vector<1x16xf32>,
        %get3A_1134 = vector.shape_cast %get3A_1133 : vector<1x16xf32> to vector<16xf32>
        %add3A_1135 = arith.addf %get3A_1128, %get3A_1134 : vector<16xf32>
        %add3A_1136 = arith.constant 128 : i32
        %add3A_1137 = arith.addi %add3A_1136, %scan3A_1075 : i32
        %get3A_1138 = arith.index_cast %add3A_1137 : i32 to index
        %get3A_1139 = arith.constant 32 : index
        %get3A_1140 = tpu.vector_load %arg12[%get3A_1138, %get3A_1139] {strides = array<i32>} : memref<192x128xf32, #tpu.memory_space<vmem>>, vector<1x16xf32>,
        %get3A_1141 = vector.shape_cast %get3A_1140 : vector<1x16xf32> to vector<16xf32>
        %add3A_1142 = arith.addf %add3A_1135, %get3A_1141 : vector<16xf32>
        %max3A_1143 = arith.constant 0.000000e+00 : f32
        %max3A_1144 = vector.broadcast %max3A_1143 : f32 to vector<16xf32>
        %max3A_1145 = arith.maximumf %add3A_1142, %max3A_1144 : vector<16xf32>
        %swap3A_1146 = arith.index_cast %scan3A_1075 : i32 to index
        %swap3A_1147 = arith.constant 32 : index
        %swap3A_1148 = tpu.vector_load %arg12[%swap3A_1146, %swap3A_1147] {strides = array<i32>} : memref<192x128xf32, #tpu.memory_space<vmem>>, vector<1x16xf32>,
        %swap3A_1149 = vector.shape_cast %swap3A_1148 : vector<1x16xf32> to vector<16xf32>
        %swap3A_1150 = vector.shape_cast %max3A_1145 : vector<16xf32> to vector<1x16xf32>
        tpu.vector_store %arg12[%swap3A_1146, %swap3A_1147], %swap3A_1150 {strides = array<i32>} : memref<192x128xf32, #tpu.memory_space<vmem>>, vector<1x16xf32>,
        %get3A_1151 = arith.index_cast %scan3A_1075 : i32 to index
        %get3A_1152 = arith.constant 48 : index
        %get3A_1153 = tpu.vector_load %arg12[%get3A_1151, %get3A_1152] {strides = array<i32>} : memref<192x128xf32, #tpu.memory_space<vmem>>, vector<1x16xf32>,
        %get3A_1154 = vector.shape_cast %get3A_1153 : vector<1x16xf32> to vector<16xf32>
        %add3A_1155 = arith.constant 64 : i32
        %add3A_1156 = arith.addi %add3A_1155, %scan3A_1075 : i32
        %get3A_1157 = arith.index_cast %add3A_1156 : i32 to index
        %get3A_1158 = arith.constant 48 : index
        %get3A_1159 = tpu.vector_load %arg12[%get3A_1157, %get3A_1158] {strides = array<i32>} : memref<192x128xf32, #tpu.memory_space<vmem>>, vector<1x16xf32>,
        %get3A_1160 = vector.shape_cast %get3A_1159 : vector<1x16xf32> to vector<16xf32>
        %add3A_1161 = arith.addf %get3A_1154, %get3A_1160 : vector<16xf32>
        %add3A_1162 = arith.constant 128 : i32
        %add3A_1163 = arith.addi %add3A_1162, %scan3A_1075 : i32
        %get3A_1164 = arith.index_cast %add3A_1163 : i32 to index
        %get3A_1165 = arith.constant 48 : index
        %get3A_1166 = tpu.vector_load %arg12[%get3A_1164, %get3A_1165] {strides = array<i32>} : memref<192x128xf32, #tpu.memory_space<vmem>>, vector<1x16xf32>,
        %get3A_1167 = vector.shape_cast %get3A_1166 : vector<1x16xf32> to vector<16xf32>
        %add3A_1168 = arith.addf %add3A_1161, %get3A_1167 : vector<16xf32>
        %max3A_1169 = arith.constant 0.000000e+00 : f32
        %max3A_1170 = vector.broadcast %max3A_1169 : f32 to vector<16xf32>
        %max3A_1171 = arith.maximumf %add3A_1168, %max3A_1170 : vector<16xf32>
        %swap3A_1172 = arith.index_cast %scan3A_1075 : i32 to index
        %swap3A_1173 = arith.constant 48 : index
        %swap3A_1174 = tpu.vector_load %arg12[%swap3A_1172, %swap3A_1173] {strides = array<i32>} : memref<192x128xf32, #tpu.memory_space<vmem>>, vector<1x16xf32>,
        %swap3A_1175 = vector.shape_cast %swap3A_1174 : vector<1x16xf32> to vector<16xf32>
        %swap3A_1176 = vector.shape_cast %max3A_1171 : vector<16xf32> to vector<1x16xf32>
        tpu.vector_store %arg12[%swap3A_1172, %swap3A_1173], %swap3A_1176 {strides = array<i32>} : memref<192x128xf32, #tpu.memory_space<vmem>>, vector<1x16xf32>,
        %get3A_1177 = arith.index_cast %scan3A_1075 : i32 to index
        %get3A_1178 = arith.constant 64 : index
        %get3A_1179 = tpu.vector_load %arg12[%get3A_1177, %get3A_1178] {strides = array<i32>} : memref<192x128xf32, #tpu.memory_space<vmem>>, vector<1x16xf32>,
        %get3A_1180 = vector.shape_cast %get3A_1179 : vector<1x16xf32> to vector<16xf32>
        %add3A_1181 = arith.constant 64 : i32
        %add3A_1182 = arith.addi %add3A_1181, %scan3A_1075 : i32
        %get3A_1183 = arith.index_cast %add3A_1182 : i32 to index
        %get3A_1184 = arith.constant 64 : index
        %get3A_1185 = tpu.vector_load %arg12[%get3A_1183, %get3A_1184] {strides = array<i32>} : memref<192x128xf32, #tpu.memory_space<vmem>>, vector<1x16xf32>,
        %get3A_1186 = vector.shape_cast %get3A_1185 : vector<1x16xf32> to vector<16xf32>
        %add3A_1187 = arith.addf %get3A_1180, %get3A_1186 : vector<16xf32>
        %add3A_1188 = arith.constant 128 : i32
        %add3A_1189 = arith.addi %add3A_1188, %scan3A_1075 : i32
        %get3A_1190 = arith.index_cast %add3A_1189 : i32 to index
        %get3A_1191 = arith.constant 64 : index
        %get3A_1192 = tpu.vector_load %arg12[%get3A_1190, %get3A_1191] {strides = array<i32>} : memref<192x128xf32, #tpu.memory_space<vmem>>, vector<1x16xf32>,
        %get3A_1193 = vector.shape_cast %get3A_1192 : vector<1x16xf32> to vector<16xf32>
        %add3A_1194 = arith.addf %add3A_1187, %get3A_1193 : vector<16xf32>
        %max3A_1195 = arith.constant 0.000000e+00 : f32
        %max3A_1196 = vector.broadcast %max3A_1195 : f32 to vector<16xf32>
        %max3A_1197 = arith.maximumf %add3A_1194, %max3A_1196 : vector<16xf32>
        %swap3A_1198 = arith.index_cast %scan3A_1075 : i32 to index
        %swap3A_1199 = arith.constant 64 : index
        %swap3A_1200 = tpu.vector_load %arg12[%swap3A_1198, %swap3A_1199] {strides = array<i32>} : memref<192x128xf32, #tpu.memory_space<vmem>>, vector<1x16xf32>,
        %swap3A_1201 = vector.shape_cast %swap3A_1200 : vector<1x16xf32> to vector<16xf32>
        %swap3A_1202 = vector.shape_cast %max3A_1197 : vector<16xf32> to vector<1x16xf32>
        tpu.vector_store %arg12[%swap3A_1198, %swap3A_1199], %swap3A_1202 {strides = array<i32>} : memref<192x128xf32, #tpu.memory_space<vmem>>, vector<1x16xf32>,
        %get3A_1203 = arith.index_cast %scan3A_1075 : i32 to index
        %get3A_1204 = arith.constant 80 : index
        %get3A_1205 = tpu.vector_load %arg12[%get3A_1203, %get3A_1204] {strides = array<i32>} : memref<192x128xf32, #tpu.memory_space<vmem>>, vector<1x16xf32>,
        %get3A_1206 = vector.shape_cast %get3A_1205 : vector<1x16xf32> to vector<16xf32>
        %add3A_1207 = arith.constant 64 : i32
        %add3A_1208 = arith.addi %add3A_1207, %scan3A_1075 : i32
        %get3A_1209 = arith.index_cast %add3A_1208 : i32 to index
        %get3A_1210 = arith.constant 80 : index
        %get3A_1211 = tpu.vector_load %arg12[%get3A_1209, %get3A_1210] {strides = array<i32>} : memref<192x128xf32, #tpu.memory_space<vmem>>, vector<1x16xf32>,
        %get3A_1212 = vector.shape_cast %get3A_1211 : vector<1x16xf32> to vector<16xf32>
        %add3A_1213 = arith.addf %get3A_1206, %get3A_1212 : vector<16xf32>
        %add3A_1214 = arith.constant 128 : i32
        %add3A_1215 = arith.addi %add3A_1214, %scan3A_1075 : i32
        %get3A_1216 = arith.index_cast %add3A_1215 : i32 to index
        %get3A_1217 = arith.constant 80 : index
        %get3A_1218 = tpu.vector_load %arg12[%get3A_1216, %get3A_1217] {strides = array<i32>} : memref<192x128xf32, #tpu.memory_space<vmem>>, vector<1x16xf32>,
        %get3A_1219 = vector.shape_cast %get3A_1218 : vector<1x16xf32> to vector<16xf32>
        %add3A_1220 = arith.addf %add3A_1213, %get3A_1219 : vector<16xf32>
        %max3A_1221 = arith.constant 0.000000e+00 : f32
        %max3A_1222 = vector.broadcast %max3A_1221 : f32 to vector<16xf32>
        %max3A_1223 = arith.maximumf %add3A_1220, %max3A_1222 : vector<16xf32>
        %swap3A_1224 = arith.index_cast %scan3A_1075 : i32 to index
        %swap3A_1225 = arith.constant 80 : index
        %swap3A_1226 = tpu.vector_load %arg12[%swap3A_1224, %swap3A_1225] {strides = array<i32>} : memref<192x128xf32, #tpu.memory_space<vmem>>, vector<1x16xf32>,
        %swap3A_1227 = vector.shape_cast %swap3A_1226 : vector<1x16xf32> to vector<16xf32>
        %swap3A_1228 = vector.shape_cast %max3A_1223 : vector<16xf32> to vector<1x16xf32>
        tpu.vector_store %arg12[%swap3A_1224, %swap3A_1225], %swap3A_1228 {strides = array<i32>} : memref<192x128xf32, #tpu.memory_space<vmem>>, vector<1x16xf32>,
        %get3A_1229 = arith.index_cast %scan3A_1075 : i32 to index
        %get3A_1230 = arith.constant 96 : index
        %get3A_1231 = tpu.vector_load %arg12[%get3A_1229, %get3A_1230] {strides = array<i32>} : memref<192x128xf32, #tpu.memory_space<vmem>>, vector<1x16xf32>,
        %get3A_1232 = vector.shape_cast %get3A_1231 : vector<1x16xf32> to vector<16xf32>
        %add3A_1233 = arith.constant 64 : i32
        %add3A_1234 = arith.addi %add3A_1233, %scan3A_1075 : i32
        %get3A_1235 = arith.index_cast %add3A_1234 : i32 to index
        %get3A_1236 = arith.constant 96 : index
        %get3A_1237 = tpu.vector_load %arg12[%get3A_1235, %get3A_1236] {strides = array<i32>} : memref<192x128xf32, #tpu.memory_space<vmem>>, vector<1x16xf32>,
        %get3A_1238 = vector.shape_cast %get3A_1237 : vector<1x16xf32> to vector<16xf32>
        %add3A_1239 = arith.addf %get3A_1232, %get3A_1238 : vector<16xf32>
        %add3A_1240 = arith.constant 128 : i32
        %add3A_1241 = arith.addi %add3A_1240, %scan3A_1075 : i32
        %get3A_1242 = arith.index_cast %add3A_1241 : i32 to index
        %get3A_1243 = arith.constant 96 : index
        %get3A_1244 = tpu.vector_load %arg12[%get3A_1242, %get3A_1243] {strides = array<i32>} : memref<192x128xf32, #tpu.memory_space<vmem>>, vector<1x16xf32>,
        %get3A_1245 = vector.shape_cast %get3A_1244 : vector<1x16xf32> to vector<16xf32>
        %add3A_1246 = arith.addf %add3A_1239, %get3A_1245 : vector<16xf32>
        %max3A_1247 = arith.constant 0.000000e+00 : f32
        %max3A_1248 = vector.broadcast %max3A_1247 : f32 to vector<16xf32>
        %max3A_1249 = arith.maximumf %add3A_1246, %max3A_1248 : vector<16xf32>
        %swap3A_1250 = arith.index_cast %scan3A_1075 : i32 to index
        %swap3A_1251 = arith.constant 96 : index
        %swap3A_1252 = tpu.vector_load %arg12[%swap3A_1250, %swap3A_1251] {strides = array<i32>} : memref<192x128xf32, #tpu.memory_space<vmem>>, vector<1x16xf32>,
        %swap3A_1253 = vector.shape_cast %swap3A_1252 : vector<1x16xf32> to vector<16xf32>
        %swap3A_1254 = vector.shape_cast %max3A_1249 : vector<16xf32> to vector<1x16xf32>
        tpu.vector_store %arg12[%swap3A_1250, %swap3A_1251], %swap3A_1254 {strides = array<i32>} : memref<192x128xf32, #tpu.memory_space<vmem>>, vector<1x16xf32>,
        %get3A_1255 = arith.index_cast %scan3A_1075 : i32 to index
        %get3A_1256 = arith.constant 112 : index
        %get3A_1257 = tpu.vector_load %arg12[%get3A_1255, %get3A_1256] {strides = array<i32>} : memref<192x128xf32, #tpu.memory_space<vmem>>, vector<1x16xf32>,
        %get3A_1258 = vector.shape_cast %get3A_1257 : vector<1x16xf32> to vector<16xf32>
        %add3A_1259 = arith.constant 64 : i32
        %add3A_1260 = arith.addi %add3A_1259, %scan3A_1075 : i32
        %get3A_1261 = arith.index_cast %add3A_1260 : i32 to index
        %get3A_1262 = arith.constant 112 : index
        %get3A_1263 = tpu.vector_load %arg12[%get3A_1261, %get3A_1262] {strides = array<i32>} : memref<192x128xf32, #tpu.memory_space<vmem>>, vector<1x16xf32>,
        %get3A_1264 = vector.shape_cast %get3A_1263 : vector<1x16xf32> to vector<16xf32>
        %add3A_1265 = arith.addf %get3A_1258, %get3A_1264 : vector<16xf32>
        %add3A_1266 = arith.constant 128 : i32
        %add3A_1267 = arith.addi %add3A_1266, %scan3A_1075 : i32
        %get3A_1268 = arith.index_cast %add3A_1267 : i32 to index
        %get3A_1269 = arith.constant 112 : index
        %get3A_1270 = tpu.vector_load %arg12[%get3A_1268, %get3A_1269] {strides = array<i32>} : memref<192x128xf32, #tpu.memory_space<vmem>>, vector<1x16xf32>,
        %get3A_1271 = vector.shape_cast %get3A_1270 : vector<1x16xf32> to vector<16xf32>
        %add3A_1272 = arith.addf %add3A_1265, %get3A_1271 : vector<16xf32>
        %max3A_1273 = arith.constant 0.000000e+00 : f32
        %max3A_1274 = vector.broadcast %max3A_1273 : f32 to vector<16xf32>
        %max3A_1275 = arith.maximumf %add3A_1272, %max3A_1274 : vector<16xf32>
        %swap3A_1276 = arith.index_cast %scan3A_1075 : i32 to index
        %swap3A_1277 = arith.constant 112 : index
        %swap3A_1278 = tpu.vector_load %arg12[%swap3A_1276, %swap3A_1277] {strides = array<i32>} : memref<192x128xf32, #tpu.memory_space<vmem>>, vector<1x16xf32>,
        %swap3A_1279 = vector.shape_cast %swap3A_1278 : vector<1x16xf32> to vector<16xf32>
        %swap3A_1280 = vector.shape_cast %max3A_1275 : vector<16xf32> to vector<1x16xf32>
        tpu.vector_store %arg12[%swap3A_1276, %swap3A_1277], %swap3A_1280 {strides = array<i32>} : memref<192x128xf32, #tpu.memory_space<vmem>>, vector<1x16xf32>,
      }
      %scan3A_629 = arith.constant 64 : i32
      %jit3A_630 = arith.constant 2 : i32
      %div3A_631 = arith.divsi %add3A_586, %jit3A_630 : i32
      %sign3A_632 = arith.constant 0 : i32
      %sign3A_633 = arith.cmpi sgt, %add3A_586, %sign3A_632 : i32
      %sign3A_634 = arith.extui %sign3A_633 : i1 to i32
      %sign3A_635 = arith.constant 0 : i32
      %sign3A_636 = arith.cmpi slt, %add3A_586, %sign3A_635 : i32
      %sign3A_637 = arith.extui %sign3A_636 : i1 to i32
      %sign3A_638 = arith.subi %sign3A_634, %sign3A_637 : i32
      %sign3A_639 = arith.constant 0 : i32
      %sign3A_640 = arith.cmpi sgt, %jit3A_630, %sign3A_639 : i32
      %sign3A_641 = arith.extui %sign3A_640 : i1 to i32
      %sign3A_642 = arith.constant 0 : i32
      %sign3A_643 = arith.cmpi slt, %jit3A_630, %sign3A_642 : i32
      %sign3A_644 = arith.extui %sign3A_643 : i1 to i32
      %sign3A_645 = arith.subi %sign3A_641, %sign3A_644 : i32
      %ne3A_646 = arith.cmpi ne, %sign3A_638, %sign3A_645 : i32
      %rem3A_647 = arith.remsi %add3A_586, %jit3A_630 : i32
      %ne3A_648 = arith.constant 0 : i32
      %ne3A_649 = arith.cmpi ne, %rem3A_647, %ne3A_648 : i32
      %and3A_650 = arith.andi %ne3A_646, %ne3A_649 : i1
      %sub3A_651 = arith.constant 1 : i32
      %sub3A_652 = arith.subi %div3A_631, %sub3A_651 : i32
      %select_n3A_653 = arith.select %and3A_650, %sub3A_652, %div3A_631 : i32
      %jit3A_654 = arith.constant 2 : i32
      %eq3A_655 = arith.constant 0 : i32
      %eq3A_656 = arith.cmpi eq, %jit3A_654, %eq3A_655 : i32
      %jit3A_657 = arith.constant 1 : i32
      %select_n3A_658 = arith.select %eq3A_656, %jit3A_657, %jit3A_654 : i32
      %rem3A_659 = arith.remsi %add3A_586, %select_n3A_658 : i32
      %ne3A_660 = arith.constant 0 : i32
      %ne3A_661 = arith.cmpi ne, %rem3A_659, %ne3A_660 : i32
      %lt3A_662 = arith.constant 0 : i32
      %lt3A_663 = arith.cmpi slt, %rem3A_659, %lt3A_662 : i32
      %lt3A_664 = arith.constant 0 : i32
      %lt3A_665 = arith.cmpi slt, %select_n3A_658, %lt3A_664 : i32
      %ne3A_666 = arith.xori %lt3A_663, %lt3A_665 : i1
      %and3A_667 = arith.andi %ne3A_666, %ne3A_661 : i1
      %add3A_668 = arith.addi %rem3A_659, %select_n3A_658 : i32
      %select_n3A_669 = arith.select %and3A_667, %add3A_668, %rem3A_659 : i32
      %mul3A_670 = arith.constant 64 : i32
      %mul3A_671 = arith.muli %select_n3A_669, %mul3A_670 : i32
      %add3A_672 = arith.addi %mul3A_2, %mul3A_671 : i32
      %dma_start3A_673 = arith.constant 0 : i32
      %dma_start3A_674 = arith.constant 0 : i32
      %dma_start3A_675 = tpu.memref_slice %arg12[%dma_start3A_673, %dma_start3A_674] : memref<192x128xf32, #tpu.memory_space<vmem>> -> memref<64x128xf32, #tpu.memory_space<vmem>>
      %dma_start3A_676 = arith.constant 0 : i32
      %dma_start3A_677 = tpu.memref_slice %arg6[%select_n3A_653, %add3A_672, %dma_start3A_676] : memref<50x4096x128xf32, #tpu.memory_space<hbm>> -> memref<1x64x128xf32, #tpu.memory_space<hbm>>
      %dma_start3A_678 = tpu.memref_squeeze %dma_start3A_677 : memref<1x64x128xf32, #tpu.memory_space<hbm>> -> memref<64x128xf32, #tpu.memory_space<hbm>>
      %dma_start3A_679 = arith.constant 0 : i32
      %dma_start3A_680 = tpu.memref_slice %arg6[%select_n3A_653, %add3A_672, %dma_start3A_679] : memref<50x4096x128xf32, #tpu.memory_space<hbm>> -> memref<1x64x128xf32, #tpu.memory_space<hbm>>
      %dma_start3A_681 = tpu.memref_squeeze %dma_start3A_680 : memref<1x64x128xf32, #tpu.memory_space<hbm>> -> memref<64x128xf32, #tpu.memory_space<hbm>>
      %dma_start3A_682 = arith.constant 0 : i32
      %dma_start3A_683 = arith.constant 0 : i32
      %dma_start3A_684 = tpu.memref_slice %arg12[%dma_start3A_682, %dma_start3A_683] : memref<192x128xf32, #tpu.memory_space<vmem>> -> memref<64x128xf32, #tpu.memory_space<vmem>>
      tpu.enqueue_dma source(%dma_start3A_684 : memref<64x128xf32, #tpu.memory_space<vmem>>) target(%dma_start3A_681 : memref<64x128xf32, #tpu.memory_space<hbm>>) target_semaphore(%arg24 : memref<!tpu.dma_semaphore, #tpu.memory_space<semaphore_mem>>)
      %jit3A_685 = arith.constant 2 : i32
      %div3A_686 = arith.divsi %add3A_586, %jit3A_685 : i32
      %sign3A_687 = arith.constant 0 : i32
      %sign3A_688 = arith.cmpi sgt, %add3A_586, %sign3A_687 : i32
      %sign3A_689 = arith.extui %sign3A_688 : i1 to i32
      %sign3A_690 = arith.constant 0 : i32
      %sign3A_691 = arith.cmpi slt, %add3A_586, %sign3A_690 : i32
      %sign3A_692 = arith.extui %sign3A_691 : i1 to i32
      %sign3A_693 = arith.subi %sign3A_689, %sign3A_692 : i32
      %sign3A_694 = arith.constant 0 : i32
      %sign3A_695 = arith.cmpi sgt, %jit3A_685, %sign3A_694 : i32
      %sign3A_696 = arith.extui %sign3A_695 : i1 to i32
      %sign3A_697 = arith.constant 0 : i32
      %sign3A_698 = arith.cmpi slt, %jit3A_685, %sign3A_697 : i32
      %sign3A_699 = arith.extui %sign3A_698 : i1 to i32
      %sign3A_700 = arith.subi %sign3A_696, %sign3A_699 : i32
      %ne3A_701 = arith.cmpi ne, %sign3A_693, %sign3A_700 : i32
      %rem3A_702 = arith.remsi %add3A_586, %jit3A_685 : i32
      %ne3A_703 = arith.constant 0 : i32
      %ne3A_704 = arith.cmpi ne, %rem3A_702, %ne3A_703 : i32
      %and3A_705 = arith.andi %ne3A_701, %ne3A_704 : i1
      %sub3A_706 = arith.constant 1 : i32
      %sub3A_707 = arith.subi %div3A_686, %sub3A_706 : i32
      %select_n3A_708 = arith.select %and3A_705, %sub3A_707, %div3A_686 : i32
      %jit3A_709 = arith.constant 2 : i32
      %eq3A_710 = arith.constant 0 : i32
      %eq3A_711 = arith.cmpi eq, %jit3A_709, %eq3A_710 : i32
      %jit3A_712 = arith.constant 1 : i32
      %select_n3A_713 = arith.select %eq3A_711, %jit3A_712, %jit3A_709 : i32
      %rem3A_714 = arith.remsi %add3A_586, %select_n3A_713 : i32
      %ne3A_715 = arith.constant 0 : i32
      %ne3A_716 = arith.cmpi ne, %rem3A_714, %ne3A_715 : i32
      %lt3A_717 = arith.constant 0 : i32
      %lt3A_718 = arith.cmpi slt, %rem3A_714, %lt3A_717 : i32
      %lt3A_719 = arith.constant 0 : i32
      %lt3A_720 = arith.cmpi slt, %select_n3A_713, %lt3A_719 : i32
      %ne3A_721 = arith.xori %lt3A_718, %lt3A_720 : i1
      %and3A_722 = arith.andi %ne3A_721, %ne3A_716 : i1
      %add3A_723 = arith.addi %rem3A_714, %select_n3A_713 : i32
      %select_n3A_724 = arith.select %and3A_722, %add3A_723, %rem3A_714 : i32
      %mul3A_725 = arith.constant 64 : i32
      %mul3A_726 = arith.muli %select_n3A_724, %mul3A_725 : i32
      %add3A_727 = arith.addi %mul3A_2, %mul3A_726 : i32
      %dma_wait3A_728 = arith.constant 0 : i32
      %dma_wait3A_729 = arith.constant 0 : i32
      %dma_wait3A_730 = tpu.memref_slice %arg12[%dma_wait3A_728, %dma_wait3A_729] : memref<192x128xf32, #tpu.memory_space<vmem>> -> memref<64x128xf32, #tpu.memory_space<vmem>>
      %dma_wait3A_731 = arith.constant 0 : i32
      %dma_wait3A_732 = tpu.memref_slice %arg6[%select_n3A_708, %add3A_727, %dma_wait3A_731] : memref<50x4096x128xf32, #tpu.memory_space<hbm>> -> memref<1x64x128xf32, #tpu.memory_space<hbm>>
      %dma_wait3A_733 = tpu.memref_squeeze %dma_wait3A_732 : memref<1x64x128xf32, #tpu.memory_space<hbm>> -> memref<64x128xf32, #tpu.memory_space<hbm>>
      %dma_wait3A_734 = arith.constant 0 : i32
      %dma_wait3A_735 = tpu.memref_slice %arg6[%select_n3A_708, %add3A_727, %dma_wait3A_734] : memref<50x4096x128xf32, #tpu.memory_space<hbm>> -> memref<1x64x128xf32, #tpu.memory_space<hbm>>
      %dma_wait3A_736 = tpu.memref_squeeze %dma_wait3A_735 : memref<1x64x128xf32, #tpu.memory_space<hbm>> -> memref<64x128xf32, #tpu.memory_space<hbm>>
      %dma_wait3A_737 = arith.constant 0 : i32
      %dma_wait3A_738 = arith.constant 0 : i32
      %dma_wait3A_739 = tpu.memref_slice %arg12[%dma_wait3A_737, %dma_wait3A_738] : memref<192x128xf32, #tpu.memory_space<vmem>> -> memref<64x128xf32, #tpu.memory_space<vmem>>
      tpu.wait_dma2 semaphore(%arg24 : memref<!tpu.dma_semaphore, #tpu.memory_space<semaphore_mem>>) src(%dma_wait3A_739 : memref<64x128xf32, #tpu.memory_space<vmem>>) dst(%dma_wait3A_736 : memref<64x128xf32, #tpu.memory_space<hbm>>)
      %add3A_740 = arith.constant 4 : i32
      %add3A_741 = arith.addi %add3A_586, %add3A_740 : i32
      %lt3A_742 = arith.constant 100 : i32
      %lt3A_743 = arith.cmpi slt, %add3A_741, %lt3A_742 : i32
      %convert_element_type3A_744 = arith.extui %lt3A_743 : i1 to i32
      %cond3A_745 = arith.constant 0 : i32
      %cond3A_746 = arith.cmpi ne, %convert_element_type3A_744, %cond3A_745 : i32
      scf.if %cond3A_746 {
        %add3A_1075 = arith.constant 4 : i32
        %add3A_1076 = arith.addi %add3A_586, %add3A_1075 : i32
        %jit3A_1077 = arith.constant 2 : i32
        %div3A_1078 = arith.divsi %add3A_1076, %jit3A_1077 : i32
        %sign3A_1079 = arith.constant 0 : i32
        %sign3A_1080 = arith.cmpi sgt, %add3A_1076, %sign3A_1079 : i32
        %sign3A_1081 = arith.extui %sign3A_1080 : i1 to i32
        %sign3A_1082 = arith.constant 0 : i32
        %sign3A_1083 = arith.cmpi slt, %add3A_1076, %sign3A_1082 : i32
        %sign3A_1084 = arith.extui %sign3A_1083 : i1 to i32
        %sign3A_1085 = arith.subi %sign3A_1081, %sign3A_1084 : i32
        %sign3A_1086 = arith.constant 0 : i32
        %sign3A_1087 = arith.cmpi sgt, %jit3A_1077, %sign3A_1086 : i32
        %sign3A_1088 = arith.extui %sign3A_1087 : i1 to i32
        %sign3A_1089 = arith.constant 0 : i32
        %sign3A_1090 = arith.cmpi slt, %jit3A_1077, %sign3A_1089 : i32
        %sign3A_1091 = arith.extui %sign3A_1090 : i1 to i32
        %sign3A_1092 = arith.subi %sign3A_1088, %sign3A_1091 : i32
        %ne3A_1093 = arith.cmpi ne, %sign3A_1085, %sign3A_1092 : i32
        %rem3A_1094 = arith.remsi %add3A_1076, %jit3A_1077 : i32
        %ne3A_1095 = arith.constant 0 : i32
        %ne3A_1096 = arith.cmpi ne, %rem3A_1094, %ne3A_1095 : i32
        %and3A_1097 = arith.andi %ne3A_1093, %ne3A_1096 : i1
        %sub3A_1098 = arith.constant 1 : i32
        %sub3A_1099 = arith.subi %div3A_1078, %sub3A_1098 : i32
        %select_n3A_1100 = arith.select %and3A_1097, %sub3A_1099, %div3A_1078 : i32
        %jit3A_1101 = arith.constant 2 : i32
        %eq3A_1102 = arith.constant 0 : i32
        %eq3A_1103 = arith.cmpi eq, %jit3A_1101, %eq3A_1102 : i32
        %jit3A_1104 = arith.constant 1 : i32
        %select_n3A_1105 = arith.select %eq3A_1103, %jit3A_1104, %jit3A_1101 : i32
        %rem3A_1106 = arith.remsi %add3A_1076, %select_n3A_1105 : i32
        %ne3A_1107 = arith.constant 0 : i32
        %ne3A_1108 = arith.cmpi ne, %rem3A_1106, %ne3A_1107 : i32
        %lt3A_1109 = arith.constant 0 : i32
        %lt3A_1110 = arith.cmpi slt, %rem3A_1106, %lt3A_1109 : i32
        %lt3A_1111 = arith.constant 0 : i32
        %lt3A_1112 = arith.cmpi slt, %select_n3A_1105, %lt3A_1111 : i32
        %ne3A_1113 = arith.xori %lt3A_1110, %lt3A_1112 : i1
        %and3A_1114 = arith.andi %ne3A_1113, %ne3A_1108 : i1
        %add3A_1115 = arith.addi %rem3A_1106, %select_n3A_1105 : i32
        %select_n3A_1116 = arith.select %and3A_1114, %add3A_1115, %rem3A_1106 : i32
        %mul3A_1117 = arith.constant 64 : i32
        %mul3A_1118 = arith.muli %select_n3A_1116, %mul3A_1117 : i32
        %add3A_1119 = arith.addi %mul3A_2, %mul3A_1118 : i32
        %dma_wait3A_1120 = arith.constant 0 : i32
        %dma_wait3A_1121 = arith.constant 0 : i32
        %dma_wait3A_1122 = tpu.memref_slice %arg8[%dma_wait3A_1120, %dma_wait3A_1121] : memref<3x64xi32, #tpu.memory_space<vmem>> -> memref<1x64xi32, #tpu.memory_space<vmem>>
        %dma_wait3A_1123 = tpu.memref_squeeze %dma_wait3A_1122 : memref<1x64xi32, #tpu.memory_space<vmem>> -> memref<64xi32, #tpu.memory_space<vmem>>
        %dma_wait3A_1124 = tpu.memref_slice %arg3[%select_n3A_1100, %add3A_1119] : memref<50x4096xi32, #tpu.memory_space<hbm>> -> memref<1x64xi32, #tpu.memory_space<hbm>>
        %dma_wait3A_1125 = tpu.memref_squeeze %dma_wait3A_1124 : memref<1x64xi32, #tpu.memory_space<hbm>> -> memref<64xi32, #tpu.memory_space<hbm>>
        %dma_wait3A_1126 = arith.constant 0 : i32
        %dma_wait3A_1127 = tpu.memref_slice %arg8[%dma_wait3A_1120, %dma_wait3A_1126] : memref<3x64xi32, #tpu.memory_space<vmem>> -> memref<1x64xi32, #tpu.memory_space<vmem>>
        %dma_wait3A_1128 = tpu.memref_squeeze %dma_wait3A_1127 : memref<1x64xi32, #tpu.memory_space<vmem>> -> memref<64xi32, #tpu.memory_space<vmem>>
        %dma_wait3A_1129 = tpu.memref_slice %arg3[%select_n3A_1100, %add3A_1119] : memref<50x4096xi32, #tpu.memory_space<hbm>> -> memref<1x64xi32, #tpu.memory_space<hbm>>
        %dma_wait3A_1130 = tpu.memref_squeeze %dma_wait3A_1129 : memref<1x64xi32, #tpu.memory_space<hbm>> -> memref<64xi32, #tpu.memory_space<hbm>>
        tpu.wait_dma2 semaphore(%arg16 : memref<!tpu.dma_semaphore, #tpu.memory_space<semaphore_mem>>) src(%dma_wait3A_1130 : memref<64xi32, #tpu.memory_space<hbm>>) dst(%dma_wait3A_1128 : memref<64xi32, #tpu.memory_space<vmem>>)
        %dma_wait3A_1131 = arith.constant 1 : i32
        %dma_wait3A_1132 = arith.constant 0 : i32
        %dma_wait3A_1133 = tpu.memref_slice %arg8[%dma_wait3A_1131, %dma_wait3A_1132] : memref<3x64xi32, #tpu.memory_space<vmem>> -> memref<1x64xi32, #tpu.memory_space<vmem>>
        %dma_wait3A_1134 = tpu.memref_squeeze %dma_wait3A_1133 : memref<1x64xi32, #tpu.memory_space<vmem>> -> memref<64xi32, #tpu.memory_space<vmem>>
        %dma_wait3A_1135 = tpu.memref_slice %arg4[%select_n3A_1100, %add3A_1119] : memref<50x4096xi32, #tpu.memory_space<hbm>> -> memref<1x64xi32, #tpu.memory_space<hbm>>
        %dma_wait3A_1136 = tpu.memref_squeeze %dma_wait3A_1135 : memref<1x64xi32, #tpu.memory_space<hbm>> -> memref<64xi32, #tpu.memory_space<hbm>>
        %dma_wait3A_1137 = arith.constant 0 : i32
        %dma_wait3A_1138 = tpu.memref_slice %arg8[%dma_wait3A_1131, %dma_wait3A_1137] : memref<3x64xi32, #tpu.memory_space<vmem>> -> memref<1x64xi32, #tpu.memory_space<vmem>>
        %dma_wait3A_1139 = tpu.memref_squeeze %dma_wait3A_1138 : memref<1x64xi32, #tpu.memory_space<vmem>> -> memref<64xi32, #tpu.memory_space<vmem>>
        %dma_wait3A_1140 = tpu.memref_slice %arg4[%select_n3A_1100, %add3A_1119] : memref<50x4096xi32, #tpu.memory_space<hbm>> -> memref<1x64xi32, #tpu.memory_space<hbm>>
        %dma_wait3A_1141 = tpu.memref_squeeze %dma_wait3A_1140 : memref<1x64xi32, #tpu.memory_space<hbm>> -> memref<64xi32, #tpu.memory_space<hbm>>
        tpu.wait_dma2 semaphore(%arg16 : memref<!tpu.dma_semaphore, #tpu.memory_space<semaphore_mem>>) src(%dma_wait3A_1141 : memref<64xi32, #tpu.memory_space<hbm>>) dst(%dma_wait3A_1139 : memref<64xi32, #tpu.memory_space<vmem>>)
        %dma_wait3A_1142 = arith.constant 2 : i32
        %dma_wait3A_1143 = arith.constant 0 : i32
        %dma_wait3A_1144 = tpu.memref_slice %arg8[%dma_wait3A_1142, %dma_wait3A_1143] : memref<3x64xi32, #tpu.memory_space<vmem>> -> memref<1x64xi32, #tpu.memory_space<vmem>>
        %dma_wait3A_1145 = tpu.memref_squeeze %dma_wait3A_1144 : memref<1x64xi32, #tpu.memory_space<vmem>> -> memref<64xi32, #tpu.memory_space<vmem>>
        %dma_wait3A_1146 = tpu.memref_slice %arg5[%select_n3A_1100, %add3A_1119] : memref<50x4096xi32, #tpu.memory_space<hbm>> -> memref<1x64xi32, #tpu.memory_space<hbm>>
        %dma_wait3A_1147 = tpu.memref_squeeze %dma_wait3A_1146 : memref<1x64xi32, #tpu.memory_space<hbm>> -> memref<64xi32, #tpu.memory_space<hbm>>
        %dma_wait3A_1148 = arith.constant 0 : i32
        %dma_wait3A_1149 = tpu.memref_slice %arg8[%dma_wait3A_1142, %dma_wait3A_1148] : memref<3x64xi32, #tpu.memory_space<vmem>> -> memref<1x64xi32, #tpu.memory_space<vmem>>
        %dma_wait3A_1150 = tpu.memref_squeeze %dma_wait3A_1149 : memref<1x64xi32, #tpu.memory_space<vmem>> -> memref<64xi32, #tpu.memory_space<vmem>>
        %dma_wait3A_1151 = tpu.memref_slice %arg5[%select_n3A_1100, %add3A_1119] : memref<50x4096xi32, #tpu.memory_space<hbm>> -> memref<1x64xi32, #tpu.memory_space<hbm>>
        %dma_wait3A_1152 = tpu.memref_squeeze %dma_wait3A_1151 : memref<1x64xi32, #tpu.memory_space<hbm>> -> memref<64xi32, #tpu.memory_space<hbm>>
        tpu.wait_dma2 semaphore(%arg16 : memref<!tpu.dma_semaphore, #tpu.memory_space<semaphore_mem>>) src(%dma_wait3A_1152 : memref<64xi32, #tpu.memory_space<hbm>>) dst(%dma_wait3A_1150 : memref<64xi32, #tpu.memory_space<vmem>>)
        %dma_start3A_1153 = arith.constant 0 : i32
        %dma_start3A_1154 = arith.constant 0 : i32
        %dma_start3A_1155 = arith.constant 0 : i32
        %dma_start3A_1156 = tpu.memref_slice %arg12[%dma_start3A_1154, %dma_start3A_1155] : memref<192x128xf32, #tpu.memory_space<vmem>> -> memref<64x128xf32, #tpu.memory_space<vmem>>
        %dma_start3A_1157 = arith.constant 0 : i32
        %dma_start3A_1158 = tpu.memref_slice %arg8[%dma_start3A_1153, %dma_start3A_1157] : memref<3x64xi32, #tpu.memory_space<vmem>> -> memref<1x64xi32, #tpu.memory_space<vmem>>
        %dma_start3A_1159 = tpu.memref_squeeze %dma_start3A_1158 : memref<1x64xi32, #tpu.memory_space<vmem>> -> memref<64xi32, #tpu.memory_space<vmem>>
        %dma_start3A_1160 = arith.constant 0 : i32
        %dma_start3A_1161 = arith.constant 0 : i32
        %dma_start3A_1162 = tpu.memref_slice %arg2[%dma_start3A_1160, %dma_start3A_1161] : memref<104000x128xf32, #tpu.memory_space<hbm>> -> memref<104000x128xf32, #tpu.memory_space<hbm>>
        tpu.enqueue_indirect_dma source(%dma_start3A_1162 : memref<104000x128xf32, #tpu.memory_space<hbm>>) target(%dma_start3A_1156 : memref<64x128xf32, #tpu.memory_space<vmem>>) offsets(%dma_start3A_1159 : memref<64xi32, #tpu.memory_space<vmem>>) semaphore(%arg20 : memref<!tpu.dma_semaphore, #tpu.memory_space<semaphore_mem>>)
        %dma_start3A_1163 = arith.constant 1 : i32
        %dma_start3A_1164 = arith.constant 64 : i32
        %dma_start3A_1165 = arith.constant 0 : i32
        %dma_start3A_1166 = tpu.memref_slice %arg12[%dma_start3A_1164, %dma_start3A_1165] : memref<192x128xf32, #tpu.memory_space<vmem>> -> memref<64x128xf32, #tpu.memory_space<vmem>>
        %dma_start3A_1167 = arith.constant 0 : i32
        %dma_start3A_1168 = tpu.memref_slice %arg8[%dma_start3A_1163, %dma_start3A_1167] : memref<3x64xi32, #tpu.memory_space<vmem>> -> memref<1x64xi32, #tpu.memory_space<vmem>>
        %dma_start3A_1169 = tpu.memref_squeeze %dma_start3A_1168 : memref<1x64xi32, #tpu.memory_space<vmem>> -> memref<64xi32, #tpu.memory_space<vmem>>
        %dma_start3A_1170 = arith.constant 0 : i32
        %dma_start3A_1171 = arith.constant 0 : i32
        %dma_start3A_1172 = tpu.memref_slice %arg2[%dma_start3A_1170, %dma_start3A_1171] : memref<104000x128xf32, #tpu.memory_space<hbm>> -> memref<104000x128xf32, #tpu.memory_space<hbm>>
        tpu.enqueue_indirect_dma source(%dma_start3A_1172 : memref<104000x128xf32, #tpu.memory_space<hbm>>) target(%dma_start3A_1166 : memref<64x128xf32, #tpu.memory_space<vmem>>) offsets(%dma_start3A_1169 : memref<64xi32, #tpu.memory_space<vmem>>) semaphore(%arg20 : memref<!tpu.dma_semaphore, #tpu.memory_space<semaphore_mem>>)
        %dma_start3A_1173 = arith.constant 2 : i32
        %dma_start3A_1174 = arith.constant 128 : i32
        %dma_start3A_1175 = arith.constant 0 : i32
        %dma_start3A_1176 = tpu.memref_slice %arg12[%dma_start3A_1174, %dma_start3A_1175] : memref<192x128xf32, #tpu.memory_space<vmem>> -> memref<64x128xf32, #tpu.memory_space<vmem>>
        %dma_start3A_1177 = arith.constant 0 : i32
        %dma_start3A_1178 = tpu.memref_slice %arg8[%dma_start3A_1173, %dma_start3A_1177] : memref<3x64xi32, #tpu.memory_space<vmem>> -> memref<1x64xi32, #tpu.memory_space<vmem>>
        %dma_start3A_1179 = tpu.memref_squeeze %dma_start3A_1178 : memref<1x64xi32, #tpu.memory_space<vmem>> -> memref<64xi32, #tpu.memory_space<vmem>>
        %dma_start3A_1180 = arith.constant 0 : i32
        %dma_start3A_1181 = arith.constant 0 : i32
        %dma_start3A_1182 = tpu.memref_slice %arg2[%dma_start3A_1180, %dma_start3A_1181] : memref<104000x128xf32, #tpu.memory_space<hbm>> -> memref<104000x128xf32, #tpu.memory_space<hbm>>
        tpu.enqueue_indirect_dma source(%dma_start3A_1182 : memref<104000x128xf32, #tpu.memory_space<hbm>>) target(%dma_start3A_1176 : memref<64x128xf32, #tpu.memory_space<vmem>>) offsets(%dma_start3A_1179 : memref<64xi32, #tpu.memory_space<vmem>>) semaphore(%arg20 : memref<!tpu.dma_semaphore, #tpu.memory_space<semaphore_mem>>)
      } else {
      }
      %mul3A_747 = arith.constant 4 : i32
      %mul3A_748 = arith.muli %mul3A_747, %scan3A_430 : i32
      %add3A_749 = arith.constant 2 : i32
      %add3A_750 = arith.addi %mul3A_748, %add3A_749 : i32
      %dma_wait3A_751 = arith.constant 0 : i32
      %dma_wait3A_752 = arith.constant 0 : i32
      %dma_wait3A_753 = arith.constant 0 : i32
      %dma_wait3A_754 = tpu.memref_slice %arg13[%dma_wait3A_752, %dma_wait3A_753] : memref<192x128xf32, #tpu.memory_space<vmem>> -> memref<64x128xf32, #tpu.memory_space<vmem>>
      %dma_wait3A_755 = arith.constant 0 : i32
      %dma_wait3A_756 = tpu.memref_slice %arg9[%dma_wait3A_751, %dma_wait3A_755] : memref<3x64xi32, #tpu.memory_space<vmem>> -> memref<1x64xi32, #tpu.memory_space<vmem>>
      %dma_wait3A_757 = tpu.memref_squeeze %dma_wait3A_756 : memref<1x64xi32, #tpu.memory_space<vmem>> -> memref<64xi32, #tpu.memory_space<vmem>>
      %dma_wait3A_758 = arith.constant 0 : i32
      %dma_wait3A_759 = arith.constant 0 : i32
      %dma_wait3A_760 = tpu.memref_slice %arg2[%dma_wait3A_758, %dma_wait3A_759] : memref<104000x128xf32, #tpu.memory_space<hbm>> -> memref<104000x128xf32, #tpu.memory_space<hbm>>
      tpu.wait_indirect_dma semaphore(%arg21 : memref<!tpu.dma_semaphore, #tpu.memory_space<semaphore_mem>>) src(%dma_wait3A_760 : memref<104000x128xf32, #tpu.memory_space<hbm>>) dst(%dma_wait3A_754 : memref<64x128xf32, #tpu.memory_space<vmem>>)
      %dma_wait3A_761 = arith.constant 1 : i32
      %dma_wait3A_762 = arith.constant 64 : i32
      %dma_wait3A_763 = arith.constant 0 : i32
      %dma_wait3A_764 = tpu.memref_slice %arg13[%dma_wait3A_762, %dma_wait3A_763] : memref<192x128xf32, #tpu.memory_space<vmem>> -> memref<64x128xf32, #tpu.memory_space<vmem>>
      %dma_wait3A_765 = arith.constant 0 : i32
      %dma_wait3A_766 = tpu.memref_slice %arg9[%dma_wait3A_761, %dma_wait3A_765] : memref<3x64xi32, #tpu.memory_space<vmem>> -> memref<1x64xi32, #tpu.memory_space<vmem>>
      %dma_wait3A_767 = tpu.memref_squeeze %dma_wait3A_766 : memref<1x64xi32, #tpu.memory_space<vmem>> -> memref<64xi32, #tpu.memory_space<vmem>>
      %dma_wait3A_768 = arith.constant 0 : i32
      %dma_wait3A_769 = arith.constant 0 : i32
      %dma_wait3A_770 = tpu.memref_slice %arg2[%dma_wait3A_768, %dma_wait3A_769] : memref<104000x128xf32, #tpu.memory_space<hbm>> -> memref<104000x128xf32, #tpu.memory_space<hbm>>
      tpu.wait_indirect_dma semaphore(%arg21 : memref<!tpu.dma_semaphore, #tpu.memory_space<semaphore_mem>>) src(%dma_wait3A_770 : memref<104000x128xf32, #tpu.memory_space<hbm>>) dst(%dma_wait3A_764 : memref<64x128xf32, #tpu.memory_space<vmem>>)
      %dma_wait3A_771 = arith.constant 2 : i32
      %dma_wait3A_772 = arith.constant 128 : i32
      %dma_wait3A_773 = arith.constant 0 : i32
      %dma_wait3A_774 = tpu.memref_slice %arg13[%dma_wait3A_772, %dma_wait3A_773] : memref<192x128xf32, #tpu.memory_space<vmem>> -> memref<64x128xf32, #tpu.memory_space<vmem>>
      %dma_wait3A_775 = arith.constant 0 : i32
      %dma_wait3A_776 = tpu.memref_slice %arg9[%dma_wait3A_771, %dma_wait3A_775] : memref<3x64xi32, #tpu.memory_space<vmem>> -> memref<1x64xi32, #tpu.memory_space<vmem>>
      %dma_wait3A_777 = tpu.memref_squeeze %dma_wait3A_776 : memref<1x64xi32, #tpu.memory_space<vmem>> -> memref<64xi32, #tpu.memory_space<vmem>>
      %dma_wait3A_778 = arith.constant 0 : i32
      %dma_wait3A_779 = arith.constant 0 : i32
      %dma_wait3A_780 = tpu.memref_slice %arg2[%dma_wait3A_778, %dma_wait3A_779] : memref<104000x128xf32, #tpu.memory_space<hbm>> -> memref<104000x128xf32, #tpu.memory_space<hbm>>
      tpu.wait_indirect_dma semaphore(%arg21 : memref<!tpu.dma_semaphore, #tpu.memory_space<semaphore_mem>>) src(%dma_wait3A_780 : memref<104000x128xf32, #tpu.memory_space<hbm>>) dst(%dma_wait3A_774 : memref<64x128xf32, #tpu.memory_space<vmem>>)
      %add3A_781 = arith.constant 4 : i32
      %add3A_782 = arith.addi %add3A_750, %add3A_781 : i32
      %lt3A_783 = arith.constant 100 : i32
      %lt3A_784 = arith.cmpi slt, %add3A_782, %lt3A_783 : i32
      %convert_element_type3A_785 = arith.extui %lt3A_784 : i1 to i32
      %cond3A_786 = arith.constant 0 : i32
      %cond3A_787 = arith.cmpi ne, %convert_element_type3A_785, %cond3A_786 : i32
      scf.if %cond3A_787 {
        %add3A_1075 = arith.constant 4 : i32
        %add3A_1076 = arith.addi %add3A_750, %add3A_1075 : i32
        %jit3A_1077 = arith.constant 2 : i32
        %div3A_1078 = arith.divsi %add3A_1076, %jit3A_1077 : i32
        %sign3A_1079 = arith.constant 0 : i32
        %sign3A_1080 = arith.cmpi sgt, %add3A_1076, %sign3A_1079 : i32
        %sign3A_1081 = arith.extui %sign3A_1080 : i1 to i32
        %sign3A_1082 = arith.constant 0 : i32
        %sign3A_1083 = arith.cmpi slt, %add3A_1076, %sign3A_1082 : i32
        %sign3A_1084 = arith.extui %sign3A_1083 : i1 to i32
        %sign3A_1085 = arith.subi %sign3A_1081, %sign3A_1084 : i32
        %sign3A_1086 = arith.constant 0 : i32
        %sign3A_1087 = arith.cmpi sgt, %jit3A_1077, %sign3A_1086 : i32
        %sign3A_1088 = arith.extui %sign3A_1087 : i1 to i32
        %sign3A_1089 = arith.constant 0 : i32
        %sign3A_1090 = arith.cmpi slt, %jit3A_1077, %sign3A_1089 : i32
        %sign3A_1091 = arith.extui %sign3A_1090 : i1 to i32
        %sign3A_1092 = arith.subi %sign3A_1088, %sign3A_1091 : i32
        %ne3A_1093 = arith.cmpi ne, %sign3A_1085, %sign3A_1092 : i32
        %rem3A_1094 = arith.remsi %add3A_1076, %jit3A_1077 : i32
        %ne3A_1095 = arith.constant 0 : i32
        %ne3A_1096 = arith.cmpi ne, %rem3A_1094, %ne3A_1095 : i32
        %and3A_1097 = arith.andi %ne3A_1093, %ne3A_1096 : i1
        %sub3A_1098 = arith.constant 1 : i32
        %sub3A_1099 = arith.subi %div3A_1078, %sub3A_1098 : i32
        %select_n3A_1100 = arith.select %and3A_1097, %sub3A_1099, %div3A_1078 : i32
        %jit3A_1101 = arith.constant 2 : i32
        %eq3A_1102 = arith.constant 0 : i32
        %eq3A_1103 = arith.cmpi eq, %jit3A_1101, %eq3A_1102 : i32
        %jit3A_1104 = arith.constant 1 : i32
        %select_n3A_1105 = arith.select %eq3A_1103, %jit3A_1104, %jit3A_1101 : i32
        %rem3A_1106 = arith.remsi %add3A_1076, %select_n3A_1105 : i32
        %ne3A_1107 = arith.constant 0 : i32
        %ne3A_1108 = arith.cmpi ne, %rem3A_1106, %ne3A_1107 : i32
        %lt3A_1109 = arith.constant 0 : i32
        %lt3A_1110 = arith.cmpi slt, %rem3A_1106, %lt3A_1109 : i32
        %lt3A_1111 = arith.constant 0 : i32
        %lt3A_1112 = arith.cmpi slt, %select_n3A_1105, %lt3A_1111 : i32
        %ne3A_1113 = arith.xori %lt3A_1110, %lt3A_1112 : i1
        %and3A_1114 = arith.andi %ne3A_1113, %ne3A_1108 : i1
        %add3A_1115 = arith.addi %rem3A_1106, %select_n3A_1105 : i32
        %select_n3A_1116 = arith.select %and3A_1114, %add3A_1115, %rem3A_1106 : i32
        %mul3A_1117 = arith.constant 64 : i32
        %mul3A_1118 = arith.muli %select_n3A_1116, %mul3A_1117 : i32
        %add3A_1119 = arith.addi %mul3A_2, %mul3A_1118 : i32
        %dma_start3A_1120 = arith.constant 0 : i32
        %dma_start3A_1121 = arith.constant 0 : i32
        %dma_start3A_1122 = tpu.memref_slice %arg9[%dma_start3A_1120, %dma_start3A_1121] : memref<3x64xi32, #tpu.memory_space<vmem>> -> memref<1x64xi32, #tpu.memory_space<vmem>>
        %dma_start3A_1123 = tpu.memref_squeeze %dma_start3A_1122 : memref<1x64xi32, #tpu.memory_space<vmem>> -> memref<64xi32, #tpu.memory_space<vmem>>
        %dma_start3A_1124 = tpu.memref_slice %arg3[%select_n3A_1100, %add3A_1119] : memref<50x4096xi32, #tpu.memory_space<hbm>> -> memref<1x64xi32, #tpu.memory_space<hbm>>
        %dma_start3A_1125 = tpu.memref_squeeze %dma_start3A_1124 : memref<1x64xi32, #tpu.memory_space<hbm>> -> memref<64xi32, #tpu.memory_space<hbm>>
        %dma_start3A_1126 = arith.constant 0 : i32
        %dma_start3A_1127 = tpu.memref_slice %arg9[%dma_start3A_1120, %dma_start3A_1126] : memref<3x64xi32, #tpu.memory_space<vmem>> -> memref<1x64xi32, #tpu.memory_space<vmem>>
        %dma_start3A_1128 = tpu.memref_squeeze %dma_start3A_1127 : memref<1x64xi32, #tpu.memory_space<vmem>> -> memref<64xi32, #tpu.memory_space<vmem>>
        %dma_start3A_1129 = tpu.memref_slice %arg3[%select_n3A_1100, %add3A_1119] : memref<50x4096xi32, #tpu.memory_space<hbm>> -> memref<1x64xi32, #tpu.memory_space<hbm>>
        %dma_start3A_1130 = tpu.memref_squeeze %dma_start3A_1129 : memref<1x64xi32, #tpu.memory_space<hbm>> -> memref<64xi32, #tpu.memory_space<hbm>>
        tpu.enqueue_dma source(%dma_start3A_1130 : memref<64xi32, #tpu.memory_space<hbm>>) target(%dma_start3A_1128 : memref<64xi32, #tpu.memory_space<vmem>>) target_semaphore(%arg17 : memref<!tpu.dma_semaphore, #tpu.memory_space<semaphore_mem>>)
        %dma_start3A_1131 = arith.constant 1 : i32
        %dma_start3A_1132 = arith.constant 0 : i32
        %dma_start3A_1133 = tpu.memref_slice %arg9[%dma_start3A_1131, %dma_start3A_1132] : memref<3x64xi32, #tpu.memory_space<vmem>> -> memref<1x64xi32, #tpu.memory_space<vmem>>
        %dma_start3A_1134 = tpu.memref_squeeze %dma_start3A_1133 : memref<1x64xi32, #tpu.memory_space<vmem>> -> memref<64xi32, #tpu.memory_space<vmem>>
        %dma_start3A_1135 = tpu.memref_slice %arg4[%select_n3A_1100, %add3A_1119] : memref<50x4096xi32, #tpu.memory_space<hbm>> -> memref<1x64xi32, #tpu.memory_space<hbm>>
        %dma_start3A_1136 = tpu.memref_squeeze %dma_start3A_1135 : memref<1x64xi32, #tpu.memory_space<hbm>> -> memref<64xi32, #tpu.memory_space<hbm>>
        %dma_start3A_1137 = arith.constant 0 : i32
        %dma_start3A_1138 = tpu.memref_slice %arg9[%dma_start3A_1131, %dma_start3A_1137] : memref<3x64xi32, #tpu.memory_space<vmem>> -> memref<1x64xi32, #tpu.memory_space<vmem>>
        %dma_start3A_1139 = tpu.memref_squeeze %dma_start3A_1138 : memref<1x64xi32, #tpu.memory_space<vmem>> -> memref<64xi32, #tpu.memory_space<vmem>>
        %dma_start3A_1140 = tpu.memref_slice %arg4[%select_n3A_1100, %add3A_1119] : memref<50x4096xi32, #tpu.memory_space<hbm>> -> memref<1x64xi32, #tpu.memory_space<hbm>>
        %dma_start3A_1141 = tpu.memref_squeeze %dma_start3A_1140 : memref<1x64xi32, #tpu.memory_space<hbm>> -> memref<64xi32, #tpu.memory_space<hbm>>
        tpu.enqueue_dma source(%dma_start3A_1141 : memref<64xi32, #tpu.memory_space<hbm>>) target(%dma_start3A_1139 : memref<64xi32, #tpu.memory_space<vmem>>) target_semaphore(%arg17 : memref<!tpu.dma_semaphore, #tpu.memory_space<semaphore_mem>>)
        %dma_start3A_1142 = arith.constant 2 : i32
        %dma_start3A_1143 = arith.constant 0 : i32
        %dma_start3A_1144 = tpu.memref_slice %arg9[%dma_start3A_1142, %dma_start3A_1143] : memref<3x64xi32, #tpu.memory_space<vmem>> -> memref<1x64xi32, #tpu.memory_space<vmem>>
        %dma_start3A_1145 = tpu.memref_squeeze %dma_start3A_1144 : memref<1x64xi32, #tpu.memory_space<vmem>> -> memref<64xi32, #tpu.memory_space<vmem>>
        %dma_start3A_1146 = tpu.memref_slice %arg5[%select_n3A_1100, %add3A_1119] : memref<50x4096xi32, #tpu.memory_space<hbm>> -> memref<1x64xi32, #tpu.memory_space<hbm>>
        %dma_start3A_1147 = tpu.memref_squeeze %dma_start3A_1146 : memref<1x64xi32, #tpu.memory_space<hbm>> -> memref<64xi32, #tpu.memory_space<hbm>>
        %dma_start3A_1148 = arith.constant 0 : i32
        %dma_start3A_1149 = tpu.memref_slice %arg9[%dma_start3A_1142, %dma_start3A_1148] : memref<3x64xi32, #tpu.memory_space<vmem>> -> memref<1x64xi32, #tpu.memory_space<vmem>>
        %dma_start3A_1150 = tpu.memref_squeeze %dma_start3A_1149 : memref<1x64xi32, #tpu.memory_space<vmem>> -> memref<64xi32, #tpu.memory_space<vmem>>
        %dma_start3A_1151 = tpu.memref_slice %arg5[%select_n3A_1100, %add3A_1119] : memref<50x4096xi32, #tpu.memory_space<hbm>> -> memref<1x64xi32, #tpu.memory_space<hbm>>
        %dma_start3A_1152 = tpu.memref_squeeze %dma_start3A_1151 : memref<1x64xi32, #tpu.memory_space<hbm>> -> memref<64xi32, #tpu.memory_space<hbm>>
        tpu.enqueue_dma source(%dma_start3A_1152 : memref<64xi32, #tpu.memory_space<hbm>>) target(%dma_start3A_1150 : memref<64xi32, #tpu.memory_space<vmem>>) target_semaphore(%arg17 : memref<!tpu.dma_semaphore, #tpu.memory_space<semaphore_mem>>)
      } else {
      }
      %scan3A_788 = arith.constant 0 : i32
      %scan3A_789 = arith.constant 0 : i32
      %scan3A_790 = arith.constant 64 : i32
      %scan3A_791 = arith.addi %scan3A_789, %scan3A_790 : i32
      %scan3A_792 = arith.constant 1 : i32
      scf.for %scan3A_1075 = %scan3A_789 to %scan3A_791 step %scan3A_792  : i32 {
        %get3A = arith.index_cast %scan3A_1075 : i32 to index
        %get3A_1076 = arith.constant 0 : index
        %get3A_1077 = tpu.vector_load %arg13[%get3A, %get3A_1076] {strides = array<i32>} : memref<192x128xf32, #tpu.memory_space<vmem>>, vector<1x16xf32>,
        %get3A_1078 = vector.shape_cast %get3A_1077 : vector<1x16xf32> to vector<16xf32>
        %add3A_1079 = arith.constant 64 : i32
        %add3A_1080 = arith.addi %add3A_1079, %scan3A_1075 : i32
        %get3A_1081 = arith.index_cast %add3A_1080 : i32 to index
        %get3A_1082 = arith.constant 0 : index
        %get3A_1083 = tpu.vector_load %arg13[%get3A_1081, %get3A_1082] {strides = array<i32>} : memref<192x128xf32, #tpu.memory_space<vmem>>, vector<1x16xf32>,
        %get3A_1084 = vector.shape_cast %get3A_1083 : vector<1x16xf32> to vector<16xf32>
        %add3A_1085 = arith.addf %get3A_1078, %get3A_1084 : vector<16xf32>
        %add3A_1086 = arith.constant 128 : i32
        %add3A_1087 = arith.addi %add3A_1086, %scan3A_1075 : i32
        %get3A_1088 = arith.index_cast %add3A_1087 : i32 to index
        %get3A_1089 = arith.constant 0 : index
        %get3A_1090 = tpu.vector_load %arg13[%get3A_1088, %get3A_1089] {strides = array<i32>} : memref<192x128xf32, #tpu.memory_space<vmem>>, vector<1x16xf32>,
        %get3A_1091 = vector.shape_cast %get3A_1090 : vector<1x16xf32> to vector<16xf32>
        %add3A_1092 = arith.addf %add3A_1085, %get3A_1091 : vector<16xf32>
        %max3A = arith.constant 0.000000e+00 : f32
        %max3A_1093 = vector.broadcast %max3A : f32 to vector<16xf32>
        %max3A_1094 = arith.maximumf %add3A_1092, %max3A_1093 : vector<16xf32>
        %swap3A = arith.index_cast %scan3A_1075 : i32 to index
        %swap3A_1095 = arith.constant 0 : index
        %swap3A_1096 = tpu.vector_load %arg13[%swap3A, %swap3A_1095] {strides = array<i32>} : memref<192x128xf32, #tpu.memory_space<vmem>>, vector<1x16xf32>,
        %swap3A_1097 = vector.shape_cast %swap3A_1096 : vector<1x16xf32> to vector<16xf32>
        %swap3A_1098 = vector.shape_cast %max3A_1094 : vector<16xf32> to vector<1x16xf32>
        tpu.vector_store %arg13[%swap3A, %swap3A_1095], %swap3A_1098 {strides = array<i32>} : memref<192x128xf32, #tpu.memory_space<vmem>>, vector<1x16xf32>,
        %get3A_1099 = arith.index_cast %scan3A_1075 : i32 to index
        %get3A_1100 = arith.constant 16 : index
        %get3A_1101 = tpu.vector_load %arg13[%get3A_1099, %get3A_1100] {strides = array<i32>} : memref<192x128xf32, #tpu.memory_space<vmem>>, vector<1x16xf32>,
        %get3A_1102 = vector.shape_cast %get3A_1101 : vector<1x16xf32> to vector<16xf32>
        %add3A_1103 = arith.constant 64 : i32
        %add3A_1104 = arith.addi %add3A_1103, %scan3A_1075 : i32
        %get3A_1105 = arith.index_cast %add3A_1104 : i32 to index
        %get3A_1106 = arith.constant 16 : index
        %get3A_1107 = tpu.vector_load %arg13[%get3A_1105, %get3A_1106] {strides = array<i32>} : memref<192x128xf32, #tpu.memory_space<vmem>>, vector<1x16xf32>,
        %get3A_1108 = vector.shape_cast %get3A_1107 : vector<1x16xf32> to vector<16xf32>
        %add3A_1109 = arith.addf %get3A_1102, %get3A_1108 : vector<16xf32>
        %add3A_1110 = arith.constant 128 : i32
        %add3A_1111 = arith.addi %add3A_1110, %scan3A_1075 : i32
        %get3A_1112 = arith.index_cast %add3A_1111 : i32 to index
        %get3A_1113 = arith.constant 16 : index
        %get3A_1114 = tpu.vector_load %arg13[%get3A_1112, %get3A_1113] {strides = array<i32>} : memref<192x128xf32, #tpu.memory_space<vmem>>, vector<1x16xf32>,
        %get3A_1115 = vector.shape_cast %get3A_1114 : vector<1x16xf32> to vector<16xf32>
        %add3A_1116 = arith.addf %add3A_1109, %get3A_1115 : vector<16xf32>
        %max3A_1117 = arith.constant 0.000000e+00 : f32
        %max3A_1118 = vector.broadcast %max3A_1117 : f32 to vector<16xf32>
        %max3A_1119 = arith.maximumf %add3A_1116, %max3A_1118 : vector<16xf32>
        %swap3A_1120 = arith.index_cast %scan3A_1075 : i32 to index
        %swap3A_1121 = arith.constant 16 : index
        %swap3A_1122 = tpu.vector_load %arg13[%swap3A_1120, %swap3A_1121] {strides = array<i32>} : memref<192x128xf32, #tpu.memory_space<vmem>>, vector<1x16xf32>,
        %swap3A_1123 = vector.shape_cast %swap3A_1122 : vector<1x16xf32> to vector<16xf32>
        %swap3A_1124 = vector.shape_cast %max3A_1119 : vector<16xf32> to vector<1x16xf32>
        tpu.vector_store %arg13[%swap3A_1120, %swap3A_1121], %swap3A_1124 {strides = array<i32>} : memref<192x128xf32, #tpu.memory_space<vmem>>, vector<1x16xf32>,
        %get3A_1125 = arith.index_cast %scan3A_1075 : i32 to index
        %get3A_1126 = arith.constant 32 : index
        %get3A_1127 = tpu.vector_load %arg13[%get3A_1125, %get3A_1126] {strides = array<i32>} : memref<192x128xf32, #tpu.memory_space<vmem>>, vector<1x16xf32>,
        %get3A_1128 = vector.shape_cast %get3A_1127 : vector<1x16xf32> to vector<16xf32>
        %add3A_1129 = arith.constant 64 : i32
        %add3A_1130 = arith.addi %add3A_1129, %scan3A_1075 : i32
        %get3A_1131 = arith.index_cast %add3A_1130 : i32 to index
        %get3A_1132 = arith.constant 32 : index
        %get3A_1133 = tpu.vector_load %arg13[%get3A_1131, %get3A_1132] {strides = array<i32>} : memref<192x128xf32, #tpu.memory_space<vmem>>, vector<1x16xf32>,
        %get3A_1134 = vector.shape_cast %get3A_1133 : vector<1x16xf32> to vector<16xf32>
        %add3A_1135 = arith.addf %get3A_1128, %get3A_1134 : vector<16xf32>
        %add3A_1136 = arith.constant 128 : i32
        %add3A_1137 = arith.addi %add3A_1136, %scan3A_1075 : i32
        %get3A_1138 = arith.index_cast %add3A_1137 : i32 to index
        %get3A_1139 = arith.constant 32 : index
        %get3A_1140 = tpu.vector_load %arg13[%get3A_1138, %get3A_1139] {strides = array<i32>} : memref<192x128xf32, #tpu.memory_space<vmem>>, vector<1x16xf32>,
        %get3A_1141 = vector.shape_cast %get3A_1140 : vector<1x16xf32> to vector<16xf32>
        %add3A_1142 = arith.addf %add3A_1135, %get3A_1141 : vector<16xf32>
        %max3A_1143 = arith.constant 0.000000e+00 : f32
        %max3A_1144 = vector.broadcast %max3A_1143 : f32 to vector<16xf32>
        %max3A_1145 = arith.maximumf %add3A_1142, %max3A_1144 : vector<16xf32>
        %swap3A_1146 = arith.index_cast %scan3A_1075 : i32 to index
        %swap3A_1147 = arith.constant 32 : index
        %swap3A_1148 = tpu.vector_load %arg13[%swap3A_1146, %swap3A_1147] {strides = array<i32>} : memref<192x128xf32, #tpu.memory_space<vmem>>, vector<1x16xf32>,
        %swap3A_1149 = vector.shape_cast %swap3A_1148 : vector<1x16xf32> to vector<16xf32>
        %swap3A_1150 = vector.shape_cast %max3A_1145 : vector<16xf32> to vector<1x16xf32>
        tpu.vector_store %arg13[%swap3A_1146, %swap3A_1147], %swap3A_1150 {strides = array<i32>} : memref<192x128xf32, #tpu.memory_space<vmem>>, vector<1x16xf32>,
        %get3A_1151 = arith.index_cast %scan3A_1075 : i32 to index
        %get3A_1152 = arith.constant 48 : index
        %get3A_1153 = tpu.vector_load %arg13[%get3A_1151, %get3A_1152] {strides = array<i32>} : memref<192x128xf32, #tpu.memory_space<vmem>>, vector<1x16xf32>,
        %get3A_1154 = vector.shape_cast %get3A_1153 : vector<1x16xf32> to vector<16xf32>
        %add3A_1155 = arith.constant 64 : i32
        %add3A_1156 = arith.addi %add3A_1155, %scan3A_1075 : i32
        %get3A_1157 = arith.index_cast %add3A_1156 : i32 to index
        %get3A_1158 = arith.constant 48 : index
        %get3A_1159 = tpu.vector_load %arg13[%get3A_1157, %get3A_1158] {strides = array<i32>} : memref<192x128xf32, #tpu.memory_space<vmem>>, vector<1x16xf32>,
        %get3A_1160 = vector.shape_cast %get3A_1159 : vector<1x16xf32> to vector<16xf32>
        %add3A_1161 = arith.addf %get3A_1154, %get3A_1160 : vector<16xf32>
        %add3A_1162 = arith.constant 128 : i32
        %add3A_1163 = arith.addi %add3A_1162, %scan3A_1075 : i32
        %get3A_1164 = arith.index_cast %add3A_1163 : i32 to index
        %get3A_1165 = arith.constant 48 : index
        %get3A_1166 = tpu.vector_load %arg13[%get3A_1164, %get3A_1165] {strides = array<i32>} : memref<192x128xf32, #tpu.memory_space<vmem>>, vector<1x16xf32>,
        %get3A_1167 = vector.shape_cast %get3A_1166 : vector<1x16xf32> to vector<16xf32>
        %add3A_1168 = arith.addf %add3A_1161, %get3A_1167 : vector<16xf32>
        %max3A_1169 = arith.constant 0.000000e+00 : f32
        %max3A_1170 = vector.broadcast %max3A_1169 : f32 to vector<16xf32>
        %max3A_1171 = arith.maximumf %add3A_1168, %max3A_1170 : vector<16xf32>
        %swap3A_1172 = arith.index_cast %scan3A_1075 : i32 to index
        %swap3A_1173 = arith.constant 48 : index
        %swap3A_1174 = tpu.vector_load %arg13[%swap3A_1172, %swap3A_1173] {strides = array<i32>} : memref<192x128xf32, #tpu.memory_space<vmem>>, vector<1x16xf32>,
        %swap3A_1175 = vector.shape_cast %swap3A_1174 : vector<1x16xf32> to vector<16xf32>
        %swap3A_1176 = vector.shape_cast %max3A_1171 : vector<16xf32> to vector<1x16xf32>
        tpu.vector_store %arg13[%swap3A_1172, %swap3A_1173], %swap3A_1176 {strides = array<i32>} : memref<192x128xf32, #tpu.memory_space<vmem>>, vector<1x16xf32>,
        %get3A_1177 = arith.index_cast %scan3A_1075 : i32 to index
        %get3A_1178 = arith.constant 64 : index
        %get3A_1179 = tpu.vector_load %arg13[%get3A_1177, %get3A_1178] {strides = array<i32>} : memref<192x128xf32, #tpu.memory_space<vmem>>, vector<1x16xf32>,
        %get3A_1180 = vector.shape_cast %get3A_1179 : vector<1x16xf32> to vector<16xf32>
        %add3A_1181 = arith.constant 64 : i32
        %add3A_1182 = arith.addi %add3A_1181, %scan3A_1075 : i32
        %get3A_1183 = arith.index_cast %add3A_1182 : i32 to index
        %get3A_1184 = arith.constant 64 : index
        %get3A_1185 = tpu.vector_load %arg13[%get3A_1183, %get3A_1184] {strides = array<i32>} : memref<192x128xf32, #tpu.memory_space<vmem>>, vector<1x16xf32>,
        %get3A_1186 = vector.shape_cast %get3A_1185 : vector<1x16xf32> to vector<16xf32>
        %add3A_1187 = arith.addf %get3A_1180, %get3A_1186 : vector<16xf32>
        %add3A_1188 = arith.constant 128 : i32
        %add3A_1189 = arith.addi %add3A_1188, %scan3A_1075 : i32
        %get3A_1190 = arith.index_cast %add3A_1189 : i32 to index
        %get3A_1191 = arith.constant 64 : index
        %get3A_1192 = tpu.vector_load %arg13[%get3A_1190, %get3A_1191] {strides = array<i32>} : memref<192x128xf32, #tpu.memory_space<vmem>>, vector<1x16xf32>,
        %get3A_1193 = vector.shape_cast %get3A_1192 : vector<1x16xf32> to vector<16xf32>
        %add3A_1194 = arith.addf %add3A_1187, %get3A_1193 : vector<16xf32>
        %max3A_1195 = arith.constant 0.000000e+00 : f32
        %max3A_1196 = vector.broadcast %max3A_1195 : f32 to vector<16xf32>
        %max3A_1197 = arith.maximumf %add3A_1194, %max3A_1196 : vector<16xf32>
        %swap3A_1198 = arith.index_cast %scan3A_1075 : i32 to index
        %swap3A_1199 = arith.constant 64 : index
        %swap3A_1200 = tpu.vector_load %arg13[%swap3A_1198, %swap3A_1199] {strides = array<i32>} : memref<192x128xf32, #tpu.memory_space<vmem>>, vector<1x16xf32>,
        %swap3A_1201 = vector.shape_cast %swap3A_1200 : vector<1x16xf32> to vector<16xf32>
        %swap3A_1202 = vector.shape_cast %max3A_1197 : vector<16xf32> to vector<1x16xf32>
        tpu.vector_store %arg13[%swap3A_1198, %swap3A_1199], %swap3A_1202 {strides = array<i32>} : memref<192x128xf32, #tpu.memory_space<vmem>>, vector<1x16xf32>,
        %get3A_1203 = arith.index_cast %scan3A_1075 : i32 to index
        %get3A_1204 = arith.constant 80 : index
        %get3A_1205 = tpu.vector_load %arg13[%get3A_1203, %get3A_1204] {strides = array<i32>} : memref<192x128xf32, #tpu.memory_space<vmem>>, vector<1x16xf32>,
        %get3A_1206 = vector.shape_cast %get3A_1205 : vector<1x16xf32> to vector<16xf32>
        %add3A_1207 = arith.constant 64 : i32
        %add3A_1208 = arith.addi %add3A_1207, %scan3A_1075 : i32
        %get3A_1209 = arith.index_cast %add3A_1208 : i32 to index
        %get3A_1210 = arith.constant 80 : index
        %get3A_1211 = tpu.vector_load %arg13[%get3A_1209, %get3A_1210] {strides = array<i32>} : memref<192x128xf32, #tpu.memory_space<vmem>>, vector<1x16xf32>,
        %get3A_1212 = vector.shape_cast %get3A_1211 : vector<1x16xf32> to vector<16xf32>
        %add3A_1213 = arith.addf %get3A_1206, %get3A_1212 : vector<16xf32>
        %add3A_1214 = arith.constant 128 : i32
        %add3A_1215 = arith.addi %add3A_1214, %scan3A_1075 : i32
        %get3A_1216 = arith.index_cast %add3A_1215 : i32 to index
        %get3A_1217 = arith.constant 80 : index
        %get3A_1218 = tpu.vector_load %arg13[%get3A_1216, %get3A_1217] {strides = array<i32>} : memref<192x128xf32, #tpu.memory_space<vmem>>, vector<1x16xf32>,
        %get3A_1219 = vector.shape_cast %get3A_1218 : vector<1x16xf32> to vector<16xf32>
        %add3A_1220 = arith.addf %add3A_1213, %get3A_1219 : vector<16xf32>
        %max3A_1221 = arith.constant 0.000000e+00 : f32
        %max3A_1222 = vector.broadcast %max3A_1221 : f32 to vector<16xf32>
        %max3A_1223 = arith.maximumf %add3A_1220, %max3A_1222 : vector<16xf32>
        %swap3A_1224 = arith.index_cast %scan3A_1075 : i32 to index
        %swap3A_1225 = arith.constant 80 : index
        %swap3A_1226 = tpu.vector_load %arg13[%swap3A_1224, %swap3A_1225] {strides = array<i32>} : memref<192x128xf32, #tpu.memory_space<vmem>>, vector<1x16xf32>,
        %swap3A_1227 = vector.shape_cast %swap3A_1226 : vector<1x16xf32> to vector<16xf32>
        %swap3A_1228 = vector.shape_cast %max3A_1223 : vector<16xf32> to vector<1x16xf32>
        tpu.vector_store %arg13[%swap3A_1224, %swap3A_1225], %swap3A_1228 {strides = array<i32>} : memref<192x128xf32, #tpu.memory_space<vmem>>, vector<1x16xf32>,
        %get3A_1229 = arith.index_cast %scan3A_1075 : i32 to index
        %get3A_1230 = arith.constant 96 : index
        %get3A_1231 = tpu.vector_load %arg13[%get3A_1229, %get3A_1230] {strides = array<i32>} : memref<192x128xf32, #tpu.memory_space<vmem>>, vector<1x16xf32>,
        %get3A_1232 = vector.shape_cast %get3A_1231 : vector<1x16xf32> to vector<16xf32>
        %add3A_1233 = arith.constant 64 : i32
        %add3A_1234 = arith.addi %add3A_1233, %scan3A_1075 : i32
        %get3A_1235 = arith.index_cast %add3A_1234 : i32 to index
        %get3A_1236 = arith.constant 96 : index
        %get3A_1237 = tpu.vector_load %arg13[%get3A_1235, %get3A_1236] {strides = array<i32>} : memref<192x128xf32, #tpu.memory_space<vmem>>, vector<1x16xf32>,
        %get3A_1238 = vector.shape_cast %get3A_1237 : vector<1x16xf32> to vector<16xf32>
        %add3A_1239 = arith.addf %get3A_1232, %get3A_1238 : vector<16xf32>
        %add3A_1240 = arith.constant 128 : i32
        %add3A_1241 = arith.addi %add3A_1240, %scan3A_1075 : i32
        %get3A_1242 = arith.index_cast %add3A_1241 : i32 to index
        %get3A_1243 = arith.constant 96 : index
        %get3A_1244 = tpu.vector_load %arg13[%get3A_1242, %get3A_1243] {strides = array<i32>} : memref<192x128xf32, #tpu.memory_space<vmem>>, vector<1x16xf32>,
        %get3A_1245 = vector.shape_cast %get3A_1244 : vector<1x16xf32> to vector<16xf32>
        %add3A_1246 = arith.addf %add3A_1239, %get3A_1245 : vector<16xf32>
        %max3A_1247 = arith.constant 0.000000e+00 : f32
        %max3A_1248 = vector.broadcast %max3A_1247 : f32 to vector<16xf32>
        %max3A_1249 = arith.maximumf %add3A_1246, %max3A_1248 : vector<16xf32>
        %swap3A_1250 = arith.index_cast %scan3A_1075 : i32 to index
        %swap3A_1251 = arith.constant 96 : index
        %swap3A_1252 = tpu.vector_load %arg13[%swap3A_1250, %swap3A_1251] {strides = array<i32>} : memref<192x128xf32, #tpu.memory_space<vmem>>, vector<1x16xf32>,
        %swap3A_1253 = vector.shape_cast %swap3A_1252 : vector<1x16xf32> to vector<16xf32>
        %swap3A_1254 = vector.shape_cast %max3A_1249 : vector<16xf32> to vector<1x16xf32>
        tpu.vector_store %arg13[%swap3A_1250, %swap3A_1251], %swap3A_1254 {strides = array<i32>} : memref<192x128xf32, #tpu.memory_space<vmem>>, vector<1x16xf32>,
        %get3A_1255 = arith.index_cast %scan3A_1075 : i32 to index
        %get3A_1256 = arith.constant 112 : index
        %get3A_1257 = tpu.vector_load %arg13[%get3A_1255, %get3A_1256] {strides = array<i32>} : memref<192x128xf32, #tpu.memory_space<vmem>>, vector<1x16xf32>,
        %get3A_1258 = vector.shape_cast %get3A_1257 : vector<1x16xf32> to vector<16xf32>
        %add3A_1259 = arith.constant 64 : i32
        %add3A_1260 = arith.addi %add3A_1259, %scan3A_1075 : i32
        %get3A_1261 = arith.index_cast %add3A_1260 : i32 to index
        %get3A_1262 = arith.constant 112 : index
        %get3A_1263 = tpu.vector_load %arg13[%get3A_1261, %get3A_1262] {strides = array<i32>} : memref<192x128xf32, #tpu.memory_space<vmem>>, vector<1x16xf32>,
        %get3A_1264 = vector.shape_cast %get3A_1263 : vector<1x16xf32> to vector<16xf32>
        %add3A_1265 = arith.addf %get3A_1258, %get3A_1264 : vector<16xf32>
        %add3A_1266 = arith.constant 128 : i32
        %add3A_1267 = arith.addi %add3A_1266, %scan3A_1075 : i32
        %get3A_1268 = arith.index_cast %add3A_1267 : i32 to index
        %get3A_1269 = arith.constant 112 : index
        %get3A_1270 = tpu.vector_load %arg13[%get3A_1268, %get3A_1269] {strides = array<i32>} : memref<192x128xf32, #tpu.memory_space<vmem>>, vector<1x16xf32>,
        %get3A_1271 = vector.shape_cast %get3A_1270 : vector<1x16xf32> to vector<16xf32>
        %add3A_1272 = arith.addf %add3A_1265, %get3A_1271 : vector<16xf32>
        %max3A_1273 = arith.constant 0.000000e+00 : f32
        %max3A_1274 = vector.broadcast %max3A_1273 : f32 to vector<16xf32>
        %max3A_1275 = arith.maximumf %add3A_1272, %max3A_1274 : vector<16xf32>
        %swap3A_1276 = arith.index_cast %scan3A_1075 : i32 to index
        %swap3A_1277 = arith.constant 112 : index
        %swap3A_1278 = tpu.vector_load %arg13[%swap3A_1276, %swap3A_1277] {strides = array<i32>} : memref<192x128xf32, #tpu.memory_space<vmem>>, vector<1x16xf32>,
        %swap3A_1279 = vector.shape_cast %swap3A_1278 : vector<1x16xf32> to vector<16xf32>
        %swap3A_1280 = vector.shape_cast %max3A_1275 : vector<16xf32> to vector<1x16xf32>
        tpu.vector_store %arg13[%swap3A_1276, %swap3A_1277], %swap3A_1280 {strides = array<i32>} : memref<192x128xf32, #tpu.memory_space<vmem>>, vector<1x16xf32>,
      }
      %scan3A_793 = arith.constant 64 : i32
      %jit3A_794 = arith.constant 2 : i32
      %div3A_795 = arith.divsi %add3A_750, %jit3A_794 : i32
      %sign3A_796 = arith.constant 0 : i32
      %sign3A_797 = arith.cmpi sgt, %add3A_750, %sign3A_796 : i32
      %sign3A_798 = arith.extui %sign3A_797 : i1 to i32
      %sign3A_799 = arith.constant 0 : i32
      %sign3A_800 = arith.cmpi slt, %add3A_750, %sign3A_799 : i32
      %sign3A_801 = arith.extui %sign3A_800 : i1 to i32
      %sign3A_802 = arith.subi %sign3A_798, %sign3A_801 : i32
      %sign3A_803 = arith.constant 0 : i32
      %sign3A_804 = arith.cmpi sgt, %jit3A_794, %sign3A_803 : i32
      %sign3A_805 = arith.extui %sign3A_804 : i1 to i32
      %sign3A_806 = arith.constant 0 : i32
      %sign3A_807 = arith.cmpi slt, %jit3A_794, %sign3A_806 : i32
      %sign3A_808 = arith.extui %sign3A_807 : i1 to i32
      %sign3A_809 = arith.subi %sign3A_805, %sign3A_808 : i32
      %ne3A_810 = arith.cmpi ne, %sign3A_802, %sign3A_809 : i32
      %rem3A_811 = arith.remsi %add3A_750, %jit3A_794 : i32
      %ne3A_812 = arith.constant 0 : i32
      %ne3A_813 = arith.cmpi ne, %rem3A_811, %ne3A_812 : i32
      %and3A_814 = arith.andi %ne3A_810, %ne3A_813 : i1
      %sub3A_815 = arith.constant 1 : i32
      %sub3A_816 = arith.subi %div3A_795, %sub3A_815 : i32
      %select_n3A_817 = arith.select %and3A_814, %sub3A_816, %div3A_795 : i32
      %jit3A_818 = arith.constant 2 : i32
      %eq3A_819 = arith.constant 0 : i32
      %eq3A_820 = arith.cmpi eq, %jit3A_818, %eq3A_819 : i32
      %jit3A_821 = arith.constant 1 : i32
      %select_n3A_822 = arith.select %eq3A_820, %jit3A_821, %jit3A_818 : i32
      %rem3A_823 = arith.remsi %add3A_750, %select_n3A_822 : i32
      %ne3A_824 = arith.constant 0 : i32
      %ne3A_825 = arith.cmpi ne, %rem3A_823, %ne3A_824 : i32
      %lt3A_826 = arith.constant 0 : i32
      %lt3A_827 = arith.cmpi slt, %rem3A_823, %lt3A_826 : i32
      %lt3A_828 = arith.constant 0 : i32
      %lt3A_829 = arith.cmpi slt, %select_n3A_822, %lt3A_828 : i32
      %ne3A_830 = arith.xori %lt3A_827, %lt3A_829 : i1
      %and3A_831 = arith.andi %ne3A_830, %ne3A_825 : i1
      %add3A_832 = arith.addi %rem3A_823, %select_n3A_822 : i32
      %select_n3A_833 = arith.select %and3A_831, %add3A_832, %rem3A_823 : i32
      %mul3A_834 = arith.constant 64 : i32
      %mul3A_835 = arith.muli %select_n3A_833, %mul3A_834 : i32
      %add3A_836 = arith.addi %mul3A_2, %mul3A_835 : i32
      %dma_start3A_837 = arith.constant 0 : i32
      %dma_start3A_838 = arith.constant 0 : i32
      %dma_start3A_839 = tpu.memref_slice %arg13[%dma_start3A_837, %dma_start3A_838] : memref<192x128xf32, #tpu.memory_space<vmem>> -> memref<64x128xf32, #tpu.memory_space<vmem>>
      %dma_start3A_840 = arith.constant 0 : i32
      %dma_start3A_841 = tpu.memref_slice %arg6[%select_n3A_817, %add3A_836, %dma_start3A_840] : memref<50x4096x128xf32, #tpu.memory_space<hbm>> -> memref<1x64x128xf32, #tpu.memory_space<hbm>>
      %dma_start3A_842 = tpu.memref_squeeze %dma_start3A_841 : memref<1x64x128xf32, #tpu.memory_space<hbm>> -> memref<64x128xf32, #tpu.memory_space<hbm>>
      %dma_start3A_843 = arith.constant 0 : i32
      %dma_start3A_844 = tpu.memref_slice %arg6[%select_n3A_817, %add3A_836, %dma_start3A_843] : memref<50x4096x128xf32, #tpu.memory_space<hbm>> -> memref<1x64x128xf32, #tpu.memory_space<hbm>>
      %dma_start3A_845 = tpu.memref_squeeze %dma_start3A_844 : memref<1x64x128xf32, #tpu.memory_space<hbm>> -> memref<64x128xf32, #tpu.memory_space<hbm>>
      %dma_start3A_846 = arith.constant 0 : i32
      %dma_start3A_847 = arith.constant 0 : i32
      %dma_start3A_848 = tpu.memref_slice %arg13[%dma_start3A_846, %dma_start3A_847] : memref<192x128xf32, #tpu.memory_space<vmem>> -> memref<64x128xf32, #tpu.memory_space<vmem>>
      tpu.enqueue_dma source(%dma_start3A_848 : memref<64x128xf32, #tpu.memory_space<vmem>>) target(%dma_start3A_845 : memref<64x128xf32, #tpu.memory_space<hbm>>) target_semaphore(%arg25 : memref<!tpu.dma_semaphore, #tpu.memory_space<semaphore_mem>>)
      %jit3A_849 = arith.constant 2 : i32
      %div3A_850 = arith.divsi %add3A_750, %jit3A_849 : i32
      %sign3A_851 = arith.constant 0 : i32
      %sign3A_852 = arith.cmpi sgt, %add3A_750, %sign3A_851 : i32
      %sign3A_853 = arith.extui %sign3A_852 : i1 to i32
      %sign3A_854 = arith.constant 0 : i32
      %sign3A_855 = arith.cmpi slt, %add3A_750, %sign3A_854 : i32
      %sign3A_856 = arith.extui %sign3A_855 : i1 to i32
      %sign3A_857 = arith.subi %sign3A_853, %sign3A_856 : i32
      %sign3A_858 = arith.constant 0 : i32
      %sign3A_859 = arith.cmpi sgt, %jit3A_849, %sign3A_858 : i32
      %sign3A_860 = arith.extui %sign3A_859 : i1 to i32
      %sign3A_861 = arith.constant 0 : i32
      %sign3A_862 = arith.cmpi slt, %jit3A_849, %sign3A_861 : i32
      %sign3A_863 = arith.extui %sign3A_862 : i1 to i32
      %sign3A_864 = arith.subi %sign3A_860, %sign3A_863 : i32
      %ne3A_865 = arith.cmpi ne, %sign3A_857, %sign3A_864 : i32
      %rem3A_866 = arith.remsi %add3A_750, %jit3A_849 : i32
      %ne3A_867 = arith.constant 0 : i32
      %ne3A_868 = arith.cmpi ne, %rem3A_866, %ne3A_867 : i32
      %and3A_869 = arith.andi %ne3A_865, %ne3A_868 : i1
      %sub3A_870 = arith.constant 1 : i32
      %sub3A_871 = arith.subi %div3A_850, %sub3A_870 : i32
      %select_n3A_872 = arith.select %and3A_869, %sub3A_871, %div3A_850 : i32
      %jit3A_873 = arith.constant 2 : i32
      %eq3A_874 = arith.constant 0 : i32
      %eq3A_875 = arith.cmpi eq, %jit3A_873, %eq3A_874 : i32
      %jit3A_876 = arith.constant 1 : i32
      %select_n3A_877 = arith.select %eq3A_875, %jit3A_876, %jit3A_873 : i32
      %rem3A_878 = arith.remsi %add3A_750, %select_n3A_877 : i32
      %ne3A_879 = arith.constant 0 : i32
      %ne3A_880 = arith.cmpi ne, %rem3A_878, %ne3A_879 : i32
      %lt3A_881 = arith.constant 0 : i32
      %lt3A_882 = arith.cmpi slt, %rem3A_878, %lt3A_881 : i32
      %lt3A_883 = arith.constant 0 : i32
      %lt3A_884 = arith.cmpi slt, %select_n3A_877, %lt3A_883 : i32
      %ne3A_885 = arith.xori %lt3A_882, %lt3A_884 : i1
      %and3A_886 = arith.andi %ne3A_885, %ne3A_880 : i1
      %add3A_887 = arith.addi %rem3A_878, %select_n3A_877 : i32
      %select_n3A_888 = arith.select %and3A_886, %add3A_887, %rem3A_878 : i32
      %mul3A_889 = arith.constant 64 : i32
      %mul3A_890 = arith.muli %select_n3A_888, %mul3A_889 : i32
      %add3A_891 = arith.addi %mul3A_2, %mul3A_890 : i32
      %dma_wait3A_892 = arith.constant 0 : i32
      %dma_wait3A_893 = arith.constant 0 : i32
      %dma_wait3A_894 = tpu.memref_slice %arg13[%dma_wait3A_892, %dma_wait3A_893] : memref<192x128xf32, #tpu.memory_space<vmem>> -> memref<64x128xf32, #tpu.memory_space<vmem>>
      %dma_wait3A_895 = arith.constant 0 : i32
      %dma_wait3A_896 = tpu.memref_slice %arg6[%select_n3A_872, %add3A_891, %dma_wait3A_895] : memref<50x4096x128xf32, #tpu.memory_space<hbm>> -> memref<1x64x128xf32, #tpu.memory_space<hbm>>
      %dma_wait3A_897 = tpu.memref_squeeze %dma_wait3A_896 : memref<1x64x128xf32, #tpu.memory_space<hbm>> -> memref<64x128xf32, #tpu.memory_space<hbm>>
      %dma_wait3A_898 = arith.constant 0 : i32
      %dma_wait3A_899 = tpu.memref_slice %arg6[%select_n3A_872, %add3A_891, %dma_wait3A_898] : memref<50x4096x128xf32, #tpu.memory_space<hbm>> -> memref<1x64x128xf32, #tpu.memory_space<hbm>>
      %dma_wait3A_900 = tpu.memref_squeeze %dma_wait3A_899 : memref<1x64x128xf32, #tpu.memory_space<hbm>> -> memref<64x128xf32, #tpu.memory_space<hbm>>
      %dma_wait3A_901 = arith.constant 0 : i32
      %dma_wait3A_902 = arith.constant 0 : i32
      %dma_wait3A_903 = tpu.memref_slice %arg13[%dma_wait3A_901, %dma_wait3A_902] : memref<192x128xf32, #tpu.memory_space<vmem>> -> memref<64x128xf32, #tpu.memory_space<vmem>>
      tpu.wait_dma2 semaphore(%arg25 : memref<!tpu.dma_semaphore, #tpu.memory_space<semaphore_mem>>) src(%dma_wait3A_903 : memref<64x128xf32, #tpu.memory_space<vmem>>) dst(%dma_wait3A_900 : memref<64x128xf32, #tpu.memory_space<hbm>>)
      %add3A_904 = arith.constant 4 : i32
      %add3A_905 = arith.addi %add3A_750, %add3A_904 : i32
      %lt3A_906 = arith.constant 100 : i32
      %lt3A_907 = arith.cmpi slt, %add3A_905, %lt3A_906 : i32
      %convert_element_type3A_908 = arith.extui %lt3A_907 : i1 to i32
      %cond3A_909 = arith.constant 0 : i32
      %cond3A_910 = arith.cmpi ne, %convert_element_type3A_908, %cond3A_909 : i32
      scf.if %cond3A_910 {
        %add3A_1075 = arith.constant 4 : i32
        %add3A_1076 = arith.addi %add3A_750, %add3A_1075 : i32
        %jit3A_1077 = arith.constant 2 : i32
        %div3A_1078 = arith.divsi %add3A_1076, %jit3A_1077 : i32
        %sign3A_1079 = arith.constant 0 : i32
        %sign3A_1080 = arith.cmpi sgt, %add3A_1076, %sign3A_1079 : i32
        %sign3A_1081 = arith.extui %sign3A_1080 : i1 to i32
        %sign3A_1082 = arith.constant 0 : i32
        %sign3A_1083 = arith.cmpi slt, %add3A_1076, %sign3A_1082 : i32
        %sign3A_1084 = arith.extui %sign3A_1083 : i1 to i32
        %sign3A_1085 = arith.subi %sign3A_1081, %sign3A_1084 : i32
        %sign3A_1086 = arith.constant 0 : i32
        %sign3A_1087 = arith.cmpi sgt, %jit3A_1077, %sign3A_1086 : i32
        %sign3A_1088 = arith.extui %sign3A_1087 : i1 to i32
        %sign3A_1089 = arith.constant 0 : i32
        %sign3A_1090 = arith.cmpi slt, %jit3A_1077, %sign3A_1089 : i32
        %sign3A_1091 = arith.extui %sign3A_1090 : i1 to i32
        %sign3A_1092 = arith.subi %sign3A_1088, %sign3A_1091 : i32
        %ne3A_1093 = arith.cmpi ne, %sign3A_1085, %sign3A_1092 : i32
        %rem3A_1094 = arith.remsi %add3A_1076, %jit3A_1077 : i32
        %ne3A_1095 = arith.constant 0 : i32
        %ne3A_1096 = arith.cmpi ne, %rem3A_1094, %ne3A_1095 : i32
        %and3A_1097 = arith.andi %ne3A_1093, %ne3A_1096 : i1
        %sub3A_1098 = arith.constant 1 : i32
        %sub3A_1099 = arith.subi %div3A_1078, %sub3A_1098 : i32
        %select_n3A_1100 = arith.select %and3A_1097, %sub3A_1099, %div3A_1078 : i32
        %jit3A_1101 = arith.constant 2 : i32
        %eq3A_1102 = arith.constant 0 : i32
        %eq3A_1103 = arith.cmpi eq, %jit3A_1101, %eq3A_1102 : i32
        %jit3A_1104 = arith.constant 1 : i32
        %select_n3A_1105 = arith.select %eq3A_1103, %jit3A_1104, %jit3A_1101 : i32
        %rem3A_1106 = arith.remsi %add3A_1076, %select_n3A_1105 : i32
        %ne3A_1107 = arith.constant 0 : i32
        %ne3A_1108 = arith.cmpi ne, %rem3A_1106, %ne3A_1107 : i32
        %lt3A_1109 = arith.constant 0 : i32
        %lt3A_1110 = arith.cmpi slt, %rem3A_1106, %lt3A_1109 : i32
        %lt3A_1111 = arith.constant 0 : i32
        %lt3A_1112 = arith.cmpi slt, %select_n3A_1105, %lt3A_1111 : i32
        %ne3A_1113 = arith.xori %lt3A_1110, %lt3A_1112 : i1
        %and3A_1114 = arith.andi %ne3A_1113, %ne3A_1108 : i1
        %add3A_1115 = arith.addi %rem3A_1106, %select_n3A_1105 : i32
        %select_n3A_1116 = arith.select %and3A_1114, %add3A_1115, %rem3A_1106 : i32
        %mul3A_1117 = arith.constant 64 : i32
        %mul3A_1118 = arith.muli %select_n3A_1116, %mul3A_1117 : i32
        %add3A_1119 = arith.addi %mul3A_2, %mul3A_1118 : i32
        %dma_wait3A_1120 = arith.constant 0 : i32
        %dma_wait3A_1121 = arith.constant 0 : i32
        %dma_wait3A_1122 = tpu.memref_slice %arg9[%dma_wait3A_1120, %dma_wait3A_1121] : memref<3x64xi32, #tpu.memory_space<vmem>> -> memref<1x64xi32, #tpu.memory_space<vmem>>
        %dma_wait3A_1123 = tpu.memref_squeeze %dma_wait3A_1122 : memref<1x64xi32, #tpu.memory_space<vmem>> -> memref<64xi32, #tpu.memory_space<vmem>>
        %dma_wait3A_1124 = tpu.memref_slice %arg3[%select_n3A_1100, %add3A_1119] : memref<50x4096xi32, #tpu.memory_space<hbm>> -> memref<1x64xi32, #tpu.memory_space<hbm>>
        %dma_wait3A_1125 = tpu.memref_squeeze %dma_wait3A_1124 : memref<1x64xi32, #tpu.memory_space<hbm>> -> memref<64xi32, #tpu.memory_space<hbm>>
        %dma_wait3A_1126 = arith.constant 0 : i32
        %dma_wait3A_1127 = tpu.memref_slice %arg9[%dma_wait3A_1120, %dma_wait3A_1126] : memref<3x64xi32, #tpu.memory_space<vmem>> -> memref<1x64xi32, #tpu.memory_space<vmem>>
        %dma_wait3A_1128 = tpu.memref_squeeze %dma_wait3A_1127 : memref<1x64xi32, #tpu.memory_space<vmem>> -> memref<64xi32, #tpu.memory_space<vmem>>
        %dma_wait3A_1129 = tpu.memref_slice %arg3[%select_n3A_1100, %add3A_1119] : memref<50x4096xi32, #tpu.memory_space<hbm>> -> memref<1x64xi32, #tpu.memory_space<hbm>>
        %dma_wait3A_1130 = tpu.memref_squeeze %dma_wait3A_1129 : memref<1x64xi32, #tpu.memory_space<hbm>> -> memref<64xi32, #tpu.memory_space<hbm>>
        tpu.wait_dma2 semaphore(%arg17 : memref<!tpu.dma_semaphore, #tpu.memory_space<semaphore_mem>>) src(%dma_wait3A_1130 : memref<64xi32, #tpu.memory_space<hbm>>) dst(%dma_wait3A_1128 : memref<64xi32, #tpu.memory_space<vmem>>)
        %dma_wait3A_1131 = arith.constant 1 : i32
        %dma_wait3A_1132 = arith.constant 0 : i32
        %dma_wait3A_1133 = tpu.memref_slice %arg9[%dma_wait3A_1131, %dma_wait3A_1132] : memref<3x64xi32, #tpu.memory_space<vmem>> -> memref<1x64xi32, #tpu.memory_space<vmem>>
        %dma_wait3A_1134 = tpu.memref_squeeze %dma_wait3A_1133 : memref<1x64xi32, #tpu.memory_space<vmem>> -> memref<64xi32, #tpu.memory_space<vmem>>
        %dma_wait3A_1135 = tpu.memref_slice %arg4[%select_n3A_1100, %add3A_1119] : memref<50x4096xi32, #tpu.memory_space<hbm>> -> memref<1x64xi32, #tpu.memory_space<hbm>>
        %dma_wait3A_1136 = tpu.memref_squeeze %dma_wait3A_1135 : memref<1x64xi32, #tpu.memory_space<hbm>> -> memref<64xi32, #tpu.memory_space<hbm>>
        %dma_wait3A_1137 = arith.constant 0 : i32
        %dma_wait3A_1138 = tpu.memref_slice %arg9[%dma_wait3A_1131, %dma_wait3A_1137] : memref<3x64xi32, #tpu.memory_space<vmem>> -> memref<1x64xi32, #tpu.memory_space<vmem>>
        %dma_wait3A_1139 = tpu.memref_squeeze %dma_wait3A_1138 : memref<1x64xi32, #tpu.memory_space<vmem>> -> memref<64xi32, #tpu.memory_space<vmem>>
        %dma_wait3A_1140 = tpu.memref_slice %arg4[%select_n3A_1100, %add3A_1119] : memref<50x4096xi32, #tpu.memory_space<hbm>> -> memref<1x64xi32, #tpu.memory_space<hbm>>
        %dma_wait3A_1141 = tpu.memref_squeeze %dma_wait3A_1140 : memref<1x64xi32, #tpu.memory_space<hbm>> -> memref<64xi32, #tpu.memory_space<hbm>>
        tpu.wait_dma2 semaphore(%arg17 : memref<!tpu.dma_semaphore, #tpu.memory_space<semaphore_mem>>) src(%dma_wait3A_1141 : memref<64xi32, #tpu.memory_space<hbm>>) dst(%dma_wait3A_1139 : memref<64xi32, #tpu.memory_space<vmem>>)
        %dma_wait3A_1142 = arith.constant 2 : i32
        %dma_wait3A_1143 = arith.constant 0 : i32
        %dma_wait3A_1144 = tpu.memref_slice %arg9[%dma_wait3A_1142, %dma_wait3A_1143] : memref<3x64xi32, #tpu.memory_space<vmem>> -> memref<1x64xi32, #tpu.memory_space<vmem>>
        %dma_wait3A_1145 = tpu.memref_squeeze %dma_wait3A_1144 : memref<1x64xi32, #tpu.memory_space<vmem>> -> memref<64xi32, #tpu.memory_space<vmem>>
        %dma_wait3A_1146 = tpu.memref_slice %arg5[%select_n3A_1100, %add3A_1119] : memref<50x4096xi32, #tpu.memory_space<hbm>> -> memref<1x64xi32, #tpu.memory_space<hbm>>
        %dma_wait3A_1147 = tpu.memref_squeeze %dma_wait3A_1146 : memref<1x64xi32, #tpu.memory_space<hbm>> -> memref<64xi32, #tpu.memory_space<hbm>>
        %dma_wait3A_1148 = arith.constant 0 : i32
        %dma_wait3A_1149 = tpu.memref_slice %arg9[%dma_wait3A_1142, %dma_wait3A_1148] : memref<3x64xi32, #tpu.memory_space<vmem>> -> memref<1x64xi32, #tpu.memory_space<vmem>>
        %dma_wait3A_1150 = tpu.memref_squeeze %dma_wait3A_1149 : memref<1x64xi32, #tpu.memory_space<vmem>> -> memref<64xi32, #tpu.memory_space<vmem>>
        %dma_wait3A_1151 = tpu.memref_slice %arg5[%select_n3A_1100, %add3A_1119] : memref<50x4096xi32, #tpu.memory_space<hbm>> -> memref<1x64xi32, #tpu.memory_space<hbm>>
        %dma_wait3A_1152 = tpu.memref_squeeze %dma_wait3A_1151 : memref<1x64xi32, #tpu.memory_space<hbm>> -> memref<64xi32, #tpu.memory_space<hbm>>
        tpu.wait_dma2 semaphore(%arg17 : memref<!tpu.dma_semaphore, #tpu.memory_space<semaphore_mem>>) src(%dma_wait3A_1152 : memref<64xi32, #tpu.memory_space<hbm>>) dst(%dma_wait3A_1150 : memref<64xi32, #tpu.memory_space<vmem>>)
        %dma_start3A_1153 = arith.constant 0 : i32
        %dma_start3A_1154 = arith.constant 0 : i32
        %dma_start3A_1155 = arith.constant 0 : i32
        %dma_start3A_1156 = tpu.memref_slice %arg13[%dma_start3A_1154, %dma_start3A_1155] : memref<192x128xf32, #tpu.memory_space<vmem>> -> memref<64x128xf32, #tpu.memory_space<vmem>>
        %dma_start3A_1157 = arith.constant 0 : i32
        %dma_start3A_1158 = tpu.memref_slice %arg9[%dma_start3A_1153, %dma_start3A_1157] : memref<3x64xi32, #tpu.memory_space<vmem>> -> memref<1x64xi32, #tpu.memory_space<vmem>>
        %dma_start3A_1159 = tpu.memref_squeeze %dma_start3A_1158 : memref<1x64xi32, #tpu.memory_space<vmem>> -> memref<64xi32, #tpu.memory_space<vmem>>
        %dma_start3A_1160 = arith.constant 0 : i32
        %dma_start3A_1161 = arith.constant 0 : i32
        %dma_start3A_1162 = tpu.memref_slice %arg2[%dma_start3A_1160, %dma_start3A_1161] : memref<104000x128xf32, #tpu.memory_space<hbm>> -> memref<104000x128xf32, #tpu.memory_space<hbm>>
        tpu.enqueue_indirect_dma source(%dma_start3A_1162 : memref<104000x128xf32, #tpu.memory_space<hbm>>) target(%dma_start3A_1156 : memref<64x128xf32, #tpu.memory_space<vmem>>) offsets(%dma_start3A_1159 : memref<64xi32, #tpu.memory_space<vmem>>) semaphore(%arg21 : memref<!tpu.dma_semaphore, #tpu.memory_space<semaphore_mem>>)
        %dma_start3A_1163 = arith.constant 1 : i32
        %dma_start3A_1164 = arith.constant 64 : i32
        %dma_start3A_1165 = arith.constant 0 : i32
        %dma_start3A_1166 = tpu.memref_slice %arg13[%dma_start3A_1164, %dma_start3A_1165] : memref<192x128xf32, #tpu.memory_space<vmem>> -> memref<64x128xf32, #tpu.memory_space<vmem>>
        %dma_start3A_1167 = arith.constant 0 : i32
        %dma_start3A_1168 = tpu.memref_slice %arg9[%dma_start3A_1163, %dma_start3A_1167] : memref<3x64xi32, #tpu.memory_space<vmem>> -> memref<1x64xi32, #tpu.memory_space<vmem>>
        %dma_start3A_1169 = tpu.memref_squeeze %dma_start3A_1168 : memref<1x64xi32, #tpu.memory_space<vmem>> -> memref<64xi32, #tpu.memory_space<vmem>>
        %dma_start3A_1170 = arith.constant 0 : i32
        %dma_start3A_1171 = arith.constant 0 : i32
        %dma_start3A_1172 = tpu.memref_slice %arg2[%dma_start3A_1170, %dma_start3A_1171] : memref<104000x128xf32, #tpu.memory_space<hbm>> -> memref<104000x128xf32, #tpu.memory_space<hbm>>
        tpu.enqueue_indirect_dma source(%dma_start3A_1172 : memref<104000x128xf32, #tpu.memory_space<hbm>>) target(%dma_start3A_1166 : memref<64x128xf32, #tpu.memory_space<vmem>>) offsets(%dma_start3A_1169 : memref<64xi32, #tpu.memory_space<vmem>>) semaphore(%arg21 : memref<!tpu.dma_semaphore, #tpu.memory_space<semaphore_mem>>)
        %dma_start3A_1173 = arith.constant 2 : i32
        %dma_start3A_1174 = arith.constant 128 : i32
        %dma_start3A_1175 = arith.constant 0 : i32
        %dma_start3A_1176 = tpu.memref_slice %arg13[%dma_start3A_1174, %dma_start3A_1175] : memref<192x128xf32, #tpu.memory_space<vmem>> -> memref<64x128xf32, #tpu.memory_space<vmem>>
        %dma_start3A_1177 = arith.constant 0 : i32
        %dma_start3A_1178 = tpu.memref_slice %arg9[%dma_start3A_1173, %dma_start3A_1177] : memref<3x64xi32, #tpu.memory_space<vmem>> -> memref<1x64xi32, #tpu.memory_space<vmem>>
        %dma_start3A_1179 = tpu.memref_squeeze %dma_start3A_1178 : memref<1x64xi32, #tpu.memory_space<vmem>> -> memref<64xi32, #tpu.memory_space<vmem>>
        %dma_start3A_1180 = arith.constant 0 : i32
        %dma_start3A_1181 = arith.constant 0 : i32
        %dma_start3A_1182 = tpu.memref_slice %arg2[%dma_start3A_1180, %dma_start3A_1181] : memref<104000x128xf32, #tpu.memory_space<hbm>> -> memref<104000x128xf32, #tpu.memory_space<hbm>>
        tpu.enqueue_indirect_dma source(%dma_start3A_1182 : memref<104000x128xf32, #tpu.memory_space<hbm>>) target(%dma_start3A_1176 : memref<64x128xf32, #tpu.memory_space<vmem>>) offsets(%dma_start3A_1179 : memref<64xi32, #tpu.memory_space<vmem>>) semaphore(%arg21 : memref<!tpu.dma_semaphore, #tpu.memory_space<semaphore_mem>>)
      } else {
      }
      %mul3A_911 = arith.constant 4 : i32
      %mul3A_912 = arith.muli %mul3A_911, %scan3A_430 : i32
      %add3A_913 = arith.constant 3 : i32
      %add3A_914 = arith.addi %mul3A_912, %add3A_913 : i32
      %dma_wait3A_915 = arith.constant 0 : i32
      %dma_wait3A_916 = arith.constant 0 : i32
      %dma_wait3A_917 = arith.constant 0 : i32
      %dma_wait3A_918 = tpu.memref_slice %arg14[%dma_wait3A_916, %dma_wait3A_917] : memref<192x128xf32, #tpu.memory_space<vmem>> -> memref<64x128xf32, #tpu.memory_space<vmem>>
      %dma_wait3A_919 = arith.constant 0 : i32
      %dma_wait3A_920 = tpu.memref_slice %arg10[%dma_wait3A_915, %dma_wait3A_919] : memref<3x64xi32, #tpu.memory_space<vmem>> -> memref<1x64xi32, #tpu.memory_space<vmem>>
      %dma_wait3A_921 = tpu.memref_squeeze %dma_wait3A_920 : memref<1x64xi32, #tpu.memory_space<vmem>> -> memref<64xi32, #tpu.memory_space<vmem>>
      %dma_wait3A_922 = arith.constant 0 : i32
      %dma_wait3A_923 = arith.constant 0 : i32
      %dma_wait3A_924 = tpu.memref_slice %arg2[%dma_wait3A_922, %dma_wait3A_923] : memref<104000x128xf32, #tpu.memory_space<hbm>> -> memref<104000x128xf32, #tpu.memory_space<hbm>>
      tpu.wait_indirect_dma semaphore(%arg22 : memref<!tpu.dma_semaphore, #tpu.memory_space<semaphore_mem>>) src(%dma_wait3A_924 : memref<104000x128xf32, #tpu.memory_space<hbm>>) dst(%dma_wait3A_918 : memref<64x128xf32, #tpu.memory_space<vmem>>)
      %dma_wait3A_925 = arith.constant 1 : i32
      %dma_wait3A_926 = arith.constant 64 : i32
      %dma_wait3A_927 = arith.constant 0 : i32
      %dma_wait3A_928 = tpu.memref_slice %arg14[%dma_wait3A_926, %dma_wait3A_927] : memref<192x128xf32, #tpu.memory_space<vmem>> -> memref<64x128xf32, #tpu.memory_space<vmem>>
      %dma_wait3A_929 = arith.constant 0 : i32
      %dma_wait3A_930 = tpu.memref_slice %arg10[%dma_wait3A_925, %dma_wait3A_929] : memref<3x64xi32, #tpu.memory_space<vmem>> -> memref<1x64xi32, #tpu.memory_space<vmem>>
      %dma_wait3A_931 = tpu.memref_squeeze %dma_wait3A_930 : memref<1x64xi32, #tpu.memory_space<vmem>> -> memref<64xi32, #tpu.memory_space<vmem>>
      %dma_wait3A_932 = arith.constant 0 : i32
      %dma_wait3A_933 = arith.constant 0 : i32
      %dma_wait3A_934 = tpu.memref_slice %arg2[%dma_wait3A_932, %dma_wait3A_933] : memref<104000x128xf32, #tpu.memory_space<hbm>> -> memref<104000x128xf32, #tpu.memory_space<hbm>>
      tpu.wait_indirect_dma semaphore(%arg22 : memref<!tpu.dma_semaphore, #tpu.memory_space<semaphore_mem>>) src(%dma_wait3A_934 : memref<104000x128xf32, #tpu.memory_space<hbm>>) dst(%dma_wait3A_928 : memref<64x128xf32, #tpu.memory_space<vmem>>)
      %dma_wait3A_935 = arith.constant 2 : i32
      %dma_wait3A_936 = arith.constant 128 : i32
      %dma_wait3A_937 = arith.constant 0 : i32
      %dma_wait3A_938 = tpu.memref_slice %arg14[%dma_wait3A_936, %dma_wait3A_937] : memref<192x128xf32, #tpu.memory_space<vmem>> -> memref<64x128xf32, #tpu.memory_space<vmem>>
      %dma_wait3A_939 = arith.constant 0 : i32
      %dma_wait3A_940 = tpu.memref_slice %arg10[%dma_wait3A_935, %dma_wait3A_939] : memref<3x64xi32, #tpu.memory_space<vmem>> -> memref<1x64xi32, #tpu.memory_space<vmem>>
      %dma_wait3A_941 = tpu.memref_squeeze %dma_wait3A_940 : memref<1x64xi32, #tpu.memory_space<vmem>> -> memref<64xi32, #tpu.memory_space<vmem>>
      %dma_wait3A_942 = arith.constant 0 : i32
      %dma_wait3A_943 = arith.constant 0 : i32
      %dma_wait3A_944 = tpu.memref_slice %arg2[%dma_wait3A_942, %dma_wait3A_943] : memref<104000x128xf32, #tpu.memory_space<hbm>> -> memref<104000x128xf32, #tpu.memory_space<hbm>>
      tpu.wait_indirect_dma semaphore(%arg22 : memref<!tpu.dma_semaphore, #tpu.memory_space<semaphore_mem>>) src(%dma_wait3A_944 : memref<104000x128xf32, #tpu.memory_space<hbm>>) dst(%dma_wait3A_938 : memref<64x128xf32, #tpu.memory_space<vmem>>)
      %add3A_945 = arith.constant 4 : i32
      %add3A_946 = arith.addi %add3A_914, %add3A_945 : i32
      %lt3A_947 = arith.constant 100 : i32
      %lt3A_948 = arith.cmpi slt, %add3A_946, %lt3A_947 : i32
      %convert_element_type3A_949 = arith.extui %lt3A_948 : i1 to i32
      %cond3A_950 = arith.constant 0 : i32
      %cond3A_951 = arith.cmpi ne, %convert_element_type3A_949, %cond3A_950 : i32
      scf.if %cond3A_951 {
        %add3A_1075 = arith.constant 4 : i32
        %add3A_1076 = arith.addi %add3A_914, %add3A_1075 : i32
        %jit3A_1077 = arith.constant 2 : i32
        %div3A_1078 = arith.divsi %add3A_1076, %jit3A_1077 : i32
        %sign3A_1079 = arith.constant 0 : i32
        %sign3A_1080 = arith.cmpi sgt, %add3A_1076, %sign3A_1079 : i32
        %sign3A_1081 = arith.extui %sign3A_1080 : i1 to i32
        %sign3A_1082 = arith.constant 0 : i32
        %sign3A_1083 = arith.cmpi slt, %add3A_1076, %sign3A_1082 : i32
        %sign3A_1084 = arith.extui %sign3A_1083 : i1 to i32
        %sign3A_1085 = arith.subi %sign3A_1081, %sign3A_1084 : i32
        %sign3A_1086 = arith.constant 0 : i32
        %sign3A_1087 = arith.cmpi sgt, %jit3A_1077, %sign3A_1086 : i32
        %sign3A_1088 = arith.extui %sign3A_1087 : i1 to i32
        %sign3A_1089 = arith.constant 0 : i32
        %sign3A_1090 = arith.cmpi slt, %jit3A_1077, %sign3A_1089 : i32
        %sign3A_1091 = arith.extui %sign3A_1090 : i1 to i32
        %sign3A_1092 = arith.subi %sign3A_1088, %sign3A_1091 : i32
        %ne3A_1093 = arith.cmpi ne, %sign3A_1085, %sign3A_1092 : i32
        %rem3A_1094 = arith.remsi %add3A_1076, %jit3A_1077 : i32
        %ne3A_1095 = arith.constant 0 : i32
        %ne3A_1096 = arith.cmpi ne, %rem3A_1094, %ne3A_1095 : i32
        %and3A_1097 = arith.andi %ne3A_1093, %ne3A_1096 : i1
        %sub3A_1098 = arith.constant 1 : i32
        %sub3A_1099 = arith.subi %div3A_1078, %sub3A_1098 : i32
        %select_n3A_1100 = arith.select %and3A_1097, %sub3A_1099, %div3A_1078 : i32
        %jit3A_1101 = arith.constant 2 : i32
        %eq3A_1102 = arith.constant 0 : i32
        %eq3A_1103 = arith.cmpi eq, %jit3A_1101, %eq3A_1102 : i32
        %jit3A_1104 = arith.constant 1 : i32
        %select_n3A_1105 = arith.select %eq3A_1103, %jit3A_1104, %jit3A_1101 : i32
        %rem3A_1106 = arith.remsi %add3A_1076, %select_n3A_1105 : i32
        %ne3A_1107 = arith.constant 0 : i32
        %ne3A_1108 = arith.cmpi ne, %rem3A_1106, %ne3A_1107 : i32
        %lt3A_1109 = arith.constant 0 : i32
        %lt3A_1110 = arith.cmpi slt, %rem3A_1106, %lt3A_1109 : i32
        %lt3A_1111 = arith.constant 0 : i32
        %lt3A_1112 = arith.cmpi slt, %select_n3A_1105, %lt3A_1111 : i32
        %ne3A_1113 = arith.xori %lt3A_1110, %lt3A_1112 : i1
        %and3A_1114 = arith.andi %ne3A_1113, %ne3A_1108 : i1
        %add3A_1115 = arith.addi %rem3A_1106, %select_n3A_1105 : i32
        %select_n3A_1116 = arith.select %and3A_1114, %add3A_1115, %rem3A_1106 : i32
        %mul3A_1117 = arith.constant 64 : i32
        %mul3A_1118 = arith.muli %select_n3A_1116, %mul3A_1117 : i32
        %add3A_1119 = arith.addi %mul3A_2, %mul3A_1118 : i32
        %dma_start3A_1120 = arith.constant 0 : i32
        %dma_start3A_1121 = arith.constant 0 : i32
        %dma_start3A_1122 = tpu.memref_slice %arg10[%dma_start3A_1120, %dma_start3A_1121] : memref<3x64xi32, #tpu.memory_space<vmem>> -> memref<1x64xi32, #tpu.memory_space<vmem>>
        %dma_start3A_1123 = tpu.memref_squeeze %dma_start3A_1122 : memref<1x64xi32, #tpu.memory_space<vmem>> -> memref<64xi32, #tpu.memory_space<vmem>>
        %dma_start3A_1124 = tpu.memref_slice %arg3[%select_n3A_1100, %add3A_1119] : memref<50x4096xi32, #tpu.memory_space<hbm>> -> memref<1x64xi32, #tpu.memory_space<hbm>>
        %dma_start3A_1125 = tpu.memref_squeeze %dma_start3A_1124 : memref<1x64xi32, #tpu.memory_space<hbm>> -> memref<64xi32, #tpu.memory_space<hbm>>
        %dma_start3A_1126 = arith.constant 0 : i32
        %dma_start3A_1127 = tpu.memref_slice %arg10[%dma_start3A_1120, %dma_start3A_1126] : memref<3x64xi32, #tpu.memory_space<vmem>> -> memref<1x64xi32, #tpu.memory_space<vmem>>
        %dma_start3A_1128 = tpu.memref_squeeze %dma_start3A_1127 : memref<1x64xi32, #tpu.memory_space<vmem>> -> memref<64xi32, #tpu.memory_space<vmem>>
        %dma_start3A_1129 = tpu.memref_slice %arg3[%select_n3A_1100, %add3A_1119] : memref<50x4096xi32, #tpu.memory_space<hbm>> -> memref<1x64xi32, #tpu.memory_space<hbm>>
        %dma_start3A_1130 = tpu.memref_squeeze %dma_start3A_1129 : memref<1x64xi32, #tpu.memory_space<hbm>> -> memref<64xi32, #tpu.memory_space<hbm>>
        tpu.enqueue_dma source(%dma_start3A_1130 : memref<64xi32, #tpu.memory_space<hbm>>) target(%dma_start3A_1128 : memref<64xi32, #tpu.memory_space<vmem>>) target_semaphore(%arg18 : memref<!tpu.dma_semaphore, #tpu.memory_space<semaphore_mem>>)
        %dma_start3A_1131 = arith.constant 1 : i32
        %dma_start3A_1132 = arith.constant 0 : i32
        %dma_start3A_1133 = tpu.memref_slice %arg10[%dma_start3A_1131, %dma_start3A_1132] : memref<3x64xi32, #tpu.memory_space<vmem>> -> memref<1x64xi32, #tpu.memory_space<vmem>>
        %dma_start3A_1134 = tpu.memref_squeeze %dma_start3A_1133 : memref<1x64xi32, #tpu.memory_space<vmem>> -> memref<64xi32, #tpu.memory_space<vmem>>
        %dma_start3A_1135 = tpu.memref_slice %arg4[%select_n3A_1100, %add3A_1119] : memref<50x4096xi32, #tpu.memory_space<hbm>> -> memref<1x64xi32, #tpu.memory_space<hbm>>
        %dma_start3A_1136 = tpu.memref_squeeze %dma_start3A_1135 : memref<1x64xi32, #tpu.memory_space<hbm>> -> memref<64xi32, #tpu.memory_space<hbm>>
        %dma_start3A_1137 = arith.constant 0 : i32
        %dma_start3A_1138 = tpu.memref_slice %arg10[%dma_start3A_1131, %dma_start3A_1137] : memref<3x64xi32, #tpu.memory_space<vmem>> -> memref<1x64xi32, #tpu.memory_space<vmem>>
        %dma_start3A_1139 = tpu.memref_squeeze %dma_start3A_1138 : memref<1x64xi32, #tpu.memory_space<vmem>> -> memref<64xi32, #tpu.memory_space<vmem>>
        %dma_start3A_1140 = tpu.memref_slice %arg4[%select_n3A_1100, %add3A_1119] : memref<50x4096xi32, #tpu.memory_space<hbm>> -> memref<1x64xi32, #tpu.memory_space<hbm>>
        %dma_start3A_1141 = tpu.memref_squeeze %dma_start3A_1140 : memref<1x64xi32, #tpu.memory_space<hbm>> -> memref<64xi32, #tpu.memory_space<hbm>>
        tpu.enqueue_dma source(%dma_start3A_1141 : memref<64xi32, #tpu.memory_space<hbm>>) target(%dma_start3A_1139 : memref<64xi32, #tpu.memory_space<vmem>>) target_semaphore(%arg18 : memref<!tpu.dma_semaphore, #tpu.memory_space<semaphore_mem>>)
        %dma_start3A_1142 = arith.constant 2 : i32
        %dma_start3A_1143 = arith.constant 0 : i32
        %dma_start3A_1144 = tpu.memref_slice %arg10[%dma_start3A_1142, %dma_start3A_1143] : memref<3x64xi32, #tpu.memory_space<vmem>> -> memref<1x64xi32, #tpu.memory_space<vmem>>
        %dma_start3A_1145 = tpu.memref_squeeze %dma_start3A_1144 : memref<1x64xi32, #tpu.memory_space<vmem>> -> memref<64xi32, #tpu.memory_space<vmem>>
        %dma_start3A_1146 = tpu.memref_slice %arg5[%select_n3A_1100, %add3A_1119] : memref<50x4096xi32, #tpu.memory_space<hbm>> -> memref<1x64xi32, #tpu.memory_space<hbm>>
        %dma_start3A_1147 = tpu.memref_squeeze %dma_start3A_1146 : memref<1x64xi32, #tpu.memory_space<hbm>> -> memref<64xi32, #tpu.memory_space<hbm>>
        %dma_start3A_1148 = arith.constant 0 : i32
        %dma_start3A_1149 = tpu.memref_slice %arg10[%dma_start3A_1142, %dma_start3A_1148] : memref<3x64xi32, #tpu.memory_space<vmem>> -> memref<1x64xi32, #tpu.memory_space<vmem>>
        %dma_start3A_1150 = tpu.memref_squeeze %dma_start3A_1149 : memref<1x64xi32, #tpu.memory_space<vmem>> -> memref<64xi32, #tpu.memory_space<vmem>>
        %dma_start3A_1151 = tpu.memref_slice %arg5[%select_n3A_1100, %add3A_1119] : memref<50x4096xi32, #tpu.memory_space<hbm>> -> memref<1x64xi32, #tpu.memory_space<hbm>>
        %dma_start3A_1152 = tpu.memref_squeeze %dma_start3A_1151 : memref<1x64xi32, #tpu.memory_space<hbm>> -> memref<64xi32, #tpu.memory_space<hbm>>
        tpu.enqueue_dma source(%dma_start3A_1152 : memref<64xi32, #tpu.memory_space<hbm>>) target(%dma_start3A_1150 : memref<64xi32, #tpu.memory_space<vmem>>) target_semaphore(%arg18 : memref<!tpu.dma_semaphore, #tpu.memory_space<semaphore_mem>>)
      } else {
      }
      %scan3A_952 = arith.constant 0 : i32
      %scan3A_953 = arith.constant 0 : i32
      %scan3A_954 = arith.constant 64 : i32
      %scan3A_955 = arith.addi %scan3A_953, %scan3A_954 : i32
      %scan3A_956 = arith.constant 1 : i32
      scf.for %scan3A_1075 = %scan3A_953 to %scan3A_955 step %scan3A_956  : i32 {
        %get3A = arith.index_cast %scan3A_1075 : i32 to index
        %get3A_1076 = arith.constant 0 : index
        %get3A_1077 = tpu.vector_load %arg14[%get3A, %get3A_1076] {strides = array<i32>} : memref<192x128xf32, #tpu.memory_space<vmem>>, vector<1x16xf32>,
        %get3A_1078 = vector.shape_cast %get3A_1077 : vector<1x16xf32> to vector<16xf32>
        %add3A_1079 = arith.constant 64 : i32
        %add3A_1080 = arith.addi %add3A_1079, %scan3A_1075 : i32
        %get3A_1081 = arith.index_cast %add3A_1080 : i32 to index
        %get3A_1082 = arith.constant 0 : index
        %get3A_1083 = tpu.vector_load %arg14[%get3A_1081, %get3A_1082] {strides = array<i32>} : memref<192x128xf32, #tpu.memory_space<vmem>>, vector<1x16xf32>,
        %get3A_1084 = vector.shape_cast %get3A_1083 : vector<1x16xf32> to vector<16xf32>
        %add3A_1085 = arith.addf %get3A_1078, %get3A_1084 : vector<16xf32>
        %add3A_1086 = arith.constant 128 : i32
        %add3A_1087 = arith.addi %add3A_1086, %scan3A_1075 : i32
        %get3A_1088 = arith.index_cast %add3A_1087 : i32 to index
        %get3A_1089 = arith.constant 0 : index
        %get3A_1090 = tpu.vector_load %arg14[%get3A_1088, %get3A_1089] {strides = array<i32>} : memref<192x128xf32, #tpu.memory_space<vmem>>, vector<1x16xf32>,
        %get3A_1091 = vector.shape_cast %get3A_1090 : vector<1x16xf32> to vector<16xf32>
        %add3A_1092 = arith.addf %add3A_1085, %get3A_1091 : vector<16xf32>
        %max3A = arith.constant 0.000000e+00 : f32
        %max3A_1093 = vector.broadcast %max3A : f32 to vector<16xf32>
        %max3A_1094 = arith.maximumf %add3A_1092, %max3A_1093 : vector<16xf32>
        %swap3A = arith.index_cast %scan3A_1075 : i32 to index
        %swap3A_1095 = arith.constant 0 : index
        %swap3A_1096 = tpu.vector_load %arg14[%swap3A, %swap3A_1095] {strides = array<i32>} : memref<192x128xf32, #tpu.memory_space<vmem>>, vector<1x16xf32>,
        %swap3A_1097 = vector.shape_cast %swap3A_1096 : vector<1x16xf32> to vector<16xf32>
        %swap3A_1098 = vector.shape_cast %max3A_1094 : vector<16xf32> to vector<1x16xf32>
        tpu.vector_store %arg14[%swap3A, %swap3A_1095], %swap3A_1098 {strides = array<i32>} : memref<192x128xf32, #tpu.memory_space<vmem>>, vector<1x16xf32>,
        %get3A_1099 = arith.index_cast %scan3A_1075 : i32 to index
        %get3A_1100 = arith.constant 16 : index
        %get3A_1101 = tpu.vector_load %arg14[%get3A_1099, %get3A_1100] {strides = array<i32>} : memref<192x128xf32, #tpu.memory_space<vmem>>, vector<1x16xf32>,
        %get3A_1102 = vector.shape_cast %get3A_1101 : vector<1x16xf32> to vector<16xf32>
        %add3A_1103 = arith.constant 64 : i32
        %add3A_1104 = arith.addi %add3A_1103, %scan3A_1075 : i32
        %get3A_1105 = arith.index_cast %add3A_1104 : i32 to index
        %get3A_1106 = arith.constant 16 : index
        %get3A_1107 = tpu.vector_load %arg14[%get3A_1105, %get3A_1106] {strides = array<i32>} : memref<192x128xf32, #tpu.memory_space<vmem>>, vector<1x16xf32>,
        %get3A_1108 = vector.shape_cast %get3A_1107 : vector<1x16xf32> to vector<16xf32>
        %add3A_1109 = arith.addf %get3A_1102, %get3A_1108 : vector<16xf32>
        %add3A_1110 = arith.constant 128 : i32
        %add3A_1111 = arith.addi %add3A_1110, %scan3A_1075 : i32
        %get3A_1112 = arith.index_cast %add3A_1111 : i32 to index
        %get3A_1113 = arith.constant 16 : index
        %get3A_1114 = tpu.vector_load %arg14[%get3A_1112, %get3A_1113] {strides = array<i32>} : memref<192x128xf32, #tpu.memory_space<vmem>>, vector<1x16xf32>,
        %get3A_1115 = vector.shape_cast %get3A_1114 : vector<1x16xf32> to vector<16xf32>
        %add3A_1116 = arith.addf %add3A_1109, %get3A_1115 : vector<16xf32>
        %max3A_1117 = arith.constant 0.000000e+00 : f32
        %max3A_1118 = vector.broadcast %max3A_1117 : f32 to vector<16xf32>
        %max3A_1119 = arith.maximumf %add3A_1116, %max3A_1118 : vector<16xf32>
        %swap3A_1120 = arith.index_cast %scan3A_1075 : i32 to index
        %swap3A_1121 = arith.constant 16 : index
        %swap3A_1122 = tpu.vector_load %arg14[%swap3A_1120, %swap3A_1121] {strides = array<i32>} : memref<192x128xf32, #tpu.memory_space<vmem>>, vector<1x16xf32>,
        %swap3A_1123 = vector.shape_cast %swap3A_1122 : vector<1x16xf32> to vector<16xf32>
        %swap3A_1124 = vector.shape_cast %max3A_1119 : vector<16xf32> to vector<1x16xf32>
        tpu.vector_store %arg14[%swap3A_1120, %swap3A_1121], %swap3A_1124 {strides = array<i32>} : memref<192x128xf32, #tpu.memory_space<vmem>>, vector<1x16xf32>,
        %get3A_1125 = arith.index_cast %scan3A_1075 : i32 to index
        %get3A_1126 = arith.constant 32 : index
        %get3A_1127 = tpu.vector_load %arg14[%get3A_1125, %get3A_1126] {strides = array<i32>} : memref<192x128xf32, #tpu.memory_space<vmem>>, vector<1x16xf32>,
        %get3A_1128 = vector.shape_cast %get3A_1127 : vector<1x16xf32> to vector<16xf32>
        %add3A_1129 = arith.constant 64 : i32
        %add3A_1130 = arith.addi %add3A_1129, %scan3A_1075 : i32
        %get3A_1131 = arith.index_cast %add3A_1130 : i32 to index
        %get3A_1132 = arith.constant 32 : index
        %get3A_1133 = tpu.vector_load %arg14[%get3A_1131, %get3A_1132] {strides = array<i32>} : memref<192x128xf32, #tpu.memory_space<vmem>>, vector<1x16xf32>,
        %get3A_1134 = vector.shape_cast %get3A_1133 : vector<1x16xf32> to vector<16xf32>
        %add3A_1135 = arith.addf %get3A_1128, %get3A_1134 : vector<16xf32>
        %add3A_1136 = arith.constant 128 : i32
        %add3A_1137 = arith.addi %add3A_1136, %scan3A_1075 : i32
        %get3A_1138 = arith.index_cast %add3A_1137 : i32 to index
        %get3A_1139 = arith.constant 32 : index
        %get3A_1140 = tpu.vector_load %arg14[%get3A_1138, %get3A_1139] {strides = array<i32>} : memref<192x128xf32, #tpu.memory_space<vmem>>, vector<1x16xf32>,
        %get3A_1141 = vector.shape_cast %get3A_1140 : vector<1x16xf32> to vector<16xf32>
        %add3A_1142 = arith.addf %add3A_1135, %get3A_1141 : vector<16xf32>
        %max3A_1143 = arith.constant 0.000000e+00 : f32
        %max3A_1144 = vector.broadcast %max3A_1143 : f32 to vector<16xf32>
        %max3A_1145 = arith.maximumf %add3A_1142, %max3A_1144 : vector<16xf32>
        %swap3A_1146 = arith.index_cast %scan3A_1075 : i32 to index
        %swap3A_1147 = arith.constant 32 : index
        %swap3A_1148 = tpu.vector_load %arg14[%swap3A_1146, %swap3A_1147] {strides = array<i32>} : memref<192x128xf32, #tpu.memory_space<vmem>>, vector<1x16xf32>,
        %swap3A_1149 = vector.shape_cast %swap3A_1148 : vector<1x16xf32> to vector<16xf32>
        %swap3A_1150 = vector.shape_cast %max3A_1145 : vector<16xf32> to vector<1x16xf32>
        tpu.vector_store %arg14[%swap3A_1146, %swap3A_1147], %swap3A_1150 {strides = array<i32>} : memref<192x128xf32, #tpu.memory_space<vmem>>, vector<1x16xf32>,
        %get3A_1151 = arith.index_cast %scan3A_1075 : i32 to index
        %get3A_1152 = arith.constant 48 : index
        %get3A_1153 = tpu.vector_load %arg14[%get3A_1151, %get3A_1152] {strides = array<i32>} : memref<192x128xf32, #tpu.memory_space<vmem>>, vector<1x16xf32>,
        %get3A_1154 = vector.shape_cast %get3A_1153 : vector<1x16xf32> to vector<16xf32>
        %add3A_1155 = arith.constant 64 : i32
        %add3A_1156 = arith.addi %add3A_1155, %scan3A_1075 : i32
        %get3A_1157 = arith.index_cast %add3A_1156 : i32 to index
        %get3A_1158 = arith.constant 48 : index
        %get3A_1159 = tpu.vector_load %arg14[%get3A_1157, %get3A_1158] {strides = array<i32>} : memref<192x128xf32, #tpu.memory_space<vmem>>, vector<1x16xf32>,
        %get3A_1160 = vector.shape_cast %get3A_1159 : vector<1x16xf32> to vector<16xf32>
        %add3A_1161 = arith.addf %get3A_1154, %get3A_1160 : vector<16xf32>
        %add3A_1162 = arith.constant 128 : i32
        %add3A_1163 = arith.addi %add3A_1162, %scan3A_1075 : i32
        %get3A_1164 = arith.index_cast %add3A_1163 : i32 to index
        %get3A_1165 = arith.constant 48 : index
        %get3A_1166 = tpu.vector_load %arg14[%get3A_1164, %get3A_1165] {strides = array<i32>} : memref<192x128xf32, #tpu.memory_space<vmem>>, vector<1x16xf32>,
        %get3A_1167 = vector.shape_cast %get3A_1166 : vector<1x16xf32> to vector<16xf32>
        %add3A_1168 = arith.addf %add3A_1161, %get3A_1167 : vector<16xf32>
        %max3A_1169 = arith.constant 0.000000e+00 : f32
        %max3A_1170 = vector.broadcast %max3A_1169 : f32 to vector<16xf32>
        %max3A_1171 = arith.maximumf %add3A_1168, %max3A_1170 : vector<16xf32>
        %swap3A_1172 = arith.index_cast %scan3A_1075 : i32 to index
        %swap3A_1173 = arith.constant 48 : index
        %swap3A_1174 = tpu.vector_load %arg14[%swap3A_1172, %swap3A_1173] {strides = array<i32>} : memref<192x128xf32, #tpu.memory_space<vmem>>, vector<1x16xf32>,
        %swap3A_1175 = vector.shape_cast %swap3A_1174 : vector<1x16xf32> to vector<16xf32>
        %swap3A_1176 = vector.shape_cast %max3A_1171 : vector<16xf32> to vector<1x16xf32>
        tpu.vector_store %arg14[%swap3A_1172, %swap3A_1173], %swap3A_1176 {strides = array<i32>} : memref<192x128xf32, #tpu.memory_space<vmem>>, vector<1x16xf32>,
        %get3A_1177 = arith.index_cast %scan3A_1075 : i32 to index
        %get3A_1178 = arith.constant 64 : index
        %get3A_1179 = tpu.vector_load %arg14[%get3A_1177, %get3A_1178] {strides = array<i32>} : memref<192x128xf32, #tpu.memory_space<vmem>>, vector<1x16xf32>,
        %get3A_1180 = vector.shape_cast %get3A_1179 : vector<1x16xf32> to vector<16xf32>
        %add3A_1181 = arith.constant 64 : i32
        %add3A_1182 = arith.addi %add3A_1181, %scan3A_1075 : i32
        %get3A_1183 = arith.index_cast %add3A_1182 : i32 to index
        %get3A_1184 = arith.constant 64 : index
        %get3A_1185 = tpu.vector_load %arg14[%get3A_1183, %get3A_1184] {strides = array<i32>} : memref<192x128xf32, #tpu.memory_space<vmem>>, vector<1x16xf32>,
        %get3A_1186 = vector.shape_cast %get3A_1185 : vector<1x16xf32> to vector<16xf32>
        %add3A_1187 = arith.addf %get3A_1180, %get3A_1186 : vector<16xf32>
        %add3A_1188 = arith.constant 128 : i32
        %add3A_1189 = arith.addi %add3A_1188, %scan3A_1075 : i32
        %get3A_1190 = arith.index_cast %add3A_1189 : i32 to index
        %get3A_1191 = arith.constant 64 : index
        %get3A_1192 = tpu.vector_load %arg14[%get3A_1190, %get3A_1191] {strides = array<i32>} : memref<192x128xf32, #tpu.memory_space<vmem>>, vector<1x16xf32>,
        %get3A_1193 = vector.shape_cast %get3A_1192 : vector<1x16xf32> to vector<16xf32>
        %add3A_1194 = arith.addf %add3A_1187, %get3A_1193 : vector<16xf32>
        %max3A_1195 = arith.constant 0.000000e+00 : f32
        %max3A_1196 = vector.broadcast %max3A_1195 : f32 to vector<16xf32>
        %max3A_1197 = arith.maximumf %add3A_1194, %max3A_1196 : vector<16xf32>
        %swap3A_1198 = arith.index_cast %scan3A_1075 : i32 to index
        %swap3A_1199 = arith.constant 64 : index
        %swap3A_1200 = tpu.vector_load %arg14[%swap3A_1198, %swap3A_1199] {strides = array<i32>} : memref<192x128xf32, #tpu.memory_space<vmem>>, vector<1x16xf32>,
        %swap3A_1201 = vector.shape_cast %swap3A_1200 : vector<1x16xf32> to vector<16xf32>
        %swap3A_1202 = vector.shape_cast %max3A_1197 : vector<16xf32> to vector<1x16xf32>
        tpu.vector_store %arg14[%swap3A_1198, %swap3A_1199], %swap3A_1202 {strides = array<i32>} : memref<192x128xf32, #tpu.memory_space<vmem>>, vector<1x16xf32>,
        %get3A_1203 = arith.index_cast %scan3A_1075 : i32 to index
        %get3A_1204 = arith.constant 80 : index
        %get3A_1205 = tpu.vector_load %arg14[%get3A_1203, %get3A_1204] {strides = array<i32>} : memref<192x128xf32, #tpu.memory_space<vmem>>, vector<1x16xf32>,
        %get3A_1206 = vector.shape_cast %get3A_1205 : vector<1x16xf32> to vector<16xf32>
        %add3A_1207 = arith.constant 64 : i32
        %add3A_1208 = arith.addi %add3A_1207, %scan3A_1075 : i32
        %get3A_1209 = arith.index_cast %add3A_1208 : i32 to index
        %get3A_1210 = arith.constant 80 : index
        %get3A_1211 = tpu.vector_load %arg14[%get3A_1209, %get3A_1210] {strides = array<i32>} : memref<192x128xf32, #tpu.memory_space<vmem>>, vector<1x16xf32>,
        %get3A_1212 = vector.shape_cast %get3A_1211 : vector<1x16xf32> to vector<16xf32>
        %add3A_1213 = arith.addf %get3A_1206, %get3A_1212 : vector<16xf32>
        %add3A_1214 = arith.constant 128 : i32
        %add3A_1215 = arith.addi %add3A_1214, %scan3A_1075 : i32
        %get3A_1216 = arith.index_cast %add3A_1215 : i32 to index
        %get3A_1217 = arith.constant 80 : index
        %get3A_1218 = tpu.vector_load %arg14[%get3A_1216, %get3A_1217] {strides = array<i32>} : memref<192x128xf32, #tpu.memory_space<vmem>>, vector<1x16xf32>,
        %get3A_1219 = vector.shape_cast %get3A_1218 : vector<1x16xf32> to vector<16xf32>
        %add3A_1220 = arith.addf %add3A_1213, %get3A_1219 : vector<16xf32>
        %max3A_1221 = arith.constant 0.000000e+00 : f32
        %max3A_1222 = vector.broadcast %max3A_1221 : f32 to vector<16xf32>
        %max3A_1223 = arith.maximumf %add3A_1220, %max3A_1222 : vector<16xf32>
        %swap3A_1224 = arith.index_cast %scan3A_1075 : i32 to index
        %swap3A_1225 = arith.constant 80 : index
        %swap3A_1226 = tpu.vector_load %arg14[%swap3A_1224, %swap3A_1225] {strides = array<i32>} : memref<192x128xf32, #tpu.memory_space<vmem>>, vector<1x16xf32>,
        %swap3A_1227 = vector.shape_cast %swap3A_1226 : vector<1x16xf32> to vector<16xf32>
        %swap3A_1228 = vector.shape_cast %max3A_1223 : vector<16xf32> to vector<1x16xf32>
        tpu.vector_store %arg14[%swap3A_1224, %swap3A_1225], %swap3A_1228 {strides = array<i32>} : memref<192x128xf32, #tpu.memory_space<vmem>>, vector<1x16xf32>,
        %get3A_1229 = arith.index_cast %scan3A_1075 : i32 to index
        %get3A_1230 = arith.constant 96 : index
        %get3A_1231 = tpu.vector_load %arg14[%get3A_1229, %get3A_1230] {strides = array<i32>} : memref<192x128xf32, #tpu.memory_space<vmem>>, vector<1x16xf32>,
        %get3A_1232 = vector.shape_cast %get3A_1231 : vector<1x16xf32> to vector<16xf32>
        %add3A_1233 = arith.constant 64 : i32
        %add3A_1234 = arith.addi %add3A_1233, %scan3A_1075 : i32
        %get3A_1235 = arith.index_cast %add3A_1234 : i32 to index
        %get3A_1236 = arith.constant 96 : index
        %get3A_1237 = tpu.vector_load %arg14[%get3A_1235, %get3A_1236] {strides = array<i32>} : memref<192x128xf32, #tpu.memory_space<vmem>>, vector<1x16xf32>,
        %get3A_1238 = vector.shape_cast %get3A_1237 : vector<1x16xf32> to vector<16xf32>
        %add3A_1239 = arith.addf %get3A_1232, %get3A_1238 : vector<16xf32>
        %add3A_1240 = arith.constant 128 : i32
        %add3A_1241 = arith.addi %add3A_1240, %scan3A_1075 : i32
        %get3A_1242 = arith.index_cast %add3A_1241 : i32 to index
        %get3A_1243 = arith.constant 96 : index
        %get3A_1244 = tpu.vector_load %arg14[%get3A_1242, %get3A_1243] {strides = array<i32>} : memref<192x128xf32, #tpu.memory_space<vmem>>, vector<1x16xf32>,
        %get3A_1245 = vector.shape_cast %get3A_1244 : vector<1x16xf32> to vector<16xf32>
        %add3A_1246 = arith.addf %add3A_1239, %get3A_1245 : vector<16xf32>
        %max3A_1247 = arith.constant 0.000000e+00 : f32
        %max3A_1248 = vector.broadcast %max3A_1247 : f32 to vector<16xf32>
        %max3A_1249 = arith.maximumf %add3A_1246, %max3A_1248 : vector<16xf32>
        %swap3A_1250 = arith.index_cast %scan3A_1075 : i32 to index
        %swap3A_1251 = arith.constant 96 : index
        %swap3A_1252 = tpu.vector_load %arg14[%swap3A_1250, %swap3A_1251] {strides = array<i32>} : memref<192x128xf32, #tpu.memory_space<vmem>>, vector<1x16xf32>,
        %swap3A_1253 = vector.shape_cast %swap3A_1252 : vector<1x16xf32> to vector<16xf32>
        %swap3A_1254 = vector.shape_cast %max3A_1249 : vector<16xf32> to vector<1x16xf32>
        tpu.vector_store %arg14[%swap3A_1250, %swap3A_1251], %swap3A_1254 {strides = array<i32>} : memref<192x128xf32, #tpu.memory_space<vmem>>, vector<1x16xf32>,
        %get3A_1255 = arith.index_cast %scan3A_1075 : i32 to index
        %get3A_1256 = arith.constant 112 : index
        %get3A_1257 = tpu.vector_load %arg14[%get3A_1255, %get3A_1256] {strides = array<i32>} : memref<192x128xf32, #tpu.memory_space<vmem>>, vector<1x16xf32>,
        %get3A_1258 = vector.shape_cast %get3A_1257 : vector<1x16xf32> to vector<16xf32>
        %add3A_1259 = arith.constant 64 : i32
        %add3A_1260 = arith.addi %add3A_1259, %scan3A_1075 : i32
        %get3A_1261 = arith.index_cast %add3A_1260 : i32 to index
        %get3A_1262 = arith.constant 112 : index
        %get3A_1263 = tpu.vector_load %arg14[%get3A_1261, %get3A_1262] {strides = array<i32>} : memref<192x128xf32, #tpu.memory_space<vmem>>, vector<1x16xf32>,
        %get3A_1264 = vector.shape_cast %get3A_1263 : vector<1x16xf32> to vector<16xf32>
        %add3A_1265 = arith.addf %get3A_1258, %get3A_1264 : vector<16xf32>
        %add3A_1266 = arith.constant 128 : i32
        %add3A_1267 = arith.addi %add3A_1266, %scan3A_1075 : i32
        %get3A_1268 = arith.index_cast %add3A_1267 : i32 to index
        %get3A_1269 = arith.constant 112 : index
        %get3A_1270 = tpu.vector_load %arg14[%get3A_1268, %get3A_1269] {strides = array<i32>} : memref<192x128xf32, #tpu.memory_space<vmem>>, vector<1x16xf32>,
        %get3A_1271 = vector.shape_cast %get3A_1270 : vector<1x16xf32> to vector<16xf32>
        %add3A_1272 = arith.addf %add3A_1265, %get3A_1271 : vector<16xf32>
        %max3A_1273 = arith.constant 0.000000e+00 : f32
        %max3A_1274 = vector.broadcast %max3A_1273 : f32 to vector<16xf32>
        %max3A_1275 = arith.maximumf %add3A_1272, %max3A_1274 : vector<16xf32>
        %swap3A_1276 = arith.index_cast %scan3A_1075 : i32 to index
        %swap3A_1277 = arith.constant 112 : index
        %swap3A_1278 = tpu.vector_load %arg14[%swap3A_1276, %swap3A_1277] {strides = array<i32>} : memref<192x128xf32, #tpu.memory_space<vmem>>, vector<1x16xf32>,
        %swap3A_1279 = vector.shape_cast %swap3A_1278 : vector<1x16xf32> to vector<16xf32>
        %swap3A_1280 = vector.shape_cast %max3A_1275 : vector<16xf32> to vector<1x16xf32>
        tpu.vector_store %arg14[%swap3A_1276, %swap3A_1277], %swap3A_1280 {strides = array<i32>} : memref<192x128xf32, #tpu.memory_space<vmem>>, vector<1x16xf32>,
      }
      %scan3A_957 = arith.constant 64 : i32
      %jit3A_958 = arith.constant 2 : i32
      %div3A_959 = arith.divsi %add3A_914, %jit3A_958 : i32
      %sign3A_960 = arith.constant 0 : i32
      %sign3A_961 = arith.cmpi sgt, %add3A_914, %sign3A_960 : i32
      %sign3A_962 = arith.extui %sign3A_961 : i1 to i32
      %sign3A_963 = arith.constant 0 : i32
      %sign3A_964 = arith.cmpi slt, %add3A_914, %sign3A_963 : i32
      %sign3A_965 = arith.extui %sign3A_964 : i1 to i32
      %sign3A_966 = arith.subi %sign3A_962, %sign3A_965 : i32
      %sign3A_967 = arith.constant 0 : i32
      %sign3A_968 = arith.cmpi sgt, %jit3A_958, %sign3A_967 : i32
      %sign3A_969 = arith.extui %sign3A_968 : i1 to i32
      %sign3A_970 = arith.constant 0 : i32
      %sign3A_971 = arith.cmpi slt, %jit3A_958, %sign3A_970 : i32
      %sign3A_972 = arith.extui %sign3A_971 : i1 to i32
      %sign3A_973 = arith.subi %sign3A_969, %sign3A_972 : i32
      %ne3A_974 = arith.cmpi ne, %sign3A_966, %sign3A_973 : i32
      %rem3A_975 = arith.remsi %add3A_914, %jit3A_958 : i32
      %ne3A_976 = arith.constant 0 : i32
      %ne3A_977 = arith.cmpi ne, %rem3A_975, %ne3A_976 : i32
      %and3A_978 = arith.andi %ne3A_974, %ne3A_977 : i1
      %sub3A_979 = arith.constant 1 : i32
      %sub3A_980 = arith.subi %div3A_959, %sub3A_979 : i32
      %select_n3A_981 = arith.select %and3A_978, %sub3A_980, %div3A_959 : i32
      %jit3A_982 = arith.constant 2 : i32
      %eq3A_983 = arith.constant 0 : i32
      %eq3A_984 = arith.cmpi eq, %jit3A_982, %eq3A_983 : i32
      %jit3A_985 = arith.constant 1 : i32
      %select_n3A_986 = arith.select %eq3A_984, %jit3A_985, %jit3A_982 : i32
      %rem3A_987 = arith.remsi %add3A_914, %select_n3A_986 : i32
      %ne3A_988 = arith.constant 0 : i32
      %ne3A_989 = arith.cmpi ne, %rem3A_987, %ne3A_988 : i32
      %lt3A_990 = arith.constant 0 : i32
      %lt3A_991 = arith.cmpi slt, %rem3A_987, %lt3A_990 : i32
      %lt3A_992 = arith.constant 0 : i32
      %lt3A_993 = arith.cmpi slt, %select_n3A_986, %lt3A_992 : i32
      %ne3A_994 = arith.xori %lt3A_991, %lt3A_993 : i1
      %and3A_995 = arith.andi %ne3A_994, %ne3A_989 : i1
      %add3A_996 = arith.addi %rem3A_987, %select_n3A_986 : i32
      %select_n3A_997 = arith.select %and3A_995, %add3A_996, %rem3A_987 : i32
      %mul3A_998 = arith.constant 64 : i32
      %mul3A_999 = arith.muli %select_n3A_997, %mul3A_998 : i32
      %add3A_1000 = arith.addi %mul3A_2, %mul3A_999 : i32
      %dma_start3A_1001 = arith.constant 0 : i32
      %dma_start3A_1002 = arith.constant 0 : i32
      %dma_start3A_1003 = tpu.memref_slice %arg14[%dma_start3A_1001, %dma_start3A_1002] : memref<192x128xf32, #tpu.memory_space<vmem>> -> memref<64x128xf32, #tpu.memory_space<vmem>>
      %dma_start3A_1004 = arith.constant 0 : i32
      %dma_start3A_1005 = tpu.memref_slice %arg6[%select_n3A_981, %add3A_1000, %dma_start3A_1004] : memref<50x4096x128xf32, #tpu.memory_space<hbm>> -> memref<1x64x128xf32, #tpu.memory_space<hbm>>
      %dma_start3A_1006 = tpu.memref_squeeze %dma_start3A_1005 : memref<1x64x128xf32, #tpu.memory_space<hbm>> -> memref<64x128xf32, #tpu.memory_space<hbm>>
      %dma_start3A_1007 = arith.constant 0 : i32
      %dma_start3A_1008 = tpu.memref_slice %arg6[%select_n3A_981, %add3A_1000, %dma_start3A_1007] : memref<50x4096x128xf32, #tpu.memory_space<hbm>> -> memref<1x64x128xf32, #tpu.memory_space<hbm>>
      %dma_start3A_1009 = tpu.memref_squeeze %dma_start3A_1008 : memref<1x64x128xf32, #tpu.memory_space<hbm>> -> memref<64x128xf32, #tpu.memory_space<hbm>>
      %dma_start3A_1010 = arith.constant 0 : i32
      %dma_start3A_1011 = arith.constant 0 : i32
      %dma_start3A_1012 = tpu.memref_slice %arg14[%dma_start3A_1010, %dma_start3A_1011] : memref<192x128xf32, #tpu.memory_space<vmem>> -> memref<64x128xf32, #tpu.memory_space<vmem>>
      tpu.enqueue_dma source(%dma_start3A_1012 : memref<64x128xf32, #tpu.memory_space<vmem>>) target(%dma_start3A_1009 : memref<64x128xf32, #tpu.memory_space<hbm>>) target_semaphore(%arg26 : memref<!tpu.dma_semaphore, #tpu.memory_space<semaphore_mem>>)
      %jit3A_1013 = arith.constant 2 : i32
      %div3A_1014 = arith.divsi %add3A_914, %jit3A_1013 : i32
      %sign3A_1015 = arith.constant 0 : i32
      %sign3A_1016 = arith.cmpi sgt, %add3A_914, %sign3A_1015 : i32
      %sign3A_1017 = arith.extui %sign3A_1016 : i1 to i32
      %sign3A_1018 = arith.constant 0 : i32
      %sign3A_1019 = arith.cmpi slt, %add3A_914, %sign3A_1018 : i32
      %sign3A_1020 = arith.extui %sign3A_1019 : i1 to i32
      %sign3A_1021 = arith.subi %sign3A_1017, %sign3A_1020 : i32
      %sign3A_1022 = arith.constant 0 : i32
      %sign3A_1023 = arith.cmpi sgt, %jit3A_1013, %sign3A_1022 : i32
      %sign3A_1024 = arith.extui %sign3A_1023 : i1 to i32
      %sign3A_1025 = arith.constant 0 : i32
      %sign3A_1026 = arith.cmpi slt, %jit3A_1013, %sign3A_1025 : i32
      %sign3A_1027 = arith.extui %sign3A_1026 : i1 to i32
      %sign3A_1028 = arith.subi %sign3A_1024, %sign3A_1027 : i32
      %ne3A_1029 = arith.cmpi ne, %sign3A_1021, %sign3A_1028 : i32
      %rem3A_1030 = arith.remsi %add3A_914, %jit3A_1013 : i32
      %ne3A_1031 = arith.constant 0 : i32
      %ne3A_1032 = arith.cmpi ne, %rem3A_1030, %ne3A_1031 : i32
      %and3A_1033 = arith.andi %ne3A_1029, %ne3A_1032 : i1
      %sub3A_1034 = arith.constant 1 : i32
      %sub3A_1035 = arith.subi %div3A_1014, %sub3A_1034 : i32
      %select_n3A_1036 = arith.select %and3A_1033, %sub3A_1035, %div3A_1014 : i32
      %jit3A_1037 = arith.constant 2 : i32
      %eq3A_1038 = arith.constant 0 : i32
      %eq3A_1039 = arith.cmpi eq, %jit3A_1037, %eq3A_1038 : i32
      %jit3A_1040 = arith.constant 1 : i32
      %select_n3A_1041 = arith.select %eq3A_1039, %jit3A_1040, %jit3A_1037 : i32
      %rem3A_1042 = arith.remsi %add3A_914, %select_n3A_1041 : i32
      %ne3A_1043 = arith.constant 0 : i32
      %ne3A_1044 = arith.cmpi ne, %rem3A_1042, %ne3A_1043 : i32
      %lt3A_1045 = arith.constant 0 : i32
      %lt3A_1046 = arith.cmpi slt, %rem3A_1042, %lt3A_1045 : i32
      %lt3A_1047 = arith.constant 0 : i32
      %lt3A_1048 = arith.cmpi slt, %select_n3A_1041, %lt3A_1047 : i32
      %ne3A_1049 = arith.xori %lt3A_1046, %lt3A_1048 : i1
      %and3A_1050 = arith.andi %ne3A_1049, %ne3A_1044 : i1
      %add3A_1051 = arith.addi %rem3A_1042, %select_n3A_1041 : i32
      %select_n3A_1052 = arith.select %and3A_1050, %add3A_1051, %rem3A_1042 : i32
      %mul3A_1053 = arith.constant 64 : i32
      %mul3A_1054 = arith.muli %select_n3A_1052, %mul3A_1053 : i32
      %add3A_1055 = arith.addi %mul3A_2, %mul3A_1054 : i32
      %dma_wait3A_1056 = arith.constant 0 : i32
      %dma_wait3A_1057 = arith.constant 0 : i32
      %dma_wait3A_1058 = tpu.memref_slice %arg14[%dma_wait3A_1056, %dma_wait3A_1057] : memref<192x128xf32, #tpu.memory_space<vmem>> -> memref<64x128xf32, #tpu.memory_space<vmem>>
      %dma_wait3A_1059 = arith.constant 0 : i32
      %dma_wait3A_1060 = tpu.memref_slice %arg6[%select_n3A_1036, %add3A_1055, %dma_wait3A_1059] : memref<50x4096x128xf32, #tpu.memory_space<hbm>> -> memref<1x64x128xf32, #tpu.memory_space<hbm>>
      %dma_wait3A_1061 = tpu.memref_squeeze %dma_wait3A_1060 : memref<1x64x128xf32, #tpu.memory_space<hbm>> -> memref<64x128xf32, #tpu.memory_space<hbm>>
      %dma_wait3A_1062 = arith.constant 0 : i32
      %dma_wait3A_1063 = tpu.memref_slice %arg6[%select_n3A_1036, %add3A_1055, %dma_wait3A_1062] : memref<50x4096x128xf32, #tpu.memory_space<hbm>> -> memref<1x64x128xf32, #tpu.memory_space<hbm>>
      %dma_wait3A_1064 = tpu.memref_squeeze %dma_wait3A_1063 : memref<1x64x128xf32, #tpu.memory_space<hbm>> -> memref<64x128xf32, #tpu.memory_space<hbm>>
      %dma_wait3A_1065 = arith.constant 0 : i32
      %dma_wait3A_1066 = arith.constant 0 : i32
      %dma_wait3A_1067 = tpu.memref_slice %arg14[%dma_wait3A_1065, %dma_wait3A_1066] : memref<192x128xf32, #tpu.memory_space<vmem>> -> memref<64x128xf32, #tpu.memory_space<vmem>>
      tpu.wait_dma2 semaphore(%arg26 : memref<!tpu.dma_semaphore, #tpu.memory_space<semaphore_mem>>) src(%dma_wait3A_1067 : memref<64x128xf32, #tpu.memory_space<vmem>>) dst(%dma_wait3A_1064 : memref<64x128xf32, #tpu.memory_space<hbm>>)
      %add3A_1068 = arith.constant 4 : i32
      %add3A_1069 = arith.addi %add3A_914, %add3A_1068 : i32
      %lt3A_1070 = arith.constant 100 : i32
      %lt3A_1071 = arith.cmpi slt, %add3A_1069, %lt3A_1070 : i32
      %convert_element_type3A_1072 = arith.extui %lt3A_1071 : i1 to i32
      %cond3A_1073 = arith.constant 0 : i32
      %cond3A_1074 = arith.cmpi ne, %convert_element_type3A_1072, %cond3A_1073 : i32
      scf.if %cond3A_1074 {
        %add3A_1075 = arith.constant 4 : i32
        %add3A_1076 = arith.addi %add3A_914, %add3A_1075 : i32
        %jit3A_1077 = arith.constant 2 : i32
        %div3A_1078 = arith.divsi %add3A_1076, %jit3A_1077 : i32
        %sign3A_1079 = arith.constant 0 : i32
        %sign3A_1080 = arith.cmpi sgt, %add3A_1076, %sign3A_1079 : i32
        %sign3A_1081 = arith.extui %sign3A_1080 : i1 to i32
        %sign3A_1082 = arith.constant 0 : i32
        %sign3A_1083 = arith.cmpi slt, %add3A_1076, %sign3A_1082 : i32
        %sign3A_1084 = arith.extui %sign3A_1083 : i1 to i32
        %sign3A_1085 = arith.subi %sign3A_1081, %sign3A_1084 : i32
        %sign3A_1086 = arith.constant 0 : i32
        %sign3A_1087 = arith.cmpi sgt, %jit3A_1077, %sign3A_1086 : i32
        %sign3A_1088 = arith.extui %sign3A_1087 : i1 to i32
        %sign3A_1089 = arith.constant 0 : i32
        %sign3A_1090 = arith.cmpi slt, %jit3A_1077, %sign3A_1089 : i32
        %sign3A_1091 = arith.extui %sign3A_1090 : i1 to i32
        %sign3A_1092 = arith.subi %sign3A_1088, %sign3A_1091 : i32
        %ne3A_1093 = arith.cmpi ne, %sign3A_1085, %sign3A_1092 : i32
        %rem3A_1094 = arith.remsi %add3A_1076, %jit3A_1077 : i32
        %ne3A_1095 = arith.constant 0 : i32
        %ne3A_1096 = arith.cmpi ne, %rem3A_1094, %ne3A_1095 : i32
        %and3A_1097 = arith.andi %ne3A_1093, %ne3A_1096 : i1
        %sub3A_1098 = arith.constant 1 : i32
        %sub3A_1099 = arith.subi %div3A_1078, %sub3A_1098 : i32
        %select_n3A_1100 = arith.select %and3A_1097, %sub3A_1099, %div3A_1078 : i32
        %jit3A_1101 = arith.constant 2 : i32
        %eq3A_1102 = arith.constant 0 : i32
        %eq3A_1103 = arith.cmpi eq, %jit3A_1101, %eq3A_1102 : i32
        %jit3A_1104 = arith.constant 1 : i32
        %select_n3A_1105 = arith.select %eq3A_1103, %jit3A_1104, %jit3A_1101 : i32
        %rem3A_1106 = arith.remsi %add3A_1076, %select_n3A_1105 : i32
        %ne3A_1107 = arith.constant 0 : i32
        %ne3A_1108 = arith.cmpi ne, %rem3A_1106, %ne3A_1107 : i32
        %lt3A_1109 = arith.constant 0 : i32
        %lt3A_1110 = arith.cmpi slt, %rem3A_1106, %lt3A_1109 : i32
        %lt3A_1111 = arith.constant 0 : i32
        %lt3A_1112 = arith.cmpi slt, %select_n3A_1105, %lt3A_1111 : i32
        %ne3A_1113 = arith.xori %lt3A_1110, %lt3A_1112 : i1
        %and3A_1114 = arith.andi %ne3A_1113, %ne3A_1108 : i1
        %add3A_1115 = arith.addi %rem3A_1106, %select_n3A_1105 : i32
        %select_n3A_1116 = arith.select %and3A_1114, %add3A_1115, %rem3A_1106 : i32
        %mul3A_1117 = arith.constant 64 : i32
        %mul3A_1118 = arith.muli %select_n3A_1116, %mul3A_1117 : i32
        %add3A_1119 = arith.addi %mul3A_2, %mul3A_1118 : i32
        %dma_wait3A_1120 = arith.constant 0 : i32
        %dma_wait3A_1121 = arith.constant 0 : i32
        %dma_wait3A_1122 = tpu.memref_slice %arg10[%dma_wait3A_1120, %dma_wait3A_1121] : memref<3x64xi32, #tpu.memory_space<vmem>> -> memref<1x64xi32, #tpu.memory_space<vmem>>
        %dma_wait3A_1123 = tpu.memref_squeeze %dma_wait3A_1122 : memref<1x64xi32, #tpu.memory_space<vmem>> -> memref<64xi32, #tpu.memory_space<vmem>>
        %dma_wait3A_1124 = tpu.memref_slice %arg3[%select_n3A_1100, %add3A_1119] : memref<50x4096xi32, #tpu.memory_space<hbm>> -> memref<1x64xi32, #tpu.memory_space<hbm>>
        %dma_wait3A_1125 = tpu.memref_squeeze %dma_wait3A_1124 : memref<1x64xi32, #tpu.memory_space<hbm>> -> memref<64xi32, #tpu.memory_space<hbm>>
        %dma_wait3A_1126 = arith.constant 0 : i32
        %dma_wait3A_1127 = tpu.memref_slice %arg10[%dma_wait3A_1120, %dma_wait3A_1126] : memref<3x64xi32, #tpu.memory_space<vmem>> -> memref<1x64xi32, #tpu.memory_space<vmem>>
        %dma_wait3A_1128 = tpu.memref_squeeze %dma_wait3A_1127 : memref<1x64xi32, #tpu.memory_space<vmem>> -> memref<64xi32, #tpu.memory_space<vmem>>
        %dma_wait3A_1129 = tpu.memref_slice %arg3[%select_n3A_1100, %add3A_1119] : memref<50x4096xi32, #tpu.memory_space<hbm>> -> memref<1x64xi32, #tpu.memory_space<hbm>>
        %dma_wait3A_1130 = tpu.memref_squeeze %dma_wait3A_1129 : memref<1x64xi32, #tpu.memory_space<hbm>> -> memref<64xi32, #tpu.memory_space<hbm>>
        tpu.wait_dma2 semaphore(%arg18 : memref<!tpu.dma_semaphore, #tpu.memory_space<semaphore_mem>>) src(%dma_wait3A_1130 : memref<64xi32, #tpu.memory_space<hbm>>) dst(%dma_wait3A_1128 : memref<64xi32, #tpu.memory_space<vmem>>)
        %dma_wait3A_1131 = arith.constant 1 : i32
        %dma_wait3A_1132 = arith.constant 0 : i32
        %dma_wait3A_1133 = tpu.memref_slice %arg10[%dma_wait3A_1131, %dma_wait3A_1132] : memref<3x64xi32, #tpu.memory_space<vmem>> -> memref<1x64xi32, #tpu.memory_space<vmem>>
        %dma_wait3A_1134 = tpu.memref_squeeze %dma_wait3A_1133 : memref<1x64xi32, #tpu.memory_space<vmem>> -> memref<64xi32, #tpu.memory_space<vmem>>
        %dma_wait3A_1135 = tpu.memref_slice %arg4[%select_n3A_1100, %add3A_1119] : memref<50x4096xi32, #tpu.memory_space<hbm>> -> memref<1x64xi32, #tpu.memory_space<hbm>>
        %dma_wait3A_1136 = tpu.memref_squeeze %dma_wait3A_1135 : memref<1x64xi32, #tpu.memory_space<hbm>> -> memref<64xi32, #tpu.memory_space<hbm>>
        %dma_wait3A_1137 = arith.constant 0 : i32
        %dma_wait3A_1138 = tpu.memref_slice %arg10[%dma_wait3A_1131, %dma_wait3A_1137] : memref<3x64xi32, #tpu.memory_space<vmem>> -> memref<1x64xi32, #tpu.memory_space<vmem>>
        %dma_wait3A_1139 = tpu.memref_squeeze %dma_wait3A_1138 : memref<1x64xi32, #tpu.memory_space<vmem>> -> memref<64xi32, #tpu.memory_space<vmem>>
        %dma_wait3A_1140 = tpu.memref_slice %arg4[%select_n3A_1100, %add3A_1119] : memref<50x4096xi32, #tpu.memory_space<hbm>> -> memref<1x64xi32, #tpu.memory_space<hbm>>
        %dma_wait3A_1141 = tpu.memref_squeeze %dma_wait3A_1140 : memref<1x64xi32, #tpu.memory_space<hbm>> -> memref<64xi32, #tpu.memory_space<hbm>>
        tpu.wait_dma2 semaphore(%arg18 : memref<!tpu.dma_semaphore, #tpu.memory_space<semaphore_mem>>) src(%dma_wait3A_1141 : memref<64xi32, #tpu.memory_space<hbm>>) dst(%dma_wait3A_1139 : memref<64xi32, #tpu.memory_space<vmem>>)
        %dma_wait3A_1142 = arith.constant 2 : i32
        %dma_wait3A_1143 = arith.constant 0 : i32
        %dma_wait3A_1144 = tpu.memref_slice %arg10[%dma_wait3A_1142, %dma_wait3A_1143] : memref<3x64xi32, #tpu.memory_space<vmem>> -> memref<1x64xi32, #tpu.memory_space<vmem>>
        %dma_wait3A_1145 = tpu.memref_squeeze %dma_wait3A_1144 : memref<1x64xi32, #tpu.memory_space<vmem>> -> memref<64xi32, #tpu.memory_space<vmem>>
        %dma_wait3A_1146 = tpu.memref_slice %arg5[%select_n3A_1100, %add3A_1119] : memref<50x4096xi32, #tpu.memory_space<hbm>> -> memref<1x64xi32, #tpu.memory_space<hbm>>
        %dma_wait3A_1147 = tpu.memref_squeeze %dma_wait3A_1146 : memref<1x64xi32, #tpu.memory_space<hbm>> -> memref<64xi32, #tpu.memory_space<hbm>>
        %dma_wait3A_1148 = arith.constant 0 : i32
        %dma_wait3A_1149 = tpu.memref_slice %arg10[%dma_wait3A_1142, %dma_wait3A_1148] : memref<3x64xi32, #tpu.memory_space<vmem>> -> memref<1x64xi32, #tpu.memory_space<vmem>>
        %dma_wait3A_1150 = tpu.memref_squeeze %dma_wait3A_1149 : memref<1x64xi32, #tpu.memory_space<vmem>> -> memref<64xi32, #tpu.memory_space<vmem>>
        %dma_wait3A_1151 = tpu.memref_slice %arg5[%select_n3A_1100, %add3A_1119] : memref<50x4096xi32, #tpu.memory_space<hbm>> -> memref<1x64xi32, #tpu.memory_space<hbm>>
        %dma_wait3A_1152 = tpu.memref_squeeze %dma_wait3A_1151 : memref<1x64xi32, #tpu.memory_space<hbm>> -> memref<64xi32, #tpu.memory_space<hbm>>
        tpu.wait_dma2 semaphore(%arg18 : memref<!tpu.dma_semaphore, #tpu.memory_space<semaphore_mem>>) src(%dma_wait3A_1152 : memref<64xi32, #tpu.memory_space<hbm>>) dst(%dma_wait3A_1150 : memref<64xi32, #tpu.memory_space<vmem>>)
        %dma_start3A_1153 = arith.constant 0 : i32
        %dma_start3A_1154 = arith.constant 0 : i32
        %dma_start3A_1155 = arith.constant 0 : i32
        %dma_start3A_1156 = tpu.memref_slice %arg14[%dma_start3A_1154, %dma_start3A_1155] : memref<192x128xf32, #tpu.memory_space<vmem>> -> memref<64x128xf32, #tpu.memory_space<vmem>>
        %dma_start3A_1157 = arith.constant 0 : i32
        %dma_start3A_1158 = tpu.memref_slice %arg10[%dma_start3A_1153, %dma_start3A_1157] : memref<3x64xi32, #tpu.memory_space<vmem>> -> memref<1x64xi32, #tpu.memory_space<vmem>>
        %dma_start3A_1159 = tpu.memref_squeeze %dma_start3A_1158 : memref<1x64xi32, #tpu.memory_space<vmem>> -> memref<64xi32, #tpu.memory_space<vmem>>
        %dma_start3A_1160 = arith.constant 0 : i32
        %dma_start3A_1161 = arith.constant 0 : i32
        %dma_start3A_1162 = tpu.memref_slice %arg2[%dma_start3A_1160, %dma_start3A_1161] : memref<104000x128xf32, #tpu.memory_space<hbm>> -> memref<104000x128xf32, #tpu.memory_space<hbm>>
        tpu.enqueue_indirect_dma source(%dma_start3A_1162 : memref<104000x128xf32, #tpu.memory_space<hbm>>) target(%dma_start3A_1156 : memref<64x128xf32, #tpu.memory_space<vmem>>) offsets(%dma_start3A_1159 : memref<64xi32, #tpu.memory_space<vmem>>) semaphore(%arg22 : memref<!tpu.dma_semaphore, #tpu.memory_space<semaphore_mem>>)
        %dma_start3A_1163 = arith.constant 1 : i32
        %dma_start3A_1164 = arith.constant 64 : i32
        %dma_start3A_1165 = arith.constant 0 : i32
        %dma_start3A_1166 = tpu.memref_slice %arg14[%dma_start3A_1164, %dma_start3A_1165] : memref<192x128xf32, #tpu.memory_space<vmem>> -> memref<64x128xf32, #tpu.memory_space<vmem>>
        %dma_start3A_1167 = arith.constant 0 : i32
        %dma_start3A_1168 = tpu.memref_slice %arg10[%dma_start3A_1163, %dma_start3A_1167] : memref<3x64xi32, #tpu.memory_space<vmem>> -> memref<1x64xi32, #tpu.memory_space<vmem>>
        %dma_start3A_1169 = tpu.memref_squeeze %dma_start3A_1168 : memref<1x64xi32, #tpu.memory_space<vmem>> -> memref<64xi32, #tpu.memory_space<vmem>>
        %dma_start3A_1170 = arith.constant 0 : i32
        %dma_start3A_1171 = arith.constant 0 : i32
        %dma_start3A_1172 = tpu.memref_slice %arg2[%dma_start3A_1170, %dma_start3A_1171] : memref<104000x128xf32, #tpu.memory_space<hbm>> -> memref<104000x128xf32, #tpu.memory_space<hbm>>
        tpu.enqueue_indirect_dma source(%dma_start3A_1172 : memref<104000x128xf32, #tpu.memory_space<hbm>>) target(%dma_start3A_1166 : memref<64x128xf32, #tpu.memory_space<vmem>>) offsets(%dma_start3A_1169 : memref<64xi32, #tpu.memory_space<vmem>>) semaphore(%arg22 : memref<!tpu.dma_semaphore, #tpu.memory_space<semaphore_mem>>)
        %dma_start3A_1173 = arith.constant 2 : i32
        %dma_start3A_1174 = arith.constant 128 : i32
        %dma_start3A_1175 = arith.constant 0 : i32
        %dma_start3A_1176 = tpu.memref_slice %arg14[%dma_start3A_1174, %dma_start3A_1175] : memref<192x128xf32, #tpu.memory_space<vmem>> -> memref<64x128xf32, #tpu.memory_space<vmem>>
        %dma_start3A_1177 = arith.constant 0 : i32
        %dma_start3A_1178 = tpu.memref_slice %arg10[%dma_start3A_1173, %dma_start3A_1177] : memref<3x64xi32, #tpu.memory_space<vmem>> -> memref<1x64xi32, #tpu.memory_space<vmem>>
        %dma_start3A_1179 = tpu.memref_squeeze %dma_start3A_1178 : memref<1x64xi32, #tpu.memory_space<vmem>> -> memref<64xi32, #tpu.memory_space<vmem>>
        %dma_start3A_1180 = arith.constant 0 : i32
        %dma_start3A_1181 = arith.constant 0 : i32
        %dma_start3A_1182 = tpu.memref_slice %arg2[%dma_start3A_1180, %dma_start3A_1181] : memref<104000x128xf32, #tpu.memory_space<hbm>> -> memref<104000x128xf32, #tpu.memory_space<hbm>>
        tpu.enqueue_indirect_dma source(%dma_start3A_1182 : memref<104000x128xf32, #tpu.memory_space<hbm>>) target(%dma_start3A_1176 : memref<64x128xf32, #tpu.memory_space<vmem>>) offsets(%dma_start3A_1179 : memref<64xi32, #tpu.memory_space<vmem>>) semaphore(%arg22 : memref<!tpu.dma_semaphore, #tpu.memory_space<semaphore_mem>>)
      } else {
      }
    }
    %scan3A_429 = arith.constant 25 : i32
    return
  }
}

module attributes {stable_mosaic.version = 14 : i64} {
  func.func @_build_body(%arg0: i32, %arg1: memref<4000x128xf32, #tpu.memory_space<vmem>>, %arg2: memref<1000x128xf32, #tpu.memory_space<vmem>>, %arg3: memref<1000x128xf32, #tpu.memory_space<vmem>>, %arg4: memref<384x128xf32, #tpu.memory_space<vmem>>, %arg5: memref<1x128xf32, #tpu.memory_space<vmem>>, %arg6: memref<4000x128xf32, #tpu.memory_space<vmem>>) attributes {dimension_semantics = [#tpu.dimension_semantics<arbitrary>], iteration_bounds = array<i64: 26>, scalar_prefetch = 0 : i64, scratch_operands = 0 : i64, tpu.core_type = #tpu.core_type<tc>, window_params = [{transform_indices = @transform_0, window_bounds = array<i64: 4000, 128>}, {pipeline_mode = #tpu.pipeline_mode<synchronous>, transform_indices = @transform_1, window_bounds = array<i64: 1000, 128>}, {pipeline_mode = #tpu.pipeline_mode<synchronous>, transform_indices = @transform_2, window_bounds = array<i64: 1000, 128>}, {pipeline_mode = #tpu.pipeline_mode<synchronous>, transform_indices = @transform_3, window_bounds = array<i64: 384, 128>}, {pipeline_mode = #tpu.pipeline_mode<synchronous>, transform_indices = @transform_4, window_bounds = array<i64: 1, 128>}, {transform_indices = @transform_5, window_bounds = array<i64: 4000, 128>}]} {
    %lt3A = arith.constant 25 : i32
    %lt3A_0 = arith.cmpi slt, %arg0, %lt3A : i32
    %convert_element_type3A = arith.extui %lt3A_0 : i1 to i32
    %cond3A = arith.constant 0 : i32
    %cond3A_1 = arith.cmpi ne, %convert_element_type3A, %cond3A : i32
    scf.if %cond3A_1 {
      %get3A = arith.constant 0 : index
      %get3A_6 = arith.constant 0 : index
      %get3A_7 = vector.load %arg1[%get3A, %get3A_6] : memref<4000x128xf32, #tpu.memory_space<vmem>>, vector<4000x128xf32>
      %get3A_8 = arith.constant 0 : index
      %get3A_9 = arith.constant 0 : index
      %get3A_10 = vector.load %arg4[%get3A_8, %get3A_9] : memref<384x128xf32, #tpu.memory_space<vmem>>, vector<128x128xf32>
      %dot_general3A = arith.constant dense<0.000000e+00> : vector<4000x128xf32>
      %dot_general3A_11 = tpu.matmul %get3A_7, %get3A_10, %dot_general3A {dimension_numbers = #tpu.dot_dimension_numbers<[1], [0], [0], [1], [0, 0, 1, 1], [], []>, transpose_lhs_hint = false} : vector<4000x128xf32>, vector<128x128xf32>, vector<4000x128xf32> -> vector<4000x128xf32>
      %swap3A = arith.constant 0 : index
      %swap3A_12 = arith.constant 0 : index
      %swap3A_13 = vector.load %arg6[%swap3A, %swap3A_12] : memref<4000x128xf32, #tpu.memory_space<vmem>>, vector<4000x128xf32>
      tpu.vector_store %arg6[%swap3A, %swap3A_12], %dot_general3A_11 {strides = array<i32>} : memref<4000x128xf32, #tpu.memory_space<vmem>>, vector<4000x128xf32>,
    } else {
    }
    %eq3A = arith.constant 25 : i32
    %eq3A_2 = arith.cmpi eq, %arg0, %eq3A : i32
    %convert_element_type3A_3 = arith.extui %eq3A_2 : i1 to i32
    %cond3A_4 = arith.constant 0 : i32
    %cond3A_5 = arith.cmpi ne, %convert_element_type3A_3, %cond3A_4 : i32
    scf.if %cond3A_5 {
      %get3A = arith.constant 0 : index
      %get3A_6 = arith.constant 0 : index
      %get3A_7 = vector.load %arg2[%get3A, %get3A_6] : memref<1000x128xf32, #tpu.memory_space<vmem>>, vector<1000x128xf32>
      %get3A_8 = arith.constant 128 : index
      %get3A_9 = arith.constant 0 : index
      %get3A_10 = vector.load %arg4[%get3A_8, %get3A_9] : memref<384x128xf32, #tpu.memory_space<vmem>>, vector<128x128xf32>
      %dot_general3A = arith.constant dense<0.000000e+00> : vector<1000x128xf32>
      %dot_general3A_11 = tpu.matmul %get3A_7, %get3A_10, %dot_general3A {dimension_numbers = #tpu.dot_dimension_numbers<[1], [0], [0], [1], [0, 0, 1, 1], [], []>, transpose_lhs_hint = false} : vector<1000x128xf32>, vector<128x128xf32>, vector<1000x128xf32> -> vector<1000x128xf32>
      %get3A_12 = arith.constant 0 : index
      %get3A_13 = arith.constant 0 : index
      %get3A_14 = vector.load %arg5[%get3A_12, %get3A_13] : memref<1x128xf32, #tpu.memory_space<vmem>>, vector<1x128xf32>
      %add3A = vector.broadcast %get3A_14 : vector<1x128xf32> to vector<1000x128xf32>
      %add3A_15 = arith.addf %dot_general3A_11, %add3A : vector<1000x128xf32>
      %swap3A = arith.constant 0 : index
      %swap3A_16 = arith.constant 0 : index
      %swap3A_17 = vector.load %arg6[%swap3A, %swap3A_16] : memref<4000x128xf32, #tpu.memory_space<vmem>>, vector<1000x128xf32>
      tpu.vector_store %arg6[%swap3A, %swap3A_16], %add3A_15 {strides = array<i32>} : memref<4000x128xf32, #tpu.memory_space<vmem>>, vector<1000x128xf32>,
      %get3A_18 = arith.constant 0 : index
      %get3A_19 = arith.constant 0 : index
      %get3A_20 = vector.load %arg3[%get3A_18, %get3A_19] : memref<1000x128xf32, #tpu.memory_space<vmem>>, vector<1000x128xf32>
      %get3A_21 = arith.constant 256 : index
      %get3A_22 = arith.constant 0 : index
      %get3A_23 = vector.load %arg4[%get3A_21, %get3A_22] : memref<384x128xf32, #tpu.memory_space<vmem>>, vector<128x128xf32>
      %dot_general3A_24 = arith.constant dense<0.000000e+00> : vector<1000x128xf32>
      %dot_general3A_25 = tpu.matmul %get3A_20, %get3A_23, %dot_general3A_24 {dimension_numbers = #tpu.dot_dimension_numbers<[1], [0], [0], [1], [0, 0, 1, 1], [], []>, transpose_lhs_hint = false} : vector<1000x128xf32>, vector<128x128xf32>, vector<1000x128xf32> -> vector<1000x128xf32>
      %swap3A_26 = arith.constant 1000 : index
      %swap3A_27 = arith.constant 0 : index
      %swap3A_28 = vector.load %arg6[%swap3A_26, %swap3A_27] : memref<4000x128xf32, #tpu.memory_space<vmem>>, vector<1000x128xf32>
      tpu.vector_store %arg6[%swap3A_26, %swap3A_27], %dot_general3A_25 {strides = array<i32>} : memref<4000x128xf32, #tpu.memory_space<vmem>>, vector<1000x128xf32>,
      %broadcast_in_dim3A = arith.constant 0.000000e+00 : f32
      %broadcast_in_dim3A_29 = vector.broadcast %broadcast_in_dim3A : f32 to vector<2000x128xf32>
      %swap3A_30 = arith.constant 2000 : index
      %swap3A_31 = arith.constant 0 : index
      %swap3A_32 = vector.load %arg6[%swap3A_30, %swap3A_31] : memref<4000x128xf32, #tpu.memory_space<vmem>>, vector<2000x128xf32>
      tpu.vector_store %arg6[%swap3A_30, %swap3A_31], %broadcast_in_dim3A_29 {strides = array<i32>} : memref<4000x128xf32, #tpu.memory_space<vmem>>, vector<2000x128xf32>,
    } else {
    }
    return
  }
  func.func @transform_0(%arg0: i32) -> (i32, i32) {
    %min3A = arith.constant 24 : i32
    %min3A_0 = arith.minsi %arg0, %min3A : i32
    %c0_i32 = arith.constant 0 : i32
    %c0_i32_1 = arith.constant 0 : i32
    return %min3A_0, %c0_i32 : i32, i32
  }
  func.func @transform_1(%arg0: i32) -> (i32, i32) {
    %c0_i32 = arith.constant 0 : i32
    %c0_i32_0 = arith.constant 0 : i32
    %c0_i32_1 = arith.constant 0 : i32
    return %c0_i32, %c0_i32_0 : i32, i32
  }
  func.func @transform_2(%arg0: i32) -> (i32, i32) {
    %c0_i32 = arith.constant 0 : i32
    %c0_i32_0 = arith.constant 0 : i32
    %c0_i32_1 = arith.constant 0 : i32
    return %c0_i32, %c0_i32_0 : i32, i32
  }
  func.func @transform_3(%arg0: i32) -> (i32, i32) {
    %c0_i32 = arith.constant 0 : i32
    %c0_i32_0 = arith.constant 0 : i32
    %c0_i32_1 = arith.constant 0 : i32
    return %c0_i32, %c0_i32_0 : i32, i32
  }
  func.func @transform_4(%arg0: i32) -> (i32, i32) {
    %c0_i32 = arith.constant 0 : i32
    %c0_i32_0 = arith.constant 0 : i32
    %c0_i32_1 = arith.constant 0 : i32
    return %c0_i32, %c0_i32_0 : i32, i32
  }
  func.func @transform_5(%arg0: i32) -> (i32, i32) {
    %c0_i32 = arith.constant 0 : i32
    %c0_i32_0 = arith.constant 0 : i32
    return %arg0, %c0_i32 : i32, i32
  }
}

</mosaic_0001>

<sc_bundles>
// kernel: kernel.4.cloned.1.call-start
scs
__scs_entry_jumppad:
0x0: {  	(pc) =	sbr.rel $0x88, $3  }
0x1: {  	(tag) =	ssettag $0x0;
	lr =	simm.s32 $0x1  }
0x2: {  	[smem:$0x3F99] =	sst lr;
	_ =	strace $0xD0000000  }
0x3: {  	_ = 	snop  }
0x4: {  	_ = 	snop  }
0x5: {  	_ = 	snop  }
0x6: {  	_ = 	snop  }
0x7: {  	_ = 	snop  }
__scs_overlays_trampoline_lowered:
0x8: {  	[smem:$0x3FA8] =	sst s0  }
0x9: {  	[smem:$0x3FA9] =	sst s1  }
0xa: {  	[smem:$0x3FAA] =	sst s2  }
0xb: {  	[smem:$0x3FAB] =	sst s3  }
0xc: {  	[smem:$0x3FAC] =	sst s4  }
0xd: {  	[smem:$0x3FAD] =	sst s5  }
0xe: {  	[smem:$0x3FAE] =	sst s6  }
0xf: {  	[smem:$0x3FAF] =	sst s7  }
0x10: {  	[smem:$0x3FB0] =	sst s8  }
0x11: {  	[smem:$0x3FB1] =	sst s9;
	s0 =	simm.s32 @!p0 $0x0  }
0x12: {  	s1 =	sld [smem:$0x3F97];
	s0 =	simm.s32 @p0 $0x1  }
0x13: {  	[smem:$0x3FB2] =	sst s0;
	s0 =	simm.s32 @!p1 $0x0  }
0x14: {  	s2 =	sld [smem:$0x3F96];
	s0 =	simm.s32 @p1 $0x1  }
0x15: {  	[smem:$0x3FB3] =	sst s0;
	s0 =	simm.s32 @!p2 $0x0  }
0x16: {  	s3 =	sld [smem:$0x3FDB];
	s0 =	simm.s32 @p2 $0x1  }
0x17: {  	s4 =	simm.s32 $0x1BF5;
	[smem:$0x3FB5] =	sst s0  }
0x18: {  	s0 =	sld [smem:$0x3F98];
	_ =	swait.ge [sflag:s4], $0x0  }
0x19: {  	s7 =	sld [smem:$0x3F99]  }
0x1a: {  	s8 =	sadd.s32 $0xFFFFE003, lr  }
0x1b: {  	s9 =	sadd.s32 $0xFFFFFEF7, lr;
	s5 =	simm.s32 $0xFFFFFFFF;
	p2 =	slt.u32 s8, $0xFFFFF086  }
0x1c: {  	p1 =	slt.u32 s9, $0xF7A;
	s5 =	simm.s32 @!p2 $0x0  }
0x1d: {  	s5 =	simm.s32 @p1 $0x1;
	p0 =	seq.s32 s7, s2  }
0x1e: {  	s7 =	smul.u32 @!p0 $0xF7A, s2;
	p2 =	seq.s32 @!p0 s5, $0x0  }
0x1f: {  	s9 =	smul.u32 $0xF7A, s1;
	s8 =	simm.s32 @!p0 $0x1BF5;
	p2 =	por !p2, p0  }
0x20: {  	[sflag:s8] =	ssyncset.s32 @!p0 $0xFFFFF086;
	s6 =	sadd.s32 @!p0 s3, s7;
	s7 =	simm.s32 @!p0 $0x108  }
0x21: {  	s3 =	sadd.s32 s3, s9;
	s6 =	sadd.s32 @!p0 $0x88, s6;
	s7 =	simm.s32 @p2 $0x1082  }
0x22: {  	[simem:s7], [sflag:s8] =	dma.local @!p0 [hbm:s6], $0xF7A  }
0x23: {  	s9 =	sor.u32 $0xD0000000, s2;
	s6 =	simm.s32 $0x108;
	_ =	swait.ge @!p0 [sflag:s8], $0x0  }
0x24: {  	s3 =	sadd.s32 $0x88, s3;
	s6 =	simm.s32 @!p1 $0x1082;
	[sflag:s4] =	ssyncset.s32 $0xFFFFF086  }
0x25: {  	[simem:s6], [sflag:s4] =	dma.local [hbm:s3], $0xF7A  }
0x26: {  	[smem:$0x3F99] =	sst s1;
	(tag) =	ssettag s2;
	_ =	strace s9  }
0x27: {  	s1 =	sld [smem:$0x3FA9]  }
0x28: {  	s2 =	sld [smem:$0x3FAA]  }
0x29: {  	s4 =	sld [smem:$0x3FAC]  }
0x2a: {  	p0 =	seq.s32 s5, $0x0;
	s5 =	sld [smem:$0x3FAD]  }
0x2b: {  	s6 =	sld [smem:$0x3FAE]  }
0x2c: {  	s7 =	sld [smem:$0x3FAF]  }
0x2d: {  	s3 =	simm.s32 $0x108;
	s8 =	sld [smem:$0x3FB0]  }
0x2e: {  	s3 =	simm.s32 @!p0 $0x1082;
	s9 =	sld [smem:$0x3FB1]  }
0x2f: {  	lr =	sadd.s32 s0, s3;
	s0 =	sld [smem:$0x3FA8]  }
0x30: {  	s3 =	sld [smem:$0x3FAB]  }
0x31: {  	[smem:$0x3FB4] =	sst s10  }
0x32: {  	s10 =	sld [smem:$0x3FB2];
	_ =	sdelay $0x3  }
0x33: {  	p0 =	seq.s32 s10, $0x1;
	s10 =	sld [smem:$0x3FB4];
	_ =	sdelay $0x3  }
0x34: {  	[smem:$0x3FB4] =	sst s10  }
0x35: {  	s10 =	sld [smem:$0x3FB3];
	_ =	sdelay $0x3  }
0x36: {  	p1 =	seq.s32 s10, $0x1;
	s10 =	sld [smem:$0x3FB4];
	_ =	sdelay $0x3  }
0x37: {  	[smem:$0x3FB4] =	sst s10  }
0x38: {  	s10 =	sld [smem:$0x3FB5]  }
0x39: {  	_ = 	snop;
	(pc) =	sbr.ind lr, $3  }
0x3a: {  	_ = 	snop  }
0x3b: {  	_ = 	snop  }
0x3c: {  	p2 =	seq.s32 s10, $0x1;
	s10 =	sld [smem:$0x3FB4]  }
0x3d: {  	_ =	shalt  }
0x3e: {  	_ =	shalt  }
0x3f: {  	_ =	shalt  }
0x40: {  	_ =	shalt  }
0x41: {  	_ =	shalt  }
0x42: {  	_ =	shalt  }
0x43: {  	_ =	shalt  }
0x44: {  	_ =	shalt  }
0x45: {  	_ =	shalt  }
0x46: {  	_ =	shalt  }
0x47: {  	_ =	shalt  }
0x48: {  	_ =	shalt  }
0x49: {  	_ =	shalt  }
0x4a: {  	_ =	shalt  }
0x4b: {  	_ =	shalt  }
0x4c: {  	_ =	shalt  }
0x4d: {  	_ =	shalt  }
0x4e: {  	_ =	shalt  }
0x4f: {  	_ =	shalt  }
0x50: {  	_ =	shalt  }
0x51: {  	_ =	shalt  }
0x52: {  	_ =	shalt  }
0x53: {  	_ =	shalt  }
0x54: {  	_ =	shalt  }
0x55: {  	_ =	shalt  }
0x56: {  	_ =	shalt  }
0x57: {  	_ =	shalt  }
0x58: {  	_ =	shalt  }
0x59: {  	_ =	shalt  }
0x5a: {  	_ =	shalt  }
0x5b: {  	_ =	shalt  }
0x5c: {  	_ =	shalt  }
0x5d: {  	_ =	shalt  }
0x5e: {  	_ =	shalt  }
0x5f: {  	_ =	shalt  }
0x60: {  	_ =	shalt  }
0x61: {  	_ =	shalt  }
0x62: {  	_ =	shalt  }
0x63: {  	_ =	shalt  }
0x64: {  	_ =	shalt  }
0x65: {  	_ =	shalt  }
0x66: {  	_ =	shalt  }
0x67: {  	_ =	shalt  }
0x68: {  	_ =	shalt  }
0x69: {  	_ =	shalt  }
0x6a: {  	_ =	shalt  }
0x6b: {  	_ =	shalt  }
0x6c: {  	_ =	shalt  }
0x6d: {  	_ =	shalt  }
0x6e: {  	_ =	shalt  }
0x6f: {  	_ =	shalt  }
0x70: {  	_ =	shalt  }
0x71: {  	_ =	shalt  }
0x72: {  	_ =	shalt  }
0x73: {  	_ =	shalt  }
0x74: {  	_ =	shalt  }
0x75: {  	_ =	shalt  }
0x76: {  	_ =	shalt  }
0x77: {  	_ =	shalt  }
0x78: {  	_ =	shalt  }
0x79: {  	_ =	shalt  }
0x7a: {  	_ =	shalt  }
0x7b: {  	_ =	shalt  }
0x7c: {  	_ =	shalt  }
0x7d: {  	_ =	shalt  }
0x7e: {  	_ =	shalt  }
0x7f: {  	_ =	shalt  }
0x80: {  	_ =	shalt  }
0x81: {  	_ =	shalt  }
0x82: {  	_ =	shalt  }
0x83: {  	_ =	shalt  }
0x84: {  	_ =	shalt  }
0x85: {  	_ =	shalt  }
0x86: {  	_ =	shalt  }
0x87: {  	_ =	shalt  }
.Lfunc_end0:
.L_simem_size_0:
called_computation_lowered:
.L_overlay_start_0:
0x88: {  	s2 =	sld [smem:$0x3FD9]  }
0x89: {  	s3 =	sld [smem:$0x3FFE];
	_ =	sdelay $0x1  }
0x8a: {  	s1 =	srdreg.scid  }
0x8b: {  	s0 =	sand.u32 $0x1, s1  }
0x8c: {  	s17 =	sshll.u32 s0, $0xA;
	s2 =	sadd.s32 s3, s2  }
0x8d: {  	s2 =	sadd.s32 s2, s17  }
0x8e: {  	[smem:$0x3FC0] =	sst s2  }
0x8f: {  	_ = 	snop  }
0x90: {  	s2 =	sld [smem:$0x3FC9]  }
0x91: {  	s18 =	sld [smem:$0x3FD0];
	(tm) =	ssettm $0x1  }
0x92: {  	s4 =	sld [smem:$0x3FFB];
	_ =	sdelay $0x3  }
0x93: {  	_ =	strace s4  }
0x94: {  	s4 =	sld [smem:$0x3FFC];
	_ =	sdelay $0x3  }
0x95: {  	_ =	strace s4  }
0x96: {  	s4 =	sld [smem:$0x3FFD];
	_ =	sdelay $0x3  }
0x97: {  	_ =	strace s4  }
0x98: {  	_ =	strace $0x8FFFFFFF  }
0x99: {  	s19 =	sld [smem:$0x3FDB];
	_ =	sdelay $0x1  }
0x9a: {  	s5 =	simm.s32 $_scs_section_size  }
0x9b: {  	s6 =	simm.s32 $_size__tile_overlayer_lowered;
	s7 =	simm.s32 $_tile_overlayer_lowered  }
0x9c: {  	s22 =	simm.s32 $0x1BFF;
	s21 =	sshll.u32 s7, $0x1;
	s4 =	sadd.s32 s5, s19  }
0x9d: {  	s8 =	simm.s32 $0x0;
	s20 =	sshll.u32 s6, $0x1;
	s6 =	sadd.s32 s21, s4  }
0x9e: {  	[timem:s8], [sflag:s22] =	dma.local [hbm:s6], s20  }
0x9f: {  	_ =	swait.ge [sflag:s22], s20  }
0xa0: {  	s5 =	ssub.s32 $0x0, s20;
	[sflag:s22] =	ssyncset.done $0x0  }
0xa1: {  	[sflag:s22] =	ssyncadd.s32 s5;
	_ =	sdelay $0x1  }
0xa2: {  	s23 =	simm.s32 $0x1B8B  }
0xa3: {  	_ =	swait.ge [sflag:s23], $0x1  }
0xa4: {  	[sflag:s23] =	ssyncset.done $0x0  }
0xa5: {  	s25 =	simm.s32 $0x1B8E;
	s24 =	sld [smem:$0x3FFE];
	[sflag:s23] =	ssyncadd.s32 $0xFFFFFFFF  }
0xa6: {  	s26 =	simm.s32 $execute0_lowered;
	[smem:$0x3FD2] =	sst s25  }
0xa7: {  	s6 =	sshll.u32 s26, $0x1;
	_ =	strace $0x80000046;
	[dreg:$0x1] =	wrdreg $0xFFFFFFFF  }
0xa8: {  	s28 =	simm.s32 $_size_execute0_lowered;
	s4 =	sadd.s32 s4, s6;
	[dreg:$0x0] =	wrdreg $0x0  }
0xa9: {  	s6 =	sshll.u32 s28, $0x1;
	[dreg:$0x2] =	wrdreg s4  }
0xaa: {  	[dreg:$0x3] =	wrdreg s6  }
0xab: {  	[dreg:$0x4] =	wrdreg $0xC0  }
0xac: {  	_ =	task [dreg:s8], $0x5FFFF  }
0xad: {  	[dreg:$0x1] =	wrdreg $0xFFFFFFFF  }
0xae: {  	[dreg:$0x0] =	wrdreg $0x60  }
0xaf: {  	[dreg:$0x2] =	wrdreg s24  }
0xb0: {  	[dreg:$0x3] =	wrdreg s2  }
0xb1: {  	[dreg:$0x4] =	wrdreg s18  }
0xb2: {  	[dreg:$0x5] =	wrdreg $0x9  }
0xb3: {  	_ =	task.clear_ibuf [dreg:s8], $0x6FFFF;
	_ =	strace $0x90000046  }
0xb4: {  	s29 =	simm.s32 $0x9;
	_ =	strace $0x80000048  }
0xb5: {  	_ =	swait.ge [sflag:s29], $0x1  }
0xb6: {  	[sflag:s29] =	ssyncadd.s32 $0xFFFFFFFF  }
0xb7: {  	_ =	strace $0x90000048  }
0xb8: {  	_ =	sfence  }
0xb9: {  	s30 =	sld [smem:$0x0];
	_ =	sdelay $0x2  }
0xba: {  	s31 =	sshll.u32 s1, $0xD;
	s1 =	sshrl.u32 s1, $0x2  }
0xbb: {  	s3 =	sand.u32 $0x4000, s31;
	s1 =	sadd.s32 s1, s30  }
0xbc: {  	s0 =	sor.u32 s3, s0;
	s1 =	sshll.u32 s1, $0x11  }
0xbd: {  	s0 =	sor.u32 s1, s0  }
0xbe: {  	s0 =	sadd.s32 $0x8F2B, s0  }
0xbf: {  	[sflag:s0] =	ssyncadd.remote.s32 $0x1  }
0xc0: {  	_ =	sfence.sel $0xFFFF  }
0xc1: {  	[dreg:$0x0] =	wrdreg $0xFFFFFFFF;
	(pc) =	sbr.abs _section_cstart, $3  }
0xc2: {  	[dreg:$0x1] =	wrdreg $0xFFFFFFFF  }
0xc3: {  	_ =	task.clear_ibuf [dreg:s8], $0x2FFFF;
	_ =	strace $0x9FFFFFFF  }
0xc4: {  	(tm) =	ssettm $0x7FFFFFFF  }
0xc5: {  	_ =	shalt  }
tec
execute0_lowered:
.L_overlay_start_1:
0x0: {  	(tag) =	ssettag $0x1  }
0x1: {  	s0 =	rddreg [dreg:$0x0]  }
0x2: {  	s1 =	rddreg [dreg:$0x1]  }
0x3: {  	s10 =	rddreg [dreg:$0x2];
	s3 =	simm.s32 $0x0;
	s2 =	srdreg.scid  }
0x4: {  	s6 =	stileid.u32;
	s31 =	simm.s32 $0x40;
	s14 =	simm.s32 $0xA  }
0x5: {  	s28 =	simm.s32 $0xB;
	s15 =	simm.s32 $0xC;
	[smem:$0x7FF] =	sst s3  }
0x6: {  	s5 =	sadd.s32 $0xEE00, s0;
	s2 =	sand.u32 $0x1, s2;
	s7 =	sshll.u32 s6, $0x8  }
0x7: {  	s6 =	sadd.s32 $0x7E00, s0;
	s4 =	ssub.s32 $0x2, s2;
	s2 =	sshll.u32 s2, $0x7  }
0x8: {  	s8 =	sadd.s32 $0xE00, s0;
	s9 =	sshrl.u32 s4, $0x1;
	s7 =	sor.u32 s2, s7  }
0x9: {  	_ =	strace $0x80000047;
	s16 =	ssub.s32 s4, s9;
	s2 =	sadd.s32 s1, s7  }
0xa: {  	s17 =	sadd.s32 s6, s7;
	s18 =	sadd.s32 s8, s7;
	[dreg:$0x4] =	wrdreg s2  }
0xb: {  	s12 =	sor.u32 $0x8, s7;
	s21 =	sor.u32 $0x10, s7;
	[dreg:$0x5] =	wrdreg s17  }
0xc: {  	s25 =	sor.u32 $0x18, s7;
	[dreg:$0x6] =	wrdreg s18;
	s19 =	sadd.s32 s1, s12  }
0xd: {  	s4 =	simm.s32 $0x4;
	s20 =	sadd.s32 s6, s12;
	[dreg:$0x7] =	wrdreg s19  }
0xe: {  	s22 =	sadd.s32 s8, s12;
	s23 =	sadd.s32 s1, s21;
	[dreg:$0x8] =	wrdreg s20  }
0xf: {  	s24 =	sadd.s32 s6, s21;
	s2 =	sadd.s32 s8, s21;
	[dreg:$0x9] =	wrdreg s22  }
0x10: {  	s26 =	sadd.s32 s1, s25;
	s29 =	sadd.s32 s6, s25;
	[dreg:$0xa] =	wrdreg s23  }
0x11: {  	s0 =	smax.u32 s16, $0x1;
	s17 =	simm.s32 $0x600;
	[dreg:$0xb] =	wrdreg s24  }
0x12: {  	s18 =	simm.s32 $0x680;
	s21 =	simm.s32 $0x12800;
	[dreg:$0xc] =	wrdreg s2  }
.Ltmp0:
0x13: {  	s19 =	sshll.u32 s7, $0x4;
	[dreg:$0xd] =	wrdreg s26;
	(pc) =	sbr.rel .LBB2_1-.Ltmp0, $4  }
0x14: {  	[dreg:$0xe] =	wrdreg s29;
	s2 =	sadd.s32 s8, s25;
	s24 =	sadd.s32 $0x10000, s10  }
0x15: {  	[dreg:$0x10] =	wrdreg s0;
	s26 =	sadd.s32 $0x10400, s10;
	s20 =	simm.s32 $0x700  }
0x16: {  	s22 =	simm.s32 $0x5;
	s25 =	simm.s32 $0x9;
	s30 =	sadd.s32 s19, s10  }
0x17: {  	[dreg:$0xf] =	wrdreg s2;
	s2 =	simm.s32 $0x0;
	s23 =	sadd.s32 $0x400, s30  }
.LBB2_12:
0x18: {  	s2 =	rddreg [dreg:$0x11]  }
0x19: {  	s0 =	rddreg [dreg:$0x10];
	s2 =	sadd.s32 $0x1, s2  }
0x1a: {  	p0 =	sne.s32 s2, s0  }
.Ltmp1:
0x1b: {  	_ = 	snop;
	(pc) =	sbr.rel @!p0 .LBB2_13-.Ltmp1, $1  }
0x1c: {  	_ =	sdelay $0x3  }
.LBB2_1:
0x1d: {  	[dreg:$0x11] =	wrdreg s2  }
0x1e: {  	s0 =	rddreg [dreg:$0x4]  }
0x1f: {  	[tilespmem:s3], [sflag:$0x1] =	stream.linear.gather [hbm4b:s0+s3], $0x40, $0x38;
	[tilespmem:$0x18800] =	vst v63  }
0x20: {  	s9 =	rddreg [dreg:$0x5];
	s10 =	simm.s32 $0x80  }
0x21: {  	[tilespmem:s10], [sflag:$0x1] =	stream.linear.gather [hbm4b:s9+s3], $0x40, $0x38;
	[tilespmem:$0x18800] =	vst v63  }
0x22: {  	s11 =	rddreg [dreg:$0x6];
	s13 =	simm.s32 $0x1;
	s9 =	simm.s32 $0x100  }
0x23: {  	[tilespmem:s9], [sflag:$0x1] =	stream.linear.gather [hbm4b:s11+s3], $0x40, $0x38;
	[tilespmem:$0x18800] =	vst v63  }
0x24: {  	_ =	swait.ge [sflag:s13], $0x40  }
0x25: {  	[sflag:s13] =	ssyncset.done $0x0  }
0x26: {  	[sflag:s13] =	ssyncadd.s32 $0xFFFFFFC0  }
0x27: {  	_ =	swait.ge [sflag:s13], $0x40  }
0x28: {  	[sflag:s13] =	ssyncset.done $0x0  }
0x29: {  	[sflag:s13] =	ssyncadd.s32 $0xFFFFFFC0  }
0x2a: {  	_ =	swait.ge [sflag:s13], $0x40  }
0x2b: {  	[sflag:s13] =	ssyncset.done $0x0  }
0x2c: {  	s16 =	simm.s32 $0x800;
	[sflag:s13] =	ssyncadd.s32 $0xFFFFFFC0  }
0x2d: {  	[tilespmem:s16], [sflag:$0x5] =	stream.indirect.gather [hbm4b:s5+s31], $0x80, s3, s31, $0xb8;
	[tilespmem:$0x18800] =	vst v63  }
0x2e: {  	s29 =	simm.s32 $0x2800  }
0x2f: {  	[tilespmem:s29], [sflag:$0x5] =	stream.indirect.gather [hbm4b:s5+s31], $0x80, s10, s31, $0xb8;
	[tilespmem:$0x18800] =	vst v63  }
0x30: {  	s30 =	simm.s32 $0x4800  }
0x31: {  	[tilespmem:s30], [sflag:$0x5] =	stream.indirect.gather [hbm4b:s5+s31], $0x80, s9, s31, $0xb8;
	[tilespmem:$0x18800] =	vst v63  }
0x32: {  	s2 =	rddreg [dreg:$0x7];
	s9 =	simm.s32 $0x200  }
0x33: {  	[tilespmem:s9], [sflag:$0x2] =	stream.linear.gather [hbm4b:s2+s3], $0x40, $0x38;
	[tilespmem:$0x18800] =	vst v63  }
0x34: {  	s29 =	rddreg [dreg:$0x8];
	s30 =	simm.s32 $0x280  }
0x35: {  	[tilespmem:s30], [sflag:$0x2] =	stream.linear.gather [hbm4b:s29+s3], $0x40, $0x38;
	[tilespmem:$0x18800] =	vst v63  }
0x36: {  	s11 =	rddreg [dreg:$0x9];
	s13 =	simm.s32 $0x2;
	s10 =	simm.s32 $0x300  }
0x37: {  	[tilespmem:s10], [sflag:$0x2] =	stream.linear.gather [hbm4b:s11+s3], $0x40, $0x38;
	[tilespmem:$0x18800] =	vst v63  }
0x38: {  	_ =	swait.ge [sflag:s13], $0x40  }
0x39: {  	[sflag:s13] =	ssyncset.done $0x0  }
0x3a: {  	[sflag:s13] =	ssyncadd.s32 $0xFFFFFFC0  }
0x3b: {  	_ =	swait.ge [sflag:s13], $0x40  }
0x3c: {  	[sflag:s13] =	ssyncset.done $0x0  }
0x3d: {  	[sflag:s13] =	ssyncadd.s32 $0xFFFFFFC0  }
0x3e: {  	_ =	swait.ge [sflag:s13], $0x40  }
0x3f: {  	[sflag:s13] =	ssyncset.done $0x0  }
0x40: {  	s16 =	simm.s32 $0x6800;
	[sflag:s13] =	ssyncadd.s32 $0xFFFFFFC0  }
0x41: {  	[tilespmem:s16], [sflag:$0x6] =	stream.indirect.gather [hbm4b:s5+s31], $0x80, s9, s31, $0xb8;
	[tilespmem:$0x18800] =	vst v63  }
0x42: {  	s29 =	simm.s32 $0x8800  }
0x43: {  	[tilespmem:s29], [sflag:$0x6] =	stream.indirect.gather [hbm4b:s5+s31], $0x80, s30, s31, $0xb8;
	[tilespmem:$0x18800] =	vst v63  }
0x44: {  	s30 =	simm.s32 $0xA800  }
0x45: {  	[tilespmem:s30], [sflag:$0x6] =	stream.indirect.gather [hbm4b:s5+s31], $0x80, s10, s31, $0xb8;
	[tilespmem:$0x18800] =	vst v63  }
0x46: {  	s2 =	rddreg [dreg:$0xa];
	s9 =	simm.s32 $0x400  }
0x47: {  	[tilespmem:s9], [sflag:$0x3] =	stream.linear.gather [hbm4b:s2+s3], $0x40, $0x38;
	[tilespmem:$0x18800] =	vst v63  }
0x48: {  	s11 =	simm.s32 $0x480;
	s10 =	rddreg [dreg:$0xb]  }
0x49: {  	[tilespmem:s11], [sflag:$0x3] =	stream.linear.gather [hbm4b:s10+s3], $0x40, $0x38;
	[tilespmem:$0x18800] =	vst v63  }
0x4a: {  	s13 =	rddreg [dreg:$0xc];
	s16 =	simm.s32 $0x500;
	s29 =	simm.s32 $0x3  }
0x4b: {  	[tilespmem:s16], [sflag:$0x3] =	stream.linear.gather [hbm4b:s13+s3], $0x40, $0x38;
	[tilespmem:$0x18800] =	vst v63  }
0x4c: {  	_ =	swait.ge [sflag:s29], $0x40  }
0x4d: {  	[sflag:s29] =	ssyncset.done $0x0  }
0x4e: {  	[sflag:s29] =	ssyncadd.s32 $0xFFFFFFC0  }
0x4f: {  	_ =	swait.ge [sflag:s29], $0x40  }
0x50: {  	[sflag:s29] =	ssyncset.done $0x0  }
0x51: {  	[sflag:s29] =	ssyncadd.s32 $0xFFFFFFC0  }
0x52: {  	_ =	swait.ge [sflag:s29], $0x40  }
0x53: {  	[sflag:s29] =	ssyncset.done $0x0  }
0x54: {  	s30 =	simm.s32 $0xC800;
	[sflag:s29] =	ssyncadd.s32 $0xFFFFFFC0  }
0x55: {  	[tilespmem:s30], [sflag:$0x7] =	stream.indirect.gather [hbm4b:s5+s31], $0x80, s9, s31, $0xb8;
	[tilespmem:$0x18800] =	vst v63  }
0x56: {  	s2 =	simm.s32 $0xE800  }
0x57: {  	[tilespmem:s2], [sflag:$0x7] =	stream.indirect.gather [hbm4b:s5+s31], $0x80, s11, s31, $0xb8;
	[tilespmem:$0x18800] =	vst v63  }
0x58: {  	s9 =	simm.s32 $0x10800  }
0x59: {  	[tilespmem:s9], [sflag:$0x7] =	stream.indirect.gather [hbm4b:s5+s31], $0x80, s16, s31, $0xb8;
	[tilespmem:$0x18800] =	vst v63  }
0x5a: {  	s11 =	rddreg [dreg:$0xd]  }
0x5b: {  	[tilespmem:s17], [sflag:$0x4] =	stream.linear.gather [hbm4b:s11+s3], $0x40, $0x38;
	[tilespmem:$0x18800] =	vst v63  }
0x5c: {  	s13 =	rddreg [dreg:$0xe]  }
0x5d: {  	[tilespmem:s18], [sflag:$0x4] =	stream.linear.gather [hbm4b:s13+s3], $0x40, $0x38;
	[tilespmem:$0x18800] =	vst v63  }
0x5e: {  	s16 =	rddreg [dreg:$0xf]  }
0x5f: {  	[tilespmem:s20], [sflag:$0x4] =	stream.linear.gather [hbm4b:s16+s3], $0x40, $0x38;
	[tilespmem:$0x18800] =	vst v63  }
0x60: {  	_ =	swait.ge [sflag:s4], $0x40  }
0x61: {  	[sflag:s4] =	ssyncset.done $0x0  }
0x62: {  	[sflag:s4] =	ssyncadd.s32 $0xFFFFFFC0  }
0x63: {  	_ =	swait.ge [sflag:s4], $0x40  }
0x64: {  	[sflag:s4] =	ssyncset.done $0x0  }
0x65: {  	[sflag:s4] =	ssyncadd.s32 $0xFFFFFFC0  }
0x66: {  	_ =	swait.ge [sflag:s4], $0x40  }
0x67: {  	[sflag:s4] =	ssyncset.done $0x0  }
0x68: {  	[sflag:s4] =	ssyncadd.s32 $0xFFFFFFC0  }
0x69: {  	[tilespmem:s21], [sflag:$0x8] =	stream.indirect.gather [hbm4b:s5+s31], $0x80, s17, s31, $0xb8;
	[tilespmem:$0x18800] =	vst v63  }
0x6a: {  	s29 =	simm.s32 $0x14800  }
0x6b: {  	[tilespmem:s29], [sflag:$0x8] =	stream.indirect.gather [hbm4b:s5+s31], $0x80, s18, s31, $0xb8;
	[tilespmem:$0x18800] =	vst v63  }
0x6c: {  	s30 =	simm.s32 $0x16800;
	s11 =	simm.s32 $0x0  }
0x6d: {  	[tilespmem:s30], [sflag:$0x8] =	stream.indirect.gather [hbm4b:s5+s31], $0x80, s20, s31, $0xb8;
	[tilespmem:$0x18800] =	vst v63  }
.LBB2_2:
0x6e: {  	_ =	swait.ge [sflag:s22], $0x2000  }
0x6f: {  	[sflag:s22] =	ssyncset.done $0x0  }
0x70: {  	s30 =	sshll.u32 s11, $0x2;
	p0 =	seq.s32 s11, $0x18;
	[sflag:s22] =	ssyncadd.s32 $0xFFFFE000  }
0x71: {  	s2 =	sadd.s32 @!p0 $0x4, s30;
	_ =	swait.ge [sflag:s22], $0x2000  }
0x72: {  	s9 =	sshll.u32 @!p0 s2, $0x8;
	s2 =	sshll.u32 @!p0 s2, $0x3;
	[sflag:s22] =	ssyncset.done $0x0  }
0x73: {  	s9 =	sand.u32 @!p0 $0xF000, s9;
	s2 =	sand.u32 @!p0 $0x60, s2;
	[sflag:s22] =	ssyncadd.s32 $0xFFFFE000  }
0x74: {  	s9 =	sor.u32 @!p0 s9, s2;
	_ =	swait.ge [sflag:s22], $0x2000  }
0x75: {  	s2 =	sor.u32 @!p0 s7, s9;
	[sflag:s22] =	ssyncset.done $0x0  }
0x76: {  	s29 =	simm.s32 @!p0 $0x0;
	s10 =	sadd.s32 @!p0 s1, s2;
	[sflag:s22] =	ssyncadd.s32 $0xFFFFE000  }
0x77: {  	[tilespmem:s29], [sflag:$0x1] =	stream.linear.gather @!p0 [hbm4b:s10+s29], $0x40, $0x38;
	[tilespmem:$0x18800] =	vst v63  }
0x78: {  	s0 =	simm.s32 @!p0 $0x80;
	s10 =	sadd.s32 @!p0 s6, s2  }
0x79: {  	[tilespmem:s0], [sflag:$0x1] =	stream.linear.gather @!p0 [hbm4b:s10+s29], $0x40, $0x38;
	[tilespmem:$0x18800] =	vst v63  }
0x7a: {  	s0 =	sadd.s32 @!p0 s8, s2;
	s2 =	simm.s32 @!p0 $0x100;
	s10 =	simm.s32 $0x0  }
0x7b: {  	[tilespmem:s2], [sflag:$0x1] =	stream.linear.gather @!p0 [hbm4b:s0+s29], $0x40, $0x38;
	[tilespmem:$0x18800] =	vst v63  }
0x7c: {  	v4 =	vld [tilespmem:s10+$0x4800]  }
0x7d: {  	v5 =	vld [tilespmem:s10+$0x4810]  }
0x7e: {  	v3 =	vld [tilespmem:s10+$0x4820]  }
0x7f: {  	v2 =	vld [tilespmem:s10+$0x4830]  }
0x80: {  	v1 =	vld [tilespmem:s10+$0x4840]  }
0x81: {  	v0 =	vld [tilespmem:s10+$0x4850]  }
0x82: {  	v12 =	vld [tilespmem:s10+$0x2800]  }
0x83: {  	v17 =	vld [tilespmem:s10+$0x2810]  }
0x84: {  	v11 =	vld [tilespmem:s10+$0x2820]  }
0x85: {  	v10 =	vld [tilespmem:s10+$0x2830]  }
0x86: {  	v9 =	vld [tilespmem:s10+$0x2840]  }
0x87: {  	v8 =	vld [tilespmem:s10+$0x2850]  }
0x88: {  	v7 =	vld [tilespmem:s10+$0x2860]  }
0x89: {  	v6 =	vld [tilespmem:s10+$0x2870]  }
0x8a: {  	v18 =	vld [tilespmem:s10+$0x800]  }
0x8b: {  	v19 =	vld [tilespmem:s10+$0x810]  }
0x8c: {  	v16 =	vld [tilespmem:s10+$0x820]  }
0x8d: {  	v15 =	vld [tilespmem:s10+$0x830]  }
0x8e: {  	v14 =	vld [tilespmem:s10+$0x840]  }
0x8f: {  	v13 =	vld [tilespmem:s10+$0x850];
	v18 =	vadd.f32 v12, v18  }
0x90: {  	s2 =	simm.s32 $0x200;
	v17 =	vadd.f32 v17, v19;
	v12 =	vld [tilespmem:s10+$0x860]  }
.LBB2_3:
0x91: {  	p1 =	sne.s32 s2, $0x7E00;
	v4 =	vadd.f32 v4, v18;
	v11 =	vadd.f32 v11, v16;
	v16 =	vld [tilespmem:s10+$0x870]  }
0x92: {  	v5 =	vadd.f32 v5, v17;
	v10 =	vadd.f32 v10, v15;
	v15 =	vld [tilespmem:s10+$0x4860]  }
0x93: {  	s0 =	sshra.s32 s2, $0x2;
	v17 =	vmax.f32 v4, $0.0e+00;
	v3 =	vadd.f32 v3, v11;
	v9 =	vadd.f32 v9, v14;
	v11 =	vld [tilespmem:s10+$0x4870]  }
0x94: {  	v4 =	vld [tilespmem:s0+$0x4800];
	[tilespmem:s10+$0x800] =	vst v17;
	v14 =	vmax.f32 v5, $0.0e+00;
	v2 =	vadd.f32 v2, v10;
	v8 =	vadd.f32 v8, v13  }
0x95: {  	v5 =	vld [tilespmem:s0+$0x4810];
	[tilespmem:s10+$0x810] =	vst v14;
	v10 =	vmax.f32 v3, $0.0e+00;
	v1 =	vadd.f32 v1, v9;
	v7 =	vadd.f32 v7, v12  }
0x96: {  	v3 =	vld [tilespmem:s0+$0x4820];
	[tilespmem:s10+$0x820] =	vst v10;
	v9 =	vmax.f32 v2, $0.0e+00;
	v0 =	vadd.f32 v0, v8;
	v6 =	vadd.f32 v6, v16  }
0x97: {  	v2 =	vld [tilespmem:s0+$0x4830];
	[tilespmem:s10+$0x830] =	vst v9;
	v8 =	vmax.f32 v1, $0.0e+00;
	v7 =	vadd.f32 v15, v7  }
0x98: {  	v1 =	vld [tilespmem:s0+$0x4840];
	[tilespmem:s10+$0x840] =	vst v8;
	v8 =	vmax.f32 v0, $0.0e+00;
	v6 =	vadd.f32 v11, v6  }
0x99: {  	v0 =	vld [tilespmem:s0+$0x4850];
	[tilespmem:s10+$0x850] =	vst v8;
	v7 =	vmax.f32 v7, $0.0e+00  }
0x9a: {  	v12 =	vld [tilespmem:s0+$0x2800];
	[tilespmem:s10+$0x860] =	vst v7;
	v6 =	vmax.f32 v6, $0.0e+00  }
0x9b: {  	v17 =	vld [tilespmem:s0+$0x2810];
	[tilespmem:s10+$0x870] =	vst v6;
	s10 =	smov.u32 s0  }
0x9c: {  	v11 =	vld [tilespmem:s10+$0x2820]  }
0x9d: {  	v10 =	vld [tilespmem:s10+$0x2830]  }
0x9e: {  	v9 =	vld [tilespmem:s10+$0x2840]  }
0x9f: {  	v8 =	vld [tilespmem:s10+$0x2850]  }
0xa0: {  	v7 =	vld [tilespmem:s10+$0x2860]  }
0xa1: {  	v6 =	vld [tilespmem:s10+$0x2870]  }
0xa2: {  	v13 =	vld [tilespmem:s10+$0x800]  }
0xa3: {  	v19 =	vld [tilespmem:s10+$0x810]  }
.Ltmp2:
0xa4: {  	v16 =	vld [tilespmem:s10+$0x820];
	(pc) =	sbr.rel @p1 .LBB2_3-.Ltmp2, $4  }
0xa5: {  	v15 =	vld [tilespmem:s10+$0x830]  }
0xa6: {  	v14 =	vld [tilespmem:s10+$0x840]  }
0xa7: {  	v18 =	vadd.f32 v12, v13;
	v13 =	vld [tilespmem:s10+$0x850]  }
0xa8: {  	s2 =	sadd.s32 $0x200, s2;
	v17 =	vadd.f32 v17, v19;
	v12 =	vld [tilespmem:s10+$0x860]  }
0xa9: {  	v4 =	vadd.f32 v4, v18;
	v11 =	vadd.f32 v11, v16;
	v16 =	vld [tilespmem:s10+$0x870]  }
0xaa: {  	v5 =	vadd.f32 v5, v17;
	v10 =	vadd.f32 v10, v15;
	v15 =	vld [tilespmem:s10+$0x4860]  }
0xab: {  	v4 =	vmax.f32 v4, $0.0e+00;
	v3 =	vadd.f32 v3, v11;
	v9 =	vadd.f32 v9, v14;
	v11 =	vld [tilespmem:s10+$0x4870]  }
0xac: {  	[tilespmem:s10+$0x800] =	vst v4;
	v4 =	vmax.f32 v5, $0.0e+00;
	v2 =	vadd.f32 v2, v10;
	v5 =	vadd.f32 v8, v13  }
0xad: {  	[tilespmem:s10+$0x810] =	vst v4;
	v3 =	vmax.f32 v3, $0.0e+00;
	v1 =	vadd.f32 v1, v9;
	v4 =	vadd.f32 v7, v12  }
0xae: {  	[tilespmem:s10+$0x820] =	vst v3;
	v2 =	vmax.f32 v2, $0.0e+00;
	v0 =	vadd.f32 v0, v5;
	v3 =	vadd.f32 v6, v16  }
0xaf: {  	[tilespmem:s10+$0x830] =	vst v2;
	v1 =	vmax.f32 v1, $0.0e+00;
	v2 =	vadd.f32 v15, v4  }
0xb0: {  	[tilespmem:s10+$0x840] =	vst v1;
	v0 =	vmax.f32 v0, $0.0e+00;
	v1 =	vadd.f32 v11, v3  }
0xb1: {  	s2 =	sshll.u32 s11, $0x11;
	[tilespmem:s10+$0x850] =	vst v0;
	v0 =	vmax.f32 v2, $0.0e+00  }
0xb2: {  	s0 =	rddreg [dreg:$0x2];
	s29 =	sor.u32 s19, s2;
	[tilespmem:s10+$0x860] =	vst v0;
	v0 =	vmax.f32 v1, $0.0e+00  }
0xb3: {  	s16 =	simm.s32 $0x800;
	s0 =	sadd.s32 s0, s29;
	[tilespmem:s10+$0x870] =	vst v0  }
0xb4: {  	[hbm4b:s0+s3] =	stream.linear.scatter [tilespmem:s16], [sflag:$0x9], $0x2000, $0x38;
	[tilespmem:$0x18800] =	vst v63  }
0xb5: {  	_ =	swait.ge [sflag:s25], $0x2000  }
0xb6: {  	[sflag:s25] =	ssyncset.done $0x0  }
0xb7: {  	s0 =	simm.s32 @p0 $0x6;
	[sflag:s25] =	ssyncadd.s32 $0xFFFFE000  }
0xb8: {  	_ =	swait.ge @p0 [sflag:s0], $0x2000  }
0xb9: {  	[sflag:s0] =	ssyncset.done @p0 $0x0  }
0xba: {  	[sflag:s0] =	ssyncadd.s32 @p0 $0xFFFFE000  }
0xbb: {  	_ =	swait.ge @p0 [sflag:s0], $0x2000  }
0xbc: {  	[sflag:s0] =	ssyncset.done @p0 $0x0  }
0xbd: {  	[sflag:s0] =	ssyncadd.s32 @p0 $0xFFFFE000  }
0xbe: {  	_ =	swait.ge @p0 [sflag:s0], $0x2000  }
0xbf: {  	[sflag:s0] =	ssyncset.done @p0 $0x0  }
0xc0: {  	[sflag:s0] =	ssyncadd.s32 @p0 $0xFFFFE000;
	s0 =	simm.s32 @!p0 $0x1  }
0xc1: {  	_ =	swait.ge @!p0 [sflag:s0], $0x40  }
0xc2: {  	[sflag:s0] =	ssyncset.done @!p0 $0x0  }
0xc3: {  	[sflag:s0] =	ssyncadd.s32 @!p0 $0xFFFFFFC0  }
0xc4: {  	_ =	swait.ge @!p0 [sflag:s0], $0x40  }
0xc5: {  	[sflag:s0] =	ssyncset.done @!p0 $0x0  }
0xc6: {  	[sflag:s0] =	ssyncadd.s32 @!p0 $0xFFFFFFC0  }
0xc7: {  	_ =	swait.ge @!p0 [sflag:s0], $0x40  }
0xc8: {  	s13 =	simm.s32 @!p0 $0x800;
	[sflag:s0] =	ssyncset.done @!p0 $0x0  }
0xc9: {  	s10 =	simm.s32 @!p0 $0x0;
	[sflag:s0] =	ssyncadd.s32 @!p0 $0xFFFFFFC0;
	s0 =	simm.s32 @!p0 $0x40  }
0xca: {  	[tilespmem:s13], [sflag:$0x5] =	stream.indirect.gather @!p0 [hbm4b:s5+s0], $0x80, s10, s0, $0xb8;
	[tilespmem:$0x18800] =	vst v63  }
0xcb: {  	s16 =	simm.s32 @!p0 $0x2800;
	s13 =	simm.s32 @!p0 $0x80  }
0xcc: {  	[tilespmem:s16], [sflag:$0x5] =	stream.indirect.gather @!p0 [hbm4b:s5+s0], $0x80, s13, s0, $0xb8;
	[tilespmem:$0x18800] =	vst v63  }
0xcd: {  	s13 =	simm.s32 @!p0 $0x100;
	s16 =	simm.s32 @!p0 $0x4800  }
0xce: {  	[tilespmem:s16], [sflag:$0x5] =	stream.indirect.gather @!p0 [hbm4b:s5+s0], $0x80, s13, s0, $0xb8;
	[tilespmem:$0x18800] =	vst v63  }
0xcf: {  	s0 =	simm.s32 @!p0 $0x6  }
0xd0: {  	_ =	swait.ge @!p0 [sflag:s0], $0x2000  }
0xd1: {  	[sflag:s0] =	ssyncset.done @!p0 $0x0  }
0xd2: {  	[sflag:s0] =	ssyncadd.s32 @!p0 $0xFFFFE000  }
0xd3: {  	_ =	swait.ge @!p0 [sflag:s0], $0x2000  }
0xd4: {  	[sflag:s0] =	ssyncset.done @!p0 $0x0  }
0xd5: {  	[sflag:s0] =	ssyncadd.s32 @!p0 $0xFFFFE000  }
0xd6: {  	_ =	swait.ge @!p0 [sflag:s0], $0x2000  }
0xd7: {  	s9 =	sor.u32 @!p0 s12, s9;
	[sflag:s0] =	ssyncset.done @!p0 $0x0  }
0xd8: {  	s13 =	simm.s32 @!p0 $0x200;
	[sflag:s0] =	ssyncadd.s32 @!p0 $0xFFFFE000;
	s0 =	sadd.s32 @!p0 s1, s9  }
0xd9: {  	[tilespmem:s13], [sflag:$0x2] =	stream.linear.gather @!p0 [hbm4b:s0+s10], $0x40, $0x38;
	[tilespmem:$0x18800] =	vst v63  }
0xda: {  	s0 =	sadd.s32 @!p0 s6, s9;
	s13 =	simm.s32 @!p0 $0x280  }
0xdb: {  	[tilespmem:s13], [sflag:$0x2] =	stream.linear.gather @!p0 [hbm4b:s0+s10], $0x40, $0x38;
	[tilespmem:$0x18800] =	vst v63  }
0xdc: {  	s0 =	sadd.s32 @!p0 s8, s9;
	s9 =	simm.s32 @!p0 $0x300  }
0xdd: {  	[tilespmem:s9], [sflag:$0x2] =	stream.linear.gather @!p0 [hbm4b:s0+s10], $0x40, $0x38;
	[tilespmem:$0x18800] =	vst v63  }
0xde: {  	s9 =	simm.s32 $0x0  }
0xdf: {  	v4 =	vld [tilespmem:s9+$0xA800]  }
0xe0: {  	v5 =	vld [tilespmem:s9+$0xA810]  }
0xe1: {  	v3 =	vld [tilespmem:s9+$0xA820]  }
0xe2: {  	v2 =	vld [tilespmem:s9+$0xA830]  }
0xe3: {  	v1 =	vld [tilespmem:s9+$0xA840]  }
0xe4: {  	v0 =	vld [tilespmem:s9+$0xA850]  }
0xe5: {  	v12 =	vld [tilespmem:s9+$0x8800]  }
0xe6: {  	v17 =	vld [tilespmem:s9+$0x8810]  }
0xe7: {  	v11 =	vld [tilespmem:s9+$0x8820]  }
0xe8: {  	v10 =	vld [tilespmem:s9+$0x8830]  }
0xe9: {  	v9 =	vld [tilespmem:s9+$0x8840]  }
0xea: {  	v8 =	vld [tilespmem:s9+$0x8850]  }
0xeb: {  	v7 =	vld [tilespmem:s9+$0x8860]  }
0xec: {  	v6 =	vld [tilespmem:s9+$0x8870]  }
0xed: {  	v18 =	vld [tilespmem:s9+$0x6800]  }
0xee: {  	v19 =	vld [tilespmem:s9+$0x6810]  }
0xef: {  	v16 =	vld [tilespmem:s9+$0x6820]  }
0xf0: {  	v15 =	vld [tilespmem:s9+$0x6830]  }
0xf1: {  	v14 =	vld [tilespmem:s9+$0x6840]  }
0xf2: {  	v13 =	vld [tilespmem:s9+$0x6850];
	v18 =	vadd.f32 v12, v18  }
0xf3: {  	s10 =	simm.s32 $0x200;
	v17 =	vadd.f32 v17, v19;
	v12 =	vld [tilespmem:s9+$0x6860]  }
.LBB2_5:
0xf4: {  	p1 =	sne.s32 s10, $0x7E00;
	v4 =	vadd.f32 v4, v18;
	v11 =	vadd.f32 v11, v16;
	v16 =	vld [tilespmem:s9+$0x6870]  }
0xf5: {  	v5 =	vadd.f32 v5, v17;
	v10 =	vadd.f32 v10, v15;
	v15 =	vld [tilespmem:s9+$0xA860]  }
0xf6: {  	s0 =	sshra.s32 s10, $0x2;
	v17 =	vmax.f32 v4, $0.0e+00;
	v3 =	vadd.f32 v3, v11;
	v9 =	vadd.f32 v9, v14;
	v11 =	vld [tilespmem:s9+$0xA870]  }
0xf7: {  	v4 =	vld [tilespmem:s0+$0xA800];
	[tilespmem:s9+$0x6800] =	vst v17;
	v14 =	vmax.f32 v5, $0.0e+00;
	v2 =	vadd.f32 v2, v10;
	v8 =	vadd.f32 v8, v13  }
0xf8: {  	v5 =	vld [tilespmem:s0+$0xA810];
	[tilespmem:s9+$0x6810] =	vst v14;
	v10 =	vmax.f32 v3, $0.0e+00;
	v1 =	vadd.f32 v1, v9;
	v7 =	vadd.f32 v7, v12  }
0xf9: {  	v3 =	vld [tilespmem:s0+$0xA820];
	[tilespmem:s9+$0x6820] =	vst v10;
	v9 =	vmax.f32 v2, $0.0e+00;
	v0 =	vadd.f32 v0, v8;
	v6 =	vadd.f32 v6, v16  }
0xfa: {  	v2 =	vld [tilespmem:s0+$0xA830];
	[tilespmem:s9+$0x6830] =	vst v9;
	v8 =	vmax.f32 v1, $0.0e+00;
	v7 =	vadd.f32 v15, v7  }
0xfb: {  	v1 =	vld [tilespmem:s0+$0xA840];
	[tilespmem:s9+$0x6840] =	vst v8;
	v8 =	vmax.f32 v0, $0.0e+00;
	v6 =	vadd.f32 v11, v6  }
0xfc: {  	v0 =	vld [tilespmem:s0+$0xA850];
	[tilespmem:s9+$0x6850] =	vst v8;
	v7 =	vmax.f32 v7, $0.0e+00  }
0xfd: {  	v12 =	vld [tilespmem:s0+$0x8800];
	[tilespmem:s9+$0x6860] =	vst v7;
	v6 =	vmax.f32 v6, $0.0e+00  }
0xfe: {  	v17 =	vld [tilespmem:s0+$0x8810];
	[tilespmem:s9+$0x6870] =	vst v6;
	s9 =	smov.u32 s0  }
0xff: {  	v11 =	vld [tilespmem:s9+$0x8820]  }
0x100: {  	v10 =	vld [tilespmem:s9+$0x8830]  }
0x101: {  	v9 =	vld [tilespmem:s9+$0x8840]  }
0x102: {  	v8 =	vld [tilespmem:s9+$0x8850]  }
0x103: {  	v7 =	vld [tilespmem:s9+$0x8860]  }
0x104: {  	v6 =	vld [tilespmem:s9+$0x8870]  }
0x105: {  	v13 =	vld [tilespmem:s9+$0x6800]  }
0x106: {  	v19 =	vld [tilespmem:s9+$0x6810]  }
.Ltmp3:
0x107: {  	v16 =	vld [tilespmem:s9+$0x6820];
	(pc) =	sbr.rel @p1 .LBB2_5-.Ltmp3, $4  }
0x108: {  	v15 =	vld [tilespmem:s9+$0x6830]  }
0x109: {  	v14 =	vld [tilespmem:s9+$0x6840]  }
0x10a: {  	v18 =	vadd.f32 v12, v13;
	v13 =	vld [tilespmem:s9+$0x6850]  }
0x10b: {  	s10 =	sadd.s32 $0x200, s10;
	v17 =	vadd.f32 v17, v19;
	v12 =	vld [tilespmem:s9+$0x6860]  }
0x10c: {  	v4 =	vadd.f32 v4, v18;
	v11 =	vadd.f32 v11, v16;
	v16 =	vld [tilespmem:s9+$0x6870]  }
0x10d: {  	v5 =	vadd.f32 v5, v17;
	v10 =	vadd.f32 v10, v15;
	v15 =	vld [tilespmem:s9+$0xA860]  }
0x10e: {  	v4 =	vmax.f32 v4, $0.0e+00;
	v3 =	vadd.f32 v3, v11;
	v9 =	vadd.f32 v9, v14;
	v11 =	vld [tilespmem:s9+$0xA870]  }
0x10f: {  	[tilespmem:s9+$0x6800] =	vst v4;
	v4 =	vmax.f32 v5, $0.0e+00;
	v2 =	vadd.f32 v2, v10;
	v5 =	vadd.f32 v8, v13  }
0x110: {  	[tilespmem:s9+$0x6810] =	vst v4;
	v3 =	vmax.f32 v3, $0.0e+00;
	v1 =	vadd.f32 v1, v9;
	v4 =	vadd.f32 v7, v12  }
0x111: {  	[tilespmem:s9+$0x6820] =	vst v3;
	v2 =	vmax.f32 v2, $0.0e+00;
	v0 =	vadd.f32 v0, v5;
	v3 =	vadd.f32 v6, v16  }
0x112: {  	[tilespmem:s9+$0x6830] =	vst v2;
	v1 =	vmax.f32 v1, $0.0e+00;
	v2 =	vadd.f32 v15, v4  }
0x113: {  	[tilespmem:s9+$0x6840] =	vst v1;
	v0 =	vmax.f32 v0, $0.0e+00;
	v1 =	vadd.f32 v11, v3  }
0x114: {  	[tilespmem:s9+$0x6850] =	vst v0;
	v0 =	vmax.f32 v2, $0.0e+00  }
0x115: {  	[tilespmem:s9+$0x6860] =	vst v0;
	v0 =	vmax.f32 v1, $0.0e+00  }
0x116: {  	s0 =	sadd.s32 s2, s23;
	s16 =	simm.s32 $0x6800;
	[tilespmem:s9+$0x6870] =	vst v0  }
0x117: {  	[hbm4b:s0+s3] =	stream.linear.scatter [tilespmem:s16], [sflag:$0xA], $0x2000, $0x38;
	[tilespmem:$0x18800] =	vst v63  }
0x118: {  	_ =	swait.ge [sflag:s14], $0x2000  }
0x119: {  	[sflag:s14] =	ssyncset.done $0x0  }
0x11a: {  	s0 =	simm.s32 @p0 $0x7;
	[sflag:s14] =	ssyncadd.s32 $0xFFFFE000  }
0x11b: {  	_ =	swait.ge @p0 [sflag:s0], $0x2000  }
0x11c: {  	[sflag:s0] =	ssyncset.done @p0 $0x0  }
0x11d: {  	[sflag:s0] =	ssyncadd.s32 @p0 $0xFFFFE000  }
0x11e: {  	_ =	swait.ge @p0 [sflag:s0], $0x2000  }
0x11f: {  	[sflag:s0] =	ssyncset.done @p0 $0x0  }
0x120: {  	[sflag:s0] =	ssyncadd.s32 @p0 $0xFFFFE000  }
0x121: {  	_ =	swait.ge @p0 [sflag:s0], $0x2000  }
0x122: {  	[sflag:s0] =	ssyncset.done @p0 $0x0  }
0x123: {  	[sflag:s0] =	ssyncadd.s32 @p0 $0xFFFFE000;
	s0 =	simm.s32 @!p0 $0x2  }
0x124: {  	_ =	swait.ge @!p0 [sflag:s0], $0x40  }
0x125: {  	[sflag:s0] =	ssyncset.done @!p0 $0x0  }
0x126: {  	[sflag:s0] =	ssyncadd.s32 @!p0 $0xFFFFFFC0  }
0x127: {  	_ =	swait.ge @!p0 [sflag:s0], $0x40  }
0x128: {  	[sflag:s0] =	ssyncset.done @!p0 $0x0  }
0x129: {  	[sflag:s0] =	ssyncadd.s32 @!p0 $0xFFFFFFC0  }
0x12a: {  	_ =	swait.ge @!p0 [sflag:s0], $0x40  }
0x12b: {  	s2 =	simm.s32 @!p0 $0x200;
	[sflag:s0] =	ssyncset.done @!p0 $0x0  }
0x12c: {  	s9 =	simm.s32 @!p0 $0x6800;
	[sflag:s0] =	ssyncadd.s32 @!p0 $0xFFFFFFC0;
	s0 =	simm.s32 @!p0 $0x40  }
0x12d: {  	[tilespmem:s9], [sflag:$0x6] =	stream.indirect.gather @!p0 [hbm4b:s5+s0], $0x80, s2, s0, $0xb8;
	[tilespmem:$0x18800] =	vst v63  }
0x12e: {  	s2 =	simm.s32 @!p0 $0x280;
	s9 =	simm.s32 @!p0 $0x8800  }
0x12f: {  	[tilespmem:s9], [sflag:$0x6] =	stream.indirect.gather @!p0 [hbm4b:s5+s0], $0x80, s2, s0, $0xb8;
	[tilespmem:$0x18800] =	vst v63  }
0x130: {  	s2 =	simm.s32 @!p0 $0x300;
	s9 =	simm.s32 @!p0 $0xA800  }
0x131: {  	[tilespmem:s9], [sflag:$0x6] =	stream.indirect.gather @!p0 [hbm4b:s5+s0], $0x80, s2, s0, $0xb8;
	[tilespmem:$0x18800] =	vst v63  }
0x132: {  	s0 =	simm.s32 @!p0 $0x7  }
0x133: {  	_ =	swait.ge @!p0 [sflag:s0], $0x2000  }
0x134: {  	[sflag:s0] =	ssyncset.done @!p0 $0x0  }
0x135: {  	[sflag:s0] =	ssyncadd.s32 @!p0 $0xFFFFE000  }
0x136: {  	_ =	swait.ge @!p0 [sflag:s0], $0x2000  }
0x137: {  	s2 =	sadd.s32 @!p0 $0x6, s30;
	[sflag:s0] =	ssyncset.done @!p0 $0x0  }
0x138: {  	s9 =	sshll.u32 @!p0 s2, $0x8;
	s2 =	sshll.u32 @!p0 s2, $0x3;
	[sflag:s0] =	ssyncadd.s32 @!p0 $0xFFFFE000  }
0x139: {  	s9 =	sand.u32 @!p0 $0xF000, s9;
	s2 =	sand.u32 @!p0 $0x70, s2;
	_ =	swait.ge @!p0 [sflag:s0], $0x2000  }
0x13a: {  	s2 =	sor.u32 @!p0 s9, s2;
	[sflag:s0] =	ssyncset.done @!p0 $0x0  }
0x13b: {  	[sflag:s0] =	ssyncadd.s32 @!p0 $0xFFFFE000;
	s0 =	sor.u32 @!p0 s7, s2  }
0x13c: {  	s10 =	simm.s32 @!p0 $0x0;
	s13 =	simm.s32 @!p0 $0x400;
	s9 =	sadd.s32 @!p0 s1, s0  }
0x13d: {  	[tilespmem:s13], [sflag:$0x3] =	stream.linear.gather @!p0 [hbm4b:s9+s10], $0x40, $0x38;
	[tilespmem:$0x18800] =	vst v63  }
0x13e: {  	s9 =	sadd.s32 @!p0 s6, s0;
	s13 =	simm.s32 @!p0 $0x480  }
0x13f: {  	[tilespmem:s13], [sflag:$0x3] =	stream.linear.gather @!p0 [hbm4b:s9+s10], $0x40, $0x38;
	[tilespmem:$0x18800] =	vst v63  }
0x140: {  	s0 =	sadd.s32 @!p0 s8, s0;
	s9 =	simm.s32 @!p0 $0x500  }
0x141: {  	[tilespmem:s9], [sflag:$0x3] =	stream.linear.gather @!p0 [hbm4b:s0+s10], $0x40, $0x38;
	[tilespmem:$0x18800] =	vst v63  }
0x142: {  	s9 =	simm.s32 $0x0  }
0x143: {  	v4 =	vld [tilespmem:s9+$0x10800]  }
0x144: {  	v5 =	vld [tilespmem:s9+$0x10810]  }
0x145: {  	v3 =	vld [tilespmem:s9+$0x10820]  }
0x146: {  	v2 =	vld [tilespmem:s9+$0x10830]  }
0x147: {  	v1 =	vld [tilespmem:s9+$0x10840]  }
0x148: {  	v0 =	vld [tilespmem:s9+$0x10850]  }
0x149: {  	v12 =	vld [tilespmem:s9+$0xE800]  }
0x14a: {  	v17 =	vld [tilespmem:s9+$0xE810]  }
0x14b: {  	v11 =	vld [tilespmem:s9+$0xE820]  }
0x14c: {  	v10 =	vld [tilespmem:s9+$0xE830]  }
0x14d: {  	v9 =	vld [tilespmem:s9+$0xE840]  }
0x14e: {  	v8 =	vld [tilespmem:s9+$0xE850]  }
0x14f: {  	v7 =	vld [tilespmem:s9+$0xE860]  }
0x150: {  	v6 =	vld [tilespmem:s9+$0xE870]  }
0x151: {  	v18 =	vld [tilespmem:s9+$0xC800]  }
0x152: {  	v19 =	vld [tilespmem:s9+$0xC810]  }
0x153: {  	v16 =	vld [tilespmem:s9+$0xC820]  }
0x154: {  	v15 =	vld [tilespmem:s9+$0xC830]  }
0x155: {  	v14 =	vld [tilespmem:s9+$0xC840]  }
0x156: {  	v13 =	vld [tilespmem:s9+$0xC850];
	v18 =	vadd.f32 v12, v18  }
0x157: {  	s10 =	simm.s32 $0x200;
	v17 =	vadd.f32 v17, v19;
	v12 =	vld [tilespmem:s9+$0xC860]  }
.LBB2_7:
0x158: {  	p1 =	sne.s32 s10, $0x7E00;
	v4 =	vadd.f32 v4, v18;
	v11 =	vadd.f32 v11, v16;
	v16 =	vld [tilespmem:s9+$0xC870]  }
0x159: {  	v5 =	vadd.f32 v5, v17;
	v10 =	vadd.f32 v10, v15;
	v15 =	vld [tilespmem:s9+$0x10860]  }
0x15a: {  	s0 =	sshra.s32 s10, $0x2;
	v17 =	vmax.f32 v4, $0.0e+00;
	v3 =	vadd.f32 v3, v11;
	v9 =	vadd.f32 v9, v14;
	v11 =	vld [tilespmem:s9+$0x10870]  }
0x15b: {  	v4 =	vld [tilespmem:s0+$0x10800];
	[tilespmem:s9+$0xC800] =	vst v17;
	v14 =	vmax.f32 v5, $0.0e+00;
	v2 =	vadd.f32 v2, v10;
	v8 =	vadd.f32 v8, v13  }
0x15c: {  	v5 =	vld [tilespmem:s0+$0x10810];
	[tilespmem:s9+$0xC810] =	vst v14;
	v10 =	vmax.f32 v3, $0.0e+00;
	v1 =	vadd.f32 v1, v9;
	v7 =	vadd.f32 v7, v12  }
0x15d: {  	v3 =	vld [tilespmem:s0+$0x10820];
	[tilespmem:s9+$0xC820] =	vst v10;
	v9 =	vmax.f32 v2, $0.0e+00;
	v0 =	vadd.f32 v0, v8;
	v6 =	vadd.f32 v6, v16  }
0x15e: {  	v2 =	vld [tilespmem:s0+$0x10830];
	[tilespmem:s9+$0xC830] =	vst v9;
	v8 =	vmax.f32 v1, $0.0e+00;
	v7 =	vadd.f32 v15, v7  }
0x15f: {  	v1 =	vld [tilespmem:s0+$0x10840];
	[tilespmem:s9+$0xC840] =	vst v8;
	v8 =	vmax.f32 v0, $0.0e+00;
	v6 =	vadd.f32 v11, v6  }
0x160: {  	v0 =	vld [tilespmem:s0+$0x10850];
	[tilespmem:s9+$0xC850] =	vst v8;
	v7 =	vmax.f32 v7, $0.0e+00  }
0x161: {  	v12 =	vld [tilespmem:s0+$0xE800];
	[tilespmem:s9+$0xC860] =	vst v7;
	v6 =	vmax.f32 v6, $0.0e+00  }
0x162: {  	v17 =	vld [tilespmem:s0+$0xE810];
	[tilespmem:s9+$0xC870] =	vst v6;
	s9 =	smov.u32 s0  }
0x163: {  	v11 =	vld [tilespmem:s9+$0xE820]  }
0x164: {  	v10 =	vld [tilespmem:s9+$0xE830]  }
0x165: {  	v9 =	vld [tilespmem:s9+$0xE840]  }
0x166: {  	v8 =	vld [tilespmem:s9+$0xE850]  }
0x167: {  	v7 =	vld [tilespmem:s9+$0xE860]  }
0x168: {  	v6 =	vld [tilespmem:s9+$0xE870]  }
0x169: {  	v13 =	vld [tilespmem:s9+$0xC800]  }
0x16a: {  	v19 =	vld [tilespmem:s9+$0xC810]  }
.Ltmp4:
0x16b: {  	v16 =	vld [tilespmem:s9+$0xC820];
	(pc) =	sbr.rel @p1 .LBB2_7-.Ltmp4, $4  }
0x16c: {  	v15 =	vld [tilespmem:s9+$0xC830]  }
0x16d: {  	v14 =	vld [tilespmem:s9+$0xC840]  }
0x16e: {  	v18 =	vadd.f32 v12, v13;
	v13 =	vld [tilespmem:s9+$0xC850]  }
0x16f: {  	s10 =	sadd.s32 $0x200, s10;
	v17 =	vadd.f32 v17, v19;
	v12 =	vld [tilespmem:s9+$0xC860]  }
0x170: {  	v4 =	vadd.f32 v4, v18;
	v11 =	vadd.f32 v11, v16;
	v16 =	vld [tilespmem:s9+$0xC870]  }
0x171: {  	v5 =	vadd.f32 v5, v17;
	v10 =	vadd.f32 v10, v15;
	v15 =	vld [tilespmem:s9+$0x10860]  }
0x172: {  	v4 =	vmax.f32 v4, $0.0e+00;
	v3 =	vadd.f32 v3, v11;
	v9 =	vadd.f32 v9, v14;
	v11 =	vld [tilespmem:s9+$0x10870]  }
0x173: {  	[tilespmem:s9+$0xC800] =	vst v4;
	v4 =	vmax.f32 v5, $0.0e+00;
	v2 =	vadd.f32 v2, v10;
	v5 =	vadd.f32 v8, v13  }
0x174: {  	[tilespmem:s9+$0xC810] =	vst v4;
	v3 =	vmax.f32 v3, $0.0e+00;
	v1 =	vadd.f32 v1, v9;
	v4 =	vadd.f32 v7, v12  }
0x175: {  	[tilespmem:s9+$0xC820] =	vst v3;
	v2 =	vmax.f32 v2, $0.0e+00;
	v0 =	vadd.f32 v0, v5;
	v3 =	vadd.f32 v6, v16  }
0x176: {  	[tilespmem:s9+$0xC830] =	vst v2;
	v1 =	vmax.f32 v1, $0.0e+00;
	v2 =	vadd.f32 v15, v4  }
0x177: {  	[tilespmem:s9+$0xC840] =	vst v1;
	v0 =	vmax.f32 v0, $0.0e+00;
	v1 =	vadd.f32 v11, v3  }
0x178: {  	[tilespmem:s9+$0xC850] =	vst v0;
	v0 =	vmax.f32 v2, $0.0e+00  }
0x179: {  	[tilespmem:s9+$0xC860] =	vst v0;
	v0 =	vmax.f32 v1, $0.0e+00  }
0x17a: {  	s0 =	sadd.s32 s29, s24;
	s30 =	simm.s32 $0xC800;
	[tilespmem:s9+$0xC870] =	vst v0  }
0x17b: {  	[hbm4b:s0+s3] =	stream.linear.scatter [tilespmem:s30], [sflag:$0xB], $0x2000, $0x38;
	[tilespmem:$0x18800] =	vst v63  }
0x17c: {  	_ =	swait.ge [sflag:s28], $0x2000  }
0x17d: {  	[sflag:s28] =	ssyncset.done $0x0  }
0x17e: {  	s0 =	simm.s32 @p0 $0x8;
	[sflag:s28] =	ssyncadd.s32 $0xFFFFE000  }
0x17f: {  	_ =	swait.ge @p0 [sflag:s0], $0x2000  }
0x180: {  	[sflag:s0] =	ssyncset.done @p0 $0x0  }
0x181: {  	[sflag:s0] =	ssyncadd.s32 @p0 $0xFFFFE000  }
0x182: {  	_ =	swait.ge @p0 [sflag:s0], $0x2000  }
0x183: {  	[sflag:s0] =	ssyncset.done @p0 $0x0  }
0x184: {  	[sflag:s0] =	ssyncadd.s32 @p0 $0xFFFFE000  }
0x185: {  	_ =	swait.ge @p0 [sflag:s0], $0x2000  }
0x186: {  	[sflag:s0] =	ssyncset.done @p0 $0x0  }
0x187: {  	[sflag:s0] =	ssyncadd.s32 @p0 $0xFFFFE000;
	s0 =	simm.s32 @!p0 $0x3  }
0x188: {  	_ =	swait.ge @!p0 [sflag:s0], $0x40  }
0x189: {  	[sflag:s0] =	ssyncset.done @!p0 $0x0  }
0x18a: {  	[sflag:s0] =	ssyncadd.s32 @!p0 $0xFFFFFFC0  }
0x18b: {  	_ =	swait.ge @!p0 [sflag:s0], $0x40  }
0x18c: {  	[sflag:s0] =	ssyncset.done @!p0 $0x0  }
0x18d: {  	[sflag:s0] =	ssyncadd.s32 @!p0 $0xFFFFFFC0  }
0x18e: {  	_ =	swait.ge @!p0 [sflag:s0], $0x40  }
0x18f: {  	s10 =	simm.s32 @!p0 $0xC800;
	[sflag:s0] =	ssyncset.done @!p0 $0x0  }
0x190: {  	s9 =	simm.s32 @!p0 $0x400;
	[sflag:s0] =	ssyncadd.s32 @!p0 $0xFFFFFFC0;
	s0 =	simm.s32 @!p0 $0x40  }
0x191: {  	[tilespmem:s10], [sflag:$0x7] =	stream.indirect.gather @!p0 [hbm4b:s5+s0], $0x80, s9, s0, $0xb8;
	[tilespmem:$0x18800] =	vst v63  }
0x192: {  	s9 =	simm.s32 @!p0 $0x480;
	s10 =	simm.s32 @!p0 $0xE800  }
0x193: {  	[tilespmem:s10], [sflag:$0x7] =	stream.indirect.gather @!p0 [hbm4b:s5+s0], $0x80, s9, s0, $0xb8;
	[tilespmem:$0x18800] =	vst v63  }
0x194: {  	s9 =	simm.s32 @!p0 $0x500;
	s10 =	simm.s32 @!p0 $0x10800  }
0x195: {  	[tilespmem:s10], [sflag:$0x7] =	stream.indirect.gather @!p0 [hbm4b:s5+s0], $0x80, s9, s0, $0xb8;
	[tilespmem:$0x18800] =	vst v63  }
0x196: {  	s0 =	simm.s32 @!p0 $0x8  }
0x197: {  	_ =	swait.ge @!p0 [sflag:s0], $0x2000  }
0x198: {  	[sflag:s0] =	ssyncset.done @!p0 $0x0  }
0x199: {  	[sflag:s0] =	ssyncadd.s32 @!p0 $0xFFFFE000  }
0x19a: {  	_ =	swait.ge @!p0 [sflag:s0], $0x2000  }
0x19b: {  	[sflag:s0] =	ssyncset.done @!p0 $0x0  }
0x19c: {  	[sflag:s0] =	ssyncadd.s32 @!p0 $0xFFFFE000  }
0x19d: {  	_ =	swait.ge @!p0 [sflag:s0], $0x2000  }
0x19e: {  	[sflag:s0] =	ssyncset.done @!p0 $0x0  }
0x19f: {  	[sflag:s0] =	ssyncadd.s32 @!p0 $0xFFFFE000;
	s0 =	sor.u32 @!p0 s12, s2  }
0x1a0: {  	s9 =	simm.s32 @!p0 $0x0;
	s10 =	simm.s32 @!p0 $0x600;
	s2 =	sadd.s32 @!p0 s1, s0  }
0x1a1: {  	[tilespmem:s10], [sflag:$0x4] =	stream.linear.gather @!p0 [hbm4b:s2+s9], $0x40, $0x38;
	[tilespmem:$0x18800] =	vst v63  }
0x1a2: {  	s2 =	sadd.s32 @!p0 s6, s0;
	s10 =	simm.s32 @!p0 $0x680  }
0x1a3: {  	[tilespmem:s10], [sflag:$0x4] =	stream.linear.gather @!p0 [hbm4b:s2+s9], $0x40, $0x38;
	[tilespmem:$0x18800] =	vst v63  }
0x1a4: {  	s0 =	sadd.s32 @!p0 s8, s0;
	s2 =	simm.s32 @!p0 $0x700  }
0x1a5: {  	[tilespmem:s2], [sflag:$0x4] =	stream.linear.gather @!p0 [hbm4b:s0+s9], $0x40, $0x38;
	[tilespmem:$0x18800] =	vst v63  }
0x1a6: {  	s2 =	simm.s32 $0x0  }
0x1a7: {  	v4 =	vld [tilespmem:s2+$0x16800]  }
0x1a8: {  	v5 =	vld [tilespmem:s2+$0x16810]  }
0x1a9: {  	v3 =	vld [tilespmem:s2+$0x16820]  }
0x1aa: {  	v2 =	vld [tilespmem:s2+$0x16830]  }
0x1ab: {  	v1 =	vld [tilespmem:s2+$0x16840]  }
0x1ac: {  	v0 =	vld [tilespmem:s2+$0x16850]  }
0x1ad: {  	v12 =	vld [tilespmem:s2+$0x14800]  }
0x1ae: {  	v17 =	vld [tilespmem:s2+$0x14810]  }
0x1af: {  	v11 =	vld [tilespmem:s2+$0x14820]  }
0x1b0: {  	v10 =	vld [tilespmem:s2+$0x14830]  }
0x1b1: {  	v9 =	vld [tilespmem:s2+$0x14840]  }
0x1b2: {  	v8 =	vld [tilespmem:s2+$0x14850]  }
0x1b3: {  	v7 =	vld [tilespmem:s2+$0x14860]  }
0x1b4: {  	v6 =	vld [tilespmem:s2+$0x14870]  }
0x1b5: {  	v18 =	vld [tilespmem:s2+$0x12800]  }
0x1b6: {  	v19 =	vld [tilespmem:s2+$0x12810]  }
0x1b7: {  	v16 =	vld [tilespmem:s2+$0x12820]  }
0x1b8: {  	v15 =	vld [tilespmem:s2+$0x12830]  }
0x1b9: {  	v14 =	vld [tilespmem:s2+$0x12840]  }
0x1ba: {  	v13 =	vld [tilespmem:s2+$0x12850];
	v18 =	vadd.f32 v12, v18  }
0x1bb: {  	s9 =	simm.s32 $0x200;
	v17 =	vadd.f32 v17, v19;
	v12 =	vld [tilespmem:s2+$0x12860]  }
.LBB2_9:
0x1bc: {  	p1 =	sne.s32 s9, $0x7E00;
	v4 =	vadd.f32 v4, v18;
	v11 =	vadd.f32 v11, v16;
	v16 =	vld [tilespmem:s2+$0x12870]  }
0x1bd: {  	v5 =	vadd.f32 v5, v17;
	v10 =	vadd.f32 v10, v15;
	v15 =	vld [tilespmem:s2+$0x16860]  }
0x1be: {  	s0 =	sshra.s32 s9, $0x2;
	v17 =	vmax.f32 v4, $0.0e+00;
	v3 =	vadd.f32 v3, v11;
	v9 =	vadd.f32 v9, v14;
	v11 =	vld [tilespmem:s2+$0x16870]  }
0x1bf: {  	v4 =	vld [tilespmem:s0+$0x16800];
	[tilespmem:s2+$0x12800] =	vst v17;
	v14 =	vmax.f32 v5, $0.0e+00;
	v2 =	vadd.f32 v2, v10;
	v8 =	vadd.f32 v8, v13  }
0x1c0: {  	v5 =	vld [tilespmem:s0+$0x16810];
	[tilespmem:s2+$0x12810] =	vst v14;
	v10 =	vmax.f32 v3, $0.0e+00;
	v1 =	vadd.f32 v1, v9;
	v7 =	vadd.f32 v7, v12  }
0x1c1: {  	v3 =	vld [tilespmem:s0+$0x16820];
	[tilespmem:s2+$0x12820] =	vst v10;
	v9 =	vmax.f32 v2, $0.0e+00;
	v0 =	vadd.f32 v0, v8;
	v6 =	vadd.f32 v6, v16  }
0x1c2: {  	v2 =	vld [tilespmem:s0+$0x16830];
	[tilespmem:s2+$0x12830] =	vst v9;
	v8 =	vmax.f32 v1, $0.0e+00;
	v7 =	vadd.f32 v15, v7  }
0x1c3: {  	v1 =	vld [tilespmem:s0+$0x16840];
	[tilespmem:s2+$0x12840] =	vst v8;
	v8 =	vmax.f32 v0, $0.0e+00;
	v6 =	vadd.f32 v11, v6  }
0x1c4: {  	v0 =	vld [tilespmem:s0+$0x16850];
	[tilespmem:s2+$0x12850] =	vst v8;
	v7 =	vmax.f32 v7, $0.0e+00  }
0x1c5: {  	v12 =	vld [tilespmem:s0+$0x14800];
	[tilespmem:s2+$0x12860] =	vst v7;
	v6 =	vmax.f32 v6, $0.0e+00  }
0x1c6: {  	v17 =	vld [tilespmem:s0+$0x14810];
	[tilespmem:s2+$0x12870] =	vst v6;
	s2 =	smov.u32 s0  }
0x1c7: {  	v11 =	vld [tilespmem:s2+$0x14820]  }
0x1c8: {  	v10 =	vld [tilespmem:s2+$0x14830]  }
0x1c9: {  	v9 =	vld [tilespmem:s2+$0x14840]  }
0x1ca: {  	v8 =	vld [tilespmem:s2+$0x14850]  }
0x1cb: {  	v7 =	vld [tilespmem:s2+$0x14860]  }
0x1cc: {  	v6 =	vld [tilespmem:s2+$0x14870]  }
0x1cd: {  	v13 =	vld [tilespmem:s2+$0x12800]  }
0x1ce: {  	v19 =	vld [tilespmem:s2+$0x12810]  }
.Ltmp5:
0x1cf: {  	v16 =	vld [tilespmem:s2+$0x12820];
	(pc) =	sbr.rel @p1 .LBB2_9-.Ltmp5, $4  }
0x1d0: {  	v15 =	vld [tilespmem:s2+$0x12830]  }
0x1d1: {  	v14 =	vld [tilespmem:s2+$0x12840]  }
0x1d2: {  	v18 =	vadd.f32 v12, v13;
	v13 =	vld [tilespmem:s2+$0x12850]  }
0x1d3: {  	s9 =	sadd.s32 $0x200, s9;
	v17 =	vadd.f32 v17, v19;
	v12 =	vld [tilespmem:s2+$0x12860]  }
0x1d4: {  	v4 =	vadd.f32 v4, v18;
	v11 =	vadd.f32 v11, v16;
	v53 =	vld [tilespmem:s2+$0x12870]  }
0x1d5: {  	v54 =	vld [tilespmem:s2+$0x16860];
	v5 =	vadd.f32 v5, v17;
	v10 =	vadd.f32 v10, v15  }
0x1d6: {  	v55 =	vld [tilespmem:s2+$0x16870];
	v4 =	vmax.f32 v4, $0.0e+00;
	v3 =	vadd.f32 v3, v11;
	v9 =	vadd.f32 v9, v14  }
0x1d7: {  	[tilespmem:s2+$0x12800] =	vst v4;
	v56 =	vmax.f32 v5, $0.0e+00;
	v2 =	vadd.f32 v2, v10;
	v57 =	vadd.f32 v8, v13  }
0x1d8: {  	[tilespmem:s2+$0x12810] =	vst v56;
	v3 =	vmax.f32 v3, $0.0e+00;
	v1 =	vadd.f32 v1, v9;
	v58 =	vadd.f32 v7, v12  }
0x1d9: {  	[tilespmem:s2+$0x12820] =	vst v3;
	v2 =	vmax.f32 v2, $0.0e+00;
	v0 =	vadd.f32 v0, v57;
	v59 =	vadd.f32 v6, v53  }
0x1da: {  	[tilespmem:s2+$0x12830] =	vst v2;
	v1 =	vmax.f32 v1, $0.0e+00;
	v60 =	vadd.f32 v54, v58  }
0x1db: {  	[tilespmem:s2+$0x12840] =	vst v1;
	v0 =	vmax.f32 v0, $0.0e+00;
	v61 =	vadd.f32 v55, v59  }
0x1dc: {  	[tilespmem:s2+$0x12850] =	vst v0;
	v62 =	vmax.f32 v60, $0.0e+00  }
0x1dd: {  	[tilespmem:s2+$0x12860] =	vst v62;
	v63 =	vmax.f32 v61, $0.0e+00  }
.Ltmp6:
0x1de: {  	s0 =	sadd.s32 s29, s26;
	[tilespmem:s2+$0x12870] =	vst v63;
	(pc) =	sbr.rel @p0 .LBB2_12-.Ltmp6, $4  }
0x1df: {  	[hbm4b:s0+s3] =	stream.linear.scatter [tilespmem:s21], [sflag:$0xC], $0x2000, $0x38;
	[tilespmem:$0x18800] =	vst v63  }
0x1e0: {  	_ =	swait.ge [sflag:s15], $0x2000  }
0x1e1: {  	[sflag:s15] =	ssyncset.done $0x0  }
0x1e2: {  	[sflag:s15] =	ssyncadd.s32 $0xFFFFE000  }
0x1e3: {  	_ =	swait.ge [sflag:s4], $0x40  }
0x1e4: {  	[sflag:s4] =	ssyncset.done $0x0  }
0x1e5: {  	[sflag:s4] =	ssyncadd.s32 $0xFFFFFFC0  }
0x1e6: {  	_ =	swait.ge [sflag:s4], $0x40  }
0x1e7: {  	[sflag:s4] =	ssyncset.done $0x0  }
0x1e8: {  	[sflag:s4] =	ssyncadd.s32 $0xFFFFFFC0  }
0x1e9: {  	_ =	swait.ge [sflag:s4], $0x40  }
0x1ea: {  	[sflag:s4] =	ssyncset.done $0x0  }
0x1eb: {  	[sflag:s4] =	ssyncadd.s32 $0xFFFFFFC0  }
0x1ec: {  	[tilespmem:s21], [sflag:$0x8] =	stream.indirect.gather [hbm4b:s5+s31], $0x80, s17, s31, $0xb8;
	[tilespmem:$0x18800] =	vst v63  }
.Ltmp7:
0x1ed: {  	_ = 	snop;
	(pc) =	sbr.rel .LBB2_2-.Ltmp7, $4  }
0x1ee: {  	s0 =	simm.s32 $0x14800  }
0x1ef: {  	[tilespmem:s0], [sflag:$0x8] =	stream.indirect.gather [hbm4b:s5+s31], $0x80, s18, s31, $0xb8;
	[tilespmem:$0x18800] =	vst v63  }
0x1f0: {  	s30 =	simm.s32 $0x16800;
	s11 =	sadd.s32 $0x1, s11  }
0x1f1: {  	[tilespmem:s30], [sflag:$0x8] =	stream.indirect.gather [hbm4b:s5+s31], $0x80, s20, s31, $0xb8;
	[tilespmem:$0x18800] =	vst v63  }
.LBB2_13:
0x1f2: {  	_ =	sfence.sel $0x180000  }
0x1f3: {  	[bflag:$0x0] =	sbarrier.arrive $0xFFFF  }
0x1f4: {  	_ =	strace $0x90000047  }
0x1f5: {  	s0 =	stileid.u32;
	[bflag:$0x2] =	sbarrier.arrive $0xFFFF  }
0x1f6: {  	p0 =	sne.s32 s0, $0x0;
	s0 =	rddreg [dreg:$0x3]  }
0x1f7: {  	s0 =	sadd.s32 @!p0 $0x100000, s0  }
0x1f8: {  	[sflag:s0] =	ssyncadd.tile.s32 @!p0 $0x1;
	_ =	shalt  }
.Lfunc_end2:
_tile_overlayer_lowered:
.L_overlay_start_2:
0x1f9: {  	(tag) =	ssettag $0x2  }
0x1fa: {  	s0 =	rddreg [dreg:$0x0];
	s2 =	stileid.u32  }
0x1fb: {  	s1 =	rddreg [dreg:$0x1];
	p0 =	sne.s32 s2, $0x0  }
0x1fc: {  	s3 =	rddreg [dreg:$0x2];
	[bflag:$0x3] =	sbarrier.arrive $0xFFFF;
	s2 =	simm.s32 @!p0 $0x1C0D  }
0x1fd: {  	[timem:s3], [sflag:s2] =	dma.local @!p0 [hbm:s0], s1  }
0x1fe: {  	s0 =	simm.s32 @!p0 $0xD  }
0x1ff: {  	_ =	swait.ge @!p0 [sflag:s0], s1  }
0x200: {  	s1 =	ssub.s32 @!p0 $0x0, s1;
	[sflag:s0] =	ssyncset.done @!p0 $0x0  }
0x201: {  	[sflag:s0] =	ssyncadd.s32 @!p0 s1  }
0x202: {  	[bflag:$0x3] =	sbarrier.arrive $0xFFFF  }
0x203: {  	_ =	shalt  }

</sc_bundles>
